<compile_context>
chip_gen: v7x
topology: tpu7x:2x2x1
jax: 0.10.2.dev20260603
libtpu: 0.0.44.dev20260713+nightly
codegen_flags: <defaults>
</compile_context>

<pallas_src>
import functools

import jax
import jax.numpy as jnp
from jax import lax
from jax.experimental import pallas as pl
from jax.experimental.pallas import tpu as pltpu
from jax.experimental.pallas import tpu_sc as plsc

N = 10000
D = 256
C = 128
H = 2
E = 160000

NS = 16
EPT = E // NS
CHUNK = 80
NCH = EPT // CHUNK
SB = 80
KS = CHUNK // SB
RS = 624
TAIL = N - NS * RS
CV = C // 16


def _stage1_body(xu, xi, wu, wi, xl_ui, xr_ui, xl_iu, xr_iu, ru, ri):
    bn = xu.shape[0]
    pu = jnp.dot(xu[...], wu[...], preferred_element_type=jnp.float32)
    pi = jnp.dot(xi[...], wi[...], preferred_element_type=jnp.float32)

    def hm(p):
        return p.reshape(bn, H, C).transpose(1, 0, 2)

    xl_ui[...] = hm(pu[:, :H * C])
    xr_iu[...] = hm(pu[:, H * C:2 * H * C])
    ru[...] = pu[:, 2 * H * C:]
    xl_iu[...] = hm(pi[:, :H * C])
    xr_ui[...] = hm(pi[:, H * C:2 * H * C])
    ri[...] = pi[:, 2 * H * C:]


def _stage1(x_user, x_item, wu, wi):
    bn = 1000
    grid = (N // bn,)
    f32 = jnp.float32
    hm_spec = pl.BlockSpec((H, bn, C), lambda i: (0, i, 0))
    r_spec = pl.BlockSpec((bn, C), lambda i: (i, 0))
    return pl.pallas_call(
        _stage1_body,
        grid=grid,
        in_specs=[
            pl.BlockSpec((bn, D), lambda i: (i, 0)),
            pl.BlockSpec((bn, D), lambda i: (i, 0)),
            pl.BlockSpec((D, 2 * H * C + C), lambda i: (0, 0)),
            pl.BlockSpec((D, 2 * H * C + C), lambda i: (0, 0)),
        ],
        out_specs=[hm_spec, hm_spec, hm_spec, hm_spec, r_spec, r_spec],
        out_shape=[
            jax.ShapeDtypeStruct((H, N, C), f32),
            jax.ShapeDtypeStruct((H, N, C), f32),
            jax.ShapeDtypeStruct((H, N, C), f32),
            jax.ShapeDtypeStruct((H, N, C), f32),
            jax.ShapeDtypeStruct((N, C), f32),
            jax.ShapeDtypeStruct((N, C), f32),
        ],
    )(x_user, x_item, wu, wi)


def _sc_edge_body(xl, xr, src_e, dst_e, attf, num_o, den_o,
                  srcb, dstb, idx_a2, idx_b2, idx_s2,
                  arows2, brows, denr2, attb, sbuf, acc, dacc,
                  sem_a, sem_b, sem_s, sem_i):
    cid = lax.axis_index("c")
    tid = lax.axis_index("s")
    zero16 = jnp.zeros((16,), jnp.float32)

    def z_body(i, carry):
        for c in range(CV):
            arows2[i, pl.ds(c * 16, 16)] = zero16
        denr2[i, pl.ds(0, 16)] = zero16
        return carry

    lax.fori_loop(0, CHUNK, z_body, 0)
    r0 = tid * RS

    def zfill(i, carry):
        pltpu.sync_copy(arows2.at[pl.ds(0, 80)],
                        acc.at[pl.ds(r0 + i * 80, 80)])
        pltpu.sync_copy(denr2.at[pl.ds(0, 80)],
                        dacc.at[pl.ds(r0 + i * 80, 80)])
        return carry

    lax.fori_loop(0, RS // 80, zfill, 0)
    rem = RS - (RS // 80) * 80
    pltpu.sync_copy(arows2.at[pl.ds(0, rem)],
                    acc.at[pl.ds(r0 + RS - rem, rem)])
    pltpu.sync_copy(denr2.at[pl.ds(0, rem)],
                    dacc.at[pl.ds(r0 + RS - rem, rem)])

    @pl.when(tid == NS - 1)
    def _zero_tail():
        pltpu.sync_copy(arows2.at[pl.ds(0, TAIL)],
                        acc.at[pl.ds(NS * RS, TAIL)])
        pltpu.sync_copy(denr2.at[pl.ds(0, TAIL)],
                        dacc.at[pl.ds(NS * RS, TAIL)])

    pltpu.sync_copy(attf.at[pl.ds(cid * C, C)], attb)
    plsc.subcore_barrier()

    att_v = [attb[pl.ds(c * 16, 16)] for c in range(CV)]
    lanes = lax.iota(jnp.int32, 16)
    lane0 = lanes == 0
    shuf = [jnp.bitwise_xor(lanes, m) for m in (1, 2, 4, 8)]
    basev = jnp.full((16,), cid * N, jnp.int32)
    ebase = tid * EPT

    def build_idx(q):
        for k in range(CHUNK // 16):
            sv = srcb[pl.ds(k * 16, 16)]
            dv = dstb[pl.ds(k * 16, 16)]
            idx_a2[q, pl.ds(k * 16, 16)] = sv + basev
            idx_b2[q, pl.ds(k * 16, 16)] = dv + basev
            idx_s2[q, pl.ds(k * 16, 16)] = dv

    pltpu.sync_copy(src_e.at[pl.ds(ebase, CHUNK)], srcb)
    pltpu.sync_copy(dst_e.at[pl.ds(ebase, CHUNK)], dstb)
    build_idx(0)
    pltpu.async_copy(xl.at[idx_a2.at[0]], arows2.at[pl.ds(0, CHUNK)], sem_a)

    def chunk_body(i, carry):
        p = jnp.bitwise_and(i, 1)
        q = 1 - p
        pb = p * CHUNK
        qb = q * CHUNK
        cp_b = pltpu.async_copy(xr.at[idx_b2.at[p]], brows, sem_b)

        @pl.when(i < NCH - 1)
        def _prefetch_ids():
            eb2 = ebase + (i + 1) * CHUNK
            pltpu.async_copy(src_e.at[pl.ds(eb2, CHUNK)], srcb, sem_i)
            pltpu.async_copy(dst_e.at[pl.ds(eb2, CHUNK)], dstb, sem_i)

        pltpu.make_async_copy(
            xl.at[idx_a2.at[p]], arows2.at[pl.ds(pb, CHUNK)], sem_a).wait()

        @pl.when(i > 0)
        def _drain_scatter():
            pltpu.make_async_copy(
                xl.at[pl.ds(0, CHUNK)], arows2.at[pl.ds(qb, CHUNK)],
                sem_s).wait()
            pltpu.make_async_copy(
                den_o.at[0].at[pl.ds(0, CHUNK)],
                denr2.at[pl.ds(qb, CHUNK)], sem_s).wait()

        @pl.when(i < NCH - 1)
        def _stage_next():
            pltpu.make_async_copy(
                src_e.at[pl.ds(0, CHUNK)], srcb, sem_i).wait()
            pltpu.make_async_copy(
                dst_e.at[pl.ds(0, CHUNK)], dstb, sem_i).wait()
            build_idx(q)
            pltpu.async_copy(
                xl.at[idx_a2.at[q]], arows2.at[pl.ds(qb, CHUNK)], sem_a)

        cp_b.wait()

        @plsc.parallel_loop(0, CHUNK, 1, unroll=3)
        def edge_body(e):
            row = pb + e
            row_splat = jnp.full((16,), row, jnp.int32)
            avs = []
            s = zero16
            for c in range(CV):
                av = arows2[row, pl.ds(c * 16, 16)]
                avs.append(av)
                v = av + brows[e, pl.ds(c * 16, 16)]
                z = jnp.maximum(v, 0.2 * v)
                s = s + z * att_v[c]
            for sh in shuf:
                denr2[row, pl.ds(0, 16)] = s
                s = s + plsc.load_gather(denr2, [row_splat, sh])
            exv = jnp.exp(s)
            for c in range(CV):
                arows2[row, pl.ds(c * 16, 16)] = avs[c] * exv
            denr2[row, pl.ds(0, 16)] = jnp.where(lane0, exv, zero16)
        pltpu.async_copy(denr2.at[pl.ds(pb, CHUNK)],
                         dacc.at[idx_s2.at[p]], sem_s, add=True)
        pltpu.async_copy(arows2.at[pl.ds(pb, CHUNK)],
                         acc.at[idx_s2.at[p]], sem_s, add=True)
        return carry

    lax.fori_loop(0, NCH, chunk_body, 0)
    lastb = ((NCH - 1) % 2) * CHUNK
    pltpu.make_async_copy(
        xl.at[pl.ds(0, CHUNK)],
        arows2.at[pl.ds(lastb, CHUNK)], sem_s).wait()
    pltpu.make_async_copy(
        den_o.at[0].at[pl.ds(0, CHUNK)],
        denr2.at[pl.ds(lastb, CHUNK)], sem_s).wait()
    plsc.subcore_barrier()
    pltpu.sync_copy(acc.at[pl.ds(r0, RS)], num_o.at[cid, pl.ds(r0, RS)])
    pltpu.sync_copy(dacc.at[pl.ds(r0, RS)], den_o.at[cid, pl.ds(r0, RS)])

    @pl.when(tid == NS - 1)
    def _copy_tail():
        pltpu.sync_copy(acc.at[pl.ds(NS * RS, TAIL)],
                        num_o.at[cid, pl.ds(NS * RS, TAIL)])
        pltpu.sync_copy(dacc.at[pl.ds(NS * RS, TAIL)],
                        den_o.at[cid, pl.ds(NS * RS, TAIL)])


def _sc_edge(xl_hm, xr_hm, src, dst, attf):
    f32 = jnp.float32
    i32 = jnp.int32
    mesh = plsc.VectorSubcoreMesh(core_axis_name="c", subcore_axis_name="s")
    return pl.kernel(
        _sc_edge_body,
        out_type=[
            jax.ShapeDtypeStruct((H, N, C), f32),
            jax.ShapeDtypeStruct((H, N, 16), f32),
        ],
        mesh=mesh,
        compiler_params=pltpu.CompilerParams(
            needs_layout_passes=False, use_tc_tiling_on_sc=False),
        scratch_types=[
            pltpu.VMEM((CHUNK,), i32),
            pltpu.VMEM((CHUNK,), i32),
            pltpu.VMEM((2, CHUNK), i32),
            pltpu.VMEM((2, CHUNK), i32),
            pltpu.VMEM((2, CHUNK), i32),
            pltpu.VMEM((2 * CHUNK, C), f32),
            pltpu.VMEM((CHUNK, C), f32),
            pltpu.VMEM((2 * CHUNK, 16), f32),
            pltpu.VMEM((C,), f32),
            pltpu.VMEM((16,), f32),
            pltpu.VMEM_SHARED((N, C), f32),
            pltpu.VMEM_SHARED((N, 16), f32),
            pltpu.SemaphoreType.DMA,
            pltpu.SemaphoreType.DMA,
            pltpu.SemaphoreType.DMA,
            pltpu.SemaphoreType.DMA,
        ],
    )(xl_hm, xr_hm, src, dst, attf)


def _stage3_body(num, den, res, b, g, be, out):
    eps = jnp.float32(1e-16)
    d0 = den[0, :, 0:1] + eps
    d1 = den[1, :, 0:1] + eps
    x = 0.5 * (num[0] / d0 + num[1] / d1) + res[...] + b[...]
    mu = jnp.mean(x, axis=0, keepdims=True)
    var = jnp.mean((x - mu) ** 2, axis=0, keepdims=True)
    xn = (x - mu) * lax.rsqrt(var + 1e-5)
    y = g[...] * xn + be[...]
    out[...] = jnp.where(y > 0, y, jnp.exp(y) - 1.0)


def _stage3(num, den, res, b, g, be):
    return pl.pallas_call(
        _stage3_body,
        out_shape=jax.ShapeDtypeStruct((N, C), jnp.float32),
    )(num, den, res, b, g, be)


@jax.jit
def kernel(x_user, x_item, edge_index_ui, edge_index_iu,
           Wl_ui, Wr_ui, att_ui, Wres_ui, b_ui,
           Wl_iu, Wr_iu, att_iu, Wres_iu, b_iu,
           g_user, be_user, g_item, be_item):
    wu = jnp.concatenate([Wl_ui, Wr_iu, Wres_iu], axis=1)
    wi = jnp.concatenate([Wl_iu, Wr_ui, Wres_ui], axis=1)
    xl_ui, xr_ui, xl_iu, xr_iu, res_user, res_item = _stage1(
        x_user, x_item, wu, wi)

    nu_ui, den_ui = _sc_edge(
        xl_ui.reshape(H * N, C), xr_ui.reshape(H * N, C),
        edge_index_ui[0], edge_index_ui[1], att_ui.reshape(H * C))
    nu_iu, den_iu = _sc_edge(
        xl_iu.reshape(H * N, C), xr_iu.reshape(H * N, C),
        edge_index_iu[0], edge_index_iu[1], att_iu.reshape(H * C))

    out_user = _stage3(nu_iu, den_iu, res_user, b_iu.reshape(1, C),
                       g_user.reshape(1, C), be_user.reshape(1, C))
    out_item = _stage3(nu_ui, den_ui, res_item, b_ui.reshape(1, C),
                       g_item.reshape(1, C), be_item.reshape(1, C))
    return (out_user, out_item)

# --- scband reference (transcript-rebuilt; emitter-appended) ---
"""Pipeline reference for scband-hgatv2-layer-89034672046807 (READ-ONLY COPY).

The authoritative reference and input builder live on the scoring server;
editing this copy changes nothing except your own understanding.
"""

import jax, jax.numpy as jnp
import numpy as np

N_USER = 10000
N_ITEM = 10000
D = 256
C = 128
H = 2
E = 160000


def setup_inputs(seed: int = 0) -> dict:
    key = jax.random.key(seed)
    ks = jax.random.split(key, 24)
    s = 0.05
    inp = {}
    inp['x_user'] = jax.random.normal(ks[0], (N_USER, D), jnp.float32)
    inp['x_item'] = jax.random.normal(ks[1], (N_ITEM, D), jnp.float32)
    inp['edge_index_ui'] = jnp.stack([
        jax.random.randint(ks[2], (E,), 0, N_USER),
        jax.random.randint(ks[3], (E,), 0, N_ITEM)]).astype(jnp.int32)
    inp['edge_index_iu'] = jnp.stack([
        jax.random.randint(ks[4], (E,), 0, N_ITEM),
        jax.random.randint(ks[5], (E,), 0, N_USER)]).astype(jnp.int32)
    # GATv2Conv params for edge type (user -> item)
    inp['Wl_ui'] = jax.random.normal(ks[6], (D, H * C), jnp.float32) * s
    inp['Wr_ui'] = jax.random.normal(ks[7], (D, H * C), jnp.float32) * s
    inp['att_ui'] = jax.random.normal(ks[8], (H, C), jnp.float32) * s
    inp['Wres_ui'] = jax.random.normal(ks[9], (D, C), jnp.float32) * s
    inp['b_ui'] = jnp.zeros((C,), jnp.float32)
    # GATv2Conv params for edge type (item -> user)
    inp['Wl_iu'] = jax.random.normal(ks[10], (D, H * C), jnp.float32) * s
    inp['Wr_iu'] = jax.random.normal(ks[11], (D, H * C), jnp.float32) * s
    inp['att_iu'] = jax.random.normal(ks[12], (H, C), jnp.float32) * s
    inp['Wres_iu'] = jax.random.normal(ks[13], (D, C), jnp.float32) * s
    inp['b_iu'] = jnp.zeros((C,), jnp.float32)
    # BatchNorm params per node type
    inp['g_user'] = jnp.ones((C,), jnp.float32)
    inp['be_user'] = jnp.zeros((C,), jnp.float32)
    inp['g_item'] = jnp.ones((C,), jnp.float32)
    inp['be_item'] = jnp.zeros((C,), jnp.float32)
    return inp


def _gatv2(x_src, x_dst, ei, Wl, Wr, att, Wres, b):
    # PyG GATv2Conv, bipartite, concat=False, residual=True, no self loops
    Hh, Cc = att.shape
    xl = (x_src @ Wl).reshape(x_src.shape[0], Hh, Cc)
    xr = (x_dst @ Wr).reshape(x_dst.shape[0], Hh, Cc)
    src, dst = ei[0], ei[1]
    z = jax.nn.leaky_relu(xl[src] + xr[dst], 0.2)
    e = jnp.sum(z * att[None, :, :], axis=-1)  # [E, H]
    n = x_dst.shape[0]
    m = jax.ops.segment_max(e, dst, num_segments=n)
    m = jnp.where(jnp.isfinite(m), m, 0.0)
    ex = jnp.exp(e - m[dst])
    den = jax.ops.segment_sum(ex, dst, num_segments=n)
    alpha = ex / (den[dst] + 1e-16)
    out = jax.ops.segment_sum(alpha[:, :, None] * xl[src], dst, num_segments=n)  # [N, H, C]
    out = out.mean(axis=1)  # concat=False -> mean over heads
    return out + x_dst @ Wres + b


def _bn_elu(x, g, b):
    mu = jnp.mean(x, axis=0)
    var = jnp.var(x, axis=0)
    xn = (x - mu) / jnp.sqrt(var + 1e-5)
    return jax.nn.elu(g * xn + b)


def reference(x_user, x_item, edge_index_ui, edge_index_iu,
              Wl_ui, Wr_ui, att_ui, Wres_ui, b_ui,
              Wl_iu, Wr_iu, att_iu, Wres_iu, b_iu,
              g_user, be_user, g_item, be_item):
    # edge type (user -> item): messages aggregate at item nodes
    out_item = _gatv2(x_user, x_item, edge_index_ui, Wl_ui, Wr_ui, att_ui, Wres_ui, b_ui)
    # edge type (item -> user): messages aggregate at user nodes
    out_user = _gatv2(x_item, x_user, edge_index_iu, Wl_iu, Wr_iu, att_iu, Wres_iu, b_iu)
    # HeteroConv 'max' aggregation: each node type receives from exactly one edge type here
    out_user = _bn_elu(out_user, g_user, be_user)
    out_item = _bn_elu(out_item, g_item, be_item)
    return (out_user, out_item)

if __name__ == "__main__":
    import jax
    _d = setup_inputs()
    print(jax.jit(kernel)(*tuple(_d.values())))

</pallas_src>

<mosaic_0001>
#map = affine_map<(d0, d1) -> (0, 0)>
#map1 = affine_map<(d0, d1) -> (0)>
#map2 = affine_map<(d0, d1) -> (0, 0, 0)>
module attributes {stable_mosaic.version = 14 : i64} {
  func.func @_sc_edge_body(%arg0: i32, %arg1: i32, %arg2: memref<20000x128xf32, #tpu.memory_space<hbm>>, %arg3: memref<20000x128xf32, #tpu.memory_space<hbm>>, %arg4: memref<160000xi32, #tpu.memory_space<hbm>>, %arg5: memref<160000xi32, #tpu.memory_space<hbm>>, %arg6: memref<256xf32, #tpu.memory_space<hbm>>, %arg7: memref<2x10000x128xf32, #tpu.memory_space<hbm>>, %arg8: memref<2x10000x16xf32, #tpu.memory_space<hbm>>, %arg9: memref<80xi32, #tpu.memory_space<vmem>>, %arg10: memref<80xi32, #tpu.memory_space<vmem>>, %arg11: memref<2x80xi32, #tpu.memory_space<vmem>>, %arg12: memref<2x80xi32, #tpu.memory_space<vmem>>, %arg13: memref<2x80xi32, #tpu.memory_space<vmem>>, %arg14: memref<160x128xf32, #tpu.memory_space<vmem>>, %arg15: memref<80x128xf32, #tpu.memory_space<vmem>>, %arg16: memref<160x16xf32, #tpu.memory_space<vmem>>, %arg17: memref<128xf32, #tpu.memory_space<vmem>>, %arg18: memref<16xf32, #tpu.memory_space<vmem>>, %arg19: memref<10000x128xf32, #tpu.memory_space<vmem_shared>>, %arg20: memref<10000x16xf32, #tpu.memory_space<vmem_shared>>, %arg21: memref<!tpu.dma_semaphore, #tpu.memory_space<semaphore_mem>>, %arg22: memref<!tpu.dma_semaphore, #tpu.memory_space<semaphore_mem>>, %arg23: memref<!tpu.dma_semaphore, #tpu.memory_space<semaphore_mem>>, %arg24: memref<!tpu.dma_semaphore, #tpu.memory_space<semaphore_mem>>) attributes {dimension_semantics = [#tpu.dimension_semantics<core_parallel>, #tpu.dimension_semantics<subcore_parallel>], iteration_bounds = array<i64: 2, 16>, scalar_prefetch = 0 : i64, scratch_operands = 16 : i64, tpu.core_type = #tpu.core_type<sc_vector_subcore>, window_params = [{transform_indices = #map}, {transform_indices = #map}, {transform_indices = #map1}, {transform_indices = #map1}, {transform_indices = #map1}, {transform_indices = #map2}, {transform_indices = #map2}]} {
    %broadcast_in_dim3A = arith.constant 0.000000e+00 : f32
    %broadcast_in_dim3A_0 = vector.broadcast %broadcast_in_dim3A : f32 to vector<16xf32>
    %scan3A = arith.constant 0 : i32
    %scan3A_1 = arith.constant 0 : i32
    %scan3A_2 = arith.constant 80 : i32
    %scan3A_3 = arith.addi %scan3A_1, %scan3A_2 : i32
    %scan3A_4 = arith.constant 1 : i32
    scf.for %scan3A_199 = %scan3A_1 to %scan3A_3 step %scan3A_4  : i32 {
      %swap3A_200 = arith.index_cast %scan3A_199 : i32 to index
      %swap3A_201 = arith.constant 0 : index
      %swap3A_202 = tpu.vector_load %arg14[%swap3A_200, %swap3A_201] {strides = array<i32>} : memref<160x128xf32, #tpu.memory_space<vmem>>, vector<16xf32>,
      tpu.vector_store %arg14[%swap3A_200, %swap3A_201], %broadcast_in_dim3A_0 {strides = array<i32>} : memref<160x128xf32, #tpu.memory_space<vmem>>, vector<16xf32>,
      %swap3A_203 = arith.index_cast %scan3A_199 : i32 to index
      %swap3A_204 = arith.constant 16 : index
      %swap3A_205 = tpu.vector_load %arg14[%swap3A_203, %swap3A_204] {strides = array<i32>} : memref<160x128xf32, #tpu.memory_space<vmem>>, vector<16xf32>,
      tpu.vector_store %arg14[%swap3A_203, %swap3A_204], %broadcast_in_dim3A_0 {strides = array<i32>} : memref<160x128xf32, #tpu.memory_space<vmem>>, vector<16xf32>,
      %swap3A_206 = arith.index_cast %scan3A_199 : i32 to index
      %swap3A_207 = arith.constant 32 : index
      %swap3A_208 = tpu.vector_load %arg14[%swap3A_206, %swap3A_207] {strides = array<i32>} : memref<160x128xf32, #tpu.memory_space<vmem>>, vector<16xf32>,
      tpu.vector_store %arg14[%swap3A_206, %swap3A_207], %broadcast_in_dim3A_0 {strides = array<i32>} : memref<160x128xf32, #tpu.memory_space<vmem>>, vector<16xf32>,
      %swap3A_209 = arith.index_cast %scan3A_199 : i32 to index
      %swap3A_210 = arith.constant 48 : index
      %swap3A_211 = tpu.vector_load %arg14[%swap3A_209, %swap3A_210] {strides = array<i32>} : memref<160x128xf32, #tpu.memory_space<vmem>>, vector<16xf32>,
      tpu.vector_store %arg14[%swap3A_209, %swap3A_210], %broadcast_in_dim3A_0 {strides = array<i32>} : memref<160x128xf32, #tpu.memory_space<vmem>>, vector<16xf32>,
      %swap3A_212 = arith.index_cast %scan3A_199 : i32 to index
      %swap3A_213 = arith.constant 64 : index
      %swap3A_214 = tpu.vector_load %arg14[%swap3A_212, %swap3A_213] {strides = array<i32>} : memref<160x128xf32, #tpu.memory_space<vmem>>, vector<16xf32>,
      tpu.vector_store %arg14[%swap3A_212, %swap3A_213], %broadcast_in_dim3A_0 {strides = array<i32>} : memref<160x128xf32, #tpu.memory_space<vmem>>, vector<16xf32>,
      %swap3A_215 = arith.index_cast %scan3A_199 : i32 to index
      %swap3A_216 = arith.constant 80 : index
      %swap3A_217 = tpu.vector_load %arg14[%swap3A_215, %swap3A_216] {strides = array<i32>} : memref<160x128xf32, #tpu.memory_space<vmem>>, vector<16xf32>,
      tpu.vector_store %arg14[%swap3A_215, %swap3A_216], %broadcast_in_dim3A_0 {strides = array<i32>} : memref<160x128xf32, #tpu.memory_space<vmem>>, vector<16xf32>,
      %swap3A_218 = arith.index_cast %scan3A_199 : i32 to index
      %swap3A_219 = arith.constant 96 : index
      %swap3A_220 = tpu.vector_load %arg14[%swap3A_218, %swap3A_219] {strides = array<i32>} : memref<160x128xf32, #tpu.memory_space<vmem>>, vector<16xf32>,
      tpu.vector_store %arg14[%swap3A_218, %swap3A_219], %broadcast_in_dim3A_0 {strides = array<i32>} : memref<160x128xf32, #tpu.memory_space<vmem>>, vector<16xf32>,
      %swap3A_221 = arith.index_cast %scan3A_199 : i32 to index
      %swap3A_222 = arith.constant 112 : index
      %swap3A_223 = tpu.vector_load %arg14[%swap3A_221, %swap3A_222] {strides = array<i32>} : memref<160x128xf32, #tpu.memory_space<vmem>>, vector<16xf32>,
      tpu.vector_store %arg14[%swap3A_221, %swap3A_222], %broadcast_in_dim3A_0 {strides = array<i32>} : memref<160x128xf32, #tpu.memory_space<vmem>>, vector<16xf32>,
      %swap3A_224 = arith.index_cast %scan3A_199 : i32 to index
      %swap3A_225 = arith.constant 0 : index
      %swap3A_226 = tpu.vector_load %arg16[%swap3A_224, %swap3A_225] {strides = array<i32>} : memref<160x16xf32, #tpu.memory_space<vmem>>, vector<16xf32>,
      tpu.vector_store %arg16[%swap3A_224, %swap3A_225], %broadcast_in_dim3A_0 {strides = array<i32>} : memref<160x16xf32, #tpu.memory_space<vmem>>, vector<16xf32>,
    }
    %scan3A_5 = arith.constant 80 : i32
    %mul3A = arith.constant 624 : i32
    %mul3A_6 = arith.muli %arg1, %mul3A : i32
    %scan3A_7 = arith.constant 0 : i32
    %scan3A_8 = arith.constant 0 : i32
    %scan3A_9 = arith.constant 7 : i32
    %scan3A_10 = arith.addi %scan3A_8, %scan3A_9 : i32
    %scan3A_11 = arith.constant 1 : i32
    scf.for %scan3A_199 = %scan3A_8 to %scan3A_10 step %scan3A_11  : i32 {
      %mul3A_200 = arith.constant 80 : i32
      %mul3A_201 = arith.muli %scan3A_199, %mul3A_200 : i32
      %add3A_202 = arith.addi %mul3A_6, %mul3A_201 : i32
      "tpu.region"() ({
        %run_scoped3A = tpu.sem_alloc : memref<!tpu.dma_semaphore, #tpu.memory_space<semaphore_mem>>
        %dma_start3A_206 = arith.constant 0 : i32
        %dma_start3A_207 = arith.constant 0 : i32
        %dma_start3A_208 = tpu.memref_slice %arg14[%dma_start3A_206, %dma_start3A_207] : memref<160x128xf32, #tpu.memory_space<vmem>> -> memref<80x128xf32, #tpu.memory_space<vmem>>
        %dma_start3A_209 = arith.constant 0 : i32
        %dma_start3A_210 = tpu.memref_slice %arg19[%add3A_202, %dma_start3A_209] : memref<10000x128xf32, #tpu.memory_space<vmem_shared>> -> memref<80x128xf32, #tpu.memory_space<vmem_shared>>
        %dma_start3A_211 = arith.constant 0 : i32
        %dma_start3A_212 = tpu.memref_slice %arg19[%add3A_202, %dma_start3A_211] : memref<10000x128xf32, #tpu.memory_space<vmem_shared>> -> memref<80x128xf32, #tpu.memory_space<vmem_shared>>
        %dma_start3A_213 = arith.constant 0 : i32
        %dma_start3A_214 = arith.constant 0 : i32
        %dma_start3A_215 = tpu.memref_slice %arg14[%dma_start3A_213, %dma_start3A_214] : memref<160x128xf32, #tpu.memory_space<vmem>> -> memref<80x128xf32, #tpu.memory_space<vmem>>
        tpu.enqueue_dma source(%dma_start3A_215 : memref<80x128xf32, #tpu.memory_space<vmem>>) target(%dma_start3A_212 : memref<80x128xf32, #tpu.memory_space<vmem_shared>>) target_semaphore(%run_scoped3A : memref<!tpu.dma_semaphore, #tpu.memory_space<semaphore_mem>>)
        %dma_wait3A_216 = arith.constant 0 : i32
        %dma_wait3A_217 = arith.constant 0 : i32
        %dma_wait3A_218 = tpu.memref_slice %arg14[%dma_wait3A_216, %dma_wait3A_217] : memref<160x128xf32, #tpu.memory_space<vmem>> -> memref<80x128xf32, #tpu.memory_space<vmem>>
        %dma_wait3A_219 = arith.constant 0 : i32
        %dma_wait3A_220 = tpu.memref_slice %arg19[%add3A_202, %dma_wait3A_219] : memref<10000x128xf32, #tpu.memory_space<vmem_shared>> -> memref<80x128xf32, #tpu.memory_space<vmem_shared>>
        %dma_wait3A_221 = arith.constant 0 : i32
        %dma_wait3A_222 = tpu.memref_slice %arg19[%add3A_202, %dma_wait3A_221] : memref<10000x128xf32, #tpu.memory_space<vmem_shared>> -> memref<80x128xf32, #tpu.memory_space<vmem_shared>>
        %dma_wait3A_223 = arith.constant 0 : i32
        %dma_wait3A_224 = arith.constant 0 : i32
        %dma_wait3A_225 = tpu.memref_slice %arg14[%dma_wait3A_223, %dma_wait3A_224] : memref<160x128xf32, #tpu.memory_space<vmem>> -> memref<80x128xf32, #tpu.memory_space<vmem>>
        tpu.wait_dma2 semaphore(%run_scoped3A : memref<!tpu.dma_semaphore, #tpu.memory_space<semaphore_mem>>) src(%dma_wait3A_225 : memref<80x128xf32, #tpu.memory_space<vmem>>) dst(%dma_wait3A_222 : memref<80x128xf32, #tpu.memory_space<vmem_shared>>)
        tpu.yield
      }) : () -> ()
      %mul3A_203 = arith.constant 80 : i32
      %mul3A_204 = arith.muli %scan3A_199, %mul3A_203 : i32
      %add3A_205 = arith.addi %mul3A_6, %mul3A_204 : i32
      "tpu.region"() ({
        %run_scoped3A = tpu.sem_alloc : memref<!tpu.dma_semaphore, #tpu.memory_space<semaphore_mem>>
        %dma_start3A_206 = arith.constant 0 : i32
        %dma_start3A_207 = arith.constant 0 : i32
        %dma_start3A_208 = tpu.memref_slice %arg16[%dma_start3A_206, %dma_start3A_207] : memref<160x16xf32, #tpu.memory_space<vmem>> -> memref<80x16xf32, #tpu.memory_space<vmem>>
        %dma_start3A_209 = arith.constant 0 : i32
        %dma_start3A_210 = tpu.memref_slice %arg20[%add3A_205, %dma_start3A_209] : memref<10000x16xf32, #tpu.memory_space<vmem_shared>> -> memref<80x16xf32, #tpu.memory_space<vmem_shared>>
        %dma_start3A_211 = arith.constant 0 : i32
        %dma_start3A_212 = tpu.memref_slice %arg20[%add3A_205, %dma_start3A_211] : memref<10000x16xf32, #tpu.memory_space<vmem_shared>> -> memref<80x16xf32, #tpu.memory_space<vmem_shared>>
        %dma_start3A_213 = arith.constant 0 : i32
        %dma_start3A_214 = arith.constant 0 : i32
        %dma_start3A_215 = tpu.memref_slice %arg16[%dma_start3A_213, %dma_start3A_214] : memref<160x16xf32, #tpu.memory_space<vmem>> -> memref<80x16xf32, #tpu.memory_space<vmem>>
        tpu.enqueue_dma source(%dma_start3A_215 : memref<80x16xf32, #tpu.memory_space<vmem>>) target(%dma_start3A_212 : memref<80x16xf32, #tpu.memory_space<vmem_shared>>) target_semaphore(%run_scoped3A : memref<!tpu.dma_semaphore, #tpu.memory_space<semaphore_mem>>)
        %dma_wait3A_216 = arith.constant 0 : i32
        %dma_wait3A_217 = arith.constant 0 : i32
        %dma_wait3A_218 = tpu.memref_slice %arg16[%dma_wait3A_216, %dma_wait3A_217] : memref<160x16xf32, #tpu.memory_space<vmem>> -> memref<80x16xf32, #tpu.memory_space<vmem>>
        %dma_wait3A_219 = arith.constant 0 : i32
        %dma_wait3A_220 = tpu.memref_slice %arg20[%add3A_205, %dma_wait3A_219] : memref<10000x16xf32, #tpu.memory_space<vmem_shared>> -> memref<80x16xf32, #tpu.memory_space<vmem_shared>>
        %dma_wait3A_221 = arith.constant 0 : i32
        %dma_wait3A_222 = tpu.memref_slice %arg20[%add3A_205, %dma_wait3A_221] : memref<10000x16xf32, #tpu.memory_space<vmem_shared>> -> memref<80x16xf32, #tpu.memory_space<vmem_shared>>
        %dma_wait3A_223 = arith.constant 0 : i32
        %dma_wait3A_224 = arith.constant 0 : i32
        %dma_wait3A_225 = tpu.memref_slice %arg16[%dma_wait3A_223, %dma_wait3A_224] : memref<160x16xf32, #tpu.memory_space<vmem>> -> memref<80x16xf32, #tpu.memory_space<vmem>>
        tpu.wait_dma2 semaphore(%run_scoped3A : memref<!tpu.dma_semaphore, #tpu.memory_space<semaphore_mem>>) src(%dma_wait3A_225 : memref<80x16xf32, #tpu.memory_space<vmem>>) dst(%dma_wait3A_222 : memref<80x16xf32, #tpu.memory_space<vmem_shared>>)
        tpu.yield
      }) : () -> ()
    }
    %scan3A_12 = arith.constant 7 : i32
    %add3A = arith.constant 624 : i32
    %add3A_13 = arith.addi %mul3A_6, %add3A : i32
    %sub3A = arith.constant 64 : i32
    %sub3A_14 = arith.subi %add3A_13, %sub3A : i32
    "tpu.region"() ({
      %run_scoped3A = tpu.sem_alloc : memref<!tpu.dma_semaphore, #tpu.memory_space<semaphore_mem>>
      %dma_start3A_199 = arith.constant 0 : i32
      %dma_start3A_200 = arith.constant 0 : i32
      %dma_start3A_201 = tpu.memref_slice %arg14[%dma_start3A_199, %dma_start3A_200] : memref<160x128xf32, #tpu.memory_space<vmem>> -> memref<64x128xf32, #tpu.memory_space<vmem>>
      %dma_start3A_202 = arith.constant 0 : i32
      %dma_start3A_203 = tpu.memref_slice %arg19[%sub3A_14, %dma_start3A_202] : memref<10000x128xf32, #tpu.memory_space<vmem_shared>> -> memref<64x128xf32, #tpu.memory_space<vmem_shared>>
      %dma_start3A_204 = arith.constant 0 : i32
      %dma_start3A_205 = tpu.memref_slice %arg19[%sub3A_14, %dma_start3A_204] : memref<10000x128xf32, #tpu.memory_space<vmem_shared>> -> memref<64x128xf32, #tpu.memory_space<vmem_shared>>
      %dma_start3A_206 = arith.constant 0 : i32
      %dma_start3A_207 = arith.constant 0 : i32
      %dma_start3A_208 = tpu.memref_slice %arg14[%dma_start3A_206, %dma_start3A_207] : memref<160x128xf32, #tpu.memory_space<vmem>> -> memref<64x128xf32, #tpu.memory_space<vmem>>
      tpu.enqueue_dma source(%dma_start3A_208 : memref<64x128xf32, #tpu.memory_space<vmem>>) target(%dma_start3A_205 : memref<64x128xf32, #tpu.memory_space<vmem_shared>>) target_semaphore(%run_scoped3A : memref<!tpu.dma_semaphore, #tpu.memory_space<semaphore_mem>>)
      %dma_wait3A_209 = arith.constant 0 : i32
      %dma_wait3A_210 = arith.constant 0 : i32
      %dma_wait3A_211 = tpu.memref_slice %arg14[%dma_wait3A_209, %dma_wait3A_210] : memref<160x128xf32, #tpu.memory_space<vmem>> -> memref<64x128xf32, #tpu.memory_space<vmem>>
      %dma_wait3A_212 = arith.constant 0 : i32
      %dma_wait3A_213 = tpu.memref_slice %arg19[%sub3A_14, %dma_wait3A_212] : memref<10000x128xf32, #tpu.memory_space<vmem_shared>> -> memref<64x128xf32, #tpu.memory_space<vmem_shared>>
      %dma_wait3A_214 = arith.constant 0 : i32
      %dma_wait3A_215 = tpu.memref_slice %arg19[%sub3A_14, %dma_wait3A_214] : memref<10000x128xf32, #tpu.memory_space<vmem_shared>> -> memref<64x128xf32, #tpu.memory_space<vmem_shared>>
      %dma_wait3A_216 = arith.constant 0 : i32
      %dma_wait3A_217 = arith.constant 0 : i32
      %dma_wait3A_218 = tpu.memref_slice %arg14[%dma_wait3A_216, %dma_wait3A_217] : memref<160x128xf32, #tpu.memory_space<vmem>> -> memref<64x128xf32, #tpu.memory_space<vmem>>
      tpu.wait_dma2 semaphore(%run_scoped3A : memref<!tpu.dma_semaphore, #tpu.memory_space<semaphore_mem>>) src(%dma_wait3A_218 : memref<64x128xf32, #tpu.memory_space<vmem>>) dst(%dma_wait3A_215 : memref<64x128xf32, #tpu.memory_space<vmem_shared>>)
      tpu.yield
    }) : () -> ()
    %add3A_15 = arith.constant 624 : i32
    %add3A_16 = arith.addi %mul3A_6, %add3A_15 : i32
    %sub3A_17 = arith.constant 64 : i32
    %sub3A_18 = arith.subi %add3A_16, %sub3A_17 : i32
    "tpu.region"() ({
      %run_scoped3A = tpu.sem_alloc : memref<!tpu.dma_semaphore, #tpu.memory_space<semaphore_mem>>
      %dma_start3A_199 = arith.constant 0 : i32
      %dma_start3A_200 = arith.constant 0 : i32
      %dma_start3A_201 = tpu.memref_slice %arg16[%dma_start3A_199, %dma_start3A_200] : memref<160x16xf32, #tpu.memory_space<vmem>> -> memref<64x16xf32, #tpu.memory_space<vmem>>
      %dma_start3A_202 = arith.constant 0 : i32
      %dma_start3A_203 = tpu.memref_slice %arg20[%sub3A_18, %dma_start3A_202] : memref<10000x16xf32, #tpu.memory_space<vmem_shared>> -> memref<64x16xf32, #tpu.memory_space<vmem_shared>>
      %dma_start3A_204 = arith.constant 0 : i32
      %dma_start3A_205 = tpu.memref_slice %arg20[%sub3A_18, %dma_start3A_204] : memref<10000x16xf32, #tpu.memory_space<vmem_shared>> -> memref<64x16xf32, #tpu.memory_space<vmem_shared>>
      %dma_start3A_206 = arith.constant 0 : i32
      %dma_start3A_207 = arith.constant 0 : i32
      %dma_start3A_208 = tpu.memref_slice %arg16[%dma_start3A_206, %dma_start3A_207] : memref<160x16xf32, #tpu.memory_space<vmem>> -> memref<64x16xf32, #tpu.memory_space<vmem>>
      tpu.enqueue_dma source(%dma_start3A_208 : memref<64x16xf32, #tpu.memory_space<vmem>>) target(%dma_start3A_205 : memref<64x16xf32, #tpu.memory_space<vmem_shared>>) target_semaphore(%run_scoped3A : memref<!tpu.dma_semaphore, #tpu.memory_space<semaphore_mem>>)
      %dma_wait3A_209 = arith.constant 0 : i32
      %dma_wait3A_210 = arith.constant 0 : i32
      %dma_wait3A_211 = tpu.memref_slice %arg16[%dma_wait3A_209, %dma_wait3A_210] : memref<160x16xf32, #tpu.memory_space<vmem>> -> memref<64x16xf32, #tpu.memory_space<vmem>>
      %dma_wait3A_212 = arith.constant 0 : i32
      %dma_wait3A_213 = tpu.memref_slice %arg20[%sub3A_18, %dma_wait3A_212] : memref<10000x16xf32, #tpu.memory_space<vmem_shared>> -> memref<64x16xf32, #tpu.memory_space<vmem_shared>>
      %dma_wait3A_214 = arith.constant 0 : i32
      %dma_wait3A_215 = tpu.memref_slice %arg20[%sub3A_18, %dma_wait3A_214] : memref<10000x16xf32, #tpu.memory_space<vmem_shared>> -> memref<64x16xf32, #tpu.memory_space<vmem_shared>>
      %dma_wait3A_216 = arith.constant 0 : i32
      %dma_wait3A_217 = arith.constant 0 : i32
      %dma_wait3A_218 = tpu.memref_slice %arg16[%dma_wait3A_216, %dma_wait3A_217] : memref<160x16xf32, #tpu.memory_space<vmem>> -> memref<64x16xf32, #tpu.memory_space<vmem>>
      tpu.wait_dma2 semaphore(%run_scoped3A : memref<!tpu.dma_semaphore, #tpu.memory_space<semaphore_mem>>) src(%dma_wait3A_218 : memref<64x16xf32, #tpu.memory_space<vmem>>) dst(%dma_wait3A_215 : memref<64x16xf32, #tpu.memory_space<vmem_shared>>)
      tpu.yield
    }) : () -> ()
    %eq3A = arith.constant 15 : i32
    %eq3A_19 = arith.cmpi eq, %arg1, %eq3A : i32
    %convert_element_type3A = arith.extui %eq3A_19 : i1 to i32
    %cond3A = arith.constant 0 : i32
    %cond3A_20 = arith.cmpi ne, %convert_element_type3A, %cond3A : i32
    scf.if %cond3A_20 {
      "tpu.region"() ({
        %run_scoped3A = tpu.sem_alloc : memref<!tpu.dma_semaphore, #tpu.memory_space<semaphore_mem>>
        %dma_start3A_199 = arith.constant 0 : i32
        %dma_start3A_200 = arith.constant 0 : i32
        %dma_start3A_201 = tpu.memref_slice %arg14[%dma_start3A_199, %dma_start3A_200] : memref<160x128xf32, #tpu.memory_space<vmem>> -> memref<16x128xf32, #tpu.memory_space<vmem>>
        %dma_start3A_202 = arith.constant 9984 : i32
        %dma_start3A_203 = arith.constant 0 : i32
        %dma_start3A_204 = tpu.memref_slice %arg19[%dma_start3A_202, %dma_start3A_203] : memref<10000x128xf32, #tpu.memory_space<vmem_shared>> -> memref<16x128xf32, #tpu.memory_space<vmem_shared>>
        %dma_start3A_205 = arith.constant 9984 : i32
        %dma_start3A_206 = arith.constant 0 : i32
        %dma_start3A_207 = tpu.memref_slice %arg19[%dma_start3A_205, %dma_start3A_206] : memref<10000x128xf32, #tpu.memory_space<vmem_shared>> -> memref<16x128xf32, #tpu.memory_space<vmem_shared>>
        %dma_start3A_208 = arith.constant 0 : i32
        %dma_start3A_209 = arith.constant 0 : i32
        %dma_start3A_210 = tpu.memref_slice %arg14[%dma_start3A_208, %dma_start3A_209] : memref<160x128xf32, #tpu.memory_space<vmem>> -> memref<16x128xf32, #tpu.memory_space<vmem>>
        tpu.enqueue_dma source(%dma_start3A_210 : memref<16x128xf32, #tpu.memory_space<vmem>>) target(%dma_start3A_207 : memref<16x128xf32, #tpu.memory_space<vmem_shared>>) target_semaphore(%run_scoped3A : memref<!tpu.dma_semaphore, #tpu.memory_space<semaphore_mem>>)
        %dma_wait3A_211 = arith.constant 0 : i32
        %dma_wait3A_212 = arith.constant 0 : i32
        %dma_wait3A_213 = tpu.memref_slice %arg14[%dma_wait3A_211, %dma_wait3A_212] : memref<160x128xf32, #tpu.memory_space<vmem>> -> memref<16x128xf32, #tpu.memory_space<vmem>>
        %dma_wait3A_214 = arith.constant 9984 : i32
        %dma_wait3A_215 = arith.constant 0 : i32
        %dma_wait3A_216 = tpu.memref_slice %arg19[%dma_wait3A_214, %dma_wait3A_215] : memref<10000x128xf32, #tpu.memory_space<vmem_shared>> -> memref<16x128xf32, #tpu.memory_space<vmem_shared>>
        %dma_wait3A_217 = arith.constant 9984 : i32
        %dma_wait3A_218 = arith.constant 0 : i32
        %dma_wait3A_219 = tpu.memref_slice %arg19[%dma_wait3A_217, %dma_wait3A_218] : memref<10000x128xf32, #tpu.memory_space<vmem_shared>> -> memref<16x128xf32, #tpu.memory_space<vmem_shared>>
        %dma_wait3A_220 = arith.constant 0 : i32
        %dma_wait3A_221 = arith.constant 0 : i32
        %dma_wait3A_222 = tpu.memref_slice %arg14[%dma_wait3A_220, %dma_wait3A_221] : memref<160x128xf32, #tpu.memory_space<vmem>> -> memref<16x128xf32, #tpu.memory_space<vmem>>
        tpu.wait_dma2 semaphore(%run_scoped3A : memref<!tpu.dma_semaphore, #tpu.memory_space<semaphore_mem>>) src(%dma_wait3A_222 : memref<16x128xf32, #tpu.memory_space<vmem>>) dst(%dma_wait3A_219 : memref<16x128xf32, #tpu.memory_space<vmem_shared>>)
        tpu.yield
      }) : () -> ()
      "tpu.region"() ({
        %run_scoped3A = tpu.sem_alloc : memref<!tpu.dma_semaphore, #tpu.memory_space<semaphore_mem>>
        %dma_start3A_199 = arith.constant 0 : i32
        %dma_start3A_200 = arith.constant 0 : i32
        %dma_start3A_201 = tpu.memref_slice %arg16[%dma_start3A_199, %dma_start3A_200] : memref<160x16xf32, #tpu.memory_space<vmem>> -> memref<16x16xf32, #tpu.memory_space<vmem>>
        %dma_start3A_202 = arith.constant 9984 : i32
        %dma_start3A_203 = arith.constant 0 : i32
        %dma_start3A_204 = tpu.memref_slice %arg20[%dma_start3A_202, %dma_start3A_203] : memref<10000x16xf32, #tpu.memory_space<vmem_shared>> -> memref<16x16xf32, #tpu.memory_space<vmem_shared>>
        %dma_start3A_205 = arith.constant 9984 : i32
        %dma_start3A_206 = arith.constant 0 : i32
        %dma_start3A_207 = tpu.memref_slice %arg20[%dma_start3A_205, %dma_start3A_206] : memref<10000x16xf32, #tpu.memory_space<vmem_shared>> -> memref<16x16xf32, #tpu.memory_space<vmem_shared>>
        %dma_start3A_208 = arith.constant 0 : i32
        %dma_start3A_209 = arith.constant 0 : i32
        %dma_start3A_210 = tpu.memref_slice %arg16[%dma_start3A_208, %dma_start3A_209] : memref<160x16xf32, #tpu.memory_space<vmem>> -> memref<16x16xf32, #tpu.memory_space<vmem>>
        tpu.enqueue_dma source(%dma_start3A_210 : memref<16x16xf32, #tpu.memory_space<vmem>>) target(%dma_start3A_207 : memref<16x16xf32, #tpu.memory_space<vmem_shared>>) target_semaphore(%run_scoped3A : memref<!tpu.dma_semaphore, #tpu.memory_space<semaphore_mem>>)
        %dma_wait3A_211 = arith.constant 0 : i32
        %dma_wait3A_212 = arith.constant 0 : i32
        %dma_wait3A_213 = tpu.memref_slice %arg16[%dma_wait3A_211, %dma_wait3A_212] : memref<160x16xf32, #tpu.memory_space<vmem>> -> memref<16x16xf32, #tpu.memory_space<vmem>>
        %dma_wait3A_214 = arith.constant 9984 : i32
        %dma_wait3A_215 = arith.constant 0 : i32
        %dma_wait3A_216 = tpu.memref_slice %arg20[%dma_wait3A_214, %dma_wait3A_215] : memref<10000x16xf32, #tpu.memory_space<vmem_shared>> -> memref<16x16xf32, #tpu.memory_space<vmem_shared>>
        %dma_wait3A_217 = arith.constant 9984 : i32
        %dma_wait3A_218 = arith.constant 0 : i32
        %dma_wait3A_219 = tpu.memref_slice %arg20[%dma_wait3A_217, %dma_wait3A_218] : memref<10000x16xf32, #tpu.memory_space<vmem_shared>> -> memref<16x16xf32, #tpu.memory_space<vmem_shared>>
        %dma_wait3A_220 = arith.constant 0 : i32
        %dma_wait3A_221 = arith.constant 0 : i32
        %dma_wait3A_222 = tpu.memref_slice %arg16[%dma_wait3A_220, %dma_wait3A_221] : memref<160x16xf32, #tpu.memory_space<vmem>> -> memref<16x16xf32, #tpu.memory_space<vmem>>
        tpu.wait_dma2 semaphore(%run_scoped3A : memref<!tpu.dma_semaphore, #tpu.memory_space<semaphore_mem>>) src(%dma_wait3A_222 : memref<16x16xf32, #tpu.memory_space<vmem>>) dst(%dma_wait3A_219 : memref<16x16xf32, #tpu.memory_space<vmem_shared>>)
        tpu.yield
      }) : () -> ()
    } else {
    }
    %mul3A_21 = arith.constant 128 : i32
    %mul3A_22 = arith.muli %arg0, %mul3A_21 : i32
    "tpu.region"() ({
      %run_scoped3A = tpu.sem_alloc : memref<!tpu.dma_semaphore, #tpu.memory_space<semaphore_mem>>
      %dma_start3A_199 = tpu.memref_slice %arg6[%mul3A_22] : memref<256xf32, #tpu.memory_space<hbm>> -> memref<128xf32, #tpu.memory_space<hbm>>
      %dma_start3A_200 = tpu.memref_slice %arg6[%mul3A_22] : memref<256xf32, #tpu.memory_space<hbm>> -> memref<128xf32, #tpu.memory_space<hbm>>
      tpu.enqueue_dma source(%dma_start3A_200 : memref<128xf32, #tpu.memory_space<hbm>>) target(%arg17 : memref<128xf32, #tpu.memory_space<vmem>>) target_semaphore(%run_scoped3A : memref<!tpu.dma_semaphore, #tpu.memory_space<semaphore_mem>>)
      %dma_wait3A_201 = tpu.memref_slice %arg6[%mul3A_22] : memref<256xf32, #tpu.memory_space<hbm>> -> memref<128xf32, #tpu.memory_space<hbm>>
      %dma_wait3A_202 = tpu.memref_slice %arg6[%mul3A_22] : memref<256xf32, #tpu.memory_space<hbm>> -> memref<128xf32, #tpu.memory_space<hbm>>
      tpu.wait_dma2 semaphore(%run_scoped3A : memref<!tpu.dma_semaphore, #tpu.memory_space<semaphore_mem>>) src(%dma_wait3A_202 : memref<128xf32, #tpu.memory_space<hbm>>) dst(%arg17 : memref<128xf32, #tpu.memory_space<vmem>>)
      tpu.yield
    }) : () -> ()
    %barrier3A = arith.constant 0 : index
    tpu.barrier barrier_id(%barrier3A)
    %get3A = arith.constant 0 : index
    %get3A_23 = tpu.vector_load %arg17[%get3A] {strides = array<i32>} : memref<128xf32, #tpu.memory_space<vmem>>, vector<16xf32>,
    %get3A_24 = arith.constant 16 : index
    %get3A_25 = tpu.vector_load %arg17[%get3A_24] {strides = array<i32>} : memref<128xf32, #tpu.memory_space<vmem>>, vector<16xf32>,
    %get3A_26 = arith.constant 32 : index
    %get3A_27 = tpu.vector_load %arg17[%get3A_26] {strides = array<i32>} : memref<128xf32, #tpu.memory_space<vmem>>, vector<16xf32>,
    %get3A_28 = arith.constant 48 : index
    %get3A_29 = tpu.vector_load %arg17[%get3A_28] {strides = array<i32>} : memref<128xf32, #tpu.memory_space<vmem>>, vector<16xf32>,
    %get3A_30 = arith.constant 64 : index
    %get3A_31 = tpu.vector_load %arg17[%get3A_30] {strides = array<i32>} : memref<128xf32, #tpu.memory_space<vmem>>, vector<16xf32>,
    %get3A_32 = arith.constant 80 : index
    %get3A_33 = tpu.vector_load %arg17[%get3A_32] {strides = array<i32>} : memref<128xf32, #tpu.memory_space<vmem>>, vector<16xf32>,
    %get3A_34 = arith.constant 96 : index
    %get3A_35 = tpu.vector_load %arg17[%get3A_34] {strides = array<i32>} : memref<128xf32, #tpu.memory_space<vmem>>, vector<16xf32>,
    %get3A_36 = arith.constant 112 : index
    %get3A_37 = tpu.vector_load %arg17[%get3A_36] {strides = array<i32>} : memref<128xf32, #tpu.memory_space<vmem>>, vector<16xf32>,
    %iota3A = tpu.iota {dimensions = array<i32: 0>} : vector<16xi32>
    %eq3A_38 = arith.constant 0 : i32
    %eq3A_39 = vector.broadcast %eq3A_38 : i32 to vector<16xi32>
    %eq3A_40 = arith.cmpi eq, %iota3A, %eq3A_39 : vector<16xi32>
    %xor3A = arith.constant 1 : i32
    %xor3A_41 = vector.broadcast %xor3A : i32 to vector<16xi32>
    %xor3A_42 = arith.xori %iota3A, %xor3A_41 : vector<16xi32>
    %xor3A_43 = arith.constant 2 : i32
    %xor3A_44 = vector.broadcast %xor3A_43 : i32 to vector<16xi32>
    %xor3A_45 = arith.xori %iota3A, %xor3A_44 : vector<16xi32>
    %xor3A_46 = arith.constant 4 : i32
    %xor3A_47 = vector.broadcast %xor3A_46 : i32 to vector<16xi32>
    %xor3A_48 = arith.xori %iota3A, %xor3A_47 : vector<16xi32>
    %xor3A_49 = arith.constant 8 : i32
    %xor3A_50 = vector.broadcast %xor3A_49 : i32 to vector<16xi32>
    %xor3A_51 = arith.xori %iota3A, %xor3A_50 : vector<16xi32>
    %mul3A_52 = arith.constant 10000 : i32
    %mul3A_53 = arith.muli %arg0, %mul3A_52 : i32
    %broadcast_in_dim3A_54 = vector.broadcast %mul3A_53 : i32 to vector<16xi32>
    %mul3A_55 = arith.constant 10000 : i32
    %mul3A_56 = arith.muli %arg1, %mul3A_55 : i32
    "tpu.region"() ({
      %run_scoped3A = tpu.sem_alloc : memref<!tpu.dma_semaphore, #tpu.memory_space<semaphore_mem>>
      %dma_start3A_199 = tpu.memref_slice %arg4[%mul3A_56] : memref<160000xi32, #tpu.memory_space<hbm>> -> memref<80xi32, #tpu.memory_space<hbm>>
      %dma_start3A_200 = tpu.memref_slice %arg4[%mul3A_56] : memref<160000xi32, #tpu.memory_space<hbm>> -> memref<80xi32, #tpu.memory_space<hbm>>
      tpu.enqueue_dma source(%dma_start3A_200 : memref<80xi32, #tpu.memory_space<hbm>>) target(%arg9 : memref<80xi32, #tpu.memory_space<vmem>>) target_semaphore(%run_scoped3A : memref<!tpu.dma_semaphore, #tpu.memory_space<semaphore_mem>>)
      %dma_wait3A_201 = tpu.memref_slice %arg4[%mul3A_56] : memref<160000xi32, #tpu.memory_space<hbm>> -> memref<80xi32, #tpu.memory_space<hbm>>
      %dma_wait3A_202 = tpu.memref_slice %arg4[%mul3A_56] : memref<160000xi32, #tpu.memory_space<hbm>> -> memref<80xi32, #tpu.memory_space<hbm>>
      tpu.wait_dma2 semaphore(%run_scoped3A : memref<!tpu.dma_semaphore, #tpu.memory_space<semaphore_mem>>) src(%dma_wait3A_202 : memref<80xi32, #tpu.memory_space<hbm>>) dst(%arg9 : memref<80xi32, #tpu.memory_space<vmem>>)
      tpu.yield
    }) : () -> ()
    "tpu.region"() ({
      %run_scoped3A = tpu.sem_alloc : memref<!tpu.dma_semaphore, #tpu.memory_space<semaphore_mem>>
      %dma_start3A_199 = tpu.memref_slice %arg5[%mul3A_56] : memref<160000xi32, #tpu.memory_space<hbm>> -> memref<80xi32, #tpu.memory_space<hbm>>
      %dma_start3A_200 = tpu.memref_slice %arg5[%mul3A_56] : memref<160000xi32, #tpu.memory_space<hbm>> -> memref<80xi32, #tpu.memory_space<hbm>>
      tpu.enqueue_dma source(%dma_start3A_200 : memref<80xi32, #tpu.memory_space<hbm>>) target(%arg10 : memref<80xi32, #tpu.memory_space<vmem>>) target_semaphore(%run_scoped3A : memref<!tpu.dma_semaphore, #tpu.memory_space<semaphore_mem>>)
      %dma_wait3A_201 = tpu.memref_slice %arg5[%mul3A_56] : memref<160000xi32, #tpu.memory_space<hbm>> -> memref<80xi32, #tpu.memory_space<hbm>>
      %dma_wait3A_202 = tpu.memref_slice %arg5[%mul3A_56] : memref<160000xi32, #tpu.memory_space<hbm>> -> memref<80xi32, #tpu.memory_space<hbm>>
      tpu.wait_dma2 semaphore(%run_scoped3A : memref<!tpu.dma_semaphore, #tpu.memory_space<semaphore_mem>>) src(%dma_wait3A_202 : memref<80xi32, #tpu.memory_space<hbm>>) dst(%arg10 : memref<80xi32, #tpu.memory_space<vmem>>)
      tpu.yield
    }) : () -> ()
    %get3A_57 = arith.constant 0 : index
    %get3A_58 = tpu.vector_load %arg9[%get3A_57] {strides = array<i32>} : memref<80xi32, #tpu.memory_space<vmem>>, vector<16xi32>,
    %get3A_59 = arith.constant 0 : index
    %get3A_60 = tpu.vector_load %arg10[%get3A_59] {strides = array<i32>} : memref<80xi32, #tpu.memory_space<vmem>>, vector<16xi32>,
    %add3A_61 = arith.addi %get3A_58, %broadcast_in_dim3A_54 : vector<16xi32>
    %swap3A = arith.constant 0 : i32
    %swap3A_62 = arith.index_cast %swap3A : i32 to index
    %swap3A_63 = arith.constant 0 : index
    %swap3A_64 = tpu.vector_load %arg11[%swap3A_62, %swap3A_63] {strides = array<i32>} : memref<2x80xi32, #tpu.memory_space<vmem>>, vector<16xi32>,
    tpu.vector_store %arg11[%swap3A_62, %swap3A_63], %add3A_61 {strides = array<i32>} : memref<2x80xi32, #tpu.memory_space<vmem>>, vector<16xi32>,
    %add3A_65 = arith.addi %get3A_60, %broadcast_in_dim3A_54 : vector<16xi32>
    %swap3A_66 = arith.constant 0 : i32
    %swap3A_67 = arith.index_cast %swap3A_66 : i32 to index
    %swap3A_68 = arith.constant 0 : index
    %swap3A_69 = tpu.vector_load %arg12[%swap3A_67, %swap3A_68] {strides = array<i32>} : memref<2x80xi32, #tpu.memory_space<vmem>>, vector<16xi32>,
    tpu.vector_store %arg12[%swap3A_67, %swap3A_68], %add3A_65 {strides = array<i32>} : memref<2x80xi32, #tpu.memory_space<vmem>>, vector<16xi32>,
    %swap3A_70 = arith.constant 0 : i32
    %swap3A_71 = arith.index_cast %swap3A_70 : i32 to index
    %swap3A_72 = arith.constant 0 : index
    %swap3A_73 = tpu.vector_load %arg13[%swap3A_71, %swap3A_72] {strides = array<i32>} : memref<2x80xi32, #tpu.memory_space<vmem>>, vector<16xi32>,
    tpu.vector_store %arg13[%swap3A_71, %swap3A_72], %get3A_60 {strides = array<i32>} : memref<2x80xi32, #tpu.memory_space<vmem>>, vector<16xi32>,
    %get3A_74 = arith.constant 16 : index
    %get3A_75 = tpu.vector_load %arg9[%get3A_74] {strides = array<i32>} : memref<80xi32, #tpu.memory_space<vmem>>, vector<16xi32>,
    %get3A_76 = arith.constant 16 : index
    %get3A_77 = tpu.vector_load %arg10[%get3A_76] {strides = array<i32>} : memref<80xi32, #tpu.memory_space<vmem>>, vector<16xi32>,
    %add3A_78 = arith.addi %get3A_75, %broadcast_in_dim3A_54 : vector<16xi32>
    %swap3A_79 = arith.constant 0 : i32
    %swap3A_80 = arith.index_cast %swap3A_79 : i32 to index
    %swap3A_81 = arith.constant 16 : index
    %swap3A_82 = tpu.vector_load %arg11[%swap3A_80, %swap3A_81] {strides = array<i32>} : memref<2x80xi32, #tpu.memory_space<vmem>>, vector<16xi32>,
    tpu.vector_store %arg11[%swap3A_80, %swap3A_81], %add3A_78 {strides = array<i32>} : memref<2x80xi32, #tpu.memory_space<vmem>>, vector<16xi32>,
    %add3A_83 = arith.addi %get3A_77, %broadcast_in_dim3A_54 : vector<16xi32>
    %swap3A_84 = arith.constant 0 : i32
    %swap3A_85 = arith.index_cast %swap3A_84 : i32 to index
    %swap3A_86 = arith.constant 16 : index
    %swap3A_87 = tpu.vector_load %arg12[%swap3A_85, %swap3A_86] {strides = array<i32>} : memref<2x80xi32, #tpu.memory_space<vmem>>, vector<16xi32>,
    tpu.vector_store %arg12[%swap3A_85, %swap3A_86], %add3A_83 {strides = array<i32>} : memref<2x80xi32, #tpu.memory_space<vmem>>, vector<16xi32>,
    %swap3A_88 = arith.constant 0 : i32
    %swap3A_89 = arith.index_cast %swap3A_88 : i32 to index
    %swap3A_90 = arith.constant 16 : index
    %swap3A_91 = tpu.vector_load %arg13[%swap3A_89, %swap3A_90] {strides = array<i32>} : memref<2x80xi32, #tpu.memory_space<vmem>>, vector<16xi32>,
    tpu.vector_store %arg13[%swap3A_89, %swap3A_90], %get3A_77 {strides = array<i32>} : memref<2x80xi32, #tpu.memory_space<vmem>>, vector<16xi32>,
    %get3A_92 = arith.constant 32 : index
    %get3A_93 = tpu.vector_load %arg9[%get3A_92] {strides = array<i32>} : memref<80xi32, #tpu.memory_space<vmem>>, vector<16xi32>,
    %get3A_94 = arith.constant 32 : index
    %get3A_95 = tpu.vector_load %arg10[%get3A_94] {strides = array<i32>} : memref<80xi32, #tpu.memory_space<vmem>>, vector<16xi32>,
    %add3A_96 = arith.addi %get3A_93, %broadcast_in_dim3A_54 : vector<16xi32>
    %swap3A_97 = arith.constant 0 : i32
    %swap3A_98 = arith.index_cast %swap3A_97 : i32 to index
    %swap3A_99 = arith.constant 32 : index
    %swap3A_100 = tpu.vector_load %arg11[%swap3A_98, %swap3A_99] {strides = array<i32>} : memref<2x80xi32, #tpu.memory_space<vmem>>, vector<16xi32>,
    tpu.vector_store %arg11[%swap3A_98, %swap3A_99], %add3A_96 {strides = array<i32>} : memref<2x80xi32, #tpu.memory_space<vmem>>, vector<16xi32>,
    %add3A_101 = arith.addi %get3A_95, %broadcast_in_dim3A_54 : vector<16xi32>
    %swap3A_102 = arith.constant 0 : i32
    %swap3A_103 = arith.index_cast %swap3A_102 : i32 to index
    %swap3A_104 = arith.constant 32 : index
    %swap3A_105 = tpu.vector_load %arg12[%swap3A_103, %swap3A_104] {strides = array<i32>} : memref<2x80xi32, #tpu.memory_space<vmem>>, vector<16xi32>,
    tpu.vector_store %arg12[%swap3A_103, %swap3A_104], %add3A_101 {strides = array<i32>} : memref<2x80xi32, #tpu.memory_space<vmem>>, vector<16xi32>,
    %swap3A_106 = arith.constant 0 : i32
    %swap3A_107 = arith.index_cast %swap3A_106 : i32 to index
    %swap3A_108 = arith.constant 32 : index
    %swap3A_109 = tpu.vector_load %arg13[%swap3A_107, %swap3A_108] {strides = array<i32>} : memref<2x80xi32, #tpu.memory_space<vmem>>, vector<16xi32>,
    tpu.vector_store %arg13[%swap3A_107, %swap3A_108], %get3A_95 {strides = array<i32>} : memref<2x80xi32, #tpu.memory_space<vmem>>, vector<16xi32>,
    %get3A_110 = arith.constant 48 : index
    %get3A_111 = tpu.vector_load %arg9[%get3A_110] {strides = array<i32>} : memref<80xi32, #tpu.memory_space<vmem>>, vector<16xi32>,
    %get3A_112 = arith.constant 48 : index
    %get3A_113 = tpu.vector_load %arg10[%get3A_112] {strides = array<i32>} : memref<80xi32, #tpu.memory_space<vmem>>, vector<16xi32>,
    %add3A_114 = arith.addi %get3A_111, %broadcast_in_dim3A_54 : vector<16xi32>
    %swap3A_115 = arith.constant 0 : i32
    %swap3A_116 = arith.index_cast %swap3A_115 : i32 to index
    %swap3A_117 = arith.constant 48 : index
    %swap3A_118 = tpu.vector_load %arg11[%swap3A_116, %swap3A_117] {strides = array<i32>} : memref<2x80xi32, #tpu.memory_space<vmem>>, vector<16xi32>,
    tpu.vector_store %arg11[%swap3A_116, %swap3A_117], %add3A_114 {strides = array<i32>} : memref<2x80xi32, #tpu.memory_space<vmem>>, vector<16xi32>,
    %add3A_119 = arith.addi %get3A_113, %broadcast_in_dim3A_54 : vector<16xi32>
    %swap3A_120 = arith.constant 0 : i32
    %swap3A_121 = arith.index_cast %swap3A_120 : i32 to index
    %swap3A_122 = arith.constant 48 : index
    %swap3A_123 = tpu.vector_load %arg12[%swap3A_121, %swap3A_122] {strides = array<i32>} : memref<2x80xi32, #tpu.memory_space<vmem>>, vector<16xi32>,
    tpu.vector_store %arg12[%swap3A_121, %swap3A_122], %add3A_119 {strides = array<i32>} : memref<2x80xi32, #tpu.memory_space<vmem>>, vector<16xi32>,
    %swap3A_124 = arith.constant 0 : i32
    %swap3A_125 = arith.index_cast %swap3A_124 : i32 to index
    %swap3A_126 = arith.constant 48 : index
    %swap3A_127 = tpu.vector_load %arg13[%swap3A_125, %swap3A_126] {strides = array<i32>} : memref<2x80xi32, #tpu.memory_space<vmem>>, vector<16xi32>,
    tpu.vector_store %arg13[%swap3A_125, %swap3A_126], %get3A_113 {strides = array<i32>} : memref<2x80xi32, #tpu.memory_space<vmem>>, vector<16xi32>,
    %get3A_128 = arith.constant 64 : index
    %get3A_129 = tpu.vector_load %arg9[%get3A_128] {strides = array<i32>} : memref<80xi32, #tpu.memory_space<vmem>>, vector<16xi32>,
    %get3A_130 = arith.constant 64 : index
    %get3A_131 = tpu.vector_load %arg10[%get3A_130] {strides = array<i32>} : memref<80xi32, #tpu.memory_space<vmem>>, vector<16xi32>,
    %add3A_132 = arith.addi %get3A_129, %broadcast_in_dim3A_54 : vector<16xi32>
    %swap3A_133 = arith.constant 0 : i32
    %swap3A_134 = arith.index_cast %swap3A_133 : i32 to index
    %swap3A_135 = arith.constant 64 : index
    %swap3A_136 = tpu.vector_load %arg11[%swap3A_134, %swap3A_135] {strides = array<i32>} : memref<2x80xi32, #tpu.memory_space<vmem>>, vector<16xi32>,
    tpu.vector_store %arg11[%swap3A_134, %swap3A_135], %add3A_132 {strides = array<i32>} : memref<2x80xi32, #tpu.memory_space<vmem>>, vector<16xi32>,
    %add3A_137 = arith.addi %get3A_131, %broadcast_in_dim3A_54 : vector<16xi32>
    %swap3A_138 = arith.constant 0 : i32
    %swap3A_139 = arith.index_cast %swap3A_138 : i32 to index
    %swap3A_140 = arith.constant 64 : index
    %swap3A_141 = tpu.vector_load %arg12[%swap3A_139, %swap3A_140] {strides = array<i32>} : memref<2x80xi32, #tpu.memory_space<vmem>>, vector<16xi32>,
    tpu.vector_store %arg12[%swap3A_139, %swap3A_140], %add3A_137 {strides = array<i32>} : memref<2x80xi32, #tpu.memory_space<vmem>>, vector<16xi32>,
    %swap3A_142 = arith.constant 0 : i32
    %swap3A_143 = arith.index_cast %swap3A_142 : i32 to index
    %swap3A_144 = arith.constant 64 : index
    %swap3A_145 = tpu.vector_load %arg13[%swap3A_143, %swap3A_144] {strides = array<i32>} : memref<2x80xi32, #tpu.memory_space<vmem>>, vector<16xi32>,
    tpu.vector_store %arg13[%swap3A_143, %swap3A_144], %get3A_131 {strides = array<i32>} : memref<2x80xi32, #tpu.memory_space<vmem>>, vector<16xi32>,
    %dma_start3A = arith.constant 0 : i32
    %dma_start3A_146 = arith.constant 0 : i32
    %dma_start3A_147 = arith.constant 0 : i32
    %dma_start3A_148 = tpu.memref_slice %arg14[%dma_start3A_146, %dma_start3A_147] : memref<160x128xf32, #tpu.memory_space<vmem>> -> memref<80x128xf32, #tpu.memory_space<vmem>>
    %dma_start3A_149 = arith.constant 0 : i32
    %dma_start3A_150 = tpu.memref_slice %arg11[%dma_start3A, %dma_start3A_149] : memref<2x80xi32, #tpu.memory_space<vmem>> -> memref<1x80xi32, #tpu.memory_space<vmem>>
    %dma_start3A_151 = tpu.memref_squeeze %dma_start3A_150 : memref<1x80xi32, #tpu.memory_space<vmem>> -> memref<80xi32, #tpu.memory_space<vmem>>
    %dma_start3A_152 = arith.constant 0 : i32
    %dma_start3A_153 = arith.constant 0 : i32
    %dma_start3A_154 = tpu.memref_slice %arg2[%dma_start3A_152, %dma_start3A_153] : memref<20000x128xf32, #tpu.memory_space<hbm>> -> memref<20000x128xf32, #tpu.memory_space<hbm>>
    tpu.enqueue_indirect_dma source(%dma_start3A_154 : memref<20000x128xf32, #tpu.memory_space<hbm>>) target(%dma_start3A_148 : memref<80x128xf32, #tpu.memory_space<vmem>>) offsets(%dma_start3A_151 : memref<80xi32, #tpu.memory_space<vmem>>) semaphore(%arg21 : memref<!tpu.dma_semaphore, #tpu.memory_space<semaphore_mem>>)
    %scan3A_155 = arith.constant 0 : i32
    %scan3A_156 = arith.constant 0 : i32
    %scan3A_157 = arith.constant 125 : i32
    %scan3A_158 = arith.addi %scan3A_156, %scan3A_157 : i32
    %scan3A_159 = arith.constant 1 : i32
    scf.for %scan3A_199 = %scan3A_156 to %scan3A_158 step %scan3A_159  : i32 {
      %and3A = arith.constant 1 : i32
      %and3A_200 = arith.andi %scan3A_199, %and3A : i32
      %sub3A_201 = arith.constant 1 : i32
      %sub3A_202 = arith.subi %sub3A_201, %and3A_200 : i32
      %mul3A_203 = arith.constant 80 : i32
      %mul3A_204 = arith.muli %and3A_200, %mul3A_203 : i32
      %mul3A_205 = arith.constant 80 : i32
      %mul3A_206 = arith.muli %sub3A_202, %mul3A_205 : i32
      %dma_start3A_207 = arith.constant 0 : i32
      %dma_start3A_208 = tpu.memref_slice %arg12[%and3A_200, %dma_start3A_207] : memref<2x80xi32, #tpu.memory_space<vmem>> -> memref<1x80xi32, #tpu.memory_space<vmem>>
      %dma_start3A_209 = tpu.memref_squeeze %dma_start3A_208 : memref<1x80xi32, #tpu.memory_space<vmem>> -> memref<80xi32, #tpu.memory_space<vmem>>
      %dma_start3A_210 = arith.constant 0 : i32
      %dma_start3A_211 = arith.constant 0 : i32
      %dma_start3A_212 = tpu.memref_slice %arg3[%dma_start3A_210, %dma_start3A_211] : memref<20000x128xf32, #tpu.memory_space<hbm>> -> memref<20000x128xf32, #tpu.memory_space<hbm>>
      tpu.enqueue_indirect_dma source(%dma_start3A_212 : memref<20000x128xf32, #tpu.memory_space<hbm>>) target(%arg15 : memref<80x128xf32, #tpu.memory_space<vmem>>) offsets(%dma_start3A_209 : memref<80xi32, #tpu.memory_space<vmem>>) semaphore(%arg22 : memref<!tpu.dma_semaphore, #tpu.memory_space<semaphore_mem>>)
      %lt3A = arith.constant 124 : i32
      %lt3A_213 = arith.cmpi slt, %scan3A_199, %lt3A : i32
      %convert_element_type3A_214 = arith.extui %lt3A_213 : i1 to i32
      %cond3A_215 = arith.constant 0 : i32
      %cond3A_216 = arith.cmpi ne, %convert_element_type3A_214, %cond3A_215 : i32
      scf.if %cond3A_216 {
        %add3A_258 = arith.constant 1 : i32
        %add3A_259 = arith.addi %scan3A_199, %add3A_258 : i32
        %mul3A_260 = arith.constant 80 : i32
        %mul3A_261 = arith.muli %add3A_259, %mul3A_260 : i32
        %add3A_262 = arith.addi %mul3A_56, %mul3A_261 : i32
        %dma_start3A_263 = tpu.memref_slice %arg4[%add3A_262] : memref<160000xi32, #tpu.memory_space<hbm>> -> memref<80xi32, #tpu.memory_space<hbm>>
        %dma_start3A_264 = tpu.memref_slice %arg4[%add3A_262] : memref<160000xi32, #tpu.memory_space<hbm>> -> memref<80xi32, #tpu.memory_space<hbm>>
        tpu.enqueue_dma source(%dma_start3A_264 : memref<80xi32, #tpu.memory_space<hbm>>) target(%arg9 : memref<80xi32, #tpu.memory_space<vmem>>) target_semaphore(%arg24 : memref<!tpu.dma_semaphore, #tpu.memory_space<semaphore_mem>>)
        %dma_start3A_265 = tpu.memref_slice %arg5[%add3A_262] : memref<160000xi32, #tpu.memory_space<hbm>> -> memref<80xi32, #tpu.memory_space<hbm>>
        %dma_start3A_266 = tpu.memref_slice %arg5[%add3A_262] : memref<160000xi32, #tpu.memory_space<hbm>> -> memref<80xi32, #tpu.memory_space<hbm>>
        tpu.enqueue_dma source(%dma_start3A_266 : memref<80xi32, #tpu.memory_space<hbm>>) target(%arg10 : memref<80xi32, #tpu.memory_space<vmem>>) target_semaphore(%arg24 : memref<!tpu.dma_semaphore, #tpu.memory_space<semaphore_mem>>)
      } else {
      }
      %dma_wait3A_217 = arith.constant 0 : i32
      %dma_wait3A_218 = tpu.memref_slice %arg14[%mul3A_204, %dma_wait3A_217] : memref<160x128xf32, #tpu.memory_space<vmem>> -> memref<80x128xf32, #tpu.memory_space<vmem>>
      %dma_wait3A_219 = arith.constant 0 : i32
      %dma_wait3A_220 = tpu.memref_slice %arg11[%and3A_200, %dma_wait3A_219] : memref<2x80xi32, #tpu.memory_space<vmem>> -> memref<1x80xi32, #tpu.memory_space<vmem>>
      %dma_wait3A_221 = tpu.memref_squeeze %dma_wait3A_220 : memref<1x80xi32, #tpu.memory_space<vmem>> -> memref<80xi32, #tpu.memory_space<vmem>>
      %dma_wait3A_222 = arith.constant 0 : i32
      %dma_wait3A_223 = arith.constant 0 : i32
      %dma_wait3A_224 = tpu.memref_slice %arg2[%dma_wait3A_222, %dma_wait3A_223] : memref<20000x128xf32, #tpu.memory_space<hbm>> -> memref<20000x128xf32, #tpu.memory_space<hbm>>
      tpu.wait_indirect_dma semaphore(%arg21 : memref<!tpu.dma_semaphore, #tpu.memory_space<semaphore_mem>>) src(%dma_wait3A_224 : memref<20000x128xf32, #tpu.memory_space<hbm>>) dst(%dma_wait3A_218 : memref<80x128xf32, #tpu.memory_space<vmem>>)
      %gt3A = arith.constant 0 : i32
      %gt3A_225 = arith.cmpi sgt, %scan3A_199, %gt3A : i32
      %convert_element_type3A_226 = arith.extui %gt3A_225 : i1 to i32
      %cond3A_227 = arith.constant 0 : i32
      %cond3A_228 = arith.cmpi ne, %convert_element_type3A_226, %cond3A_227 : i32
      scf.if %cond3A_228 {
        %dma_wait3A_258 = arith.constant 0 : i32
        %dma_wait3A_259 = tpu.memref_slice %arg14[%mul3A_206, %dma_wait3A_258] : memref<160x128xf32, #tpu.memory_space<vmem>> -> memref<80x128xf32, #tpu.memory_space<vmem>>
        %dma_wait3A_260 = arith.constant 0 : i32
        %dma_wait3A_261 = arith.constant 0 : i32
        %dma_wait3A_262 = tpu.memref_slice %arg2[%dma_wait3A_260, %dma_wait3A_261] : memref<20000x128xf32, #tpu.memory_space<hbm>> -> memref<80x128xf32, #tpu.memory_space<hbm>>
        %dma_wait3A_263 = arith.constant 0 : i32
        %dma_wait3A_264 = tpu.memref_slice %arg14[%mul3A_206, %dma_wait3A_263] : memref<160x128xf32, #tpu.memory_space<vmem>> -> memref<80x128xf32, #tpu.memory_space<vmem>>
        %dma_wait3A_265 = arith.constant 0 : i32
        %dma_wait3A_266 = arith.constant 0 : i32
        %dma_wait3A_267 = tpu.memref_slice %arg2[%dma_wait3A_265, %dma_wait3A_266] : memref<20000x128xf32, #tpu.memory_space<hbm>> -> memref<80x128xf32, #tpu.memory_space<hbm>>
        tpu.wait_dma2 semaphore(%arg23 : memref<!tpu.dma_semaphore, #tpu.memory_space<semaphore_mem>>) src(%dma_wait3A_267 : memref<80x128xf32, #tpu.memory_space<hbm>>) dst(%dma_wait3A_264 : memref<80x128xf32, #tpu.memory_space<vmem>>)
        %dma_wait3A_268 = arith.constant 0 : i32
        %dma_wait3A_269 = arith.constant 0 : i32
        %dma_wait3A_270 = tpu.memref_slice %arg16[%mul3A_206, %dma_wait3A_269] : memref<160x16xf32, #tpu.memory_space<vmem>> -> memref<80x16xf32, #tpu.memory_space<vmem>>
        %dma_wait3A_271 = arith.constant 0 : i32
        %dma_wait3A_272 = arith.constant 0 : i32
        %dma_wait3A_273 = tpu.memref_slice %arg8[%dma_wait3A_268, %dma_wait3A_271, %dma_wait3A_272] : memref<2x10000x16xf32, #tpu.memory_space<hbm>> -> memref<1x10000x16xf32, #tpu.memory_space<hbm>>
        %dma_wait3A_274 = tpu.memref_squeeze %dma_wait3A_273 : memref<1x10000x16xf32, #tpu.memory_space<hbm>> -> memref<10000x16xf32, #tpu.memory_space<hbm>>
        %dma_wait3A_275 = arith.constant 0 : i32
        %dma_wait3A_276 = arith.constant 0 : i32
        %dma_wait3A_277 = tpu.memref_slice %dma_wait3A_274[%dma_wait3A_275, %dma_wait3A_276] : memref<10000x16xf32, #tpu.memory_space<hbm>> -> memref<80x16xf32, #tpu.memory_space<hbm>>
        %dma_wait3A_278 = arith.constant 0 : i32
        %dma_wait3A_279 = tpu.memref_slice %arg16[%mul3A_206, %dma_wait3A_278] : memref<160x16xf32, #tpu.memory_space<vmem>> -> memref<80x16xf32, #tpu.memory_space<vmem>>
        %dma_wait3A_280 = arith.constant 0 : i32
        %dma_wait3A_281 = arith.constant 0 : i32
        %dma_wait3A_282 = tpu.memref_slice %arg8[%dma_wait3A_268, %dma_wait3A_280, %dma_wait3A_281] : memref<2x10000x16xf32, #tpu.memory_space<hbm>> -> memref<1x10000x16xf32, #tpu.memory_space<hbm>>
        %dma_wait3A_283 = tpu.memref_squeeze %dma_wait3A_282 : memref<1x10000x16xf32, #tpu.memory_space<hbm>> -> memref<10000x16xf32, #tpu.memory_space<hbm>>
        %dma_wait3A_284 = arith.constant 0 : i32
        %dma_wait3A_285 = arith.constant 0 : i32
        %dma_wait3A_286 = tpu.memref_slice %dma_wait3A_283[%dma_wait3A_284, %dma_wait3A_285] : memref<10000x16xf32, #tpu.memory_space<hbm>> -> memref<80x16xf32, #tpu.memory_space<hbm>>
        tpu.wait_dma2 semaphore(%arg23 : memref<!tpu.dma_semaphore, #tpu.memory_space<semaphore_mem>>) src(%dma_wait3A_286 : memref<80x16xf32, #tpu.memory_space<hbm>>) dst(%dma_wait3A_279 : memref<80x16xf32, #tpu.memory_space<vmem>>)
      } else {
      }
      %lt3A_229 = arith.constant 124 : i32
      %lt3A_230 = arith.cmpi slt, %scan3A_199, %lt3A_229 : i32
      %convert_element_type3A_231 = arith.extui %lt3A_230 : i1 to i32
      %cond3A_232 = arith.constant 0 : i32
      %cond3A_233 = arith.cmpi ne, %convert_element_type3A_231, %cond3A_232 : i32
      scf.if %cond3A_233 {
        %dma_wait3A_258 = arith.constant 0 : i32
        %dma_wait3A_259 = tpu.memref_slice %arg4[%dma_wait3A_258] : memref<160000xi32, #tpu.memory_space<hbm>> -> memref<80xi32, #tpu.memory_space<hbm>>
        %dma_wait3A_260 = arith.constant 0 : i32
        %dma_wait3A_261 = tpu.memref_slice %arg4[%dma_wait3A_260] : memref<160000xi32, #tpu.memory_space<hbm>> -> memref<80xi32, #tpu.memory_space<hbm>>
        tpu.wait_dma2 semaphore(%arg24 : memref<!tpu.dma_semaphore, #tpu.memory_space<semaphore_mem>>) src(%dma_wait3A_261 : memref<80xi32, #tpu.memory_space<hbm>>) dst(%arg9 : memref<80xi32, #tpu.memory_space<vmem>>)
        %dma_wait3A_262 = arith.constant 0 : i32
        %dma_wait3A_263 = tpu.memref_slice %arg5[%dma_wait3A_262] : memref<160000xi32, #tpu.memory_space<hbm>> -> memref<80xi32, #tpu.memory_space<hbm>>
        %dma_wait3A_264 = arith.constant 0 : i32
        %dma_wait3A_265 = tpu.memref_slice %arg5[%dma_wait3A_264] : memref<160000xi32, #tpu.memory_space<hbm>> -> memref<80xi32, #tpu.memory_space<hbm>>
        tpu.wait_dma2 semaphore(%arg24 : memref<!tpu.dma_semaphore, #tpu.memory_space<semaphore_mem>>) src(%dma_wait3A_265 : memref<80xi32, #tpu.memory_space<hbm>>) dst(%arg10 : memref<80xi32, #tpu.memory_space<vmem>>)
        %get3A_266 = arith.constant 0 : index
        %get3A_267 = tpu.vector_load %arg9[%get3A_266] {strides = array<i32>} : memref<80xi32, #tpu.memory_space<vmem>>, vector<16xi32>,
        %get3A_268 = arith.constant 0 : index
        %get3A_269 = tpu.vector_load %arg10[%get3A_268] {strides = array<i32>} : memref<80xi32, #tpu.memory_space<vmem>>, vector<16xi32>,
        %add3A_270 = arith.addi %get3A_267, %broadcast_in_dim3A_54 : vector<16xi32>
        %swap3A_271 = arith.index_cast %sub3A_202 : i32 to index
        %swap3A_272 = arith.constant 0 : index
        %swap3A_273 = tpu.vector_load %arg11[%swap3A_271, %swap3A_272] {strides = array<i32>} : memref<2x80xi32, #tpu.memory_space<vmem>>, vector<16xi32>,
        tpu.vector_store %arg11[%swap3A_271, %swap3A_272], %add3A_270 {strides = array<i32>} : memref<2x80xi32, #tpu.memory_space<vmem>>, vector<16xi32>,
        %add3A_274 = arith.addi %get3A_269, %broadcast_in_dim3A_54 : vector<16xi32>
        %swap3A_275 = arith.index_cast %sub3A_202 : i32 to index
        %swap3A_276 = arith.constant 0 : index
        %swap3A_277 = tpu.vector_load %arg12[%swap3A_275, %swap3A_276] {strides = array<i32>} : memref<2x80xi32, #tpu.memory_space<vmem>>, vector<16xi32>,
        tpu.vector_store %arg12[%swap3A_275, %swap3A_276], %add3A_274 {strides = array<i32>} : memref<2x80xi32, #tpu.memory_space<vmem>>, vector<16xi32>,
        %swap3A_278 = arith.index_cast %sub3A_202 : i32 to index
        %swap3A_279 = arith.constant 0 : index
        %swap3A_280 = tpu.vector_load %arg13[%swap3A_278, %swap3A_279] {strides = array<i32>} : memref<2x80xi32, #tpu.memory_space<vmem>>, vector<16xi32>,
        tpu.vector_store %arg13[%swap3A_278, %swap3A_279], %get3A_269 {strides = array<i32>} : memref<2x80xi32, #tpu.memory_space<vmem>>, vector<16xi32>,
        %get3A_281 = arith.constant 16 : index
        %get3A_282 = tpu.vector_load %arg9[%get3A_281] {strides = array<i32>} : memref<80xi32, #tpu.memory_space<vmem>>, vector<16xi32>,
        %get3A_283 = arith.constant 16 : index
        %get3A_284 = tpu.vector_load %arg10[%get3A_283] {strides = array<i32>} : memref<80xi32, #tpu.memory_space<vmem>>, vector<16xi32>,
        %add3A_285 = arith.addi %get3A_282, %broadcast_in_dim3A_54 : vector<16xi32>
        %swap3A_286 = arith.index_cast %sub3A_202 : i32 to index
        %swap3A_287 = arith.constant 16 : index
        %swap3A_288 = tpu.vector_load %arg11[%swap3A_286, %swap3A_287] {strides = array<i32>} : memref<2x80xi32, #tpu.memory_space<vmem>>, vector<16xi32>,
        tpu.vector_store %arg11[%swap3A_286, %swap3A_287], %add3A_285 {strides = array<i32>} : memref<2x80xi32, #tpu.memory_space<vmem>>, vector<16xi32>,
        %add3A_289 = arith.addi %get3A_284, %broadcast_in_dim3A_54 : vector<16xi32>
        %swap3A_290 = arith.index_cast %sub3A_202 : i32 to index
        %swap3A_291 = arith.constant 16 : index
        %swap3A_292 = tpu.vector_load %arg12[%swap3A_290, %swap3A_291] {strides = array<i32>} : memref<2x80xi32, #tpu.memory_space<vmem>>, vector<16xi32>,
        tpu.vector_store %arg12[%swap3A_290, %swap3A_291], %add3A_289 {strides = array<i32>} : memref<2x80xi32, #tpu.memory_space<vmem>>, vector<16xi32>,
        %swap3A_293 = arith.index_cast %sub3A_202 : i32 to index
        %swap3A_294 = arith.constant 16 : index
        %swap3A_295 = tpu.vector_load %arg13[%swap3A_293, %swap3A_294] {strides = array<i32>} : memref<2x80xi32, #tpu.memory_space<vmem>>, vector<16xi32>,
        tpu.vector_store %arg13[%swap3A_293, %swap3A_294], %get3A_284 {strides = array<i32>} : memref<2x80xi32, #tpu.memory_space<vmem>>, vector<16xi32>,
        %get3A_296 = arith.constant 32 : index
        %get3A_297 = tpu.vector_load %arg9[%get3A_296] {strides = array<i32>} : memref<80xi32, #tpu.memory_space<vmem>>, vector<16xi32>,
        %get3A_298 = arith.constant 32 : index
        %get3A_299 = tpu.vector_load %arg10[%get3A_298] {strides = array<i32>} : memref<80xi32, #tpu.memory_space<vmem>>, vector<16xi32>,
        %add3A_300 = arith.addi %get3A_297, %broadcast_in_dim3A_54 : vector<16xi32>
        %swap3A_301 = arith.index_cast %sub3A_202 : i32 to index
        %swap3A_302 = arith.constant 32 : index
        %swap3A_303 = tpu.vector_load %arg11[%swap3A_301, %swap3A_302] {strides = array<i32>} : memref<2x80xi32, #tpu.memory_space<vmem>>, vector<16xi32>,
        tpu.vector_store %arg11[%swap3A_301, %swap3A_302], %add3A_300 {strides = array<i32>} : memref<2x80xi32, #tpu.memory_space<vmem>>, vector<16xi32>,
        %add3A_304 = arith.addi %get3A_299, %broadcast_in_dim3A_54 : vector<16xi32>
        %swap3A_305 = arith.index_cast %sub3A_202 : i32 to index
        %swap3A_306 = arith.constant 32 : index
        %swap3A_307 = tpu.vector_load %arg12[%swap3A_305, %swap3A_306] {strides = array<i32>} : memref<2x80xi32, #tpu.memory_space<vmem>>, vector<16xi32>,
        tpu.vector_store %arg12[%swap3A_305, %swap3A_306], %add3A_304 {strides = array<i32>} : memref<2x80xi32, #tpu.memory_space<vmem>>, vector<16xi32>,
        %swap3A_308 = arith.index_cast %sub3A_202 : i32 to index
        %swap3A_309 = arith.constant 32 : index
        %swap3A_310 = tpu.vector_load %arg13[%swap3A_308, %swap3A_309] {strides = array<i32>} : memref<2x80xi32, #tpu.memory_space<vmem>>, vector<16xi32>,
        tpu.vector_store %arg13[%swap3A_308, %swap3A_309], %get3A_299 {strides = array<i32>} : memref<2x80xi32, #tpu.memory_space<vmem>>, vector<16xi32>,
        %get3A_311 = arith.constant 48 : index
        %get3A_312 = tpu.vector_load %arg9[%get3A_311] {strides = array<i32>} : memref<80xi32, #tpu.memory_space<vmem>>, vector<16xi32>,
        %get3A_313 = arith.constant 48 : index
        %get3A_314 = tpu.vector_load %arg10[%get3A_313] {strides = array<i32>} : memref<80xi32, #tpu.memory_space<vmem>>, vector<16xi32>,
        %add3A_315 = arith.addi %get3A_312, %broadcast_in_dim3A_54 : vector<16xi32>
        %swap3A_316 = arith.index_cast %sub3A_202 : i32 to index
        %swap3A_317 = arith.constant 48 : index
        %swap3A_318 = tpu.vector_load %arg11[%swap3A_316, %swap3A_317] {strides = array<i32>} : memref<2x80xi32, #tpu.memory_space<vmem>>, vector<16xi32>,
        tpu.vector_store %arg11[%swap3A_316, %swap3A_317], %add3A_315 {strides = array<i32>} : memref<2x80xi32, #tpu.memory_space<vmem>>, vector<16xi32>,
        %add3A_319 = arith.addi %get3A_314, %broadcast_in_dim3A_54 : vector<16xi32>
        %swap3A_320 = arith.index_cast %sub3A_202 : i32 to index
        %swap3A_321 = arith.constant 48 : index
        %swap3A_322 = tpu.vector_load %arg12[%swap3A_320, %swap3A_321] {strides = array<i32>} : memref<2x80xi32, #tpu.memory_space<vmem>>, vector<16xi32>,
        tpu.vector_store %arg12[%swap3A_320, %swap3A_321], %add3A_319 {strides = array<i32>} : memref<2x80xi32, #tpu.memory_space<vmem>>, vector<16xi32>,
        %swap3A_323 = arith.index_cast %sub3A_202 : i32 to index
        %swap3A_324 = arith.constant 48 : index
        %swap3A_325 = tpu.vector_load %arg13[%swap3A_323, %swap3A_324] {strides = array<i32>} : memref<2x80xi32, #tpu.memory_space<vmem>>, vector<16xi32>,
        tpu.vector_store %arg13[%swap3A_323, %swap3A_324], %get3A_314 {strides = array<i32>} : memref<2x80xi32, #tpu.memory_space<vmem>>, vector<16xi32>,
        %get3A_326 = arith.constant 64 : index
        %get3A_327 = tpu.vector_load %arg9[%get3A_326] {strides = array<i32>} : memref<80xi32, #tpu.memory_space<vmem>>, vector<16xi32>,
        %get3A_328 = arith.constant 64 : index
        %get3A_329 = tpu.vector_load %arg10[%get3A_328] {strides = array<i32>} : memref<80xi32, #tpu.memory_space<vmem>>, vector<16xi32>,
        %add3A_330 = arith.addi %get3A_327, %broadcast_in_dim3A_54 : vector<16xi32>
        %swap3A_331 = arith.index_cast %sub3A_202 : i32 to index
        %swap3A_332 = arith.constant 64 : index
        %swap3A_333 = tpu.vector_load %arg11[%swap3A_331, %swap3A_332] {strides = array<i32>} : memref<2x80xi32, #tpu.memory_space<vmem>>, vector<16xi32>,
        tpu.vector_store %arg11[%swap3A_331, %swap3A_332], %add3A_330 {strides = array<i32>} : memref<2x80xi32, #tpu.memory_space<vmem>>, vector<16xi32>,
        %add3A_334 = arith.addi %get3A_329, %broadcast_in_dim3A_54 : vector<16xi32>
        %swap3A_335 = arith.index_cast %sub3A_202 : i32 to index
        %swap3A_336 = arith.constant 64 : index
        %swap3A_337 = tpu.vector_load %arg12[%swap3A_335, %swap3A_336] {strides = array<i32>} : memref<2x80xi32, #tpu.memory_space<vmem>>, vector<16xi32>,
        tpu.vector_store %arg12[%swap3A_335, %swap3A_336], %add3A_334 {strides = array<i32>} : memref<2x80xi32, #tpu.memory_space<vmem>>, vector<16xi32>,
        %swap3A_338 = arith.index_cast %sub3A_202 : i32 to index
        %swap3A_339 = arith.constant 64 : index
        %swap3A_340 = tpu.vector_load %arg13[%swap3A_338, %swap3A_339] {strides = array<i32>} : memref<2x80xi32, #tpu.memory_space<vmem>>, vector<16xi32>,
        tpu.vector_store %arg13[%swap3A_338, %swap3A_339], %get3A_329 {strides = array<i32>} : memref<2x80xi32, #tpu.memory_space<vmem>>, vector<16xi32>,
        %dma_start3A_341 = arith.constant 0 : i32
        %dma_start3A_342 = tpu.memref_slice %arg14[%mul3A_206, %dma_start3A_341] : memref<160x128xf32, #tpu.memory_space<vmem>> -> memref<80x128xf32, #tpu.memory_space<vmem>>
        %dma_start3A_343 = arith.constant 0 : i32
        %dma_start3A_344 = tpu.memref_slice %arg11[%sub3A_202, %dma_start3A_343] : memref<2x80xi32, #tpu.memory_space<vmem>> -> memref<1x80xi32, #tpu.memory_space<vmem>>
        %dma_start3A_345 = tpu.memref_squeeze %dma_start3A_344 : memref<1x80xi32, #tpu.memory_space<vmem>> -> memref<80xi32, #tpu.memory_space<vmem>>
        %dma_start3A_346 = arith.constant 0 : i32
        %dma_start3A_347 = arith.constant 0 : i32
        %dma_start3A_348 = tpu.memref_slice %arg2[%dma_start3A_346, %dma_start3A_347] : memref<20000x128xf32, #tpu.memory_space<hbm>> -> memref<20000x128xf32, #tpu.memory_space<hbm>>
        tpu.enqueue_indirect_dma source(%dma_start3A_348 : memref<20000x128xf32, #tpu.memory_space<hbm>>) target(%dma_start3A_342 : memref<80x128xf32, #tpu.memory_space<vmem>>) offsets(%dma_start3A_345 : memref<80xi32, #tpu.memory_space<vmem>>) semaphore(%arg21 : memref<!tpu.dma_semaphore, #tpu.memory_space<semaphore_mem>>)
      } else {
      }
      %dma_wait3A_234 = arith.constant 0 : i32
      %dma_wait3A_235 = tpu.memref_slice %arg12[%and3A_200, %dma_wait3A_234] : memref<2x80xi32, #tpu.memory_space<vmem>> -> memref<1x80xi32, #tpu.memory_space<vmem>>
      %dma_wait3A_236 = tpu.memref_squeeze %dma_wait3A_235 : memref<1x80xi32, #tpu.memory_space<vmem>> -> memref<80xi32, #tpu.memory_space<vmem>>
      %dma_wait3A_237 = arith.constant 0 : i32
      %dma_wait3A_238 = arith.constant 0 : i32
      %dma_wait3A_239 = tpu.memref_slice %arg3[%dma_wait3A_237, %dma_wait3A_238] : memref<20000x128xf32, #tpu.memory_space<hbm>> -> memref<20000x128xf32, #tpu.memory_space<hbm>>
      tpu.wait_indirect_dma semaphore(%arg22 : memref<!tpu.dma_semaphore, #tpu.memory_space<semaphore_mem>>) src(%dma_wait3A_239 : memref<20000x128xf32, #tpu.memory_space<hbm>>) dst(%arg15 : memref<80x128xf32, #tpu.memory_space<vmem>>)
      %parallel_loop3A = arith.constant 0 : i32
      %parallel_loop3A_240 = arith.constant 80 : i32
      %parallel_loop3A_241 = arith.constant 1 : i32
      scf.for %parallel_loop3A_258 = %parallel_loop3A to %parallel_loop3A_240 step %parallel_loop3A_241  : i32 {
        %parallel_loop3A_259 = arith.addi %mul3A_204, %parallel_loop3A_258 : i32
        %parallel_loop3A_260 = vector.broadcast %parallel_loop3A_259 : i32 to vector<16xi32>
        %parallel_loop3A_261 = arith.index_cast %parallel_loop3A_259 : i32 to index
        %parallel_loop3A_262 = arith.constant 0 : index
        %parallel_loop3A_263 = tpu.vector_load %arg14[%parallel_loop3A_261, %parallel_loop3A_262] {strides = array<i32>} : memref<160x128xf32, #tpu.memory_space<vmem>>, vector<16xf32>,
        %parallel_loop3A_264 = arith.index_cast %parallel_loop3A_258 : i32 to index
        %parallel_loop3A_265 = arith.constant 0 : index
        %parallel_loop3A_266 = tpu.vector_load %arg15[%parallel_loop3A_264, %parallel_loop3A_265] {strides = array<i32>} : memref<80x128xf32, #tpu.memory_space<vmem>>, vector<16xf32>,
        %parallel_loop3A_267 = arith.addf %parallel_loop3A_263, %parallel_loop3A_266 : vector<16xf32>
        %parallel_loop3A_268 = arith.constant 2.000000e-01 : f32
        %parallel_loop3A_269 = vector.broadcast %parallel_loop3A_268 : f32 to vector<16xf32>
        %parallel_loop3A_270 = arith.mulf %parallel_loop3A_269, %parallel_loop3A_267 : vector<16xf32>
        %parallel_loop3A_271 = arith.maximumf %parallel_loop3A_267, %parallel_loop3A_270 : vector<16xf32>
        %parallel_loop3A_272 = arith.mulf %parallel_loop3A_271, %get3A_23 : vector<16xf32>
        %parallel_loop3A_273 = arith.addf %broadcast_in_dim3A_0, %parallel_loop3A_272 : vector<16xf32>
        %parallel_loop3A_274 = arith.index_cast %parallel_loop3A_259 : i32 to index
        %parallel_loop3A_275 = arith.constant 16 : index
        %parallel_loop3A_276 = tpu.vector_load %arg14[%parallel_loop3A_274, %parallel_loop3A_275] {strides = array<i32>} : memref<160x128xf32, #tpu.memory_space<vmem>>, vector<16xf32>,
        %parallel_loop3A_277 = arith.index_cast %parallel_loop3A_258 : i32 to index
        %parallel_loop3A_278 = arith.constant 16 : index
        %parallel_loop3A_279 = tpu.vector_load %arg15[%parallel_loop3A_277, %parallel_loop3A_278] {strides = array<i32>} : memref<80x128xf32, #tpu.memory_space<vmem>>, vector<16xf32>,
        %parallel_loop3A_280 = arith.addf %parallel_loop3A_276, %parallel_loop3A_279 : vector<16xf32>
        %parallel_loop3A_281 = arith.constant 2.000000e-01 : f32
        %parallel_loop3A_282 = vector.broadcast %parallel_loop3A_281 : f32 to vector<16xf32>
        %parallel_loop3A_283 = arith.mulf %parallel_loop3A_282, %parallel_loop3A_280 : vector<16xf32>
        %parallel_loop3A_284 = arith.maximumf %parallel_loop3A_280, %parallel_loop3A_283 : vector<16xf32>
        %parallel_loop3A_285 = arith.mulf %parallel_loop3A_284, %get3A_25 : vector<16xf32>
        %parallel_loop3A_286 = arith.addf %parallel_loop3A_273, %parallel_loop3A_285 : vector<16xf32>
        %parallel_loop3A_287 = arith.index_cast %parallel_loop3A_259 : i32 to index
        %parallel_loop3A_288 = arith.constant 32 : index
        %parallel_loop3A_289 = tpu.vector_load %arg14[%parallel_loop3A_287, %parallel_loop3A_288] {strides = array<i32>} : memref<160x128xf32, #tpu.memory_space<vmem>>, vector<16xf32>,
        %parallel_loop3A_290 = arith.index_cast %parallel_loop3A_258 : i32 to index
        %parallel_loop3A_291 = arith.constant 32 : index
        %parallel_loop3A_292 = tpu.vector_load %arg15[%parallel_loop3A_290, %parallel_loop3A_291] {strides = array<i32>} : memref<80x128xf32, #tpu.memory_space<vmem>>, vector<16xf32>,
        %parallel_loop3A_293 = arith.addf %parallel_loop3A_289, %parallel_loop3A_292 : vector<16xf32>
        %parallel_loop3A_294 = arith.constant 2.000000e-01 : f32
        %parallel_loop3A_295 = vector.broadcast %parallel_loop3A_294 : f32 to vector<16xf32>
        %parallel_loop3A_296 = arith.mulf %parallel_loop3A_295, %parallel_loop3A_293 : vector<16xf32>
        %parallel_loop3A_297 = arith.maximumf %parallel_loop3A_293, %parallel_loop3A_296 : vector<16xf32>
        %parallel_loop3A_298 = arith.mulf %parallel_loop3A_297, %get3A_27 : vector<16xf32>
        %parallel_loop3A_299 = arith.addf %parallel_loop3A_286, %parallel_loop3A_298 : vector<16xf32>
        %parallel_loop3A_300 = arith.index_cast %parallel_loop3A_259 : i32 to index
        %parallel_loop3A_301 = arith.constant 48 : index
        %parallel_loop3A_302 = tpu.vector_load %arg14[%parallel_loop3A_300, %parallel_loop3A_301] {strides = array<i32>} : memref<160x128xf32, #tpu.memory_space<vmem>>, vector<16xf32>,
        %parallel_loop3A_303 = arith.index_cast %parallel_loop3A_258 : i32 to index
        %parallel_loop3A_304 = arith.constant 48 : index
        %parallel_loop3A_305 = tpu.vector_load %arg15[%parallel_loop3A_303, %parallel_loop3A_304] {strides = array<i32>} : memref<80x128xf32, #tpu.memory_space<vmem>>, vector<16xf32>,
        %parallel_loop3A_306 = arith.addf %parallel_loop3A_302, %parallel_loop3A_305 : vector<16xf32>
        %parallel_loop3A_307 = arith.constant 2.000000e-01 : f32
        %parallel_loop3A_308 = vector.broadcast %parallel_loop3A_307 : f32 to vector<16xf32>
        %parallel_loop3A_309 = arith.mulf %parallel_loop3A_308, %parallel_loop3A_306 : vector<16xf32>
        %parallel_loop3A_310 = arith.maximumf %parallel_loop3A_306, %parallel_loop3A_309 : vector<16xf32>
        %parallel_loop3A_311 = arith.mulf %parallel_loop3A_310, %get3A_29 : vector<16xf32>
        %parallel_loop3A_312 = arith.addf %parallel_loop3A_299, %parallel_loop3A_311 : vector<16xf32>
        %parallel_loop3A_313 = arith.index_cast %parallel_loop3A_259 : i32 to index
        %parallel_loop3A_314 = arith.constant 64 : index
        %parallel_loop3A_315 = tpu.vector_load %arg14[%parallel_loop3A_313, %parallel_loop3A_314] {strides = array<i32>} : memref<160x128xf32, #tpu.memory_space<vmem>>, vector<16xf32>,
        %parallel_loop3A_316 = arith.index_cast %parallel_loop3A_258 : i32 to index
        %parallel_loop3A_317 = arith.constant 64 : index
        %parallel_loop3A_318 = tpu.vector_load %arg15[%parallel_loop3A_316, %parallel_loop3A_317] {strides = array<i32>} : memref<80x128xf32, #tpu.memory_space<vmem>>, vector<16xf32>,
        %parallel_loop3A_319 = arith.addf %parallel_loop3A_315, %parallel_loop3A_318 : vector<16xf32>
        %parallel_loop3A_320 = arith.constant 2.000000e-01 : f32
        %parallel_loop3A_321 = vector.broadcast %parallel_loop3A_320 : f32 to vector<16xf32>
        %parallel_loop3A_322 = arith.mulf %parallel_loop3A_321, %parallel_loop3A_319 : vector<16xf32>
        %parallel_loop3A_323 = arith.maximumf %parallel_loop3A_319, %parallel_loop3A_322 : vector<16xf32>
        %parallel_loop3A_324 = arith.mulf %parallel_loop3A_323, %get3A_31 : vector<16xf32>
        %parallel_loop3A_325 = arith.addf %parallel_loop3A_312, %parallel_loop3A_324 : vector<16xf32>
        %parallel_loop3A_326 = arith.index_cast %parallel_loop3A_259 : i32 to index
        %parallel_loop3A_327 = arith.constant 80 : index
        %parallel_loop3A_328 = tpu.vector_load %arg14[%parallel_loop3A_326, %parallel_loop3A_327] {strides = array<i32>} : memref<160x128xf32, #tpu.memory_space<vmem>>, vector<16xf32>,
        %parallel_loop3A_329 = arith.index_cast %parallel_loop3A_258 : i32 to index
        %parallel_loop3A_330 = arith.constant 80 : index
        %parallel_loop3A_331 = tpu.vector_load %arg15[%parallel_loop3A_329, %parallel_loop3A_330] {strides = array<i32>} : memref<80x128xf32, #tpu.memory_space<vmem>>, vector<16xf32>,
        %parallel_loop3A_332 = arith.addf %parallel_loop3A_328, %parallel_loop3A_331 : vector<16xf32>
        %parallel_loop3A_333 = arith.constant 2.000000e-01 : f32
        %parallel_loop3A_334 = vector.broadcast %parallel_loop3A_333 : f32 to vector<16xf32>
        %parallel_loop3A_335 = arith.mulf %parallel_loop3A_334, %parallel_loop3A_332 : vector<16xf32>
        %parallel_loop3A_336 = arith.maximumf %parallel_loop3A_332, %parallel_loop3A_335 : vector<16xf32>
        %parallel_loop3A_337 = arith.mulf %parallel_loop3A_336, %get3A_33 : vector<16xf32>
        %parallel_loop3A_338 = arith.addf %parallel_loop3A_325, %parallel_loop3A_337 : vector<16xf32>
        %parallel_loop3A_339 = arith.index_cast %parallel_loop3A_259 : i32 to index
        %parallel_loop3A_340 = arith.constant 96 : index
        %parallel_loop3A_341 = tpu.vector_load %arg14[%parallel_loop3A_339, %parallel_loop3A_340] {strides = array<i32>} : memref<160x128xf32, #tpu.memory_space<vmem>>, vector<16xf32>,
        %parallel_loop3A_342 = arith.index_cast %parallel_loop3A_258 : i32 to index
        %parallel_loop3A_343 = arith.constant 96 : index
        %parallel_loop3A_344 = tpu.vector_load %arg15[%parallel_loop3A_342, %parallel_loop3A_343] {strides = array<i32>} : memref<80x128xf32, #tpu.memory_space<vmem>>, vector<16xf32>,
        %parallel_loop3A_345 = arith.addf %parallel_loop3A_341, %parallel_loop3A_344 : vector<16xf32>
        %parallel_loop3A_346 = arith.constant 2.000000e-01 : f32
        %parallel_loop3A_347 = vector.broadcast %parallel_loop3A_346 : f32 to vector<16xf32>
        %parallel_loop3A_348 = arith.mulf %parallel_loop3A_347, %parallel_loop3A_345 : vector<16xf32>
        %parallel_loop3A_349 = arith.maximumf %parallel_loop3A_345, %parallel_loop3A_348 : vector<16xf32>
        %parallel_loop3A_350 = arith.mulf %parallel_loop3A_349, %get3A_35 : vector<16xf32>
        %parallel_loop3A_351 = arith.addf %parallel_loop3A_338, %parallel_loop3A_350 : vector<16xf32>
        %parallel_loop3A_352 = arith.index_cast %parallel_loop3A_259 : i32 to index
        %parallel_loop3A_353 = arith.constant 112 : index
        %parallel_loop3A_354 = tpu.vector_load %arg14[%parallel_loop3A_352, %parallel_loop3A_353] {strides = array<i32>} : memref<160x128xf32, #tpu.memory_space<vmem>>, vector<16xf32>,
        %parallel_loop3A_355 = arith.index_cast %parallel_loop3A_258 : i32 to index
        %parallel_loop3A_356 = arith.constant 112 : index
        %parallel_loop3A_357 = tpu.vector_load %arg15[%parallel_loop3A_355, %parallel_loop3A_356] {strides = array<i32>} : memref<80x128xf32, #tpu.memory_space<vmem>>, vector<16xf32>,
        %parallel_loop3A_358 = arith.addf %parallel_loop3A_354, %parallel_loop3A_357 : vector<16xf32>
        %parallel_loop3A_359 = arith.constant 2.000000e-01 : f32
        %parallel_loop3A_360 = vector.broadcast %parallel_loop3A_359 : f32 to vector<16xf32>
        %parallel_loop3A_361 = arith.mulf %parallel_loop3A_360, %parallel_loop3A_358 : vector<16xf32>
        %parallel_loop3A_362 = arith.maximumf %parallel_loop3A_358, %parallel_loop3A_361 : vector<16xf32>
        %parallel_loop3A_363 = arith.mulf %parallel_loop3A_362, %get3A_37 : vector<16xf32>
        %parallel_loop3A_364 = arith.addf %parallel_loop3A_351, %parallel_loop3A_363 : vector<16xf32>
        %parallel_loop3A_365 = arith.index_cast %parallel_loop3A_259 : i32 to index
        %parallel_loop3A_366 = arith.constant 0 : index
        %parallel_loop3A_367 = tpu.vector_load %arg16[%parallel_loop3A_365, %parallel_loop3A_366] {strides = array<i32>} : memref<160x16xf32, #tpu.memory_space<vmem>>, vector<16xf32>,
        tpu.vector_store %arg16[%parallel_loop3A_365, %parallel_loop3A_366], %parallel_loop3A_364 {strides = array<i32>} : memref<160x16xf32, #tpu.memory_space<vmem>>, vector<16xf32>,
        %parallel_loop3A_368 = tpu.vector_load_idx %arg16[%parallel_loop3A_260, %xor3A_42] : memref<160x16xf32, #tpu.memory_space<vmem>>[vector<16xi32>, vector<16xi32>], vector<16xf32>,
        %parallel_loop3A_369 = arith.addf %parallel_loop3A_364, %parallel_loop3A_368 : vector<16xf32>
        %parallel_loop3A_370 = arith.index_cast %parallel_loop3A_259 : i32 to index
        %parallel_loop3A_371 = arith.constant 0 : index
        %parallel_loop3A_372 = tpu.vector_load %arg16[%parallel_loop3A_370, %parallel_loop3A_371] {strides = array<i32>} : memref<160x16xf32, #tpu.memory_space<vmem>>, vector<16xf32>,
        tpu.vector_store %arg16[%parallel_loop3A_370, %parallel_loop3A_371], %parallel_loop3A_369 {strides = array<i32>} : memref<160x16xf32, #tpu.memory_space<vmem>>, vector<16xf32>,
        %parallel_loop3A_373 = tpu.vector_load_idx %arg16[%parallel_loop3A_260, %xor3A_45] : memref<160x16xf32, #tpu.memory_space<vmem>>[vector<16xi32>, vector<16xi32>], vector<16xf32>,
        %parallel_loop3A_374 = arith.addf %parallel_loop3A_369, %parallel_loop3A_373 : vector<16xf32>
        %parallel_loop3A_375 = arith.index_cast %parallel_loop3A_259 : i32 to index
        %parallel_loop3A_376 = arith.constant 0 : index
        %parallel_loop3A_377 = tpu.vector_load %arg16[%parallel_loop3A_375, %parallel_loop3A_376] {strides = array<i32>} : memref<160x16xf32, #tpu.memory_space<vmem>>, vector<16xf32>,
        tpu.vector_store %arg16[%parallel_loop3A_375, %parallel_loop3A_376], %parallel_loop3A_374 {strides = array<i32>} : memref<160x16xf32, #tpu.memory_space<vmem>>, vector<16xf32>,
        %parallel_loop3A_378 = tpu.vector_load_idx %arg16[%parallel_loop3A_260, %xor3A_48] : memref<160x16xf32, #tpu.memory_space<vmem>>[vector<16xi32>, vector<16xi32>], vector<16xf32>,
        %parallel_loop3A_379 = arith.addf %parallel_loop3A_374, %parallel_loop3A_378 : vector<16xf32>
        %parallel_loop3A_380 = arith.index_cast %parallel_loop3A_259 : i32 to index
        %parallel_loop3A_381 = arith.constant 0 : index
        %parallel_loop3A_382 = tpu.vector_load %arg16[%parallel_loop3A_380, %parallel_loop3A_381] {strides = array<i32>} : memref<160x16xf32, #tpu.memory_space<vmem>>, vector<16xf32>,
        tpu.vector_store %arg16[%parallel_loop3A_380, %parallel_loop3A_381], %parallel_loop3A_379 {strides = array<i32>} : memref<160x16xf32, #tpu.memory_space<vmem>>, vector<16xf32>,
        %parallel_loop3A_383 = tpu.vector_load_idx %arg16[%parallel_loop3A_260, %xor3A_51] : memref<160x16xf32, #tpu.memory_space<vmem>>[vector<16xi32>, vector<16xi32>], vector<16xf32>,
        %parallel_loop3A_384 = arith.addf %parallel_loop3A_379, %parallel_loop3A_383 : vector<16xf32>
        %parallel_loop3A_385 = math.exp %parallel_loop3A_384 : vector<16xf32>
        %parallel_loop3A_386 = arith.mulf %parallel_loop3A_263, %parallel_loop3A_385 : vector<16xf32>
        %parallel_loop3A_387 = arith.index_cast %parallel_loop3A_259 : i32 to index
        %parallel_loop3A_388 = arith.constant 0 : index
        %parallel_loop3A_389 = tpu.vector_load %arg14[%parallel_loop3A_387, %parallel_loop3A_388] {strides = array<i32>} : memref<160x128xf32, #tpu.memory_space<vmem>>, vector<16xf32>,
        tpu.vector_store %arg14[%parallel_loop3A_387, %parallel_loop3A_388], %parallel_loop3A_386 {strides = array<i32>} : memref<160x128xf32, #tpu.memory_space<vmem>>, vector<16xf32>,
        %parallel_loop3A_390 = arith.mulf %parallel_loop3A_276, %parallel_loop3A_385 : vector<16xf32>
        %parallel_loop3A_391 = arith.index_cast %parallel_loop3A_259 : i32 to index
        %parallel_loop3A_392 = arith.constant 16 : index
        %parallel_loop3A_393 = tpu.vector_load %arg14[%parallel_loop3A_391, %parallel_loop3A_392] {strides = array<i32>} : memref<160x128xf32, #tpu.memory_space<vmem>>, vector<16xf32>,
        tpu.vector_store %arg14[%parallel_loop3A_391, %parallel_loop3A_392], %parallel_loop3A_390 {strides = array<i32>} : memref<160x128xf32, #tpu.memory_space<vmem>>, vector<16xf32>,
        %parallel_loop3A_394 = arith.mulf %parallel_loop3A_289, %parallel_loop3A_385 : vector<16xf32>
        %parallel_loop3A_395 = arith.index_cast %parallel_loop3A_259 : i32 to index
        %parallel_loop3A_396 = arith.constant 32 : index
        %parallel_loop3A_397 = tpu.vector_load %arg14[%parallel_loop3A_395, %parallel_loop3A_396] {strides = array<i32>} : memref<160x128xf32, #tpu.memory_space<vmem>>, vector<16xf32>,
        tpu.vector_store %arg14[%parallel_loop3A_395, %parallel_loop3A_396], %parallel_loop3A_394 {strides = array<i32>} : memref<160x128xf32, #tpu.memory_space<vmem>>, vector<16xf32>,
        %parallel_loop3A_398 = arith.mulf %parallel_loop3A_302, %parallel_loop3A_385 : vector<16xf32>
        %parallel_loop3A_399 = arith.index_cast %parallel_loop3A_259 : i32 to index
        %parallel_loop3A_400 = arith.constant 48 : index
        %parallel_loop3A_401 = tpu.vector_load %arg14[%parallel_loop3A_399, %parallel_loop3A_400] {strides = array<i32>} : memref<160x128xf32, #tpu.memory_space<vmem>>, vector<16xf32>,
        tpu.vector_store %arg14[%parallel_loop3A_399, %parallel_loop3A_400], %parallel_loop3A_398 {strides = array<i32>} : memref<160x128xf32, #tpu.memory_space<vmem>>, vector<16xf32>,
        %parallel_loop3A_402 = arith.mulf %parallel_loop3A_315, %parallel_loop3A_385 : vector<16xf32>
        %parallel_loop3A_403 = arith.index_cast %parallel_loop3A_259 : i32 to index
        %parallel_loop3A_404 = arith.constant 64 : index
        %parallel_loop3A_405 = tpu.vector_load %arg14[%parallel_loop3A_403, %parallel_loop3A_404] {strides = array<i32>} : memref<160x128xf32, #tpu.memory_space<vmem>>, vector<16xf32>,
        tpu.vector_store %arg14[%parallel_loop3A_403, %parallel_loop3A_404], %parallel_loop3A_402 {strides = array<i32>} : memref<160x128xf32, #tpu.memory_space<vmem>>, vector<16xf32>,
        %parallel_loop3A_406 = arith.mulf %parallel_loop3A_328, %parallel_loop3A_385 : vector<16xf32>
        %parallel_loop3A_407 = arith.index_cast %parallel_loop3A_259 : i32 to index
        %parallel_loop3A_408 = arith.constant 80 : index
        %parallel_loop3A_409 = tpu.vector_load %arg14[%parallel_loop3A_407, %parallel_loop3A_408] {strides = array<i32>} : memref<160x128xf32, #tpu.memory_space<vmem>>, vector<16xf32>,
        tpu.vector_store %arg14[%parallel_loop3A_407, %parallel_loop3A_408], %parallel_loop3A_406 {strides = array<i32>} : memref<160x128xf32, #tpu.memory_space<vmem>>, vector<16xf32>,
        %parallel_loop3A_410 = arith.mulf %parallel_loop3A_341, %parallel_loop3A_385 : vector<16xf32>
        %parallel_loop3A_411 = arith.index_cast %parallel_loop3A_259 : i32 to index
        %parallel_loop3A_412 = arith.constant 96 : index
        %parallel_loop3A_413 = tpu.vector_load %arg14[%parallel_loop3A_411, %parallel_loop3A_412] {strides = array<i32>} : memref<160x128xf32, #tpu.memory_space<vmem>>, vector<16xf32>,
        tpu.vector_store %arg14[%parallel_loop3A_411, %parallel_loop3A_412], %parallel_loop3A_410 {strides = array<i32>} : memref<160x128xf32, #tpu.memory_space<vmem>>, vector<16xf32>,
        %parallel_loop3A_414 = arith.mulf %parallel_loop3A_354, %parallel_loop3A_385 : vector<16xf32>
        %parallel_loop3A_415 = arith.index_cast %parallel_loop3A_259 : i32 to index
        %parallel_loop3A_416 = arith.constant 112 : index
        %parallel_loop3A_417 = tpu.vector_load %arg14[%parallel_loop3A_415, %parallel_loop3A_416] {strides = array<i32>} : memref<160x128xf32, #tpu.memory_space<vmem>>, vector<16xf32>,
        tpu.vector_store %arg14[%parallel_loop3A_415, %parallel_loop3A_416], %parallel_loop3A_414 {strides = array<i32>} : memref<160x128xf32, #tpu.memory_space<vmem>>, vector<16xf32>,
        %parallel_loop3A_418 = arith.select %eq3A_40, %parallel_loop3A_385, %broadcast_in_dim3A_0 : vector<16xi1>, vector<16xf32>
        %parallel_loop3A_419 = arith.index_cast %parallel_loop3A_259 : i32 to index
        %parallel_loop3A_420 = arith.constant 0 : index
        %parallel_loop3A_421 = tpu.vector_load %arg16[%parallel_loop3A_419, %parallel_loop3A_420] {strides = array<i32>} : memref<160x16xf32, #tpu.memory_space<vmem>>, vector<16xf32>,
        tpu.vector_store %arg16[%parallel_loop3A_419, %parallel_loop3A_420], %parallel_loop3A_418 {strides = array<i32>} : memref<160x16xf32, #tpu.memory_space<vmem>>, vector<16xf32>,
      } {sc.loop_unroll_factor = 3 : i64, sc.parallel_access}
      %dma_start3A_242 = arith.constant 0 : i32
      %dma_start3A_243 = tpu.memref_slice %arg16[%mul3A_204, %dma_start3A_242] : memref<160x16xf32, #tpu.memory_space<vmem>> -> memref<80x16xf32, #tpu.memory_space<vmem>>
      %dma_start3A_244 = arith.constant 0 : i32
      %dma_start3A_245 = tpu.memref_slice %arg13[%and3A_200, %dma_start3A_244] : memref<2x80xi32, #tpu.memory_space<vmem>> -> memref<1x80xi32, #tpu.memory_space<vmem>>
      %dma_start3A_246 = tpu.memref_squeeze %dma_start3A_245 : memref<1x80xi32, #tpu.memory_space<vmem>> -> memref<80xi32, #tpu.memory_space<vmem>>
      %dma_start3A_247 = arith.constant 0 : i32
      %dma_start3A_248 = arith.constant 0 : i32
      %dma_start3A_249 = tpu.memref_slice %arg20[%dma_start3A_247, %dma_start3A_248] : memref<10000x16xf32, #tpu.memory_space<vmem_shared>> -> memref<10000x16xf32, #tpu.memory_space<vmem_shared>>
      tpu.enqueue_indirect_dma source(%dma_start3A_243 : memref<80x16xf32, #tpu.memory_space<vmem>>) target(%dma_start3A_249 : memref<10000x16xf32, #tpu.memory_space<vmem_shared>>) offsets(%dma_start3A_246 : memref<80xi32, #tpu.memory_space<vmem>>) semaphore(%arg23 : memref<!tpu.dma_semaphore, #tpu.memory_space<semaphore_mem>>) {add = true}
      %dma_start3A_250 = arith.constant 0 : i32
      %dma_start3A_251 = tpu.memref_slice %arg14[%mul3A_204, %dma_start3A_250] : memref<160x128xf32, #tpu.memory_space<vmem>> -> memref<80x128xf32, #tpu.memory_space<vmem>>
      %dma_start3A_252 = arith.constant 0 : i32
      %dma_start3A_253 = tpu.memref_slice %arg13[%and3A_200, %dma_start3A_252] : memref<2x80xi32, #tpu.memory_space<vmem>> -> memref<1x80xi32, #tpu.memory_space<vmem>>
      %dma_start3A_254 = tpu.memref_squeeze %dma_start3A_253 : memref<1x80xi32, #tpu.memory_space<vmem>> -> memref<80xi32, #tpu.memory_space<vmem>>
      %dma_start3A_255 = arith.constant 0 : i32
      %dma_start3A_256 = arith.constant 0 : i32
      %dma_start3A_257 = tpu.memref_slice %arg19[%dma_start3A_255, %dma_start3A_256] : memref<10000x128xf32, #tpu.memory_space<vmem_shared>> -> memref<10000x128xf32, #tpu.memory_space<vmem_shared>>
      tpu.enqueue_indirect_dma source(%dma_start3A_251 : memref<80x128xf32, #tpu.memory_space<vmem>>) target(%dma_start3A_257 : memref<10000x128xf32, #tpu.memory_space<vmem_shared>>) offsets(%dma_start3A_254 : memref<80xi32, #tpu.memory_space<vmem>>) semaphore(%arg23 : memref<!tpu.dma_semaphore, #tpu.memory_space<semaphore_mem>>) {add = true}
    }
    %scan3A_160 = arith.constant 125 : i32
    %dma_wait3A = arith.constant 0 : i32
    %dma_wait3A_161 = arith.constant 0 : i32
    %dma_wait3A_162 = tpu.memref_slice %arg14[%dma_wait3A, %dma_wait3A_161] : memref<160x128xf32, #tpu.memory_space<vmem>> -> memref<80x128xf32, #tpu.memory_space<vmem>>
    %dma_wait3A_163 = arith.constant 0 : i32
    %dma_wait3A_164 = arith.constant 0 : i32
    %dma_wait3A_165 = tpu.memref_slice %arg2[%dma_wait3A_163, %dma_wait3A_164] : memref<20000x128xf32, #tpu.memory_space<hbm>> -> memref<80x128xf32, #tpu.memory_space<hbm>>
    %dma_wait3A_166 = arith.constant 0 : i32
    %dma_wait3A_167 = arith.constant 0 : i32
    %dma_wait3A_168 = tpu.memref_slice %arg14[%dma_wait3A_166, %dma_wait3A_167] : memref<160x128xf32, #tpu.memory_space<vmem>> -> memref<80x128xf32, #tpu.memory_space<vmem>>
    %dma_wait3A_169 = arith.constant 0 : i32
    %dma_wait3A_170 = arith.constant 0 : i32
    %dma_wait3A_171 = tpu.memref_slice %arg2[%dma_wait3A_169, %dma_wait3A_170] : memref<20000x128xf32, #tpu.memory_space<hbm>> -> memref<80x128xf32, #tpu.memory_space<hbm>>
    tpu.wait_dma2 semaphore(%arg23 : memref<!tpu.dma_semaphore, #tpu.memory_space<semaphore_mem>>) src(%dma_wait3A_171 : memref<80x128xf32, #tpu.memory_space<hbm>>) dst(%dma_wait3A_168 : memref<80x128xf32, #tpu.memory_space<vmem>>)
    %dma_wait3A_172 = arith.constant 0 : i32
    %dma_wait3A_173 = arith.constant 0 : i32
    %dma_wait3A_174 = arith.constant 0 : i32
    %dma_wait3A_175 = tpu.memref_slice %arg16[%dma_wait3A_173, %dma_wait3A_174] : memref<160x16xf32, #tpu.memory_space<vmem>> -> memref<80x16xf32, #tpu.memory_space<vmem>>
    %dma_wait3A_176 = arith.constant 0 : i32
    %dma_wait3A_177 = arith.constant 0 : i32
    %dma_wait3A_178 = tpu.memref_slice %arg8[%dma_wait3A_172, %dma_wait3A_176, %dma_wait3A_177] : memref<2x10000x16xf32, #tpu.memory_space<hbm>> -> memref<1x10000x16xf32, #tpu.memory_space<hbm>>
    %dma_wait3A_179 = tpu.memref_squeeze %dma_wait3A_178 : memref<1x10000x16xf32, #tpu.memory_space<hbm>> -> memref<10000x16xf32, #tpu.memory_space<hbm>>
    %dma_wait3A_180 = arith.constant 0 : i32
    %dma_wait3A_181 = arith.constant 0 : i32
    %dma_wait3A_182 = tpu.memref_slice %dma_wait3A_179[%dma_wait3A_180, %dma_wait3A_181] : memref<10000x16xf32, #tpu.memory_space<hbm>> -> memref<80x16xf32, #tpu.memory_space<hbm>>
    %dma_wait3A_183 = arith.constant 0 : i32
    %dma_wait3A_184 = arith.constant 0 : i32
    %dma_wait3A_185 = tpu.memref_slice %arg16[%dma_wait3A_183, %dma_wait3A_184] : memref<160x16xf32, #tpu.memory_space<vmem>> -> memref<80x16xf32, #tpu.memory_space<vmem>>
    %dma_wait3A_186 = arith.constant 0 : i32
    %dma_wait3A_187 = arith.constant 0 : i32
    %dma_wait3A_188 = tpu.memref_slice %arg8[%dma_wait3A_172, %dma_wait3A_186, %dma_wait3A_187] : memref<2x10000x16xf32, #tpu.memory_space<hbm>> -> memref<1x10000x16xf32, #tpu.memory_space<hbm>>
    %dma_wait3A_189 = tpu.memref_squeeze %dma_wait3A_188 : memref<1x10000x16xf32, #tpu.memory_space<hbm>> -> memref<10000x16xf32, #tpu.memory_space<hbm>>
    %dma_wait3A_190 = arith.constant 0 : i32
    %dma_wait3A_191 = arith.constant 0 : i32
    %dma_wait3A_192 = tpu.memref_slice %dma_wait3A_189[%dma_wait3A_190, %dma_wait3A_191] : memref<10000x16xf32, #tpu.memory_space<hbm>> -> memref<80x16xf32, #tpu.memory_space<hbm>>
    tpu.wait_dma2 semaphore(%arg23 : memref<!tpu.dma_semaphore, #tpu.memory_space<semaphore_mem>>) src(%dma_wait3A_192 : memref<80x16xf32, #tpu.memory_space<hbm>>) dst(%dma_wait3A_185 : memref<80x16xf32, #tpu.memory_space<vmem>>)
    %barrier3A_193 = arith.constant 0 : index
    tpu.barrier barrier_id(%barrier3A_193)
    "tpu.region"() ({
      %run_scoped3A = tpu.sem_alloc : memref<!tpu.dma_semaphore, #tpu.memory_space<semaphore_mem>>
      %dma_start3A_199 = arith.constant 0 : i32
      %dma_start3A_200 = tpu.memref_slice %arg7[%arg0, %mul3A_6, %dma_start3A_199] : memref<2x10000x128xf32, #tpu.memory_space<hbm>> -> memref<1x624x128xf32, #tpu.memory_space<hbm>>
      %dma_start3A_201 = tpu.memref_squeeze %dma_start3A_200 : memref<1x624x128xf32, #tpu.memory_space<hbm>> -> memref<624x128xf32, #tpu.memory_space<hbm>>
      %dma_start3A_202 = arith.constant 0 : i32
      %dma_start3A_203 = tpu.memref_slice %arg19[%mul3A_6, %dma_start3A_202] : memref<10000x128xf32, #tpu.memory_space<vmem_shared>> -> memref<624x128xf32, #tpu.memory_space<vmem_shared>>
      tpu.enqueue_dma source(%dma_start3A_203 : memref<624x128xf32, #tpu.memory_space<vmem_shared>>) target(%dma_start3A_201 : memref<624x128xf32, #tpu.memory_space<hbm>>) target_semaphore(%run_scoped3A : memref<!tpu.dma_semaphore, #tpu.memory_space<semaphore_mem>>)
      %dma_wait3A_204 = arith.constant 0 : i32
      %dma_wait3A_205 = tpu.memref_slice %arg7[%arg0, %mul3A_6, %dma_wait3A_204] : memref<2x10000x128xf32, #tpu.memory_space<hbm>> -> memref<1x624x128xf32, #tpu.memory_space<hbm>>
      %dma_wait3A_206 = tpu.memref_squeeze %dma_wait3A_205 : memref<1x624x128xf32, #tpu.memory_space<hbm>> -> memref<624x128xf32, #tpu.memory_space<hbm>>
      %dma_wait3A_207 = arith.constant 0 : i32
      %dma_wait3A_208 = tpu.memref_slice %arg19[%mul3A_6, %dma_wait3A_207] : memref<10000x128xf32, #tpu.memory_space<vmem_shared>> -> memref<624x128xf32, #tpu.memory_space<vmem_shared>>
      tpu.wait_dma2 semaphore(%run_scoped3A : memref<!tpu.dma_semaphore, #tpu.memory_space<semaphore_mem>>) src(%dma_wait3A_208 : memref<624x128xf32, #tpu.memory_space<vmem_shared>>) dst(%dma_wait3A_206 : memref<624x128xf32, #tpu.memory_space<hbm>>)
      tpu.yield
    }) : () -> ()
    "tpu.region"() ({
      %run_scoped3A = tpu.sem_alloc : memref<!tpu.dma_semaphore, #tpu.memory_space<semaphore_mem>>
      %dma_start3A_199 = arith.constant 0 : i32
      %dma_start3A_200 = tpu.memref_slice %arg8[%arg0, %mul3A_6, %dma_start3A_199] : memref<2x10000x16xf32, #tpu.memory_space<hbm>> -> memref<1x624x16xf32, #tpu.memory_space<hbm>>
      %dma_start3A_201 = tpu.memref_squeeze %dma_start3A_200 : memref<1x624x16xf32, #tpu.memory_space<hbm>> -> memref<624x16xf32, #tpu.memory_space<hbm>>
      %dma_start3A_202 = arith.constant 0 : i32
      %dma_start3A_203 = tpu.memref_slice %arg20[%mul3A_6, %dma_start3A_202] : memref<10000x16xf32, #tpu.memory_space<vmem_shared>> -> memref<624x16xf32, #tpu.memory_space<vmem_shared>>
      tpu.enqueue_dma source(%dma_start3A_203 : memref<624x16xf32, #tpu.memory_space<vmem_shared>>) target(%dma_start3A_201 : memref<624x16xf32, #tpu.memory_space<hbm>>) target_semaphore(%run_scoped3A : memref<!tpu.dma_semaphore, #tpu.memory_space<semaphore_mem>>)
      %dma_wait3A_204 = arith.constant 0 : i32
      %dma_wait3A_205 = tpu.memref_slice %arg8[%arg0, %mul3A_6, %dma_wait3A_204] : memref<2x10000x16xf32, #tpu.memory_space<hbm>> -> memref<1x624x16xf32, #tpu.memory_space<hbm>>
      %dma_wait3A_206 = tpu.memref_squeeze %dma_wait3A_205 : memref<1x624x16xf32, #tpu.memory_space<hbm>> -> memref<624x16xf32, #tpu.memory_space<hbm>>
      %dma_wait3A_207 = arith.constant 0 : i32
      %dma_wait3A_208 = tpu.memref_slice %arg20[%mul3A_6, %dma_wait3A_207] : memref<10000x16xf32, #tpu.memory_space<vmem_shared>> -> memref<624x16xf32, #tpu.memory_space<vmem_shared>>
      tpu.wait_dma2 semaphore(%run_scoped3A : memref<!tpu.dma_semaphore, #tpu.memory_space<semaphore_mem>>) src(%dma_wait3A_208 : memref<624x16xf32, #tpu.memory_space<vmem_shared>>) dst(%dma_wait3A_206 : memref<624x16xf32, #tpu.memory_space<hbm>>)
      tpu.yield
    }) : () -> ()
    %eq3A_194 = arith.constant 15 : i32
    %eq3A_195 = arith.cmpi eq, %arg1, %eq3A_194 : i32
    %convert_element_type3A_196 = arith.extui %eq3A_195 : i1 to i32
    %cond3A_197 = arith.constant 0 : i32
    %cond3A_198 = arith.cmpi ne, %convert_element_type3A_196, %cond3A_197 : i32
    scf.if %cond3A_198 {
      "tpu.region"() ({
        %run_scoped3A = tpu.sem_alloc : memref<!tpu.dma_semaphore, #tpu.memory_space<semaphore_mem>>
        %dma_start3A_199 = arith.constant 9984 : i32
        %dma_start3A_200 = arith.constant 0 : i32
        %dma_start3A_201 = tpu.memref_slice %arg7[%arg0, %dma_start3A_199, %dma_start3A_200] : memref<2x10000x128xf32, #tpu.memory_space<hbm>> -> memref<1x16x128xf32, #tpu.memory_space<hbm>>
        %dma_start3A_202 = tpu.memref_squeeze %dma_start3A_201 : memref<1x16x128xf32, #tpu.memory_space<hbm>> -> memref<16x128xf32, #tpu.memory_space<hbm>>
        %dma_start3A_203 = arith.constant 9984 : i32
        %dma_start3A_204 = arith.constant 0 : i32
        %dma_start3A_205 = tpu.memref_slice %arg19[%dma_start3A_203, %dma_start3A_204] : memref<10000x128xf32, #tpu.memory_space<vmem_shared>> -> memref<16x128xf32, #tpu.memory_space<vmem_shared>>
        tpu.enqueue_dma source(%dma_start3A_205 : memref<16x128xf32, #tpu.memory_space<vmem_shared>>) target(%dma_start3A_202 : memref<16x128xf32, #tpu.memory_space<hbm>>) target_semaphore(%run_scoped3A : memref<!tpu.dma_semaphore, #tpu.memory_space<semaphore_mem>>)
        %dma_wait3A_206 = arith.constant 9984 : i32
        %dma_wait3A_207 = arith.constant 0 : i32
        %dma_wait3A_208 = tpu.memref_slice %arg7[%arg0, %dma_wait3A_206, %dma_wait3A_207] : memref<2x10000x128xf32, #tpu.memory_space<hbm>> -> memref<1x16x128xf32, #tpu.memory_space<hbm>>
        %dma_wait3A_209 = tpu.memref_squeeze %dma_wait3A_208 : memref<1x16x128xf32, #tpu.memory_space<hbm>> -> memref<16x128xf32, #tpu.memory_space<hbm>>
        %dma_wait3A_210 = arith.constant 9984 : i32
        %dma_wait3A_211 = arith.constant 0 : i32
        %dma_wait3A_212 = tpu.memref_slice %arg19[%dma_wait3A_210, %dma_wait3A_211] : memref<10000x128xf32, #tpu.memory_space<vmem_shared>> -> memref<16x128xf32, #tpu.memory_space<vmem_shared>>
        tpu.wait_dma2 semaphore(%run_scoped3A : memref<!tpu.dma_semaphore, #tpu.memory_space<semaphore_mem>>) src(%dma_wait3A_212 : memref<16x128xf32, #tpu.memory_space<vmem_shared>>) dst(%dma_wait3A_209 : memref<16x128xf32, #tpu.memory_space<hbm>>)
        tpu.yield
      }) : () -> ()
      "tpu.region"() ({
        %run_scoped3A = tpu.sem_alloc : memref<!tpu.dma_semaphore, #tpu.memory_space<semaphore_mem>>
        %dma_start3A_199 = arith.constant 9984 : i32
        %dma_start3A_200 = arith.constant 0 : i32
        %dma_start3A_201 = tpu.memref_slice %arg8[%arg0, %dma_start3A_199, %dma_start3A_200] : memref<2x10000x16xf32, #tpu.memory_space<hbm>> -> memref<1x16x16xf32, #tpu.memory_space<hbm>>
        %dma_start3A_202 = tpu.memref_squeeze %dma_start3A_201 : memref<1x16x16xf32, #tpu.memory_space<hbm>> -> memref<16x16xf32, #tpu.memory_space<hbm>>
        %dma_start3A_203 = arith.constant 9984 : i32
        %dma_start3A_204 = arith.constant 0 : i32
        %dma_start3A_205 = tpu.memref_slice %arg20[%dma_start3A_203, %dma_start3A_204] : memref<10000x16xf32, #tpu.memory_space<vmem_shared>> -> memref<16x16xf32, #tpu.memory_space<vmem_shared>>
        tpu.enqueue_dma source(%dma_start3A_205 : memref<16x16xf32, #tpu.memory_space<vmem_shared>>) target(%dma_start3A_202 : memref<16x16xf32, #tpu.memory_space<hbm>>) target_semaphore(%run_scoped3A : memref<!tpu.dma_semaphore, #tpu.memory_space<semaphore_mem>>)
        %dma_wait3A_206 = arith.constant 9984 : i32
        %dma_wait3A_207 = arith.constant 0 : i32
        %dma_wait3A_208 = tpu.memref_slice %arg8[%arg0, %dma_wait3A_206, %dma_wait3A_207] : memref<2x10000x16xf32, #tpu.memory_space<hbm>> -> memref<1x16x16xf32, #tpu.memory_space<hbm>>
        %dma_wait3A_209 = tpu.memref_squeeze %dma_wait3A_208 : memref<1x16x16xf32, #tpu.memory_space<hbm>> -> memref<16x16xf32, #tpu.memory_space<hbm>>
        %dma_wait3A_210 = arith.constant 9984 : i32
        %dma_wait3A_211 = arith.constant 0 : i32
        %dma_wait3A_212 = tpu.memref_slice %arg20[%dma_wait3A_210, %dma_wait3A_211] : memref<10000x16xf32, #tpu.memory_space<vmem_shared>> -> memref<16x16xf32, #tpu.memory_space<vmem_shared>>
        tpu.wait_dma2 semaphore(%run_scoped3A : memref<!tpu.dma_semaphore, #tpu.memory_space<semaphore_mem>>) src(%dma_wait3A_212 : memref<16x16xf32, #tpu.memory_space<vmem_shared>>) dst(%dma_wait3A_209 : memref<16x16xf32, #tpu.memory_space<hbm>>)
        tpu.yield
      }) : () -> ()
    } else {
    }
    return
  }
}

#map = affine_map<(d0, d1) -> (0, 0)>
#map1 = affine_map<(d0, d1) -> (0)>
#map2 = affine_map<(d0, d1) -> (0, 0, 0)>
module attributes {stable_mosaic.version = 14 : i64} {
  func.func @_sc_edge_body(%arg0: i32, %arg1: i32, %arg2: memref<20000x128xf32, #tpu.memory_space<hbm>>, %arg3: memref<20000x128xf32, #tpu.memory_space<hbm>>, %arg4: memref<160000xi32, #tpu.memory_space<hbm>>, %arg5: memref<160000xi32, #tpu.memory_space<hbm>>, %arg6: memref<256xf32, #tpu.memory_space<hbm>>, %arg7: memref<2x10000x128xf32, #tpu.memory_space<hbm>>, %arg8: memref<2x10000x16xf32, #tpu.memory_space<hbm>>, %arg9: memref<80xi32, #tpu.memory_space<vmem>>, %arg10: memref<80xi32, #tpu.memory_space<vmem>>, %arg11: memref<2x80xi32, #tpu.memory_space<vmem>>, %arg12: memref<2x80xi32, #tpu.memory_space<vmem>>, %arg13: memref<2x80xi32, #tpu.memory_space<vmem>>, %arg14: memref<160x128xf32, #tpu.memory_space<vmem>>, %arg15: memref<80x128xf32, #tpu.memory_space<vmem>>, %arg16: memref<160x16xf32, #tpu.memory_space<vmem>>, %arg17: memref<128xf32, #tpu.memory_space<vmem>>, %arg18: memref<16xf32, #tpu.memory_space<vmem>>, %arg19: memref<10000x128xf32, #tpu.memory_space<vmem_shared>>, %arg20: memref<10000x16xf32, #tpu.memory_space<vmem_shared>>, %arg21: memref<!tpu.dma_semaphore, #tpu.memory_space<semaphore_mem>>, %arg22: memref<!tpu.dma_semaphore, #tpu.memory_space<semaphore_mem>>, %arg23: memref<!tpu.dma_semaphore, #tpu.memory_space<semaphore_mem>>, %arg24: memref<!tpu.dma_semaphore, #tpu.memory_space<semaphore_mem>>) attributes {dimension_semantics = [#tpu.dimension_semantics<core_parallel>, #tpu.dimension_semantics<subcore_parallel>], iteration_bounds = array<i64: 2, 16>, scalar_prefetch = 0 : i64, scratch_operands = 16 : i64, tpu.core_type = #tpu.core_type<sc_vector_subcore>, window_params = [{transform_indices = #map}, {transform_indices = #map}, {transform_indices = #map1}, {transform_indices = #map1}, {transform_indices = #map1}, {transform_indices = #map2}, {transform_indices = #map2}]} {
    %broadcast_in_dim3A = arith.constant 0.000000e+00 : f32
    %broadcast_in_dim3A_0 = vector.broadcast %broadcast_in_dim3A : f32 to vector<16xf32>
    %scan3A = arith.constant 0 : i32
    %scan3A_1 = arith.constant 0 : i32
    %scan3A_2 = arith.constant 80 : i32
    %scan3A_3 = arith.addi %scan3A_1, %scan3A_2 : i32
    %scan3A_4 = arith.constant 1 : i32
    scf.for %scan3A_199 = %scan3A_1 to %scan3A_3 step %scan3A_4  : i32 {
      %swap3A_200 = arith.index_cast %scan3A_199 : i32 to index
      %swap3A_201 = arith.constant 0 : index
      %swap3A_202 = tpu.vector_load %arg14[%swap3A_200, %swap3A_201] {strides = array<i32>} : memref<160x128xf32, #tpu.memory_space<vmem>>, vector<16xf32>,
      tpu.vector_store %arg14[%swap3A_200, %swap3A_201], %broadcast_in_dim3A_0 {strides = array<i32>} : memref<160x128xf32, #tpu.memory_space<vmem>>, vector<16xf32>,
      %swap3A_203 = arith.index_cast %scan3A_199 : i32 to index
      %swap3A_204 = arith.constant 16 : index
      %swap3A_205 = tpu.vector_load %arg14[%swap3A_203, %swap3A_204] {strides = array<i32>} : memref<160x128xf32, #tpu.memory_space<vmem>>, vector<16xf32>,
      tpu.vector_store %arg14[%swap3A_203, %swap3A_204], %broadcast_in_dim3A_0 {strides = array<i32>} : memref<160x128xf32, #tpu.memory_space<vmem>>, vector<16xf32>,
      %swap3A_206 = arith.index_cast %scan3A_199 : i32 to index
      %swap3A_207 = arith.constant 32 : index
      %swap3A_208 = tpu.vector_load %arg14[%swap3A_206, %swap3A_207] {strides = array<i32>} : memref<160x128xf32, #tpu.memory_space<vmem>>, vector<16xf32>,
      tpu.vector_store %arg14[%swap3A_206, %swap3A_207], %broadcast_in_dim3A_0 {strides = array<i32>} : memref<160x128xf32, #tpu.memory_space<vmem>>, vector<16xf32>,
      %swap3A_209 = arith.index_cast %scan3A_199 : i32 to index
      %swap3A_210 = arith.constant 48 : index
      %swap3A_211 = tpu.vector_load %arg14[%swap3A_209, %swap3A_210] {strides = array<i32>} : memref<160x128xf32, #tpu.memory_space<vmem>>, vector<16xf32>,
      tpu.vector_store %arg14[%swap3A_209, %swap3A_210], %broadcast_in_dim3A_0 {strides = array<i32>} : memref<160x128xf32, #tpu.memory_space<vmem>>, vector<16xf32>,
      %swap3A_212 = arith.index_cast %scan3A_199 : i32 to index
      %swap3A_213 = arith.constant 64 : index
      %swap3A_214 = tpu.vector_load %arg14[%swap3A_212, %swap3A_213] {strides = array<i32>} : memref<160x128xf32, #tpu.memory_space<vmem>>, vector<16xf32>,
      tpu.vector_store %arg14[%swap3A_212, %swap3A_213], %broadcast_in_dim3A_0 {strides = array<i32>} : memref<160x128xf32, #tpu.memory_space<vmem>>, vector<16xf32>,
      %swap3A_215 = arith.index_cast %scan3A_199 : i32 to index
      %swap3A_216 = arith.constant 80 : index
      %swap3A_217 = tpu.vector_load %arg14[%swap3A_215, %swap3A_216] {strides = array<i32>} : memref<160x128xf32, #tpu.memory_space<vmem>>, vector<16xf32>,
      tpu.vector_store %arg14[%swap3A_215, %swap3A_216], %broadcast_in_dim3A_0 {strides = array<i32>} : memref<160x128xf32, #tpu.memory_space<vmem>>, vector<16xf32>,
      %swap3A_218 = arith.index_cast %scan3A_199 : i32 to index
      %swap3A_219 = arith.constant 96 : index
      %swap3A_220 = tpu.vector_load %arg14[%swap3A_218, %swap3A_219] {strides = array<i32>} : memref<160x128xf32, #tpu.memory_space<vmem>>, vector<16xf32>,
      tpu.vector_store %arg14[%swap3A_218, %swap3A_219], %broadcast_in_dim3A_0 {strides = array<i32>} : memref<160x128xf32, #tpu.memory_space<vmem>>, vector<16xf32>,
      %swap3A_221 = arith.index_cast %scan3A_199 : i32 to index
      %swap3A_222 = arith.constant 112 : index
      %swap3A_223 = tpu.vector_load %arg14[%swap3A_221, %swap3A_222] {strides = array<i32>} : memref<160x128xf32, #tpu.memory_space<vmem>>, vector<16xf32>,
      tpu.vector_store %arg14[%swap3A_221, %swap3A_222], %broadcast_in_dim3A_0 {strides = array<i32>} : memref<160x128xf32, #tpu.memory_space<vmem>>, vector<16xf32>,
      %swap3A_224 = arith.index_cast %scan3A_199 : i32 to index
      %swap3A_225 = arith.constant 0 : index
      %swap3A_226 = tpu.vector_load %arg16[%swap3A_224, %swap3A_225] {strides = array<i32>} : memref<160x16xf32, #tpu.memory_space<vmem>>, vector<16xf32>,
      tpu.vector_store %arg16[%swap3A_224, %swap3A_225], %broadcast_in_dim3A_0 {strides = array<i32>} : memref<160x16xf32, #tpu.memory_space<vmem>>, vector<16xf32>,
    }
    %scan3A_5 = arith.constant 80 : i32
    %mul3A = arith.constant 624 : i32
    %mul3A_6 = arith.muli %arg1, %mul3A : i32
    %scan3A_7 = arith.constant 0 : i32
    %scan3A_8 = arith.constant 0 : i32
    %scan3A_9 = arith.constant 7 : i32
    %scan3A_10 = arith.addi %scan3A_8, %scan3A_9 : i32
    %scan3A_11 = arith.constant 1 : i32
    scf.for %scan3A_199 = %scan3A_8 to %scan3A_10 step %scan3A_11  : i32 {
      %mul3A_200 = arith.constant 80 : i32
      %mul3A_201 = arith.muli %scan3A_199, %mul3A_200 : i32
      %add3A_202 = arith.addi %mul3A_6, %mul3A_201 : i32
      "tpu.region"() ({
        %run_scoped3A = tpu.sem_alloc : memref<!tpu.dma_semaphore, #tpu.memory_space<semaphore_mem>>
        %dma_start3A_206 = arith.constant 0 : i32
        %dma_start3A_207 = arith.constant 0 : i32
        %dma_start3A_208 = tpu.memref_slice %arg14[%dma_start3A_206, %dma_start3A_207] : memref<160x128xf32, #tpu.memory_space<vmem>> -> memref<80x128xf32, #tpu.memory_space<vmem>>
        %dma_start3A_209 = arith.constant 0 : i32
        %dma_start3A_210 = tpu.memref_slice %arg19[%add3A_202, %dma_start3A_209] : memref<10000x128xf32, #tpu.memory_space<vmem_shared>> -> memref<80x128xf32, #tpu.memory_space<vmem_shared>>
        %dma_start3A_211 = arith.constant 0 : i32
        %dma_start3A_212 = tpu.memref_slice %arg19[%add3A_202, %dma_start3A_211] : memref<10000x128xf32, #tpu.memory_space<vmem_shared>> -> memref<80x128xf32, #tpu.memory_space<vmem_shared>>
        %dma_start3A_213 = arith.constant 0 : i32
        %dma_start3A_214 = arith.constant 0 : i32
        %dma_start3A_215 = tpu.memref_slice %arg14[%dma_start3A_213, %dma_start3A_214] : memref<160x128xf32, #tpu.memory_space<vmem>> -> memref<80x128xf32, #tpu.memory_space<vmem>>
        tpu.enqueue_dma source(%dma_start3A_215 : memref<80x128xf32, #tpu.memory_space<vmem>>) target(%dma_start3A_212 : memref<80x128xf32, #tpu.memory_space<vmem_shared>>) target_semaphore(%run_scoped3A : memref<!tpu.dma_semaphore, #tpu.memory_space<semaphore_mem>>)
        %dma_wait3A_216 = arith.constant 0 : i32
        %dma_wait3A_217 = arith.constant 0 : i32
        %dma_wait3A_218 = tpu.memref_slice %arg14[%dma_wait3A_216, %dma_wait3A_217] : memref<160x128xf32, #tpu.memory_space<vmem>> -> memref<80x128xf32, #tpu.memory_space<vmem>>
        %dma_wait3A_219 = arith.constant 0 : i32
        %dma_wait3A_220 = tpu.memref_slice %arg19[%add3A_202, %dma_wait3A_219] : memref<10000x128xf32, #tpu.memory_space<vmem_shared>> -> memref<80x128xf32, #tpu.memory_space<vmem_shared>>
        %dma_wait3A_221 = arith.constant 0 : i32
        %dma_wait3A_222 = tpu.memref_slice %arg19[%add3A_202, %dma_wait3A_221] : memref<10000x128xf32, #tpu.memory_space<vmem_shared>> -> memref<80x128xf32, #tpu.memory_space<vmem_shared>>
        %dma_wait3A_223 = arith.constant 0 : i32
        %dma_wait3A_224 = arith.constant 0 : i32
        %dma_wait3A_225 = tpu.memref_slice %arg14[%dma_wait3A_223, %dma_wait3A_224] : memref<160x128xf32, #tpu.memory_space<vmem>> -> memref<80x128xf32, #tpu.memory_space<vmem>>
        tpu.wait_dma2 semaphore(%run_scoped3A : memref<!tpu.dma_semaphore, #tpu.memory_space<semaphore_mem>>) src(%dma_wait3A_225 : memref<80x128xf32, #tpu.memory_space<vmem>>) dst(%dma_wait3A_222 : memref<80x128xf32, #tpu.memory_space<vmem_shared>>)
        tpu.yield
      }) : () -> ()
      %mul3A_203 = arith.constant 80 : i32
      %mul3A_204 = arith.muli %scan3A_199, %mul3A_203 : i32
      %add3A_205 = arith.addi %mul3A_6, %mul3A_204 : i32
      "tpu.region"() ({
        %run_scoped3A = tpu.sem_alloc : memref<!tpu.dma_semaphore, #tpu.memory_space<semaphore_mem>>
        %dma_start3A_206 = arith.constant 0 : i32
        %dma_start3A_207 = arith.constant 0 : i32
        %dma_start3A_208 = tpu.memref_slice %arg16[%dma_start3A_206, %dma_start3A_207] : memref<160x16xf32, #tpu.memory_space<vmem>> -> memref<80x16xf32, #tpu.memory_space<vmem>>
        %dma_start3A_209 = arith.constant 0 : i32
        %dma_start3A_210 = tpu.memref_slice %arg20[%add3A_205, %dma_start3A_209] : memref<10000x16xf32, #tpu.memory_space<vmem_shared>> -> memref<80x16xf32, #tpu.memory_space<vmem_shared>>
        %dma_start3A_211 = arith.constant 0 : i32
        %dma_start3A_212 = tpu.memref_slice %arg20[%add3A_205, %dma_start3A_211] : memref<10000x16xf32, #tpu.memory_space<vmem_shared>> -> memref<80x16xf32, #tpu.memory_space<vmem_shared>>
        %dma_start3A_213 = arith.constant 0 : i32
        %dma_start3A_214 = arith.constant 0 : i32
        %dma_start3A_215 = tpu.memref_slice %arg16[%dma_start3A_213, %dma_start3A_214] : memref<160x16xf32, #tpu.memory_space<vmem>> -> memref<80x16xf32, #tpu.memory_space<vmem>>
        tpu.enqueue_dma source(%dma_start3A_215 : memref<80x16xf32, #tpu.memory_space<vmem>>) target(%dma_start3A_212 : memref<80x16xf32, #tpu.memory_space<vmem_shared>>) target_semaphore(%run_scoped3A : memref<!tpu.dma_semaphore, #tpu.memory_space<semaphore_mem>>)
        %dma_wait3A_216 = arith.constant 0 : i32
        %dma_wait3A_217 = arith.constant 0 : i32
        %dma_wait3A_218 = tpu.memref_slice %arg16[%dma_wait3A_216, %dma_wait3A_217] : memref<160x16xf32, #tpu.memory_space<vmem>> -> memref<80x16xf32, #tpu.memory_space<vmem>>
        %dma_wait3A_219 = arith.constant 0 : i32
        %dma_wait3A_220 = tpu.memref_slice %arg20[%add3A_205, %dma_wait3A_219] : memref<10000x16xf32, #tpu.memory_space<vmem_shared>> -> memref<80x16xf32, #tpu.memory_space<vmem_shared>>
        %dma_wait3A_221 = arith.constant 0 : i32
        %dma_wait3A_222 = tpu.memref_slice %arg20[%add3A_205, %dma_wait3A_221] : memref<10000x16xf32, #tpu.memory_space<vmem_shared>> -> memref<80x16xf32, #tpu.memory_space<vmem_shared>>
        %dma_wait3A_223 = arith.constant 0 : i32
        %dma_wait3A_224 = arith.constant 0 : i32
        %dma_wait3A_225 = tpu.memref_slice %arg16[%dma_wait3A_223, %dma_wait3A_224] : memref<160x16xf32, #tpu.memory_space<vmem>> -> memref<80x16xf32, #tpu.memory_space<vmem>>
        tpu.wait_dma2 semaphore(%run_scoped3A : memref<!tpu.dma_semaphore, #tpu.memory_space<semaphore_mem>>) src(%dma_wait3A_225 : memref<80x16xf32, #tpu.memory_space<vmem>>) dst(%dma_wait3A_222 : memref<80x16xf32, #tpu.memory_space<vmem_shared>>)
        tpu.yield
      }) : () -> ()
    }
    %scan3A_12 = arith.constant 7 : i32
    %add3A = arith.constant 624 : i32
    %add3A_13 = arith.addi %mul3A_6, %add3A : i32
    %sub3A = arith.constant 64 : i32
    %sub3A_14 = arith.subi %add3A_13, %sub3A : i32
    "tpu.region"() ({
      %run_scoped3A = tpu.sem_alloc : memref<!tpu.dma_semaphore, #tpu.memory_space<semaphore_mem>>
      %dma_start3A_199 = arith.constant 0 : i32
      %dma_start3A_200 = arith.constant 0 : i32
      %dma_start3A_201 = tpu.memref_slice %arg14[%dma_start3A_199, %dma_start3A_200] : memref<160x128xf32, #tpu.memory_space<vmem>> -> memref<64x128xf32, #tpu.memory_space<vmem>>
      %dma_start3A_202 = arith.constant 0 : i32
      %dma_start3A_203 = tpu.memref_slice %arg19[%sub3A_14, %dma_start3A_202] : memref<10000x128xf32, #tpu.memory_space<vmem_shared>> -> memref<64x128xf32, #tpu.memory_space<vmem_shared>>
      %dma_start3A_204 = arith.constant 0 : i32
      %dma_start3A_205 = tpu.memref_slice %arg19[%sub3A_14, %dma_start3A_204] : memref<10000x128xf32, #tpu.memory_space<vmem_shared>> -> memref<64x128xf32, #tpu.memory_space<vmem_shared>>
      %dma_start3A_206 = arith.constant 0 : i32
      %dma_start3A_207 = arith.constant 0 : i32
      %dma_start3A_208 = tpu.memref_slice %arg14[%dma_start3A_206, %dma_start3A_207] : memref<160x128xf32, #tpu.memory_space<vmem>> -> memref<64x128xf32, #tpu.memory_space<vmem>>
      tpu.enqueue_dma source(%dma_start3A_208 : memref<64x128xf32, #tpu.memory_space<vmem>>) target(%dma_start3A_205 : memref<64x128xf32, #tpu.memory_space<vmem_shared>>) target_semaphore(%run_scoped3A : memref<!tpu.dma_semaphore, #tpu.memory_space<semaphore_mem>>)
      %dma_wait3A_209 = arith.constant 0 : i32
      %dma_wait3A_210 = arith.constant 0 : i32
      %dma_wait3A_211 = tpu.memref_slice %arg14[%dma_wait3A_209, %dma_wait3A_210] : memref<160x128xf32, #tpu.memory_space<vmem>> -> memref<64x128xf32, #tpu.memory_space<vmem>>
      %dma_wait3A_212 = arith.constant 0 : i32
      %dma_wait3A_213 = tpu.memref_slice %arg19[%sub3A_14, %dma_wait3A_212] : memref<10000x128xf32, #tpu.memory_space<vmem_shared>> -> memref<64x128xf32, #tpu.memory_space<vmem_shared>>
      %dma_wait3A_214 = arith.constant 0 : i32
      %dma_wait3A_215 = tpu.memref_slice %arg19[%sub3A_14, %dma_wait3A_214] : memref<10000x128xf32, #tpu.memory_space<vmem_shared>> -> memref<64x128xf32, #tpu.memory_space<vmem_shared>>
      %dma_wait3A_216 = arith.constant 0 : i32
      %dma_wait3A_217 = arith.constant 0 : i32
      %dma_wait3A_218 = tpu.memref_slice %arg14[%dma_wait3A_216, %dma_wait3A_217] : memref<160x128xf32, #tpu.memory_space<vmem>> -> memref<64x128xf32, #tpu.memory_space<vmem>>
      tpu.wait_dma2 semaphore(%run_scoped3A : memref<!tpu.dma_semaphore, #tpu.memory_space<semaphore_mem>>) src(%dma_wait3A_218 : memref<64x128xf32, #tpu.memory_space<vmem>>) dst(%dma_wait3A_215 : memref<64x128xf32, #tpu.memory_space<vmem_shared>>)
      tpu.yield
    }) : () -> ()
    %add3A_15 = arith.constant 624 : i32
    %add3A_16 = arith.addi %mul3A_6, %add3A_15 : i32
    %sub3A_17 = arith.constant 64 : i32
    %sub3A_18 = arith.subi %add3A_16, %sub3A_17 : i32
    "tpu.region"() ({
      %run_scoped3A = tpu.sem_alloc : memref<!tpu.dma_semaphore, #tpu.memory_space<semaphore_mem>>
      %dma_start3A_199 = arith.constant 0 : i32
      %dma_start3A_200 = arith.constant 0 : i32
      %dma_start3A_201 = tpu.memref_slice %arg16[%dma_start3A_199, %dma_start3A_200] : memref<160x16xf32, #tpu.memory_space<vmem>> -> memref<64x16xf32, #tpu.memory_space<vmem>>
      %dma_start3A_202 = arith.constant 0 : i32
      %dma_start3A_203 = tpu.memref_slice %arg20[%sub3A_18, %dma_start3A_202] : memref<10000x16xf32, #tpu.memory_space<vmem_shared>> -> memref<64x16xf32, #tpu.memory_space<vmem_shared>>
      %dma_start3A_204 = arith.constant 0 : i32
      %dma_start3A_205 = tpu.memref_slice %arg20[%sub3A_18, %dma_start3A_204] : memref<10000x16xf32, #tpu.memory_space<vmem_shared>> -> memref<64x16xf32, #tpu.memory_space<vmem_shared>>
      %dma_start3A_206 = arith.constant 0 : i32
      %dma_start3A_207 = arith.constant 0 : i32
      %dma_start3A_208 = tpu.memref_slice %arg16[%dma_start3A_206, %dma_start3A_207] : memref<160x16xf32, #tpu.memory_space<vmem>> -> memref<64x16xf32, #tpu.memory_space<vmem>>
      tpu.enqueue_dma source(%dma_start3A_208 : memref<64x16xf32, #tpu.memory_space<vmem>>) target(%dma_start3A_205 : memref<64x16xf32, #tpu.memory_space<vmem_shared>>) target_semaphore(%run_scoped3A : memref<!tpu.dma_semaphore, #tpu.memory_space<semaphore_mem>>)
      %dma_wait3A_209 = arith.constant 0 : i32
      %dma_wait3A_210 = arith.constant 0 : i32
      %dma_wait3A_211 = tpu.memref_slice %arg16[%dma_wait3A_209, %dma_wait3A_210] : memref<160x16xf32, #tpu.memory_space<vmem>> -> memref<64x16xf32, #tpu.memory_space<vmem>>
      %dma_wait3A_212 = arith.constant 0 : i32
      %dma_wait3A_213 = tpu.memref_slice %arg20[%sub3A_18, %dma_wait3A_212] : memref<10000x16xf32, #tpu.memory_space<vmem_shared>> -> memref<64x16xf32, #tpu.memory_space<vmem_shared>>
      %dma_wait3A_214 = arith.constant 0 : i32
      %dma_wait3A_215 = tpu.memref_slice %arg20[%sub3A_18, %dma_wait3A_214] : memref<10000x16xf32, #tpu.memory_space<vmem_shared>> -> memref<64x16xf32, #tpu.memory_space<vmem_shared>>
      %dma_wait3A_216 = arith.constant 0 : i32
      %dma_wait3A_217 = arith.constant 0 : i32
      %dma_wait3A_218 = tpu.memref_slice %arg16[%dma_wait3A_216, %dma_wait3A_217] : memref<160x16xf32, #tpu.memory_space<vmem>> -> memref<64x16xf32, #tpu.memory_space<vmem>>
      tpu.wait_dma2 semaphore(%run_scoped3A : memref<!tpu.dma_semaphore, #tpu.memory_space<semaphore_mem>>) src(%dma_wait3A_218 : memref<64x16xf32, #tpu.memory_space<vmem>>) dst(%dma_wait3A_215 : memref<64x16xf32, #tpu.memory_space<vmem_shared>>)
      tpu.yield
    }) : () -> ()
    %eq3A = arith.constant 15 : i32
    %eq3A_19 = arith.cmpi eq, %arg1, %eq3A : i32
    %convert_element_type3A = arith.extui %eq3A_19 : i1 to i32
    %cond3A = arith.constant 0 : i32
    %cond3A_20 = arith.cmpi ne, %convert_element_type3A, %cond3A : i32
    scf.if %cond3A_20 {
      "tpu.region"() ({
        %run_scoped3A = tpu.sem_alloc : memref<!tpu.dma_semaphore, #tpu.memory_space<semaphore_mem>>
        %dma_start3A_199 = arith.constant 0 : i32
        %dma_start3A_200 = arith.constant 0 : i32
        %dma_start3A_201 = tpu.memref_slice %arg14[%dma_start3A_199, %dma_start3A_200] : memref<160x128xf32, #tpu.memory_space<vmem>> -> memref<16x128xf32, #tpu.memory_space<vmem>>
        %dma_start3A_202 = arith.constant 9984 : i32
        %dma_start3A_203 = arith.constant 0 : i32
        %dma_start3A_204 = tpu.memref_slice %arg19[%dma_start3A_202, %dma_start3A_203] : memref<10000x128xf32, #tpu.memory_space<vmem_shared>> -> memref<16x128xf32, #tpu.memory_space<vmem_shared>>
        %dma_start3A_205 = arith.constant 9984 : i32
        %dma_start3A_206 = arith.constant 0 : i32
        %dma_start3A_207 = tpu.memref_slice %arg19[%dma_start3A_205, %dma_start3A_206] : memref<10000x128xf32, #tpu.memory_space<vmem_shared>> -> memref<16x128xf32, #tpu.memory_space<vmem_shared>>
        %dma_start3A_208 = arith.constant 0 : i32
        %dma_start3A_209 = arith.constant 0 : i32
        %dma_start3A_210 = tpu.memref_slice %arg14[%dma_start3A_208, %dma_start3A_209] : memref<160x128xf32, #tpu.memory_space<vmem>> -> memref<16x128xf32, #tpu.memory_space<vmem>>
        tpu.enqueue_dma source(%dma_start3A_210 : memref<16x128xf32, #tpu.memory_space<vmem>>) target(%dma_start3A_207 : memref<16x128xf32, #tpu.memory_space<vmem_shared>>) target_semaphore(%run_scoped3A : memref<!tpu.dma_semaphore, #tpu.memory_space<semaphore_mem>>)
        %dma_wait3A_211 = arith.constant 0 : i32
        %dma_wait3A_212 = arith.constant 0 : i32
        %dma_wait3A_213 = tpu.memref_slice %arg14[%dma_wait3A_211, %dma_wait3A_212] : memref<160x128xf32, #tpu.memory_space<vmem>> -> memref<16x128xf32, #tpu.memory_space<vmem>>
        %dma_wait3A_214 = arith.constant 9984 : i32
        %dma_wait3A_215 = arith.constant 0 : i32
        %dma_wait3A_216 = tpu.memref_slice %arg19[%dma_wait3A_214, %dma_wait3A_215] : memref<10000x128xf32, #tpu.memory_space<vmem_shared>> -> memref<16x128xf32, #tpu.memory_space<vmem_shared>>
        %dma_wait3A_217 = arith.constant 9984 : i32
        %dma_wait3A_218 = arith.constant 0 : i32
        %dma_wait3A_219 = tpu.memref_slice %arg19[%dma_wait3A_217, %dma_wait3A_218] : memref<10000x128xf32, #tpu.memory_space<vmem_shared>> -> memref<16x128xf32, #tpu.memory_space<vmem_shared>>
        %dma_wait3A_220 = arith.constant 0 : i32
        %dma_wait3A_221 = arith.constant 0 : i32
        %dma_wait3A_222 = tpu.memref_slice %arg14[%dma_wait3A_220, %dma_wait3A_221] : memref<160x128xf32, #tpu.memory_space<vmem>> -> memref<16x128xf32, #tpu.memory_space<vmem>>
        tpu.wait_dma2 semaphore(%run_scoped3A : memref<!tpu.dma_semaphore, #tpu.memory_space<semaphore_mem>>) src(%dma_wait3A_222 : memref<16x128xf32, #tpu.memory_space<vmem>>) dst(%dma_wait3A_219 : memref<16x128xf32, #tpu.memory_space<vmem_shared>>)
        tpu.yield
      }) : () -> ()
      "tpu.region"() ({
        %run_scoped3A = tpu.sem_alloc : memref<!tpu.dma_semaphore, #tpu.memory_space<semaphore_mem>>
        %dma_start3A_199 = arith.constant 0 : i32
        %dma_start3A_200 = arith.constant 0 : i32
        %dma_start3A_201 = tpu.memref_slice %arg16[%dma_start3A_199, %dma_start3A_200] : memref<160x16xf32, #tpu.memory_space<vmem>> -> memref<16x16xf32, #tpu.memory_space<vmem>>
        %dma_start3A_202 = arith.constant 9984 : i32
        %dma_start3A_203 = arith.constant 0 : i32
        %dma_start3A_204 = tpu.memref_slice %arg20[%dma_start3A_202, %dma_start3A_203] : memref<10000x16xf32, #tpu.memory_space<vmem_shared>> -> memref<16x16xf32, #tpu.memory_space<vmem_shared>>
        %dma_start3A_205 = arith.constant 9984 : i32
        %dma_start3A_206 = arith.constant 0 : i32
        %dma_start3A_207 = tpu.memref_slice %arg20[%dma_start3A_205, %dma_start3A_206] : memref<10000x16xf32, #tpu.memory_space<vmem_shared>> -> memref<16x16xf32, #tpu.memory_space<vmem_shared>>
        %dma_start3A_208 = arith.constant 0 : i32
        %dma_start3A_209 = arith.constant 0 : i32
        %dma_start3A_210 = tpu.memref_slice %arg16[%dma_start3A_208, %dma_start3A_209] : memref<160x16xf32, #tpu.memory_space<vmem>> -> memref<16x16xf32, #tpu.memory_space<vmem>>
        tpu.enqueue_dma source(%dma_start3A_210 : memref<16x16xf32, #tpu.memory_space<vmem>>) target(%dma_start3A_207 : memref<16x16xf32, #tpu.memory_space<vmem_shared>>) target_semaphore(%run_scoped3A : memref<!tpu.dma_semaphore, #tpu.memory_space<semaphore_mem>>)
        %dma_wait3A_211 = arith.constant 0 : i32
        %dma_wait3A_212 = arith.constant 0 : i32
        %dma_wait3A_213 = tpu.memref_slice %arg16[%dma_wait3A_211, %dma_wait3A_212] : memref<160x16xf32, #tpu.memory_space<vmem>> -> memref<16x16xf32, #tpu.memory_space<vmem>>
        %dma_wait3A_214 = arith.constant 9984 : i32
        %dma_wait3A_215 = arith.constant 0 : i32
        %dma_wait3A_216 = tpu.memref_slice %arg20[%dma_wait3A_214, %dma_wait3A_215] : memref<10000x16xf32, #tpu.memory_space<vmem_shared>> -> memref<16x16xf32, #tpu.memory_space<vmem_shared>>
        %dma_wait3A_217 = arith.constant 9984 : i32
        %dma_wait3A_218 = arith.constant 0 : i32
        %dma_wait3A_219 = tpu.memref_slice %arg20[%dma_wait3A_217, %dma_wait3A_218] : memref<10000x16xf32, #tpu.memory_space<vmem_shared>> -> memref<16x16xf32, #tpu.memory_space<vmem_shared>>
        %dma_wait3A_220 = arith.constant 0 : i32
        %dma_wait3A_221 = arith.constant 0 : i32
        %dma_wait3A_222 = tpu.memref_slice %arg16[%dma_wait3A_220, %dma_wait3A_221] : memref<160x16xf32, #tpu.memory_space<vmem>> -> memref<16x16xf32, #tpu.memory_space<vmem>>
        tpu.wait_dma2 semaphore(%run_scoped3A : memref<!tpu.dma_semaphore, #tpu.memory_space<semaphore_mem>>) src(%dma_wait3A_222 : memref<16x16xf32, #tpu.memory_space<vmem>>) dst(%dma_wait3A_219 : memref<16x16xf32, #tpu.memory_space<vmem_shared>>)
        tpu.yield
      }) : () -> ()
    } else {
    }
    %mul3A_21 = arith.constant 128 : i32
    %mul3A_22 = arith.muli %arg0, %mul3A_21 : i32
    "tpu.region"() ({
      %run_scoped3A = tpu.sem_alloc : memref<!tpu.dma_semaphore, #tpu.memory_space<semaphore_mem>>
      %dma_start3A_199 = tpu.memref_slice %arg6[%mul3A_22] : memref<256xf32, #tpu.memory_space<hbm>> -> memref<128xf32, #tpu.memory_space<hbm>>
      %dma_start3A_200 = tpu.memref_slice %arg6[%mul3A_22] : memref<256xf32, #tpu.memory_space<hbm>> -> memref<128xf32, #tpu.memory_space<hbm>>
      tpu.enqueue_dma source(%dma_start3A_200 : memref<128xf32, #tpu.memory_space<hbm>>) target(%arg17 : memref<128xf32, #tpu.memory_space<vmem>>) target_semaphore(%run_scoped3A : memref<!tpu.dma_semaphore, #tpu.memory_space<semaphore_mem>>)
      %dma_wait3A_201 = tpu.memref_slice %arg6[%mul3A_22] : memref<256xf32, #tpu.memory_space<hbm>> -> memref<128xf32, #tpu.memory_space<hbm>>
      %dma_wait3A_202 = tpu.memref_slice %arg6[%mul3A_22] : memref<256xf32, #tpu.memory_space<hbm>> -> memref<128xf32, #tpu.memory_space<hbm>>
      tpu.wait_dma2 semaphore(%run_scoped3A : memref<!tpu.dma_semaphore, #tpu.memory_space<semaphore_mem>>) src(%dma_wait3A_202 : memref<128xf32, #tpu.memory_space<hbm>>) dst(%arg17 : memref<128xf32, #tpu.memory_space<vmem>>)
      tpu.yield
    }) : () -> ()
    %barrier3A = arith.constant 0 : index
    tpu.barrier barrier_id(%barrier3A)
    %get3A = arith.constant 0 : index
    %get3A_23 = tpu.vector_load %arg17[%get3A] {strides = array<i32>} : memref<128xf32, #tpu.memory_space<vmem>>, vector<16xf32>,
    %get3A_24 = arith.constant 16 : index
    %get3A_25 = tpu.vector_load %arg17[%get3A_24] {strides = array<i32>} : memref<128xf32, #tpu.memory_space<vmem>>, vector<16xf32>,
    %get3A_26 = arith.constant 32 : index
    %get3A_27 = tpu.vector_load %arg17[%get3A_26] {strides = array<i32>} : memref<128xf32, #tpu.memory_space<vmem>>, vector<16xf32>,
    %get3A_28 = arith.constant 48 : index
    %get3A_29 = tpu.vector_load %arg17[%get3A_28] {strides = array<i32>} : memref<128xf32, #tpu.memory_space<vmem>>, vector<16xf32>,
    %get3A_30 = arith.constant 64 : index
    %get3A_31 = tpu.vector_load %arg17[%get3A_30] {strides = array<i32>} : memref<128xf32, #tpu.memory_space<vmem>>, vector<16xf32>,
    %get3A_32 = arith.constant 80 : index
    %get3A_33 = tpu.vector_load %arg17[%get3A_32] {strides = array<i32>} : memref<128xf32, #tpu.memory_space<vmem>>, vector<16xf32>,
    %get3A_34 = arith.constant 96 : index
    %get3A_35 = tpu.vector_load %arg17[%get3A_34] {strides = array<i32>} : memref<128xf32, #tpu.memory_space<vmem>>, vector<16xf32>,
    %get3A_36 = arith.constant 112 : index
    %get3A_37 = tpu.vector_load %arg17[%get3A_36] {strides = array<i32>} : memref<128xf32, #tpu.memory_space<vmem>>, vector<16xf32>,
    %iota3A = tpu.iota {dimensions = array<i32: 0>} : vector<16xi32>
    %eq3A_38 = arith.constant 0 : i32
    %eq3A_39 = vector.broadcast %eq3A_38 : i32 to vector<16xi32>
    %eq3A_40 = arith.cmpi eq, %iota3A, %eq3A_39 : vector<16xi32>
    %xor3A = arith.constant 1 : i32
    %xor3A_41 = vector.broadcast %xor3A : i32 to vector<16xi32>
    %xor3A_42 = arith.xori %iota3A, %xor3A_41 : vector<16xi32>
    %xor3A_43 = arith.constant 2 : i32
    %xor3A_44 = vector.broadcast %xor3A_43 : i32 to vector<16xi32>
    %xor3A_45 = arith.xori %iota3A, %xor3A_44 : vector<16xi32>
    %xor3A_46 = arith.constant 4 : i32
    %xor3A_47 = vector.broadcast %xor3A_46 : i32 to vector<16xi32>
    %xor3A_48 = arith.xori %iota3A, %xor3A_47 : vector<16xi32>
    %xor3A_49 = arith.constant 8 : i32
    %xor3A_50 = vector.broadcast %xor3A_49 : i32 to vector<16xi32>
    %xor3A_51 = arith.xori %iota3A, %xor3A_50 : vector<16xi32>
    %mul3A_52 = arith.constant 10000 : i32
    %mul3A_53 = arith.muli %arg0, %mul3A_52 : i32
    %broadcast_in_dim3A_54 = vector.broadcast %mul3A_53 : i32 to vector<16xi32>
    %mul3A_55 = arith.constant 10000 : i32
    %mul3A_56 = arith.muli %arg1, %mul3A_55 : i32
    "tpu.region"() ({
      %run_scoped3A = tpu.sem_alloc : memref<!tpu.dma_semaphore, #tpu.memory_space<semaphore_mem>>
      %dma_start3A_199 = tpu.memref_slice %arg4[%mul3A_56] : memref<160000xi32, #tpu.memory_space<hbm>> -> memref<80xi32, #tpu.memory_space<hbm>>
      %dma_start3A_200 = tpu.memref_slice %arg4[%mul3A_56] : memref<160000xi32, #tpu.memory_space<hbm>> -> memref<80xi32, #tpu.memory_space<hbm>>
      tpu.enqueue_dma source(%dma_start3A_200 : memref<80xi32, #tpu.memory_space<hbm>>) target(%arg9 : memref<80xi32, #tpu.memory_space<vmem>>) target_semaphore(%run_scoped3A : memref<!tpu.dma_semaphore, #tpu.memory_space<semaphore_mem>>)
      %dma_wait3A_201 = tpu.memref_slice %arg4[%mul3A_56] : memref<160000xi32, #tpu.memory_space<hbm>> -> memref<80xi32, #tpu.memory_space<hbm>>
      %dma_wait3A_202 = tpu.memref_slice %arg4[%mul3A_56] : memref<160000xi32, #tpu.memory_space<hbm>> -> memref<80xi32, #tpu.memory_space<hbm>>
      tpu.wait_dma2 semaphore(%run_scoped3A : memref<!tpu.dma_semaphore, #tpu.memory_space<semaphore_mem>>) src(%dma_wait3A_202 : memref<80xi32, #tpu.memory_space<hbm>>) dst(%arg9 : memref<80xi32, #tpu.memory_space<vmem>>)
      tpu.yield
    }) : () -> ()
    "tpu.region"() ({
      %run_scoped3A = tpu.sem_alloc : memref<!tpu.dma_semaphore, #tpu.memory_space<semaphore_mem>>
      %dma_start3A_199 = tpu.memref_slice %arg5[%mul3A_56] : memref<160000xi32, #tpu.memory_space<hbm>> -> memref<80xi32, #tpu.memory_space<hbm>>
      %dma_start3A_200 = tpu.memref_slice %arg5[%mul3A_56] : memref<160000xi32, #tpu.memory_space<hbm>> -> memref<80xi32, #tpu.memory_space<hbm>>
      tpu.enqueue_dma source(%dma_start3A_200 : memref<80xi32, #tpu.memory_space<hbm>>) target(%arg10 : memref<80xi32, #tpu.memory_space<vmem>>) target_semaphore(%run_scoped3A : memref<!tpu.dma_semaphore, #tpu.memory_space<semaphore_mem>>)
      %dma_wait3A_201 = tpu.memref_slice %arg5[%mul3A_56] : memref<160000xi32, #tpu.memory_space<hbm>> -> memref<80xi32, #tpu.memory_space<hbm>>
      %dma_wait3A_202 = tpu.memref_slice %arg5[%mul3A_56] : memref<160000xi32, #tpu.memory_space<hbm>> -> memref<80xi32, #tpu.memory_space<hbm>>
      tpu.wait_dma2 semaphore(%run_scoped3A : memref<!tpu.dma_semaphore, #tpu.memory_space<semaphore_mem>>) src(%dma_wait3A_202 : memref<80xi32, #tpu.memory_space<hbm>>) dst(%arg10 : memref<80xi32, #tpu.memory_space<vmem>>)
      tpu.yield
    }) : () -> ()
    %get3A_57 = arith.constant 0 : index
    %get3A_58 = tpu.vector_load %arg9[%get3A_57] {strides = array<i32>} : memref<80xi32, #tpu.memory_space<vmem>>, vector<16xi32>,
    %get3A_59 = arith.constant 0 : index
    %get3A_60 = tpu.vector_load %arg10[%get3A_59] {strides = array<i32>} : memref<80xi32, #tpu.memory_space<vmem>>, vector<16xi32>,
    %add3A_61 = arith.addi %get3A_58, %broadcast_in_dim3A_54 : vector<16xi32>
    %swap3A = arith.constant 0 : i32
    %swap3A_62 = arith.index_cast %swap3A : i32 to index
    %swap3A_63 = arith.constant 0 : index
    %swap3A_64 = tpu.vector_load %arg11[%swap3A_62, %swap3A_63] {strides = array<i32>} : memref<2x80xi32, #tpu.memory_space<vmem>>, vector<16xi32>,
    tpu.vector_store %arg11[%swap3A_62, %swap3A_63], %add3A_61 {strides = array<i32>} : memref<2x80xi32, #tpu.memory_space<vmem>>, vector<16xi32>,
    %add3A_65 = arith.addi %get3A_60, %broadcast_in_dim3A_54 : vector<16xi32>
    %swap3A_66 = arith.constant 0 : i32
    %swap3A_67 = arith.index_cast %swap3A_66 : i32 to index
    %swap3A_68 = arith.constant 0 : index
    %swap3A_69 = tpu.vector_load %arg12[%swap3A_67, %swap3A_68] {strides = array<i32>} : memref<2x80xi32, #tpu.memory_space<vmem>>, vector<16xi32>,
    tpu.vector_store %arg12[%swap3A_67, %swap3A_68], %add3A_65 {strides = array<i32>} : memref<2x80xi32, #tpu.memory_space<vmem>>, vector<16xi32>,
    %swap3A_70 = arith.constant 0 : i32
    %swap3A_71 = arith.index_cast %swap3A_70 : i32 to index
    %swap3A_72 = arith.constant 0 : index
    %swap3A_73 = tpu.vector_load %arg13[%swap3A_71, %swap3A_72] {strides = array<i32>} : memref<2x80xi32, #tpu.memory_space<vmem>>, vector<16xi32>,
    tpu.vector_store %arg13[%swap3A_71, %swap3A_72], %get3A_60 {strides = array<i32>} : memref<2x80xi32, #tpu.memory_space<vmem>>, vector<16xi32>,
    %get3A_74 = arith.constant 16 : index
    %get3A_75 = tpu.vector_load %arg9[%get3A_74] {strides = array<i32>} : memref<80xi32, #tpu.memory_space<vmem>>, vector<16xi32>,
    %get3A_76 = arith.constant 16 : index
    %get3A_77 = tpu.vector_load %arg10[%get3A_76] {strides = array<i32>} : memref<80xi32, #tpu.memory_space<vmem>>, vector<16xi32>,
    %add3A_78 = arith.addi %get3A_75, %broadcast_in_dim3A_54 : vector<16xi32>
    %swap3A_79 = arith.constant 0 : i32
    %swap3A_80 = arith.index_cast %swap3A_79 : i32 to index
    %swap3A_81 = arith.constant 16 : index
    %swap3A_82 = tpu.vector_load %arg11[%swap3A_80, %swap3A_81] {strides = array<i32>} : memref<2x80xi32, #tpu.memory_space<vmem>>, vector<16xi32>,
    tpu.vector_store %arg11[%swap3A_80, %swap3A_81], %add3A_78 {strides = array<i32>} : memref<2x80xi32, #tpu.memory_space<vmem>>, vector<16xi32>,
    %add3A_83 = arith.addi %get3A_77, %broadcast_in_dim3A_54 : vector<16xi32>
    %swap3A_84 = arith.constant 0 : i32
    %swap3A_85 = arith.index_cast %swap3A_84 : i32 to index
    %swap3A_86 = arith.constant 16 : index
    %swap3A_87 = tpu.vector_load %arg12[%swap3A_85, %swap3A_86] {strides = array<i32>} : memref<2x80xi32, #tpu.memory_space<vmem>>, vector<16xi32>,
    tpu.vector_store %arg12[%swap3A_85, %swap3A_86], %add3A_83 {strides = array<i32>} : memref<2x80xi32, #tpu.memory_space<vmem>>, vector<16xi32>,
    %swap3A_88 = arith.constant 0 : i32
    %swap3A_89 = arith.index_cast %swap3A_88 : i32 to index
    %swap3A_90 = arith.constant 16 : index
    %swap3A_91 = tpu.vector_load %arg13[%swap3A_89, %swap3A_90] {strides = array<i32>} : memref<2x80xi32, #tpu.memory_space<vmem>>, vector<16xi32>,
    tpu.vector_store %arg13[%swap3A_89, %swap3A_90], %get3A_77 {strides = array<i32>} : memref<2x80xi32, #tpu.memory_space<vmem>>, vector<16xi32>,
    %get3A_92 = arith.constant 32 : index
    %get3A_93 = tpu.vector_load %arg9[%get3A_92] {strides = array<i32>} : memref<80xi32, #tpu.memory_space<vmem>>, vector<16xi32>,
    %get3A_94 = arith.constant 32 : index
    %get3A_95 = tpu.vector_load %arg10[%get3A_94] {strides = array<i32>} : memref<80xi32, #tpu.memory_space<vmem>>, vector<16xi32>,
    %add3A_96 = arith.addi %get3A_93, %broadcast_in_dim3A_54 : vector<16xi32>
    %swap3A_97 = arith.constant 0 : i32
    %swap3A_98 = arith.index_cast %swap3A_97 : i32 to index
    %swap3A_99 = arith.constant 32 : index
    %swap3A_100 = tpu.vector_load %arg11[%swap3A_98, %swap3A_99] {strides = array<i32>} : memref<2x80xi32, #tpu.memory_space<vmem>>, vector<16xi32>,
    tpu.vector_store %arg11[%swap3A_98, %swap3A_99], %add3A_96 {strides = array<i32>} : memref<2x80xi32, #tpu.memory_space<vmem>>, vector<16xi32>,
    %add3A_101 = arith.addi %get3A_95, %broadcast_in_dim3A_54 : vector<16xi32>
    %swap3A_102 = arith.constant 0 : i32
    %swap3A_103 = arith.index_cast %swap3A_102 : i32 to index
    %swap3A_104 = arith.constant 32 : index
    %swap3A_105 = tpu.vector_load %arg12[%swap3A_103, %swap3A_104] {strides = array<i32>} : memref<2x80xi32, #tpu.memory_space<vmem>>, vector<16xi32>,
    tpu.vector_store %arg12[%swap3A_103, %swap3A_104], %add3A_101 {strides = array<i32>} : memref<2x80xi32, #tpu.memory_space<vmem>>, vector<16xi32>,
    %swap3A_106 = arith.constant 0 : i32
    %swap3A_107 = arith.index_cast %swap3A_106 : i32 to index
    %swap3A_108 = arith.constant 32 : index
    %swap3A_109 = tpu.vector_load %arg13[%swap3A_107, %swap3A_108] {strides = array<i32>} : memref<2x80xi32, #tpu.memory_space<vmem>>, vector<16xi32>,
    tpu.vector_store %arg13[%swap3A_107, %swap3A_108], %get3A_95 {strides = array<i32>} : memref<2x80xi32, #tpu.memory_space<vmem>>, vector<16xi32>,
    %get3A_110 = arith.constant 48 : index
    %get3A_111 = tpu.vector_load %arg9[%get3A_110] {strides = array<i32>} : memref<80xi32, #tpu.memory_space<vmem>>, vector<16xi32>,
    %get3A_112 = arith.constant 48 : index
    %get3A_113 = tpu.vector_load %arg10[%get3A_112] {strides = array<i32>} : memref<80xi32, #tpu.memory_space<vmem>>, vector<16xi32>,
    %add3A_114 = arith.addi %get3A_111, %broadcast_in_dim3A_54 : vector<16xi32>
    %swap3A_115 = arith.constant 0 : i32
    %swap3A_116 = arith.index_cast %swap3A_115 : i32 to index
    %swap3A_117 = arith.constant 48 : index
    %swap3A_118 = tpu.vector_load %arg11[%swap3A_116, %swap3A_117] {strides = array<i32>} : memref<2x80xi32, #tpu.memory_space<vmem>>, vector<16xi32>,
    tpu.vector_store %arg11[%swap3A_116, %swap3A_117], %add3A_114 {strides = array<i32>} : memref<2x80xi32, #tpu.memory_space<vmem>>, vector<16xi32>,
    %add3A_119 = arith.addi %get3A_113, %broadcast_in_dim3A_54 : vector<16xi32>
    %swap3A_120 = arith.constant 0 : i32
    %swap3A_121 = arith.index_cast %swap3A_120 : i32 to index
    %swap3A_122 = arith.constant 48 : index
    %swap3A_123 = tpu.vector_load %arg12[%swap3A_121, %swap3A_122] {strides = array<i32>} : memref<2x80xi32, #tpu.memory_space<vmem>>, vector<16xi32>,
    tpu.vector_store %arg12[%swap3A_121, %swap3A_122], %add3A_119 {strides = array<i32>} : memref<2x80xi32, #tpu.memory_space<vmem>>, vector<16xi32>,
    %swap3A_124 = arith.constant 0 : i32
    %swap3A_125 = arith.index_cast %swap3A_124 : i32 to index
    %swap3A_126 = arith.constant 48 : index
    %swap3A_127 = tpu.vector_load %arg13[%swap3A_125, %swap3A_126] {strides = array<i32>} : memref<2x80xi32, #tpu.memory_space<vmem>>, vector<16xi32>,
    tpu.vector_store %arg13[%swap3A_125, %swap3A_126], %get3A_113 {strides = array<i32>} : memref<2x80xi32, #tpu.memory_space<vmem>>, vector<16xi32>,
    %get3A_128 = arith.constant 64 : index
    %get3A_129 = tpu.vector_load %arg9[%get3A_128] {strides = array<i32>} : memref<80xi32, #tpu.memory_space<vmem>>, vector<16xi32>,
    %get3A_130 = arith.constant 64 : index
    %get3A_131 = tpu.vector_load %arg10[%get3A_130] {strides = array<i32>} : memref<80xi32, #tpu.memory_space<vmem>>, vector<16xi32>,
    %add3A_132 = arith.addi %get3A_129, %broadcast_in_dim3A_54 : vector<16xi32>
    %swap3A_133 = arith.constant 0 : i32
    %swap3A_134 = arith.index_cast %swap3A_133 : i32 to index
    %swap3A_135 = arith.constant 64 : index
    %swap3A_136 = tpu.vector_load %arg11[%swap3A_134, %swap3A_135] {strides = array<i32>} : memref<2x80xi32, #tpu.memory_space<vmem>>, vector<16xi32>,
    tpu.vector_store %arg11[%swap3A_134, %swap3A_135], %add3A_132 {strides = array<i32>} : memref<2x80xi32, #tpu.memory_space<vmem>>, vector<16xi32>,
    %add3A_137 = arith.addi %get3A_131, %broadcast_in_dim3A_54 : vector<16xi32>
    %swap3A_138 = arith.constant 0 : i32
    %swap3A_139 = arith.index_cast %swap3A_138 : i32 to index
    %swap3A_140 = arith.constant 64 : index
    %swap3A_141 = tpu.vector_load %arg12[%swap3A_139, %swap3A_140] {strides = array<i32>} : memref<2x80xi32, #tpu.memory_space<vmem>>, vector<16xi32>,
    tpu.vector_store %arg12[%swap3A_139, %swap3A_140], %add3A_137 {strides = array<i32>} : memref<2x80xi32, #tpu.memory_space<vmem>>, vector<16xi32>,
    %swap3A_142 = arith.constant 0 : i32
    %swap3A_143 = arith.index_cast %swap3A_142 : i32 to index
    %swap3A_144 = arith.constant 64 : index
    %swap3A_145 = tpu.vector_load %arg13[%swap3A_143, %swap3A_144] {strides = array<i32>} : memref<2x80xi32, #tpu.memory_space<vmem>>, vector<16xi32>,
    tpu.vector_store %arg13[%swap3A_143, %swap3A_144], %get3A_131 {strides = array<i32>} : memref<2x80xi32, #tpu.memory_space<vmem>>, vector<16xi32>,
    %dma_start3A = arith.constant 0 : i32
    %dma_start3A_146 = arith.constant 0 : i32
    %dma_start3A_147 = arith.constant 0 : i32
    %dma_start3A_148 = tpu.memref_slice %arg14[%dma_start3A_146, %dma_start3A_147] : memref<160x128xf32, #tpu.memory_space<vmem>> -> memref<80x128xf32, #tpu.memory_space<vmem>>
    %dma_start3A_149 = arith.constant 0 : i32
    %dma_start3A_150 = tpu.memref_slice %arg11[%dma_start3A, %dma_start3A_149] : memref<2x80xi32, #tpu.memory_space<vmem>> -> memref<1x80xi32, #tpu.memory_space<vmem>>
    %dma_start3A_151 = tpu.memref_squeeze %dma_start3A_150 : memref<1x80xi32, #tpu.memory_space<vmem>> -> memref<80xi32, #tpu.memory_space<vmem>>
    %dma_start3A_152 = arith.constant 0 : i32
    %dma_start3A_153 = arith.constant 0 : i32
    %dma_start3A_154 = tpu.memref_slice %arg2[%dma_start3A_152, %dma_start3A_153] : memref<20000x128xf32, #tpu.memory_space<hbm>> -> memref<20000x128xf32, #tpu.memory_space<hbm>>
    tpu.enqueue_indirect_dma source(%dma_start3A_154 : memref<20000x128xf32, #tpu.memory_space<hbm>>) target(%dma_start3A_148 : memref<80x128xf32, #tpu.memory_space<vmem>>) offsets(%dma_start3A_151 : memref<80xi32, #tpu.memory_space<vmem>>) semaphore(%arg21 : memref<!tpu.dma_semaphore, #tpu.memory_space<semaphore_mem>>)
    %scan3A_155 = arith.constant 0 : i32
    %scan3A_156 = arith.constant 0 : i32
    %scan3A_157 = arith.constant 125 : i32
    %scan3A_158 = arith.addi %scan3A_156, %scan3A_157 : i32
    %scan3A_159 = arith.constant 1 : i32
    scf.for %scan3A_199 = %scan3A_156 to %scan3A_158 step %scan3A_159  : i32 {
      %and3A = arith.constant 1 : i32
      %and3A_200 = arith.andi %scan3A_199, %and3A : i32
      %sub3A_201 = arith.constant 1 : i32
      %sub3A_202 = arith.subi %sub3A_201, %and3A_200 : i32
      %mul3A_203 = arith.constant 80 : i32
      %mul3A_204 = arith.muli %and3A_200, %mul3A_203 : i32
      %mul3A_205 = arith.constant 80 : i32
      %mul3A_206 = arith.muli %sub3A_202, %mul3A_205 : i32
      %dma_start3A_207 = arith.constant 0 : i32
      %dma_start3A_208 = tpu.memref_slice %arg12[%and3A_200, %dma_start3A_207] : memref<2x80xi32, #tpu.memory_space<vmem>> -> memref<1x80xi32, #tpu.memory_space<vmem>>
      %dma_start3A_209 = tpu.memref_squeeze %dma_start3A_208 : memref<1x80xi32, #tpu.memory_space<vmem>> -> memref<80xi32, #tpu.memory_space<vmem>>
      %dma_start3A_210 = arith.constant 0 : i32
      %dma_start3A_211 = arith.constant 0 : i32
      %dma_start3A_212 = tpu.memref_slice %arg3[%dma_start3A_210, %dma_start3A_211] : memref<20000x128xf32, #tpu.memory_space<hbm>> -> memref<20000x128xf32, #tpu.memory_space<hbm>>
      tpu.enqueue_indirect_dma source(%dma_start3A_212 : memref<20000x128xf32, #tpu.memory_space<hbm>>) target(%arg15 : memref<80x128xf32, #tpu.memory_space<vmem>>) offsets(%dma_start3A_209 : memref<80xi32, #tpu.memory_space<vmem>>) semaphore(%arg22 : memref<!tpu.dma_semaphore, #tpu.memory_space<semaphore_mem>>)
      %lt3A = arith.constant 124 : i32
      %lt3A_213 = arith.cmpi slt, %scan3A_199, %lt3A : i32
      %convert_element_type3A_214 = arith.extui %lt3A_213 : i1 to i32
      %cond3A_215 = arith.constant 0 : i32
      %cond3A_216 = arith.cmpi ne, %convert_element_type3A_214, %cond3A_215 : i32
      scf.if %cond3A_216 {
        %add3A_258 = arith.constant 1 : i32
        %add3A_259 = arith.addi %scan3A_199, %add3A_258 : i32
        %mul3A_260 = arith.constant 80 : i32
        %mul3A_261 = arith.muli %add3A_259, %mul3A_260 : i32
        %add3A_262 = arith.addi %mul3A_56, %mul3A_261 : i32
        %dma_start3A_263 = tpu.memref_slice %arg4[%add3A_262] : memref<160000xi32, #tpu.memory_space<hbm>> -> memref<80xi32, #tpu.memory_space<hbm>>
        %dma_start3A_264 = tpu.memref_slice %arg4[%add3A_262] : memref<160000xi32, #tpu.memory_space<hbm>> -> memref<80xi32, #tpu.memory_space<hbm>>
        tpu.enqueue_dma source(%dma_start3A_264 : memref<80xi32, #tpu.memory_space<hbm>>) target(%arg9 : memref<80xi32, #tpu.memory_space<vmem>>) target_semaphore(%arg24 : memref<!tpu.dma_semaphore, #tpu.memory_space<semaphore_mem>>)
        %dma_start3A_265 = tpu.memref_slice %arg5[%add3A_262] : memref<160000xi32, #tpu.memory_space<hbm>> -> memref<80xi32, #tpu.memory_space<hbm>>
        %dma_start3A_266 = tpu.memref_slice %arg5[%add3A_262] : memref<160000xi32, #tpu.memory_space<hbm>> -> memref<80xi32, #tpu.memory_space<hbm>>
        tpu.enqueue_dma source(%dma_start3A_266 : memref<80xi32, #tpu.memory_space<hbm>>) target(%arg10 : memref<80xi32, #tpu.memory_space<vmem>>) target_semaphore(%arg24 : memref<!tpu.dma_semaphore, #tpu.memory_space<semaphore_mem>>)
      } else {
      }
      %dma_wait3A_217 = arith.constant 0 : i32
      %dma_wait3A_218 = tpu.memref_slice %arg14[%mul3A_204, %dma_wait3A_217] : memref<160x128xf32, #tpu.memory_space<vmem>> -> memref<80x128xf32, #tpu.memory_space<vmem>>
      %dma_wait3A_219 = arith.constant 0 : i32
      %dma_wait3A_220 = tpu.memref_slice %arg11[%and3A_200, %dma_wait3A_219] : memref<2x80xi32, #tpu.memory_space<vmem>> -> memref<1x80xi32, #tpu.memory_space<vmem>>
      %dma_wait3A_221 = tpu.memref_squeeze %dma_wait3A_220 : memref<1x80xi32, #tpu.memory_space<vmem>> -> memref<80xi32, #tpu.memory_space<vmem>>
      %dma_wait3A_222 = arith.constant 0 : i32
      %dma_wait3A_223 = arith.constant 0 : i32
      %dma_wait3A_224 = tpu.memref_slice %arg2[%dma_wait3A_222, %dma_wait3A_223] : memref<20000x128xf32, #tpu.memory_space<hbm>> -> memref<20000x128xf32, #tpu.memory_space<hbm>>
      tpu.wait_indirect_dma semaphore(%arg21 : memref<!tpu.dma_semaphore, #tpu.memory_space<semaphore_mem>>) src(%dma_wait3A_224 : memref<20000x128xf32, #tpu.memory_space<hbm>>) dst(%dma_wait3A_218 : memref<80x128xf32, #tpu.memory_space<vmem>>)
      %gt3A = arith.constant 0 : i32
      %gt3A_225 = arith.cmpi sgt, %scan3A_199, %gt3A : i32
      %convert_element_type3A_226 = arith.extui %gt3A_225 : i1 to i32
      %cond3A_227 = arith.constant 0 : i32
      %cond3A_228 = arith.cmpi ne, %convert_element_type3A_226, %cond3A_227 : i32
      scf.if %cond3A_228 {
        %dma_wait3A_258 = arith.constant 0 : i32
        %dma_wait3A_259 = tpu.memref_slice %arg14[%mul3A_206, %dma_wait3A_258] : memref<160x128xf32, #tpu.memory_space<vmem>> -> memref<80x128xf32, #tpu.memory_space<vmem>>
        %dma_wait3A_260 = arith.constant 0 : i32
        %dma_wait3A_261 = arith.constant 0 : i32
        %dma_wait3A_262 = tpu.memref_slice %arg2[%dma_wait3A_260, %dma_wait3A_261] : memref<20000x128xf32, #tpu.memory_space<hbm>> -> memref<80x128xf32, #tpu.memory_space<hbm>>
        %dma_wait3A_263 = arith.constant 0 : i32
        %dma_wait3A_264 = tpu.memref_slice %arg14[%mul3A_206, %dma_wait3A_263] : memref<160x128xf32, #tpu.memory_space<vmem>> -> memref<80x128xf32, #tpu.memory_space<vmem>>
        %dma_wait3A_265 = arith.constant 0 : i32
        %dma_wait3A_266 = arith.constant 0 : i32
        %dma_wait3A_267 = tpu.memref_slice %arg2[%dma_wait3A_265, %dma_wait3A_266] : memref<20000x128xf32, #tpu.memory_space<hbm>> -> memref<80x128xf32, #tpu.memory_space<hbm>>
        tpu.wait_dma2 semaphore(%arg23 : memref<!tpu.dma_semaphore, #tpu.memory_space<semaphore_mem>>) src(%dma_wait3A_267 : memref<80x128xf32, #tpu.memory_space<hbm>>) dst(%dma_wait3A_264 : memref<80x128xf32, #tpu.memory_space<vmem>>)
        %dma_wait3A_268 = arith.constant 0 : i32
        %dma_wait3A_269 = arith.constant 0 : i32
        %dma_wait3A_270 = tpu.memref_slice %arg16[%mul3A_206, %dma_wait3A_269] : memref<160x16xf32, #tpu.memory_space<vmem>> -> memref<80x16xf32, #tpu.memory_space<vmem>>
        %dma_wait3A_271 = arith.constant 0 : i32
        %dma_wait3A_272 = arith.constant 0 : i32
        %dma_wait3A_273 = tpu.memref_slice %arg8[%dma_wait3A_268, %dma_wait3A_271, %dma_wait3A_272] : memref<2x10000x16xf32, #tpu.memory_space<hbm>> -> memref<1x10000x16xf32, #tpu.memory_space<hbm>>
        %dma_wait3A_274 = tpu.memref_squeeze %dma_wait3A_273 : memref<1x10000x16xf32, #tpu.memory_space<hbm>> -> memref<10000x16xf32, #tpu.memory_space<hbm>>
        %dma_wait3A_275 = arith.constant 0 : i32
        %dma_wait3A_276 = arith.constant 0 : i32
        %dma_wait3A_277 = tpu.memref_slice %dma_wait3A_274[%dma_wait3A_275, %dma_wait3A_276] : memref<10000x16xf32, #tpu.memory_space<hbm>> -> memref<80x16xf32, #tpu.memory_space<hbm>>
        %dma_wait3A_278 = arith.constant 0 : i32
        %dma_wait3A_279 = tpu.memref_slice %arg16[%mul3A_206, %dma_wait3A_278] : memref<160x16xf32, #tpu.memory_space<vmem>> -> memref<80x16xf32, #tpu.memory_space<vmem>>
        %dma_wait3A_280 = arith.constant 0 : i32
        %dma_wait3A_281 = arith.constant 0 : i32
        %dma_wait3A_282 = tpu.memref_slice %arg8[%dma_wait3A_268, %dma_wait3A_280, %dma_wait3A_281] : memref<2x10000x16xf32, #tpu.memory_space<hbm>> -> memref<1x10000x16xf32, #tpu.memory_space<hbm>>
        %dma_wait3A_283 = tpu.memref_squeeze %dma_wait3A_282 : memref<1x10000x16xf32, #tpu.memory_space<hbm>> -> memref<10000x16xf32, #tpu.memory_space<hbm>>
        %dma_wait3A_284 = arith.constant 0 : i32
        %dma_wait3A_285 = arith.constant 0 : i32
        %dma_wait3A_286 = tpu.memref_slice %dma_wait3A_283[%dma_wait3A_284, %dma_wait3A_285] : memref<10000x16xf32, #tpu.memory_space<hbm>> -> memref<80x16xf32, #tpu.memory_space<hbm>>
        tpu.wait_dma2 semaphore(%arg23 : memref<!tpu.dma_semaphore, #tpu.memory_space<semaphore_mem>>) src(%dma_wait3A_286 : memref<80x16xf32, #tpu.memory_space<hbm>>) dst(%dma_wait3A_279 : memref<80x16xf32, #tpu.memory_space<vmem>>)
      } else {
      }
      %lt3A_229 = arith.constant 124 : i32
      %lt3A_230 = arith.cmpi slt, %scan3A_199, %lt3A_229 : i32
      %convert_element_type3A_231 = arith.extui %lt3A_230 : i1 to i32
      %cond3A_232 = arith.constant 0 : i32
      %cond3A_233 = arith.cmpi ne, %convert_element_type3A_231, %cond3A_232 : i32
      scf.if %cond3A_233 {
        %dma_wait3A_258 = arith.constant 0 : i32
        %dma_wait3A_259 = tpu.memref_slice %arg4[%dma_wait3A_258] : memref<160000xi32, #tpu.memory_space<hbm>> -> memref<80xi32, #tpu.memory_space<hbm>>
        %dma_wait3A_260 = arith.constant 0 : i32
        %dma_wait3A_261 = tpu.memref_slice %arg4[%dma_wait3A_260] : memref<160000xi32, #tpu.memory_space<hbm>> -> memref<80xi32, #tpu.memory_space<hbm>>
        tpu.wait_dma2 semaphore(%arg24 : memref<!tpu.dma_semaphore, #tpu.memory_space<semaphore_mem>>) src(%dma_wait3A_261 : memref<80xi32, #tpu.memory_space<hbm>>) dst(%arg9 : memref<80xi32, #tpu.memory_space<vmem>>)
        %dma_wait3A_262 = arith.constant 0 : i32
        %dma_wait3A_263 = tpu.memref_slice %arg5[%dma_wait3A_262] : memref<160000xi32, #tpu.memory_space<hbm>> -> memref<80xi32, #tpu.memory_space<hbm>>
        %dma_wait3A_264 = arith.constant 0 : i32
        %dma_wait3A_265 = tpu.memref_slice %arg5[%dma_wait3A_264] : memref<160000xi32, #tpu.memory_space<hbm>> -> memref<80xi32, #tpu.memory_space<hbm>>
        tpu.wait_dma2 semaphore(%arg24 : memref<!tpu.dma_semaphore, #tpu.memory_space<semaphore_mem>>) src(%dma_wait3A_265 : memref<80xi32, #tpu.memory_space<hbm>>) dst(%arg10 : memref<80xi32, #tpu.memory_space<vmem>>)
        %get3A_266 = arith.constant 0 : index
        %get3A_267 = tpu.vector_load %arg9[%get3A_266] {strides = array<i32>} : memref<80xi32, #tpu.memory_space<vmem>>, vector<16xi32>,
        %get3A_268 = arith.constant 0 : index
        %get3A_269 = tpu.vector_load %arg10[%get3A_268] {strides = array<i32>} : memref<80xi32, #tpu.memory_space<vmem>>, vector<16xi32>,
        %add3A_270 = arith.addi %get3A_267, %broadcast_in_dim3A_54 : vector<16xi32>
        %swap3A_271 = arith.index_cast %sub3A_202 : i32 to index
        %swap3A_272 = arith.constant 0 : index
        %swap3A_273 = tpu.vector_load %arg11[%swap3A_271, %swap3A_272] {strides = array<i32>} : memref<2x80xi32, #tpu.memory_space<vmem>>, vector<16xi32>,
        tpu.vector_store %arg11[%swap3A_271, %swap3A_272], %add3A_270 {strides = array<i32>} : memref<2x80xi32, #tpu.memory_space<vmem>>, vector<16xi32>,
        %add3A_274 = arith.addi %get3A_269, %broadcast_in_dim3A_54 : vector<16xi32>
        %swap3A_275 = arith.index_cast %sub3A_202 : i32 to index
        %swap3A_276 = arith.constant 0 : index
        %swap3A_277 = tpu.vector_load %arg12[%swap3A_275, %swap3A_276] {strides = array<i32>} : memref<2x80xi32, #tpu.memory_space<vmem>>, vector<16xi32>,
        tpu.vector_store %arg12[%swap3A_275, %swap3A_276], %add3A_274 {strides = array<i32>} : memref<2x80xi32, #tpu.memory_space<vmem>>, vector<16xi32>,
        %swap3A_278 = arith.index_cast %sub3A_202 : i32 to index
        %swap3A_279 = arith.constant 0 : index
        %swap3A_280 = tpu.vector_load %arg13[%swap3A_278, %swap3A_279] {strides = array<i32>} : memref<2x80xi32, #tpu.memory_space<vmem>>, vector<16xi32>,
        tpu.vector_store %arg13[%swap3A_278, %swap3A_279], %get3A_269 {strides = array<i32>} : memref<2x80xi32, #tpu.memory_space<vmem>>, vector<16xi32>,
        %get3A_281 = arith.constant 16 : index
        %get3A_282 = tpu.vector_load %arg9[%get3A_281] {strides = array<i32>} : memref<80xi32, #tpu.memory_space<vmem>>, vector<16xi32>,
        %get3A_283 = arith.constant 16 : index
        %get3A_284 = tpu.vector_load %arg10[%get3A_283] {strides = array<i32>} : memref<80xi32, #tpu.memory_space<vmem>>, vector<16xi32>,
        %add3A_285 = arith.addi %get3A_282, %broadcast_in_dim3A_54 : vector<16xi32>
        %swap3A_286 = arith.index_cast %sub3A_202 : i32 to index
        %swap3A_287 = arith.constant 16 : index
        %swap3A_288 = tpu.vector_load %arg11[%swap3A_286, %swap3A_287] {strides = array<i32>} : memref<2x80xi32, #tpu.memory_space<vmem>>, vector<16xi32>,
        tpu.vector_store %arg11[%swap3A_286, %swap3A_287], %add3A_285 {strides = array<i32>} : memref<2x80xi32, #tpu.memory_space<vmem>>, vector<16xi32>,
        %add3A_289 = arith.addi %get3A_284, %broadcast_in_dim3A_54 : vector<16xi32>
        %swap3A_290 = arith.index_cast %sub3A_202 : i32 to index
        %swap3A_291 = arith.constant 16 : index
        %swap3A_292 = tpu.vector_load %arg12[%swap3A_290, %swap3A_291] {strides = array<i32>} : memref<2x80xi32, #tpu.memory_space<vmem>>, vector<16xi32>,
        tpu.vector_store %arg12[%swap3A_290, %swap3A_291], %add3A_289 {strides = array<i32>} : memref<2x80xi32, #tpu.memory_space<vmem>>, vector<16xi32>,
        %swap3A_293 = arith.index_cast %sub3A_202 : i32 to index
        %swap3A_294 = arith.constant 16 : index
        %swap3A_295 = tpu.vector_load %arg13[%swap3A_293, %swap3A_294] {strides = array<i32>} : memref<2x80xi32, #tpu.memory_space<vmem>>, vector<16xi32>,
        tpu.vector_store %arg13[%swap3A_293, %swap3A_294], %get3A_284 {strides = array<i32>} : memref<2x80xi32, #tpu.memory_space<vmem>>, vector<16xi32>,
        %get3A_296 = arith.constant 32 : index
        %get3A_297 = tpu.vector_load %arg9[%get3A_296] {strides = array<i32>} : memref<80xi32, #tpu.memory_space<vmem>>, vector<16xi32>,
        %get3A_298 = arith.constant 32 : index
        %get3A_299 = tpu.vector_load %arg10[%get3A_298] {strides = array<i32>} : memref<80xi32, #tpu.memory_space<vmem>>, vector<16xi32>,
        %add3A_300 = arith.addi %get3A_297, %broadcast_in_dim3A_54 : vector<16xi32>
        %swap3A_301 = arith.index_cast %sub3A_202 : i32 to index
        %swap3A_302 = arith.constant 32 : index
        %swap3A_303 = tpu.vector_load %arg11[%swap3A_301, %swap3A_302] {strides = array<i32>} : memref<2x80xi32, #tpu.memory_space<vmem>>, vector<16xi32>,
        tpu.vector_store %arg11[%swap3A_301, %swap3A_302], %add3A_300 {strides = array<i32>} : memref<2x80xi32, #tpu.memory_space<vmem>>, vector<16xi32>,
        %add3A_304 = arith.addi %get3A_299, %broadcast_in_dim3A_54 : vector<16xi32>
        %swap3A_305 = arith.index_cast %sub3A_202 : i32 to index
        %swap3A_306 = arith.constant 32 : index
        %swap3A_307 = tpu.vector_load %arg12[%swap3A_305, %swap3A_306] {strides = array<i32>} : memref<2x80xi32, #tpu.memory_space<vmem>>, vector<16xi32>,
        tpu.vector_store %arg12[%swap3A_305, %swap3A_306], %add3A_304 {strides = array<i32>} : memref<2x80xi32, #tpu.memory_space<vmem>>, vector<16xi32>,
        %swap3A_308 = arith.index_cast %sub3A_202 : i32 to index
        %swap3A_309 = arith.constant 32 : index
        %swap3A_310 = tpu.vector_load %arg13[%swap3A_308, %swap3A_309] {strides = array<i32>} : memref<2x80xi32, #tpu.memory_space<vmem>>, vector<16xi32>,
        tpu.vector_store %arg13[%swap3A_308, %swap3A_309], %get3A_299 {strides = array<i32>} : memref<2x80xi32, #tpu.memory_space<vmem>>, vector<16xi32>,
        %get3A_311 = arith.constant 48 : index
        %get3A_312 = tpu.vector_load %arg9[%get3A_311] {strides = array<i32>} : memref<80xi32, #tpu.memory_space<vmem>>, vector<16xi32>,
        %get3A_313 = arith.constant 48 : index
        %get3A_314 = tpu.vector_load %arg10[%get3A_313] {strides = array<i32>} : memref<80xi32, #tpu.memory_space<vmem>>, vector<16xi32>,
        %add3A_315 = arith.addi %get3A_312, %broadcast_in_dim3A_54 : vector<16xi32>
        %swap3A_316 = arith.index_cast %sub3A_202 : i32 to index
        %swap3A_317 = arith.constant 48 : index
        %swap3A_318 = tpu.vector_load %arg11[%swap3A_316, %swap3A_317] {strides = array<i32>} : memref<2x80xi32, #tpu.memory_space<vmem>>, vector<16xi32>,
        tpu.vector_store %arg11[%swap3A_316, %swap3A_317], %add3A_315 {strides = array<i32>} : memref<2x80xi32, #tpu.memory_space<vmem>>, vector<16xi32>,
        %add3A_319 = arith.addi %get3A_314, %broadcast_in_dim3A_54 : vector<16xi32>
        %swap3A_320 = arith.index_cast %sub3A_202 : i32 to index
        %swap3A_321 = arith.constant 48 : index
        %swap3A_322 = tpu.vector_load %arg12[%swap3A_320, %swap3A_321] {strides = array<i32>} : memref<2x80xi32, #tpu.memory_space<vmem>>, vector<16xi32>,
        tpu.vector_store %arg12[%swap3A_320, %swap3A_321], %add3A_319 {strides = array<i32>} : memref<2x80xi32, #tpu.memory_space<vmem>>, vector<16xi32>,
        %swap3A_323 = arith.index_cast %sub3A_202 : i32 to index
        %swap3A_324 = arith.constant 48 : index
        %swap3A_325 = tpu.vector_load %arg13[%swap3A_323, %swap3A_324] {strides = array<i32>} : memref<2x80xi32, #tpu.memory_space<vmem>>, vector<16xi32>,
        tpu.vector_store %arg13[%swap3A_323, %swap3A_324], %get3A_314 {strides = array<i32>} : memref<2x80xi32, #tpu.memory_space<vmem>>, vector<16xi32>,
        %get3A_326 = arith.constant 64 : index
        %get3A_327 = tpu.vector_load %arg9[%get3A_326] {strides = array<i32>} : memref<80xi32, #tpu.memory_space<vmem>>, vector<16xi32>,
        %get3A_328 = arith.constant 64 : index
        %get3A_329 = tpu.vector_load %arg10[%get3A_328] {strides = array<i32>} : memref<80xi32, #tpu.memory_space<vmem>>, vector<16xi32>,
        %add3A_330 = arith.addi %get3A_327, %broadcast_in_dim3A_54 : vector<16xi32>
        %swap3A_331 = arith.index_cast %sub3A_202 : i32 to index
        %swap3A_332 = arith.constant 64 : index
        %swap3A_333 = tpu.vector_load %arg11[%swap3A_331, %swap3A_332] {strides = array<i32>} : memref<2x80xi32, #tpu.memory_space<vmem>>, vector<16xi32>,
        tpu.vector_store %arg11[%swap3A_331, %swap3A_332], %add3A_330 {strides = array<i32>} : memref<2x80xi32, #tpu.memory_space<vmem>>, vector<16xi32>,
        %add3A_334 = arith.addi %get3A_329, %broadcast_in_dim3A_54 : vector<16xi32>
        %swap3A_335 = arith.index_cast %sub3A_202 : i32 to index
        %swap3A_336 = arith.constant 64 : index
        %swap3A_337 = tpu.vector_load %arg12[%swap3A_335, %swap3A_336] {strides = array<i32>} : memref<2x80xi32, #tpu.memory_space<vmem>>, vector<16xi32>,
        tpu.vector_store %arg12[%swap3A_335, %swap3A_336], %add3A_334 {strides = array<i32>} : memref<2x80xi32, #tpu.memory_space<vmem>>, vector<16xi32>,
        %swap3A_338 = arith.index_cast %sub3A_202 : i32 to index
        %swap3A_339 = arith.constant 64 : index
        %swap3A_340 = tpu.vector_load %arg13[%swap3A_338, %swap3A_339] {strides = array<i32>} : memref<2x80xi32, #tpu.memory_space<vmem>>, vector<16xi32>,
        tpu.vector_store %arg13[%swap3A_338, %swap3A_339], %get3A_329 {strides = array<i32>} : memref<2x80xi32, #tpu.memory_space<vmem>>, vector<16xi32>,
        %dma_start3A_341 = arith.constant 0 : i32
        %dma_start3A_342 = tpu.memref_slice %arg14[%mul3A_206, %dma_start3A_341] : memref<160x128xf32, #tpu.memory_space<vmem>> -> memref<80x128xf32, #tpu.memory_space<vmem>>
        %dma_start3A_343 = arith.constant 0 : i32
        %dma_start3A_344 = tpu.memref_slice %arg11[%sub3A_202, %dma_start3A_343] : memref<2x80xi32, #tpu.memory_space<vmem>> -> memref<1x80xi32, #tpu.memory_space<vmem>>
        %dma_start3A_345 = tpu.memref_squeeze %dma_start3A_344 : memref<1x80xi32, #tpu.memory_space<vmem>> -> memref<80xi32, #tpu.memory_space<vmem>>
        %dma_start3A_346 = arith.constant 0 : i32
        %dma_start3A_347 = arith.constant 0 : i32
        %dma_start3A_348 = tpu.memref_slice %arg2[%dma_start3A_346, %dma_start3A_347] : memref<20000x128xf32, #tpu.memory_space<hbm>> -> memref<20000x128xf32, #tpu.memory_space<hbm>>
        tpu.enqueue_indirect_dma source(%dma_start3A_348 : memref<20000x128xf32, #tpu.memory_space<hbm>>) target(%dma_start3A_342 : memref<80x128xf32, #tpu.memory_space<vmem>>) offsets(%dma_start3A_345 : memref<80xi32, #tpu.memory_space<vmem>>) semaphore(%arg21 : memref<!tpu.dma_semaphore, #tpu.memory_space<semaphore_mem>>)
      } else {
      }
      %dma_wait3A_234 = arith.constant 0 : i32
      %dma_wait3A_235 = tpu.memref_slice %arg12[%and3A_200, %dma_wait3A_234] : memref<2x80xi32, #tpu.memory_space<vmem>> -> memref<1x80xi32, #tpu.memory_space<vmem>>
      %dma_wait3A_236 = tpu.memref_squeeze %dma_wait3A_235 : memref<1x80xi32, #tpu.memory_space<vmem>> -> memref<80xi32, #tpu.memory_space<vmem>>
      %dma_wait3A_237 = arith.constant 0 : i32
      %dma_wait3A_238 = arith.constant 0 : i32
      %dma_wait3A_239 = tpu.memref_slice %arg3[%dma_wait3A_237, %dma_wait3A_238] : memref<20000x128xf32, #tpu.memory_space<hbm>> -> memref<20000x128xf32, #tpu.memory_space<hbm>>
      tpu.wait_indirect_dma semaphore(%arg22 : memref<!tpu.dma_semaphore, #tpu.memory_space<semaphore_mem>>) src(%dma_wait3A_239 : memref<20000x128xf32, #tpu.memory_space<hbm>>) dst(%arg15 : memref<80x128xf32, #tpu.memory_space<vmem>>)
      %parallel_loop3A = arith.constant 0 : i32
      %parallel_loop3A_240 = arith.constant 80 : i32
      %parallel_loop3A_241 = arith.constant 1 : i32
      scf.for %parallel_loop3A_258 = %parallel_loop3A to %parallel_loop3A_240 step %parallel_loop3A_241  : i32 {
        %parallel_loop3A_259 = arith.addi %mul3A_204, %parallel_loop3A_258 : i32
        %parallel_loop3A_260 = vector.broadcast %parallel_loop3A_259 : i32 to vector<16xi32>
        %parallel_loop3A_261 = arith.index_cast %parallel_loop3A_259 : i32 to index
        %parallel_loop3A_262 = arith.constant 0 : index
        %parallel_loop3A_263 = tpu.vector_load %arg14[%parallel_loop3A_261, %parallel_loop3A_262] {strides = array<i32>} : memref<160x128xf32, #tpu.memory_space<vmem>>, vector<16xf32>,
        %parallel_loop3A_264 = arith.index_cast %parallel_loop3A_258 : i32 to index
        %parallel_loop3A_265 = arith.constant 0 : index
        %parallel_loop3A_266 = tpu.vector_load %arg15[%parallel_loop3A_264, %parallel_loop3A_265] {strides = array<i32>} : memref<80x128xf32, #tpu.memory_space<vmem>>, vector<16xf32>,
        %parallel_loop3A_267 = arith.addf %parallel_loop3A_263, %parallel_loop3A_266 : vector<16xf32>
        %parallel_loop3A_268 = arith.constant 2.000000e-01 : f32
        %parallel_loop3A_269 = vector.broadcast %parallel_loop3A_268 : f32 to vector<16xf32>
        %parallel_loop3A_270 = arith.mulf %parallel_loop3A_269, %parallel_loop3A_267 : vector<16xf32>
        %parallel_loop3A_271 = arith.maximumf %parallel_loop3A_267, %parallel_loop3A_270 : vector<16xf32>
        %parallel_loop3A_272 = arith.mulf %parallel_loop3A_271, %get3A_23 : vector<16xf32>
        %parallel_loop3A_273 = arith.addf %broadcast_in_dim3A_0, %parallel_loop3A_272 : vector<16xf32>
        %parallel_loop3A_274 = arith.index_cast %parallel_loop3A_259 : i32 to index
        %parallel_loop3A_275 = arith.constant 16 : index
        %parallel_loop3A_276 = tpu.vector_load %arg14[%parallel_loop3A_274, %parallel_loop3A_275] {strides = array<i32>} : memref<160x128xf32, #tpu.memory_space<vmem>>, vector<16xf32>,
        %parallel_loop3A_277 = arith.index_cast %parallel_loop3A_258 : i32 to index
        %parallel_loop3A_278 = arith.constant 16 : index
        %parallel_loop3A_279 = tpu.vector_load %arg15[%parallel_loop3A_277, %parallel_loop3A_278] {strides = array<i32>} : memref<80x128xf32, #tpu.memory_space<vmem>>, vector<16xf32>,
        %parallel_loop3A_280 = arith.addf %parallel_loop3A_276, %parallel_loop3A_279 : vector<16xf32>
        %parallel_loop3A_281 = arith.constant 2.000000e-01 : f32
        %parallel_loop3A_282 = vector.broadcast %parallel_loop3A_281 : f32 to vector<16xf32>
        %parallel_loop3A_283 = arith.mulf %parallel_loop3A_282, %parallel_loop3A_280 : vector<16xf32>
        %parallel_loop3A_284 = arith.maximumf %parallel_loop3A_280, %parallel_loop3A_283 : vector<16xf32>
        %parallel_loop3A_285 = arith.mulf %parallel_loop3A_284, %get3A_25 : vector<16xf32>
        %parallel_loop3A_286 = arith.addf %parallel_loop3A_273, %parallel_loop3A_285 : vector<16xf32>
        %parallel_loop3A_287 = arith.index_cast %parallel_loop3A_259 : i32 to index
        %parallel_loop3A_288 = arith.constant 32 : index
        %parallel_loop3A_289 = tpu.vector_load %arg14[%parallel_loop3A_287, %parallel_loop3A_288] {strides = array<i32>} : memref<160x128xf32, #tpu.memory_space<vmem>>, vector<16xf32>,
        %parallel_loop3A_290 = arith.index_cast %parallel_loop3A_258 : i32 to index
        %parallel_loop3A_291 = arith.constant 32 : index
        %parallel_loop3A_292 = tpu.vector_load %arg15[%parallel_loop3A_290, %parallel_loop3A_291] {strides = array<i32>} : memref<80x128xf32, #tpu.memory_space<vmem>>, vector<16xf32>,
        %parallel_loop3A_293 = arith.addf %parallel_loop3A_289, %parallel_loop3A_292 : vector<16xf32>
        %parallel_loop3A_294 = arith.constant 2.000000e-01 : f32
        %parallel_loop3A_295 = vector.broadcast %parallel_loop3A_294 : f32 to vector<16xf32>
        %parallel_loop3A_296 = arith.mulf %parallel_loop3A_295, %parallel_loop3A_293 : vector<16xf32>
        %parallel_loop3A_297 = arith.maximumf %parallel_loop3A_293, %parallel_loop3A_296 : vector<16xf32>
        %parallel_loop3A_298 = arith.mulf %parallel_loop3A_297, %get3A_27 : vector<16xf32>
        %parallel_loop3A_299 = arith.addf %parallel_loop3A_286, %parallel_loop3A_298 : vector<16xf32>
        %parallel_loop3A_300 = arith.index_cast %parallel_loop3A_259 : i32 to index
        %parallel_loop3A_301 = arith.constant 48 : index
        %parallel_loop3A_302 = tpu.vector_load %arg14[%parallel_loop3A_300, %parallel_loop3A_301] {strides = array<i32>} : memref<160x128xf32, #tpu.memory_space<vmem>>, vector<16xf32>,
        %parallel_loop3A_303 = arith.index_cast %parallel_loop3A_258 : i32 to index
        %parallel_loop3A_304 = arith.constant 48 : index
        %parallel_loop3A_305 = tpu.vector_load %arg15[%parallel_loop3A_303, %parallel_loop3A_304] {strides = array<i32>} : memref<80x128xf32, #tpu.memory_space<vmem>>, vector<16xf32>,
        %parallel_loop3A_306 = arith.addf %parallel_loop3A_302, %parallel_loop3A_305 : vector<16xf32>
        %parallel_loop3A_307 = arith.constant 2.000000e-01 : f32
        %parallel_loop3A_308 = vector.broadcast %parallel_loop3A_307 : f32 to vector<16xf32>
        %parallel_loop3A_309 = arith.mulf %parallel_loop3A_308, %parallel_loop3A_306 : vector<16xf32>
        %parallel_loop3A_310 = arith.maximumf %parallel_loop3A_306, %parallel_loop3A_309 : vector<16xf32>
        %parallel_loop3A_311 = arith.mulf %parallel_loop3A_310, %get3A_29 : vector<16xf32>
        %parallel_loop3A_312 = arith.addf %parallel_loop3A_299, %parallel_loop3A_311 : vector<16xf32>
        %parallel_loop3A_313 = arith.index_cast %parallel_loop3A_259 : i32 to index
        %parallel_loop3A_314 = arith.constant 64 : index
        %parallel_loop3A_315 = tpu.vector_load %arg14[%parallel_loop3A_313, %parallel_loop3A_314] {strides = array<i32>} : memref<160x128xf32, #tpu.memory_space<vmem>>, vector<16xf32>,
        %parallel_loop3A_316 = arith.index_cast %parallel_loop3A_258 : i32 to index
        %parallel_loop3A_317 = arith.constant 64 : index
        %parallel_loop3A_318 = tpu.vector_load %arg15[%parallel_loop3A_316, %parallel_loop3A_317] {strides = array<i32>} : memref<80x128xf32, #tpu.memory_space<vmem>>, vector<16xf32>,
        %parallel_loop3A_319 = arith.addf %parallel_loop3A_315, %parallel_loop3A_318 : vector<16xf32>
        %parallel_loop3A_320 = arith.constant 2.000000e-01 : f32
        %parallel_loop3A_321 = vector.broadcast %parallel_loop3A_320 : f32 to vector<16xf32>
        %parallel_loop3A_322 = arith.mulf %parallel_loop3A_321, %parallel_loop3A_319 : vector<16xf32>
        %parallel_loop3A_323 = arith.maximumf %parallel_loop3A_319, %parallel_loop3A_322 : vector<16xf32>
        %parallel_loop3A_324 = arith.mulf %parallel_loop3A_323, %get3A_31 : vector<16xf32>
        %parallel_loop3A_325 = arith.addf %parallel_loop3A_312, %parallel_loop3A_324 : vector<16xf32>
        %parallel_loop3A_326 = arith.index_cast %parallel_loop3A_259 : i32 to index
        %parallel_loop3A_327 = arith.constant 80 : index
        %parallel_loop3A_328 = tpu.vector_load %arg14[%parallel_loop3A_326, %parallel_loop3A_327] {strides = array<i32>} : memref<160x128xf32, #tpu.memory_space<vmem>>, vector<16xf32>,
        %parallel_loop3A_329 = arith.index_cast %parallel_loop3A_258 : i32 to index
        %parallel_loop3A_330 = arith.constant 80 : index
        %parallel_loop3A_331 = tpu.vector_load %arg15[%parallel_loop3A_329, %parallel_loop3A_330] {strides = array<i32>} : memref<80x128xf32, #tpu.memory_space<vmem>>, vector<16xf32>,
        %parallel_loop3A_332 = arith.addf %parallel_loop3A_328, %parallel_loop3A_331 : vector<16xf32>
        %parallel_loop3A_333 = arith.constant 2.000000e-01 : f32
        %parallel_loop3A_334 = vector.broadcast %parallel_loop3A_333 : f32 to vector<16xf32>
        %parallel_loop3A_335 = arith.mulf %parallel_loop3A_334, %parallel_loop3A_332 : vector<16xf32>
        %parallel_loop3A_336 = arith.maximumf %parallel_loop3A_332, %parallel_loop3A_335 : vector<16xf32>
        %parallel_loop3A_337 = arith.mulf %parallel_loop3A_336, %get3A_33 : vector<16xf32>
        %parallel_loop3A_338 = arith.addf %parallel_loop3A_325, %parallel_loop3A_337 : vector<16xf32>
        %parallel_loop3A_339 = arith.index_cast %parallel_loop3A_259 : i32 to index
        %parallel_loop3A_340 = arith.constant 96 : index
        %parallel_loop3A_341 = tpu.vector_load %arg14[%parallel_loop3A_339, %parallel_loop3A_340] {strides = array<i32>} : memref<160x128xf32, #tpu.memory_space<vmem>>, vector<16xf32>,
        %parallel_loop3A_342 = arith.index_cast %parallel_loop3A_258 : i32 to index
        %parallel_loop3A_343 = arith.constant 96 : index
        %parallel_loop3A_344 = tpu.vector_load %arg15[%parallel_loop3A_342, %parallel_loop3A_343] {strides = array<i32>} : memref<80x128xf32, #tpu.memory_space<vmem>>, vector<16xf32>,
        %parallel_loop3A_345 = arith.addf %parallel_loop3A_341, %parallel_loop3A_344 : vector<16xf32>
        %parallel_loop3A_346 = arith.constant 2.000000e-01 : f32
        %parallel_loop3A_347 = vector.broadcast %parallel_loop3A_346 : f32 to vector<16xf32>
        %parallel_loop3A_348 = arith.mulf %parallel_loop3A_347, %parallel_loop3A_345 : vector<16xf32>
        %parallel_loop3A_349 = arith.maximumf %parallel_loop3A_345, %parallel_loop3A_348 : vector<16xf32>
        %parallel_loop3A_350 = arith.mulf %parallel_loop3A_349, %get3A_35 : vector<16xf32>
        %parallel_loop3A_351 = arith.addf %parallel_loop3A_338, %parallel_loop3A_350 : vector<16xf32>
        %parallel_loop3A_352 = arith.index_cast %parallel_loop3A_259 : i32 to index
        %parallel_loop3A_353 = arith.constant 112 : index
        %parallel_loop3A_354 = tpu.vector_load %arg14[%parallel_loop3A_352, %parallel_loop3A_353] {strides = array<i32>} : memref<160x128xf32, #tpu.memory_space<vmem>>, vector<16xf32>,
        %parallel_loop3A_355 = arith.index_cast %parallel_loop3A_258 : i32 to index
        %parallel_loop3A_356 = arith.constant 112 : index
        %parallel_loop3A_357 = tpu.vector_load %arg15[%parallel_loop3A_355, %parallel_loop3A_356] {strides = array<i32>} : memref<80x128xf32, #tpu.memory_space<vmem>>, vector<16xf32>,
        %parallel_loop3A_358 = arith.addf %parallel_loop3A_354, %parallel_loop3A_357 : vector<16xf32>
        %parallel_loop3A_359 = arith.constant 2.000000e-01 : f32
        %parallel_loop3A_360 = vector.broadcast %parallel_loop3A_359 : f32 to vector<16xf32>
        %parallel_loop3A_361 = arith.mulf %parallel_loop3A_360, %parallel_loop3A_358 : vector<16xf32>
        %parallel_loop3A_362 = arith.maximumf %parallel_loop3A_358, %parallel_loop3A_361 : vector<16xf32>
        %parallel_loop3A_363 = arith.mulf %parallel_loop3A_362, %get3A_37 : vector<16xf32>
        %parallel_loop3A_364 = arith.addf %parallel_loop3A_351, %parallel_loop3A_363 : vector<16xf32>
        %parallel_loop3A_365 = arith.index_cast %parallel_loop3A_259 : i32 to index
        %parallel_loop3A_366 = arith.constant 0 : index
        %parallel_loop3A_367 = tpu.vector_load %arg16[%parallel_loop3A_365, %parallel_loop3A_366] {strides = array<i32>} : memref<160x16xf32, #tpu.memory_space<vmem>>, vector<16xf32>,
        tpu.vector_store %arg16[%parallel_loop3A_365, %parallel_loop3A_366], %parallel_loop3A_364 {strides = array<i32>} : memref<160x16xf32, #tpu.memory_space<vmem>>, vector<16xf32>,
        %parallel_loop3A_368 = tpu.vector_load_idx %arg16[%parallel_loop3A_260, %xor3A_42] : memref<160x16xf32, #tpu.memory_space<vmem>>[vector<16xi32>, vector<16xi32>], vector<16xf32>,
        %parallel_loop3A_369 = arith.addf %parallel_loop3A_364, %parallel_loop3A_368 : vector<16xf32>
        %parallel_loop3A_370 = arith.index_cast %parallel_loop3A_259 : i32 to index
        %parallel_loop3A_371 = arith.constant 0 : index
        %parallel_loop3A_372 = tpu.vector_load %arg16[%parallel_loop3A_370, %parallel_loop3A_371] {strides = array<i32>} : memref<160x16xf32, #tpu.memory_space<vmem>>, vector<16xf32>,
        tpu.vector_store %arg16[%parallel_loop3A_370, %parallel_loop3A_371], %parallel_loop3A_369 {strides = array<i32>} : memref<160x16xf32, #tpu.memory_space<vmem>>, vector<16xf32>,
        %parallel_loop3A_373 = tpu.vector_load_idx %arg16[%parallel_loop3A_260, %xor3A_45] : memref<160x16xf32, #tpu.memory_space<vmem>>[vector<16xi32>, vector<16xi32>], vector<16xf32>,
        %parallel_loop3A_374 = arith.addf %parallel_loop3A_369, %parallel_loop3A_373 : vector<16xf32>
        %parallel_loop3A_375 = arith.index_cast %parallel_loop3A_259 : i32 to index
        %parallel_loop3A_376 = arith.constant 0 : index
        %parallel_loop3A_377 = tpu.vector_load %arg16[%parallel_loop3A_375, %parallel_loop3A_376] {strides = array<i32>} : memref<160x16xf32, #tpu.memory_space<vmem>>, vector<16xf32>,
        tpu.vector_store %arg16[%parallel_loop3A_375, %parallel_loop3A_376], %parallel_loop3A_374 {strides = array<i32>} : memref<160x16xf32, #tpu.memory_space<vmem>>, vector<16xf32>,
        %parallel_loop3A_378 = tpu.vector_load_idx %arg16[%parallel_loop3A_260, %xor3A_48] : memref<160x16xf32, #tpu.memory_space<vmem>>[vector<16xi32>, vector<16xi32>], vector<16xf32>,
        %parallel_loop3A_379 = arith.addf %parallel_loop3A_374, %parallel_loop3A_378 : vector<16xf32>
        %parallel_loop3A_380 = arith.index_cast %parallel_loop3A_259 : i32 to index
        %parallel_loop3A_381 = arith.constant 0 : index
        %parallel_loop3A_382 = tpu.vector_load %arg16[%parallel_loop3A_380, %parallel_loop3A_381] {strides = array<i32>} : memref<160x16xf32, #tpu.memory_space<vmem>>, vector<16xf32>,
        tpu.vector_store %arg16[%parallel_loop3A_380, %parallel_loop3A_381], %parallel_loop3A_379 {strides = array<i32>} : memref<160x16xf32, #tpu.memory_space<vmem>>, vector<16xf32>,
        %parallel_loop3A_383 = tpu.vector_load_idx %arg16[%parallel_loop3A_260, %xor3A_51] : memref<160x16xf32, #tpu.memory_space<vmem>>[vector<16xi32>, vector<16xi32>], vector<16xf32>,
        %parallel_loop3A_384 = arith.addf %parallel_loop3A_379, %parallel_loop3A_383 : vector<16xf32>
        %parallel_loop3A_385 = math.exp %parallel_loop3A_384 : vector<16xf32>
        %parallel_loop3A_386 = arith.mulf %parallel_loop3A_263, %parallel_loop3A_385 : vector<16xf32>
        %parallel_loop3A_387 = arith.index_cast %parallel_loop3A_259 : i32 to index
        %parallel_loop3A_388 = arith.constant 0 : index
        %parallel_loop3A_389 = tpu.vector_load %arg14[%parallel_loop3A_387, %parallel_loop3A_388] {strides = array<i32>} : memref<160x128xf32, #tpu.memory_space<vmem>>, vector<16xf32>,
        tpu.vector_store %arg14[%parallel_loop3A_387, %parallel_loop3A_388], %parallel_loop3A_386 {strides = array<i32>} : memref<160x128xf32, #tpu.memory_space<vmem>>, vector<16xf32>,
        %parallel_loop3A_390 = arith.mulf %parallel_loop3A_276, %parallel_loop3A_385 : vector<16xf32>
        %parallel_loop3A_391 = arith.index_cast %parallel_loop3A_259 : i32 to index
        %parallel_loop3A_392 = arith.constant 16 : index
        %parallel_loop3A_393 = tpu.vector_load %arg14[%parallel_loop3A_391, %parallel_loop3A_392] {strides = array<i32>} : memref<160x128xf32, #tpu.memory_space<vmem>>, vector<16xf32>,
        tpu.vector_store %arg14[%parallel_loop3A_391, %parallel_loop3A_392], %parallel_loop3A_390 {strides = array<i32>} : memref<160x128xf32, #tpu.memory_space<vmem>>, vector<16xf32>,
        %parallel_loop3A_394 = arith.mulf %parallel_loop3A_289, %parallel_loop3A_385 : vector<16xf32>
        %parallel_loop3A_395 = arith.index_cast %parallel_loop3A_259 : i32 to index
        %parallel_loop3A_396 = arith.constant 32 : index
        %parallel_loop3A_397 = tpu.vector_load %arg14[%parallel_loop3A_395, %parallel_loop3A_396] {strides = array<i32>} : memref<160x128xf32, #tpu.memory_space<vmem>>, vector<16xf32>,
        tpu.vector_store %arg14[%parallel_loop3A_395, %parallel_loop3A_396], %parallel_loop3A_394 {strides = array<i32>} : memref<160x128xf32, #tpu.memory_space<vmem>>, vector<16xf32>,
        %parallel_loop3A_398 = arith.mulf %parallel_loop3A_302, %parallel_loop3A_385 : vector<16xf32>
        %parallel_loop3A_399 = arith.index_cast %parallel_loop3A_259 : i32 to index
        %parallel_loop3A_400 = arith.constant 48 : index
        %parallel_loop3A_401 = tpu.vector_load %arg14[%parallel_loop3A_399, %parallel_loop3A_400] {strides = array<i32>} : memref<160x128xf32, #tpu.memory_space<vmem>>, vector<16xf32>,
        tpu.vector_store %arg14[%parallel_loop3A_399, %parallel_loop3A_400], %parallel_loop3A_398 {strides = array<i32>} : memref<160x128xf32, #tpu.memory_space<vmem>>, vector<16xf32>,
        %parallel_loop3A_402 = arith.mulf %parallel_loop3A_315, %parallel_loop3A_385 : vector<16xf32>
        %parallel_loop3A_403 = arith.index_cast %parallel_loop3A_259 : i32 to index
        %parallel_loop3A_404 = arith.constant 64 : index
        %parallel_loop3A_405 = tpu.vector_load %arg14[%parallel_loop3A_403, %parallel_loop3A_404] {strides = array<i32>} : memref<160x128xf32, #tpu.memory_space<vmem>>, vector<16xf32>,
        tpu.vector_store %arg14[%parallel_loop3A_403, %parallel_loop3A_404], %parallel_loop3A_402 {strides = array<i32>} : memref<160x128xf32, #tpu.memory_space<vmem>>, vector<16xf32>,
        %parallel_loop3A_406 = arith.mulf %parallel_loop3A_328, %parallel_loop3A_385 : vector<16xf32>
        %parallel_loop3A_407 = arith.index_cast %parallel_loop3A_259 : i32 to index
        %parallel_loop3A_408 = arith.constant 80 : index
        %parallel_loop3A_409 = tpu.vector_load %arg14[%parallel_loop3A_407, %parallel_loop3A_408] {strides = array<i32>} : memref<160x128xf32, #tpu.memory_space<vmem>>, vector<16xf32>,
        tpu.vector_store %arg14[%parallel_loop3A_407, %parallel_loop3A_408], %parallel_loop3A_406 {strides = array<i32>} : memref<160x128xf32, #tpu.memory_space<vmem>>, vector<16xf32>,
        %parallel_loop3A_410 = arith.mulf %parallel_loop3A_341, %parallel_loop3A_385 : vector<16xf32>
        %parallel_loop3A_411 = arith.index_cast %parallel_loop3A_259 : i32 to index
        %parallel_loop3A_412 = arith.constant 96 : index
        %parallel_loop3A_413 = tpu.vector_load %arg14[%parallel_loop3A_411, %parallel_loop3A_412] {strides = array<i32>} : memref<160x128xf32, #tpu.memory_space<vmem>>, vector<16xf32>,
        tpu.vector_store %arg14[%parallel_loop3A_411, %parallel_loop3A_412], %parallel_loop3A_410 {strides = array<i32>} : memref<160x128xf32, #tpu.memory_space<vmem>>, vector<16xf32>,
        %parallel_loop3A_414 = arith.mulf %parallel_loop3A_354, %parallel_loop3A_385 : vector<16xf32>
        %parallel_loop3A_415 = arith.index_cast %parallel_loop3A_259 : i32 to index
        %parallel_loop3A_416 = arith.constant 112 : index
        %parallel_loop3A_417 = tpu.vector_load %arg14[%parallel_loop3A_415, %parallel_loop3A_416] {strides = array<i32>} : memref<160x128xf32, #tpu.memory_space<vmem>>, vector<16xf32>,
        tpu.vector_store %arg14[%parallel_loop3A_415, %parallel_loop3A_416], %parallel_loop3A_414 {strides = array<i32>} : memref<160x128xf32, #tpu.memory_space<vmem>>, vector<16xf32>,
        %parallel_loop3A_418 = arith.select %eq3A_40, %parallel_loop3A_385, %broadcast_in_dim3A_0 : vector<16xi1>, vector<16xf32>
        %parallel_loop3A_419 = arith.index_cast %parallel_loop3A_259 : i32 to index
        %parallel_loop3A_420 = arith.constant 0 : index
        %parallel_loop3A_421 = tpu.vector_load %arg16[%parallel_loop3A_419, %parallel_loop3A_420] {strides = array<i32>} : memref<160x16xf32, #tpu.memory_space<vmem>>, vector<16xf32>,
        tpu.vector_store %arg16[%parallel_loop3A_419, %parallel_loop3A_420], %parallel_loop3A_418 {strides = array<i32>} : memref<160x16xf32, #tpu.memory_space<vmem>>, vector<16xf32>,
      } {sc.loop_unroll_factor = 3 : i64, sc.parallel_access}
      %dma_start3A_242 = arith.constant 0 : i32
      %dma_start3A_243 = tpu.memref_slice %arg16[%mul3A_204, %dma_start3A_242] : memref<160x16xf32, #tpu.memory_space<vmem>> -> memref<80x16xf32, #tpu.memory_space<vmem>>
      %dma_start3A_244 = arith.constant 0 : i32
      %dma_start3A_245 = tpu.memref_slice %arg13[%and3A_200, %dma_start3A_244] : memref<2x80xi32, #tpu.memory_space<vmem>> -> memref<1x80xi32, #tpu.memory_space<vmem>>
      %dma_start3A_246 = tpu.memref_squeeze %dma_start3A_245 : memref<1x80xi32, #tpu.memory_space<vmem>> -> memref<80xi32, #tpu.memory_space<vmem>>
      %dma_start3A_247 = arith.constant 0 : i32
      %dma_start3A_248 = arith.constant 0 : i32
      %dma_start3A_249 = tpu.memref_slice %arg20[%dma_start3A_247, %dma_start3A_248] : memref<10000x16xf32, #tpu.memory_space<vmem_shared>> -> memref<10000x16xf32, #tpu.memory_space<vmem_shared>>
      tpu.enqueue_indirect_dma source(%dma_start3A_243 : memref<80x16xf32, #tpu.memory_space<vmem>>) target(%dma_start3A_249 : memref<10000x16xf32, #tpu.memory_space<vmem_shared>>) offsets(%dma_start3A_246 : memref<80xi32, #tpu.memory_space<vmem>>) semaphore(%arg23 : memref<!tpu.dma_semaphore, #tpu.memory_space<semaphore_mem>>) {add = true}
      %dma_start3A_250 = arith.constant 0 : i32
      %dma_start3A_251 = tpu.memref_slice %arg14[%mul3A_204, %dma_start3A_250] : memref<160x128xf32, #tpu.memory_space<vmem>> -> memref<80x128xf32, #tpu.memory_space<vmem>>
      %dma_start3A_252 = arith.constant 0 : i32
      %dma_start3A_253 = tpu.memref_slice %arg13[%and3A_200, %dma_start3A_252] : memref<2x80xi32, #tpu.memory_space<vmem>> -> memref<1x80xi32, #tpu.memory_space<vmem>>
      %dma_start3A_254 = tpu.memref_squeeze %dma_start3A_253 : memref<1x80xi32, #tpu.memory_space<vmem>> -> memref<80xi32, #tpu.memory_space<vmem>>
      %dma_start3A_255 = arith.constant 0 : i32
      %dma_start3A_256 = arith.constant 0 : i32
      %dma_start3A_257 = tpu.memref_slice %arg19[%dma_start3A_255, %dma_start3A_256] : memref<10000x128xf32, #tpu.memory_space<vmem_shared>> -> memref<10000x128xf32, #tpu.memory_space<vmem_shared>>
      tpu.enqueue_indirect_dma source(%dma_start3A_251 : memref<80x128xf32, #tpu.memory_space<vmem>>) target(%dma_start3A_257 : memref<10000x128xf32, #tpu.memory_space<vmem_shared>>) offsets(%dma_start3A_254 : memref<80xi32, #tpu.memory_space<vmem>>) semaphore(%arg23 : memref<!tpu.dma_semaphore, #tpu.memory_space<semaphore_mem>>) {add = true}
    }
    %scan3A_160 = arith.constant 125 : i32
    %dma_wait3A = arith.constant 0 : i32
    %dma_wait3A_161 = arith.constant 0 : i32
    %dma_wait3A_162 = tpu.memref_slice %arg14[%dma_wait3A, %dma_wait3A_161] : memref<160x128xf32, #tpu.memory_space<vmem>> -> memref<80x128xf32, #tpu.memory_space<vmem>>
    %dma_wait3A_163 = arith.constant 0 : i32
    %dma_wait3A_164 = arith.constant 0 : i32
    %dma_wait3A_165 = tpu.memref_slice %arg2[%dma_wait3A_163, %dma_wait3A_164] : memref<20000x128xf32, #tpu.memory_space<hbm>> -> memref<80x128xf32, #tpu.memory_space<hbm>>
    %dma_wait3A_166 = arith.constant 0 : i32
    %dma_wait3A_167 = arith.constant 0 : i32
    %dma_wait3A_168 = tpu.memref_slice %arg14[%dma_wait3A_166, %dma_wait3A_167] : memref<160x128xf32, #tpu.memory_space<vmem>> -> memref<80x128xf32, #tpu.memory_space<vmem>>
    %dma_wait3A_169 = arith.constant 0 : i32
    %dma_wait3A_170 = arith.constant 0 : i32
    %dma_wait3A_171 = tpu.memref_slice %arg2[%dma_wait3A_169, %dma_wait3A_170] : memref<20000x128xf32, #tpu.memory_space<hbm>> -> memref<80x128xf32, #tpu.memory_space<hbm>>
    tpu.wait_dma2 semaphore(%arg23 : memref<!tpu.dma_semaphore, #tpu.memory_space<semaphore_mem>>) src(%dma_wait3A_171 : memref<80x128xf32, #tpu.memory_space<hbm>>) dst(%dma_wait3A_168 : memref<80x128xf32, #tpu.memory_space<vmem>>)
    %dma_wait3A_172 = arith.constant 0 : i32
    %dma_wait3A_173 = arith.constant 0 : i32
    %dma_wait3A_174 = arith.constant 0 : i32
    %dma_wait3A_175 = tpu.memref_slice %arg16[%dma_wait3A_173, %dma_wait3A_174] : memref<160x16xf32, #tpu.memory_space<vmem>> -> memref<80x16xf32, #tpu.memory_space<vmem>>
    %dma_wait3A_176 = arith.constant 0 : i32
    %dma_wait3A_177 = arith.constant 0 : i32
    %dma_wait3A_178 = tpu.memref_slice %arg8[%dma_wait3A_172, %dma_wait3A_176, %dma_wait3A_177] : memref<2x10000x16xf32, #tpu.memory_space<hbm>> -> memref<1x10000x16xf32, #tpu.memory_space<hbm>>
    %dma_wait3A_179 = tpu.memref_squeeze %dma_wait3A_178 : memref<1x10000x16xf32, #tpu.memory_space<hbm>> -> memref<10000x16xf32, #tpu.memory_space<hbm>>
    %dma_wait3A_180 = arith.constant 0 : i32
    %dma_wait3A_181 = arith.constant 0 : i32
    %dma_wait3A_182 = tpu.memref_slice %dma_wait3A_179[%dma_wait3A_180, %dma_wait3A_181] : memref<10000x16xf32, #tpu.memory_space<hbm>> -> memref<80x16xf32, #tpu.memory_space<hbm>>
    %dma_wait3A_183 = arith.constant 0 : i32
    %dma_wait3A_184 = arith.constant 0 : i32
    %dma_wait3A_185 = tpu.memref_slice %arg16[%dma_wait3A_183, %dma_wait3A_184] : memref<160x16xf32, #tpu.memory_space<vmem>> -> memref<80x16xf32, #tpu.memory_space<vmem>>
    %dma_wait3A_186 = arith.constant 0 : i32
    %dma_wait3A_187 = arith.constant 0 : i32
    %dma_wait3A_188 = tpu.memref_slice %arg8[%dma_wait3A_172, %dma_wait3A_186, %dma_wait3A_187] : memref<2x10000x16xf32, #tpu.memory_space<hbm>> -> memref<1x10000x16xf32, #tpu.memory_space<hbm>>
    %dma_wait3A_189 = tpu.memref_squeeze %dma_wait3A_188 : memref<1x10000x16xf32, #tpu.memory_space<hbm>> -> memref<10000x16xf32, #tpu.memory_space<hbm>>
    %dma_wait3A_190 = arith.constant 0 : i32
    %dma_wait3A_191 = arith.constant 0 : i32
    %dma_wait3A_192 = tpu.memref_slice %dma_wait3A_189[%dma_wait3A_190, %dma_wait3A_191] : memref<10000x16xf32, #tpu.memory_space<hbm>> -> memref<80x16xf32, #tpu.memory_space<hbm>>
    tpu.wait_dma2 semaphore(%arg23 : memref<!tpu.dma_semaphore, #tpu.memory_space<semaphore_mem>>) src(%dma_wait3A_192 : memref<80x16xf32, #tpu.memory_space<hbm>>) dst(%dma_wait3A_185 : memref<80x16xf32, #tpu.memory_space<vmem>>)
    %barrier3A_193 = arith.constant 0 : index
    tpu.barrier barrier_id(%barrier3A_193)
    "tpu.region"() ({
      %run_scoped3A = tpu.sem_alloc : memref<!tpu.dma_semaphore, #tpu.memory_space<semaphore_mem>>
      %dma_start3A_199 = arith.constant 0 : i32
      %dma_start3A_200 = tpu.memref_slice %arg7[%arg0, %mul3A_6, %dma_start3A_199] : memref<2x10000x128xf32, #tpu.memory_space<hbm>> -> memref<1x624x128xf32, #tpu.memory_space<hbm>>
      %dma_start3A_201 = tpu.memref_squeeze %dma_start3A_200 : memref<1x624x128xf32, #tpu.memory_space<hbm>> -> memref<624x128xf32, #tpu.memory_space<hbm>>
      %dma_start3A_202 = arith.constant 0 : i32
      %dma_start3A_203 = tpu.memref_slice %arg19[%mul3A_6, %dma_start3A_202] : memref<10000x128xf32, #tpu.memory_space<vmem_shared>> -> memref<624x128xf32, #tpu.memory_space<vmem_shared>>
      tpu.enqueue_dma source(%dma_start3A_203 : memref<624x128xf32, #tpu.memory_space<vmem_shared>>) target(%dma_start3A_201 : memref<624x128xf32, #tpu.memory_space<hbm>>) target_semaphore(%run_scoped3A : memref<!tpu.dma_semaphore, #tpu.memory_space<semaphore_mem>>)
      %dma_wait3A_204 = arith.constant 0 : i32
      %dma_wait3A_205 = tpu.memref_slice %arg7[%arg0, %mul3A_6, %dma_wait3A_204] : memref<2x10000x128xf32, #tpu.memory_space<hbm>> -> memref<1x624x128xf32, #tpu.memory_space<hbm>>
      %dma_wait3A_206 = tpu.memref_squeeze %dma_wait3A_205 : memref<1x624x128xf32, #tpu.memory_space<hbm>> -> memref<624x128xf32, #tpu.memory_space<hbm>>
      %dma_wait3A_207 = arith.constant 0 : i32
      %dma_wait3A_208 = tpu.memref_slice %arg19[%mul3A_6, %dma_wait3A_207] : memref<10000x128xf32, #tpu.memory_space<vmem_shared>> -> memref<624x128xf32, #tpu.memory_space<vmem_shared>>
      tpu.wait_dma2 semaphore(%run_scoped3A : memref<!tpu.dma_semaphore, #tpu.memory_space<semaphore_mem>>) src(%dma_wait3A_208 : memref<624x128xf32, #tpu.memory_space<vmem_shared>>) dst(%dma_wait3A_206 : memref<624x128xf32, #tpu.memory_space<hbm>>)
      tpu.yield
    }) : () -> ()
    "tpu.region"() ({
      %run_scoped3A = tpu.sem_alloc : memref<!tpu.dma_semaphore, #tpu.memory_space<semaphore_mem>>
      %dma_start3A_199 = arith.constant 0 : i32
      %dma_start3A_200 = tpu.memref_slice %arg8[%arg0, %mul3A_6, %dma_start3A_199] : memref<2x10000x16xf32, #tpu.memory_space<hbm>> -> memref<1x624x16xf32, #tpu.memory_space<hbm>>
      %dma_start3A_201 = tpu.memref_squeeze %dma_start3A_200 : memref<1x624x16xf32, #tpu.memory_space<hbm>> -> memref<624x16xf32, #tpu.memory_space<hbm>>
      %dma_start3A_202 = arith.constant 0 : i32
      %dma_start3A_203 = tpu.memref_slice %arg20[%mul3A_6, %dma_start3A_202] : memref<10000x16xf32, #tpu.memory_space<vmem_shared>> -> memref<624x16xf32, #tpu.memory_space<vmem_shared>>
      tpu.enqueue_dma source(%dma_start3A_203 : memref<624x16xf32, #tpu.memory_space<vmem_shared>>) target(%dma_start3A_201 : memref<624x16xf32, #tpu.memory_space<hbm>>) target_semaphore(%run_scoped3A : memref<!tpu.dma_semaphore, #tpu.memory_space<semaphore_mem>>)
      %dma_wait3A_204 = arith.constant 0 : i32
      %dma_wait3A_205 = tpu.memref_slice %arg8[%arg0, %mul3A_6, %dma_wait3A_204] : memref<2x10000x16xf32, #tpu.memory_space<hbm>> -> memref<1x624x16xf32, #tpu.memory_space<hbm>>
      %dma_wait3A_206 = tpu.memref_squeeze %dma_wait3A_205 : memref<1x624x16xf32, #tpu.memory_space<hbm>> -> memref<624x16xf32, #tpu.memory_space<hbm>>
      %dma_wait3A_207 = arith.constant 0 : i32
      %dma_wait3A_208 = tpu.memref_slice %arg20[%mul3A_6, %dma_wait3A_207] : memref<10000x16xf32, #tpu.memory_space<vmem_shared>> -> memref<624x16xf32, #tpu.memory_space<vmem_shared>>
      tpu.wait_dma2 semaphore(%run_scoped3A : memref<!tpu.dma_semaphore, #tpu.memory_space<semaphore_mem>>) src(%dma_wait3A_208 : memref<624x16xf32, #tpu.memory_space<vmem_shared>>) dst(%dma_wait3A_206 : memref<624x16xf32, #tpu.memory_space<hbm>>)
      tpu.yield
    }) : () -> ()
    %eq3A_194 = arith.constant 15 : i32
    %eq3A_195 = arith.cmpi eq, %arg1, %eq3A_194 : i32
    %convert_element_type3A_196 = arith.extui %eq3A_195 : i1 to i32
    %cond3A_197 = arith.constant 0 : i32
    %cond3A_198 = arith.cmpi ne, %convert_element_type3A_196, %cond3A_197 : i32
    scf.if %cond3A_198 {
      "tpu.region"() ({
        %run_scoped3A = tpu.sem_alloc : memref<!tpu.dma_semaphore, #tpu.memory_space<semaphore_mem>>
        %dma_start3A_199 = arith.constant 9984 : i32
        %dma_start3A_200 = arith.constant 0 : i32
        %dma_start3A_201 = tpu.memref_slice %arg7[%arg0, %dma_start3A_199, %dma_start3A_200] : memref<2x10000x128xf32, #tpu.memory_space<hbm>> -> memref<1x16x128xf32, #tpu.memory_space<hbm>>
        %dma_start3A_202 = tpu.memref_squeeze %dma_start3A_201 : memref<1x16x128xf32, #tpu.memory_space<hbm>> -> memref<16x128xf32, #tpu.memory_space<hbm>>
        %dma_start3A_203 = arith.constant 9984 : i32
        %dma_start3A_204 = arith.constant 0 : i32
        %dma_start3A_205 = tpu.memref_slice %arg19[%dma_start3A_203, %dma_start3A_204] : memref<10000x128xf32, #tpu.memory_space<vmem_shared>> -> memref<16x128xf32, #tpu.memory_space<vmem_shared>>
        tpu.enqueue_dma source(%dma_start3A_205 : memref<16x128xf32, #tpu.memory_space<vmem_shared>>) target(%dma_start3A_202 : memref<16x128xf32, #tpu.memory_space<hbm>>) target_semaphore(%run_scoped3A : memref<!tpu.dma_semaphore, #tpu.memory_space<semaphore_mem>>)
        %dma_wait3A_206 = arith.constant 9984 : i32
        %dma_wait3A_207 = arith.constant 0 : i32
        %dma_wait3A_208 = tpu.memref_slice %arg7[%arg0, %dma_wait3A_206, %dma_wait3A_207] : memref<2x10000x128xf32, #tpu.memory_space<hbm>> -> memref<1x16x128xf32, #tpu.memory_space<hbm>>
        %dma_wait3A_209 = tpu.memref_squeeze %dma_wait3A_208 : memref<1x16x128xf32, #tpu.memory_space<hbm>> -> memref<16x128xf32, #tpu.memory_space<hbm>>
        %dma_wait3A_210 = arith.constant 9984 : i32
        %dma_wait3A_211 = arith.constant 0 : i32
        %dma_wait3A_212 = tpu.memref_slice %arg19[%dma_wait3A_210, %dma_wait3A_211] : memref<10000x128xf32, #tpu.memory_space<vmem_shared>> -> memref<16x128xf32, #tpu.memory_space<vmem_shared>>
        tpu.wait_dma2 semaphore(%run_scoped3A : memref<!tpu.dma_semaphore, #tpu.memory_space<semaphore_mem>>) src(%dma_wait3A_212 : memref<16x128xf32, #tpu.memory_space<vmem_shared>>) dst(%dma_wait3A_209 : memref<16x128xf32, #tpu.memory_space<hbm>>)
        tpu.yield
      }) : () -> ()
      "tpu.region"() ({
        %run_scoped3A = tpu.sem_alloc : memref<!tpu.dma_semaphore, #tpu.memory_space<semaphore_mem>>
        %dma_start3A_199 = arith.constant 9984 : i32
        %dma_start3A_200 = arith.constant 0 : i32
        %dma_start3A_201 = tpu.memref_slice %arg8[%arg0, %dma_start3A_199, %dma_start3A_200] : memref<2x10000x16xf32, #tpu.memory_space<hbm>> -> memref<1x16x16xf32, #tpu.memory_space<hbm>>
        %dma_start3A_202 = tpu.memref_squeeze %dma_start3A_201 : memref<1x16x16xf32, #tpu.memory_space<hbm>> -> memref<16x16xf32, #tpu.memory_space<hbm>>
        %dma_start3A_203 = arith.constant 9984 : i32
        %dma_start3A_204 = arith.constant 0 : i32
        %dma_start3A_205 = tpu.memref_slice %arg20[%dma_start3A_203, %dma_start3A_204] : memref<10000x16xf32, #tpu.memory_space<vmem_shared>> -> memref<16x16xf32, #tpu.memory_space<vmem_shared>>
        tpu.enqueue_dma source(%dma_start3A_205 : memref<16x16xf32, #tpu.memory_space<vmem_shared>>) target(%dma_start3A_202 : memref<16x16xf32, #tpu.memory_space<hbm>>) target_semaphore(%run_scoped3A : memref<!tpu.dma_semaphore, #tpu.memory_space<semaphore_mem>>)
        %dma_wait3A_206 = arith.constant 9984 : i32
        %dma_wait3A_207 = arith.constant 0 : i32
        %dma_wait3A_208 = tpu.memref_slice %arg8[%arg0, %dma_wait3A_206, %dma_wait3A_207] : memref<2x10000x16xf32, #tpu.memory_space<hbm>> -> memref<1x16x16xf32, #tpu.memory_space<hbm>>
        %dma_wait3A_209 = tpu.memref_squeeze %dma_wait3A_208 : memref<1x16x16xf32, #tpu.memory_space<hbm>> -> memref<16x16xf32, #tpu.memory_space<hbm>>
        %dma_wait3A_210 = arith.constant 9984 : i32
        %dma_wait3A_211 = arith.constant 0 : i32
        %dma_wait3A_212 = tpu.memref_slice %arg20[%dma_wait3A_210, %dma_wait3A_211] : memref<10000x16xf32, #tpu.memory_space<vmem_shared>> -> memref<16x16xf32, #tpu.memory_space<vmem_shared>>
        tpu.wait_dma2 semaphore(%run_scoped3A : memref<!tpu.dma_semaphore, #tpu.memory_space<semaphore_mem>>) src(%dma_wait3A_212 : memref<16x16xf32, #tpu.memory_space<vmem_shared>>) dst(%dma_wait3A_209 : memref<16x16xf32, #tpu.memory_space<hbm>>)
        tpu.yield
      }) : () -> ()
    } else {
    }
    return
  }
}

module attributes {stable_mosaic.version = 14 : i64} {
  func.func @_stage1_body(%arg0: i32, %arg1: memref<1000x256xf32, #tpu.memory_space<vmem>>, %arg2: memref<1000x256xf32, #tpu.memory_space<vmem>>, %arg3: memref<256x640xf32, #tpu.memory_space<vmem>>, %arg4: memref<256x640xf32, #tpu.memory_space<vmem>>, %arg5: memref<2x1000x128xf32, #tpu.memory_space<vmem>>, %arg6: memref<2x1000x128xf32, #tpu.memory_space<vmem>>, %arg7: memref<2x1000x128xf32, #tpu.memory_space<vmem>>, %arg8: memref<2x1000x128xf32, #tpu.memory_space<vmem>>, %arg9: memref<1000x128xf32, #tpu.memory_space<vmem>>, %arg10: memref<1000x128xf32, #tpu.memory_space<vmem>>) attributes {dimension_semantics = [#tpu.dimension_semantics<arbitrary>], iteration_bounds = array<i64: 10>, scalar_prefetch = 0 : i64, scratch_operands = 0 : i64, tpu.core_type = #tpu.core_type<tc>, window_params = [{transform_indices = @transform_0, window_bounds = array<i64: 1000, 256>}, {transform_indices = @transform_1, window_bounds = array<i64: 1000, 256>}, {pipeline_mode = #tpu.pipeline_mode<synchronous>, transform_indices = @transform_2, window_bounds = array<i64: 256, 640>}, {pipeline_mode = #tpu.pipeline_mode<synchronous>, transform_indices = @transform_3, window_bounds = array<i64: 256, 640>}, {transform_indices = @transform_4, window_bounds = array<i64: 2, 1000, 128>}, {transform_indices = @transform_5, window_bounds = array<i64: 2, 1000, 128>}, {transform_indices = @transform_6, window_bounds = array<i64: 2, 1000, 128>}, {transform_indices = @transform_7, window_bounds = array<i64: 2, 1000, 128>}, {transform_indices = @transform_8, window_bounds = array<i64: 1000, 128>}, {transform_indices = @transform_9, window_bounds = array<i64: 1000, 128>}]} {
    %get3A = arith.constant 0 : index
    %get3A_0 = arith.constant 0 : index
    %get3A_1 = vector.load %arg1[%get3A, %get3A_0] : memref<1000x256xf32, #tpu.memory_space<vmem>>, vector<1000x256xf32>
    %get3A_2 = arith.constant 0 : index
    %get3A_3 = arith.constant 0 : index
    %get3A_4 = vector.load %arg3[%get3A_2, %get3A_3] : memref<256x640xf32, #tpu.memory_space<vmem>>, vector<256x640xf32>
    %dot_general3A = arith.constant dense<0.000000e+00> : vector<1000x640xf32>
    %dot_general3A_5 = tpu.matmul %get3A_1, %get3A_4, %dot_general3A {dimension_numbers = #tpu.dot_dimension_numbers<[1], [0], [0], [1], [0, 0, 1, 1], [], []>, transpose_lhs_hint = false} : vector<1000x256xf32>, vector<256x640xf32>, vector<1000x640xf32> -> vector<1000x640xf32>
    %get3A_6 = arith.constant 0 : index
    %get3A_7 = arith.constant 0 : index
    %get3A_8 = vector.load %arg2[%get3A_6, %get3A_7] : memref<1000x256xf32, #tpu.memory_space<vmem>>, vector<1000x256xf32>
    %get3A_9 = arith.constant 0 : index
    %get3A_10 = arith.constant 0 : index
    %get3A_11 = vector.load %arg4[%get3A_9, %get3A_10] : memref<256x640xf32, #tpu.memory_space<vmem>>, vector<256x640xf32>
    %dot_general3A_12 = arith.constant dense<0.000000e+00> : vector<1000x640xf32>
    %dot_general3A_13 = tpu.matmul %get3A_8, %get3A_11, %dot_general3A_12 {dimension_numbers = #tpu.dot_dimension_numbers<[1], [0], [0], [1], [0, 0, 1, 1], [], []>, transpose_lhs_hint = false} : vector<1000x256xf32>, vector<256x640xf32>, vector<1000x640xf32> -> vector<1000x640xf32>
    %slice3A = vector.extract_strided_slice %dot_general3A_5 {offsets = [0, 0], sizes = [1000, 256], strides = [1, 1]} : vector<1000x640xf32> to vector<1000x256xf32>
    %reshape3A = vector.shape_cast %slice3A : vector<1000x256xf32> to vector<1000x2x128xf32>
    %transpose3A = tpu.transpose %reshape3A, [1, 0, 2] : vector<1000x2x128xf32> -> vector<2x1000x128xf32>
    %swap3A = arith.constant 0 : index
    %swap3A_14 = arith.constant 0 : index
    %swap3A_15 = arith.constant 0 : index
    %swap3A_16 = vector.load %arg5[%swap3A, %swap3A_14, %swap3A_15] : memref<2x1000x128xf32, #tpu.memory_space<vmem>>, vector<2x1000x128xf32>
    tpu.vector_store %arg5[%swap3A, %swap3A_14, %swap3A_15], %transpose3A {strides = array<i32>} : memref<2x1000x128xf32, #tpu.memory_space<vmem>>, vector<2x1000x128xf32>,
    %slice3A_17 = vector.extract_strided_slice %dot_general3A_5 {offsets = [0, 256], sizes = [1000, 256], strides = [1, 1]} : vector<1000x640xf32> to vector<1000x256xf32>
    %reshape3A_18 = vector.shape_cast %slice3A_17 : vector<1000x256xf32> to vector<1000x2x128xf32>
    %transpose3A_19 = tpu.transpose %reshape3A_18, [1, 0, 2] : vector<1000x2x128xf32> -> vector<2x1000x128xf32>
    %swap3A_20 = arith.constant 0 : index
    %swap3A_21 = arith.constant 0 : index
    %swap3A_22 = arith.constant 0 : index
    %swap3A_23 = vector.load %arg8[%swap3A_20, %swap3A_21, %swap3A_22] : memref<2x1000x128xf32, #tpu.memory_space<vmem>>, vector<2x1000x128xf32>
    tpu.vector_store %arg8[%swap3A_20, %swap3A_21, %swap3A_22], %transpose3A_19 {strides = array<i32>} : memref<2x1000x128xf32, #tpu.memory_space<vmem>>, vector<2x1000x128xf32>,
    %slice3A_24 = vector.extract_strided_slice %dot_general3A_5 {offsets = [0, 512], sizes = [1000, 128], strides = [1, 1]} : vector<1000x640xf32> to vector<1000x128xf32>
    %swap3A_25 = arith.constant 0 : index
    %swap3A_26 = arith.constant 0 : index
    %swap3A_27 = vector.load %arg9[%swap3A_25, %swap3A_26] : memref<1000x128xf32, #tpu.memory_space<vmem>>, vector<1000x128xf32>
    tpu.vector_store %arg9[%swap3A_25, %swap3A_26], %slice3A_24 {strides = array<i32>} : memref<1000x128xf32, #tpu.memory_space<vmem>>, vector<1000x128xf32>,
    %slice3A_28 = vector.extract_strided_slice %dot_general3A_13 {offsets = [0, 0], sizes = [1000, 256], strides = [1, 1]} : vector<1000x640xf32> to vector<1000x256xf32>
    %reshape3A_29 = vector.shape_cast %slice3A_28 : vector<1000x256xf32> to vector<1000x2x128xf32>
    %transpose3A_30 = tpu.transpose %reshape3A_29, [1, 0, 2] : vector<1000x2x128xf32> -> vector<2x1000x128xf32>
    %swap3A_31 = arith.constant 0 : index
    %swap3A_32 = arith.constant 0 : index
    %swap3A_33 = arith.constant 0 : index
    %swap3A_34 = vector.load %arg7[%swap3A_31, %swap3A_32, %swap3A_33] : memref<2x1000x128xf32, #tpu.memory_space<vmem>>, vector<2x1000x128xf32>
    tpu.vector_store %arg7[%swap3A_31, %swap3A_32, %swap3A_33], %transpose3A_30 {strides = array<i32>} : memref<2x1000x128xf32, #tpu.memory_space<vmem>>, vector<2x1000x128xf32>,
    %slice3A_35 = vector.extract_strided_slice %dot_general3A_13 {offsets = [0, 256], sizes = [1000, 256], strides = [1, 1]} : vector<1000x640xf32> to vector<1000x256xf32>
    %reshape3A_36 = vector.shape_cast %slice3A_35 : vector<1000x256xf32> to vector<1000x2x128xf32>
    %transpose3A_37 = tpu.transpose %reshape3A_36, [1, 0, 2] : vector<1000x2x128xf32> -> vector<2x1000x128xf32>
    %swap3A_38 = arith.constant 0 : index
    %swap3A_39 = arith.constant 0 : index
    %swap3A_40 = arith.constant 0 : index
    %swap3A_41 = vector.load %arg6[%swap3A_38, %swap3A_39, %swap3A_40] : memref<2x1000x128xf32, #tpu.memory_space<vmem>>, vector<2x1000x128xf32>
    tpu.vector_store %arg6[%swap3A_38, %swap3A_39, %swap3A_40], %transpose3A_37 {strides = array<i32>} : memref<2x1000x128xf32, #tpu.memory_space<vmem>>, vector<2x1000x128xf32>,
    %slice3A_42 = vector.extract_strided_slice %dot_general3A_13 {offsets = [0, 512], sizes = [1000, 128], strides = [1, 1]} : vector<1000x640xf32> to vector<1000x128xf32>
    %swap3A_43 = arith.constant 0 : index
    %swap3A_44 = arith.constant 0 : index
    %swap3A_45 = vector.load %arg10[%swap3A_43, %swap3A_44] : memref<1000x128xf32, #tpu.memory_space<vmem>>, vector<1000x128xf32>
    tpu.vector_store %arg10[%swap3A_43, %swap3A_44], %slice3A_42 {strides = array<i32>} : memref<1000x128xf32, #tpu.memory_space<vmem>>, vector<1000x128xf32>,
    return
  }
  func.func @transform_0(%arg0: i32) -> (i32, i32) {
    %c0_i32 = arith.constant 0 : i32
    %c0_i32_0 = arith.constant 0 : i32
    return %arg0, %c0_i32 : i32, i32
  }
  func.func @transform_1(%arg0: i32) -> (i32, i32) {
    %c0_i32 = arith.constant 0 : i32
    %c0_i32_0 = arith.constant 0 : i32
    return %arg0, %c0_i32 : i32, i32
  }
  func.func @transform_2(%arg0: i32) -> (i32, i32) {
    %c0_i32 = arith.constant 0 : i32
    %c0_i32_0 = arith.constant 0 : i32
    %c0_i32_1 = arith.constant 0 : i32
    return %c0_i32, %c0_i32_0 : i32, i32
  }
  func.func @transform_3(%arg0: i32) -> (i32, i32) {
    %c0_i32 = arith.constant 0 : i32
    %c0_i32_0 = arith.constant 0 : i32
    %c0_i32_1 = arith.constant 0 : i32
    return %c0_i32, %c0_i32_0 : i32, i32
  }
  func.func @transform_4(%arg0: i32) -> (i32, i32, i32) {
    %c0_i32 = arith.constant 0 : i32
    %c0_i32_0 = arith.constant 0 : i32
    %c0_i32_1 = arith.constant 0 : i32
    return %c0_i32, %arg0, %c0_i32_0 : i32, i32, i32
  }
  func.func @transform_5(%arg0: i32) -> (i32, i32, i32) {
    %c0_i32 = arith.constant 0 : i32
    %c0_i32_0 = arith.constant 0 : i32
    %c0_i32_1 = arith.constant 0 : i32
    return %c0_i32, %arg0, %c0_i32_0 : i32, i32, i32
  }
  func.func @transform_6(%arg0: i32) -> (i32, i32, i32) {
    %c0_i32 = arith.constant 0 : i32
    %c0_i32_0 = arith.constant 0 : i32
    %c0_i32_1 = arith.constant 0 : i32
    return %c0_i32, %arg0, %c0_i32_0 : i32, i32, i32
  }
  func.func @transform_7(%arg0: i32) -> (i32, i32, i32) {
    %c0_i32 = arith.constant 0 : i32
    %c0_i32_0 = arith.constant 0 : i32
    %c0_i32_1 = arith.constant 0 : i32
    return %c0_i32, %arg0, %c0_i32_0 : i32, i32, i32
  }
  func.func @transform_8(%arg0: i32) -> (i32, i32) {
    %c0_i32 = arith.constant 0 : i32
    %c0_i32_0 = arith.constant 0 : i32
    return %arg0, %c0_i32 : i32, i32
  }
  func.func @transform_9(%arg0: i32) -> (i32, i32) {
    %c0_i32 = arith.constant 0 : i32
    %c0_i32_0 = arith.constant 0 : i32
    return %arg0, %c0_i32 : i32, i32
  }
}

module attributes {stable_mosaic.version = 14 : i64} {
  func.func @_stage3_body(%arg0: memref<2x10000x128xf32, #tpu.memory_space<vmem>>, %arg1: memref<2x10000x16xf32, #tpu.memory_space<vmem>>, %arg2: memref<10000x128xf32, #tpu.memory_space<vmem>>, %arg3: memref<1x128xf32, #tpu.memory_space<vmem>>, %arg4: memref<1x128xf32, #tpu.memory_space<vmem>>, %arg5: memref<1x128xf32, #tpu.memory_space<vmem>>, %arg6: memref<10000x128xf32, #tpu.memory_space<vmem>>) attributes {dimension_semantics = [], scalar_prefetch = 0 : i64, scratch_operands = 0 : i64, tpu.core_type = #tpu.core_type<tc>} {
    %get3A = arith.constant 0 : index
    %get3A_0 = arith.constant 0 : index
    %get3A_1 = arith.constant 0 : index
    %get3A_2 = vector.load %arg1[%get3A, %get3A_0, %get3A_1] : memref<2x10000x16xf32, #tpu.memory_space<vmem>>, vector<1x10000x1xf32>
    %get3A_3 = vector.shape_cast %get3A_2 : vector<1x10000x1xf32> to vector<10000x1xf32>
    %add3A = arith.constant 1.000000e-16 : f32
    %add3A_4 = vector.broadcast %add3A : f32 to vector<10000x1xf32>
    %add3A_5 = arith.addf %get3A_3, %add3A_4 : vector<10000x1xf32>
    %get3A_6 = arith.constant 1 : index
    %get3A_7 = arith.constant 0 : index
    %get3A_8 = arith.constant 0 : index
    %get3A_9 = vector.load %arg1[%get3A_6, %get3A_7, %get3A_8] : memref<2x10000x16xf32, #tpu.memory_space<vmem>>, vector<1x10000x1xf32>
    %get3A_10 = vector.shape_cast %get3A_9 : vector<1x10000x1xf32> to vector<10000x1xf32>
    %add3A_11 = arith.constant 1.000000e-16 : f32
    %add3A_12 = vector.broadcast %add3A_11 : f32 to vector<10000x1xf32>
    %add3A_13 = arith.addf %get3A_10, %add3A_12 : vector<10000x1xf32>
    %get3A_14 = arith.constant 0 : index
    %get3A_15 = arith.constant 0 : index
    %get3A_16 = arith.constant 0 : index
    %get3A_17 = vector.load %arg0[%get3A_14, %get3A_15, %get3A_16] : memref<2x10000x128xf32, #tpu.memory_space<vmem>>, vector<1x10000x128xf32>
    %get3A_18 = vector.shape_cast %get3A_17 : vector<1x10000x128xf32> to vector<10000x128xf32>
    %div3A = vector.broadcast %add3A_5 : vector<10000x1xf32> to vector<10000x128xf32>
    %div3A_19 = arith.divf %get3A_18, %div3A : vector<10000x128xf32>
    %get3A_20 = arith.constant 1 : index
    %get3A_21 = arith.constant 0 : index
    %get3A_22 = arith.constant 0 : index
    %get3A_23 = vector.load %arg0[%get3A_20, %get3A_21, %get3A_22] : memref<2x10000x128xf32, #tpu.memory_space<vmem>>, vector<1x10000x128xf32>
    %get3A_24 = vector.shape_cast %get3A_23 : vector<1x10000x128xf32> to vector<10000x128xf32>
    %div3A_25 = vector.broadcast %add3A_13 : vector<10000x1xf32> to vector<10000x128xf32>
    %div3A_26 = arith.divf %get3A_24, %div3A_25 : vector<10000x128xf32>
    %add3A_27 = arith.addf %div3A_19, %div3A_26 : vector<10000x128xf32>
    %mul3A = arith.constant 5.000000e-01 : f32
    %mul3A_28 = vector.broadcast %mul3A : f32 to vector<10000x128xf32>
    %mul3A_29 = arith.mulf %mul3A_28, %add3A_27 : vector<10000x128xf32>
    %get3A_30 = arith.constant 0 : index
    %get3A_31 = arith.constant 0 : index
    %get3A_32 = vector.load %arg2[%get3A_30, %get3A_31] : memref<10000x128xf32, #tpu.memory_space<vmem>>, vector<10000x128xf32>
    %add3A_33 = arith.addf %mul3A_29, %get3A_32 : vector<10000x128xf32>
    %get3A_34 = arith.constant 0 : index
    %get3A_35 = arith.constant 0 : index
    %get3A_36 = vector.load %arg3[%get3A_34, %get3A_35] : memref<1x128xf32, #tpu.memory_space<vmem>>, vector<1x128xf32>
    %add3A_37 = vector.broadcast %get3A_36 : vector<1x128xf32> to vector<10000x128xf32>
    %add3A_38 = arith.addf %add3A_33, %add3A_37 : vector<10000x128xf32>
    %reduce_sum3A = arith.constant dense<0.000000e+00> : vector<128xf32>
    %reduce_sum3A_39 = vector.multi_reduction <add>, %add3A_38, %reduce_sum3A [0] : vector<10000x128xf32> to vector<128xf32>
    %broadcast_in_dim3A = vector.shape_cast %reduce_sum3A_39 : vector<128xf32> to vector<1x128xf32>
    %div3A_40 = arith.constant 1.000000e+04 : f32
    %div3A_41 = vector.broadcast %div3A_40 : f32 to vector<1x128xf32>
    %div3A_42 = arith.divf %broadcast_in_dim3A, %div3A_41 : vector<1x128xf32>
    %sub3A = vector.broadcast %div3A_42 : vector<1x128xf32> to vector<10000x128xf32>
    %sub3A_43 = arith.subf %add3A_38, %sub3A : vector<10000x128xf32>
    %integer_pow3A = arith.mulf %sub3A_43, %sub3A_43 : vector<10000x128xf32>
    %reduce_sum3A_44 = arith.constant dense<0.000000e+00> : vector<128xf32>
    %reduce_sum3A_45 = vector.multi_reduction <add>, %integer_pow3A, %reduce_sum3A_44 [0] : vector<10000x128xf32> to vector<128xf32>
    %broadcast_in_dim3A_46 = vector.shape_cast %reduce_sum3A_45 : vector<128xf32> to vector<1x128xf32>
    %div3A_47 = arith.constant 1.000000e+04 : f32
    %div3A_48 = vector.broadcast %div3A_47 : f32 to vector<1x128xf32>
    %div3A_49 = arith.divf %broadcast_in_dim3A_46, %div3A_48 : vector<1x128xf32>
    %sub3A_50 = vector.broadcast %div3A_42 : vector<1x128xf32> to vector<10000x128xf32>
    %sub3A_51 = arith.subf %add3A_38, %sub3A_50 : vector<10000x128xf32>
    %add3A_52 = arith.constant 9.99999974E-6 : f32
    %add3A_53 = vector.broadcast %add3A_52 : f32 to vector<1x128xf32>
    %add3A_54 = arith.addf %div3A_49, %add3A_53 : vector<1x128xf32>
    %rsqrt3A = math.rsqrt %add3A_54 : vector<1x128xf32>
    %mul3A_55 = vector.broadcast %rsqrt3A : vector<1x128xf32> to vector<10000x128xf32>
    %mul3A_56 = arith.mulf %sub3A_51, %mul3A_55 : vector<10000x128xf32>
    %get3A_57 = arith.constant 0 : index
    %get3A_58 = arith.constant 0 : index
    %get3A_59 = vector.load %arg4[%get3A_57, %get3A_58] : memref<1x128xf32, #tpu.memory_space<vmem>>, vector<1x128xf32>
    %mul3A_60 = vector.broadcast %get3A_59 : vector<1x128xf32> to vector<10000x128xf32>
    %mul3A_61 = arith.mulf %mul3A_60, %mul3A_56 : vector<10000x128xf32>
    %get3A_62 = arith.constant 0 : index
    %get3A_63 = arith.constant 0 : index
    %get3A_64 = vector.load %arg5[%get3A_62, %get3A_63] : memref<1x128xf32, #tpu.memory_space<vmem>>, vector<1x128xf32>
    %add3A_65 = vector.broadcast %get3A_64 : vector<1x128xf32> to vector<10000x128xf32>
    %add3A_66 = arith.addf %mul3A_61, %add3A_65 : vector<10000x128xf32>
    %gt3A = arith.constant 0.000000e+00 : f32
    %gt3A_67 = vector.broadcast %gt3A : f32 to vector<10000x128xf32>
    %gt3A_68 = arith.cmpf ogt, %add3A_66, %gt3A_67 : vector<10000x128xf32>
    %exp3A = math.exp %add3A_66 : vector<10000x128xf32>
    %sub3A_69 = arith.constant 1.000000e+00 : f32
    %sub3A_70 = vector.broadcast %sub3A_69 : f32 to vector<10000x128xf32>
    %sub3A_71 = arith.subf %exp3A, %sub3A_70 : vector<10000x128xf32>
    %select_n3A = arith.select %gt3A_68, %add3A_66, %sub3A_71 : vector<10000x128xi1>, vector<10000x128xf32>
    %swap3A = arith.constant 0 : index
    %swap3A_72 = arith.constant 0 : index
    %swap3A_73 = vector.load %arg6[%swap3A, %swap3A_72] : memref<10000x128xf32, #tpu.memory_space<vmem>>, vector<10000x128xf32>
    tpu.vector_store %arg6[%swap3A, %swap3A_72], %select_n3A {strides = array<i32>} : memref<10000x128xf32, #tpu.memory_space<vmem>>, vector<10000x128xf32>,
    return
  }
}

</mosaic_0001>

<sc_bundles>
// kernel: kernel.10.cloned.1.call-start
scs
__scs_entry_jumppad:
0x0: {  	(pc) =	sbr.rel $0x88, $3  }
0x1: {  	(tag) =	ssettag $0x0;
	lr =	simm.s32 $0x1  }
0x2: {  	[smem:$0x3F8F] =	sst lr;
	_ =	strace $0xD0000000  }
0x3: {  	_ = 	snop  }
0x4: {  	_ = 	snop  }
0x5: {  	_ = 	snop  }
0x6: {  	_ = 	snop  }
0x7: {  	_ = 	snop  }
__scs_overlays_trampoline_lowered:
0x8: {  	[smem:$0x3F9E] =	sst s0  }
0x9: {  	[smem:$0x3F9F] =	sst s1  }
0xa: {  	[smem:$0x3FA0] =	sst s2  }
0xb: {  	[smem:$0x3FA1] =	sst s3  }
0xc: {  	[smem:$0x3FA2] =	sst s4  }
0xd: {  	[smem:$0x3FA3] =	sst s5  }
0xe: {  	[smem:$0x3FA4] =	sst s6  }
0xf: {  	[smem:$0x3FA5] =	sst s7  }
0x10: {  	[smem:$0x3FA6] =	sst s8  }
0x11: {  	[smem:$0x3FA7] =	sst s9;
	s0 =	simm.s32 @!p0 $0x0  }
0x12: {  	s1 =	sld [smem:$0x3F8D];
	s0 =	simm.s32 @p0 $0x1  }
0x13: {  	[smem:$0x3FA8] =	sst s0;
	s0 =	simm.s32 @!p1 $0x0  }
0x14: {  	s2 =	sld [smem:$0x3F8C];
	s0 =	simm.s32 @p1 $0x1  }
0x15: {  	[smem:$0x3FA9] =	sst s0;
	s0 =	simm.s32 @!p2 $0x0  }
0x16: {  	s3 =	sld [smem:$0x3FDB];
	s0 =	simm.s32 @p2 $0x1  }
0x17: {  	s4 =	simm.s32 $0x1BF5;
	[smem:$0x3FAB] =	sst s0  }
0x18: {  	s0 =	sld [smem:$0x3F8E];
	_ =	swait.ge [sflag:s4], $0x0  }
0x19: {  	s7 =	sld [smem:$0x3F8F]  }
0x1a: {  	s8 =	sadd.s32 $0xFFFFE003, lr  }
0x1b: {  	s9 =	sadd.s32 $0xFFFFFEF7, lr;
	s5 =	simm.s32 $0xFFFFFFFF;
	p2 =	slt.u32 s8, $0xFFFFF086  }
0x1c: {  	p1 =	slt.u32 s9, $0xF7A;
	s5 =	simm.s32 @!p2 $0x0  }
0x1d: {  	s5 =	simm.s32 @p1 $0x1;
	p0 =	seq.s32 s7, s2  }
0x1e: {  	s7 =	smul.u32 @!p0 $0xF7A, s2;
	p2 =	seq.s32 @!p0 s5, $0x0  }
0x1f: {  	s9 =	smul.u32 $0xF7A, s1;
	s8 =	simm.s32 @!p0 $0x1BF5;
	p2 =	por !p2, p0  }
0x20: {  	[sflag:s8] =	ssyncset.s32 @!p0 $0xFFFFF086;
	s6 =	sadd.s32 @!p0 s3, s7;
	s7 =	simm.s32 @!p0 $0x108  }
0x21: {  	s3 =	sadd.s32 s3, s9;
	s6 =	sadd.s32 @!p0 $0x88, s6;
	s7 =	simm.s32 @p2 $0x1082  }
0x22: {  	[simem:s7], [sflag:s8] =	dma.local @!p0 [hbm:s6], $0xF7A  }
0x23: {  	s9 =	sor.u32 $0xD0000000, s2;
	s6 =	simm.s32 $0x108;
	_ =	swait.ge @!p0 [sflag:s8], $0x0  }
0x24: {  	s3 =	sadd.s32 $0x88, s3;
	s6 =	simm.s32 @!p1 $0x1082;
	[sflag:s4] =	ssyncset.s32 $0xFFFFF086  }
0x25: {  	[simem:s6], [sflag:s4] =	dma.local [hbm:s3], $0xF7A  }
0x26: {  	[smem:$0x3F8F] =	sst s1;
	(tag) =	ssettag s2;
	_ =	strace s9  }
0x27: {  	s1 =	sld [smem:$0x3F9F]  }
0x28: {  	s2 =	sld [smem:$0x3FA0]  }
0x29: {  	s4 =	sld [smem:$0x3FA2]  }
0x2a: {  	p0 =	seq.s32 s5, $0x0;
	s5 =	sld [smem:$0x3FA3]  }
0x2b: {  	s6 =	sld [smem:$0x3FA4]  }
0x2c: {  	s7 =	sld [smem:$0x3FA5]  }
0x2d: {  	s3 =	simm.s32 $0x108;
	s8 =	sld [smem:$0x3FA6]  }
0x2e: {  	s3 =	simm.s32 @!p0 $0x1082;
	s9 =	sld [smem:$0x3FA7]  }
0x2f: {  	lr =	sadd.s32 s0, s3;
	s0 =	sld [smem:$0x3F9E]  }
0x30: {  	s3 =	sld [smem:$0x3FA1]  }
0x31: {  	[smem:$0x3FAA] =	sst s10  }
0x32: {  	s10 =	sld [smem:$0x3FA8];
	_ =	sdelay $0x3  }
0x33: {  	p0 =	seq.s32 s10, $0x1;
	s10 =	sld [smem:$0x3FAA];
	_ =	sdelay $0x3  }
0x34: {  	[smem:$0x3FAA] =	sst s10  }
0x35: {  	s10 =	sld [smem:$0x3FA9];
	_ =	sdelay $0x3  }
0x36: {  	p1 =	seq.s32 s10, $0x1;
	s10 =	sld [smem:$0x3FAA];
	_ =	sdelay $0x3  }
0x37: {  	[smem:$0x3FAA] =	sst s10  }
0x38: {  	s10 =	sld [smem:$0x3FAB]  }
0x39: {  	_ = 	snop;
	(pc) =	sbr.ind lr, $3  }
0x3a: {  	_ = 	snop  }
0x3b: {  	_ = 	snop  }
0x3c: {  	p2 =	seq.s32 s10, $0x1;
	s10 =	sld [smem:$0x3FAA]  }
0x3d: {  	_ =	shalt  }
0x3e: {  	_ =	shalt  }
0x3f: {  	_ =	shalt  }
0x40: {  	_ =	shalt  }
0x41: {  	_ =	shalt  }
0x42: {  	_ =	shalt  }
0x43: {  	_ =	shalt  }
0x44: {  	_ =	shalt  }
0x45: {  	_ =	shalt  }
0x46: {  	_ =	shalt  }
0x47: {  	_ =	shalt  }
0x48: {  	_ =	shalt  }
0x49: {  	_ =	shalt  }
0x4a: {  	_ =	shalt  }
0x4b: {  	_ =	shalt  }
0x4c: {  	_ =	shalt  }
0x4d: {  	_ =	shalt  }
0x4e: {  	_ =	shalt  }
0x4f: {  	_ =	shalt  }
0x50: {  	_ =	shalt  }
0x51: {  	_ =	shalt  }
0x52: {  	_ =	shalt  }
0x53: {  	_ =	shalt  }
0x54: {  	_ =	shalt  }
0x55: {  	_ =	shalt  }
0x56: {  	_ =	shalt  }
0x57: {  	_ =	shalt  }
0x58: {  	_ =	shalt  }
0x59: {  	_ =	shalt  }
0x5a: {  	_ =	shalt  }
0x5b: {  	_ =	shalt  }
0x5c: {  	_ =	shalt  }
0x5d: {  	_ =	shalt  }
0x5e: {  	_ =	shalt  }
0x5f: {  	_ =	shalt  }
0x60: {  	_ =	shalt  }
0x61: {  	_ =	shalt  }
0x62: {  	_ =	shalt  }
0x63: {  	_ =	shalt  }
0x64: {  	_ =	shalt  }
0x65: {  	_ =	shalt  }
0x66: {  	_ =	shalt  }
0x67: {  	_ =	shalt  }
0x68: {  	_ =	shalt  }
0x69: {  	_ =	shalt  }
0x6a: {  	_ =	shalt  }
0x6b: {  	_ =	shalt  }
0x6c: {  	_ =	shalt  }
0x6d: {  	_ =	shalt  }
0x6e: {  	_ =	shalt  }
0x6f: {  	_ =	shalt  }
0x70: {  	_ =	shalt  }
0x71: {  	_ =	shalt  }
0x72: {  	_ =	shalt  }
0x73: {  	_ =	shalt  }
0x74: {  	_ =	shalt  }
0x75: {  	_ =	shalt  }
0x76: {  	_ =	shalt  }
0x77: {  	_ =	shalt  }
0x78: {  	_ =	shalt  }
0x79: {  	_ =	shalt  }
0x7a: {  	_ =	shalt  }
0x7b: {  	_ =	shalt  }
0x7c: {  	_ =	shalt  }
0x7d: {  	_ =	shalt  }
0x7e: {  	_ =	shalt  }
0x7f: {  	_ =	shalt  }
0x80: {  	_ =	shalt  }
0x81: {  	_ =	shalt  }
0x82: {  	_ =	shalt  }
0x83: {  	_ =	shalt  }
0x84: {  	_ =	shalt  }
0x85: {  	_ =	shalt  }
0x86: {  	_ =	shalt  }
0x87: {  	_ =	shalt  }
.Lfunc_end0:
.L_simem_size_0:
called_computation.1_lowered:
.L_overlay_start_0:
0x88: {  	s2 =	sld [smem:$0x3FD9]  }
0x89: {  	s3 =	sld [smem:$0x3FFE];
	_ =	sdelay $0x1  }
0x8a: {  	s1 =	srdreg.scid  }
0x8b: {  	s0 =	sand.u32 $0x1, s1  }
0x8c: {  	s15 =	sshll.u32 s0, $0xA;
	s2 =	sadd.s32 s3, s2  }
0x8d: {  	s2 =	sadd.s32 s2, s15  }
0x8e: {  	[smem:$0x3FB6] =	sst s2  }
0x8f: {  	_ = 	snop  }
0x90: {  	s2 =	sld [smem:$0x3FD0];
	_ =	sdelay $0x2  }
0x91: {  	s4 =	simm.s32 $0xB;
	s5 =	simm.s32 $0x10;
	s16 =	sld [smem:$0x3FBE]  }
0x92: {  	[smem:s5], [sflag:s4] =	dma.local [hbm:s2], $0x1  }
0x93: {  	_ =	swait.eq [sflag:s4], $0x1  }
0x94: {  	[sflag:s4] =	ssyncset.done $0x0  }
0x95: {  	[sflag:s4] =	ssyncadd.s32 $0xFFFFFFFF  }
0x96: {  	s17 =	sld [smem:$0x10];
	(tm) =	ssettm $0x1  }
0x97: {  	s18 =	sld [smem:$0x3FFB];
	_ =	sdelay $0x3  }
0x98: {  	_ =	strace s18  }
0x99: {  	s2 =	sld [smem:$0x3FFC];
	_ =	sdelay $0x3  }
0x9a: {  	_ =	strace s2  }
0x9b: {  	s2 =	sld [smem:$0x3FFD];
	_ =	sdelay $0x3  }
0x9c: {  	_ =	strace s2  }
0x9d: {  	_ =	strace $0x8FFFFFFF  }
0x9e: {  	s19 =	sld [smem:$0x3FDB];
	_ =	sdelay $0x1  }
0x9f: {  	s20 =	simm.s32 $_scs_section_size  }
0xa0: {  	s6 =	simm.s32 $_size__tile_overlayer_lowered;
	s7 =	simm.s32 $_tile_overlayer_lowered  }
0xa1: {  	s8 =	simm.s32 $0x1BFF;
	s21 =	sshll.u32 s7, $0x1;
	s5 =	sadd.s32 s20, s19  }
0xa2: {  	s22 =	simm.s32 $0x0;
	s6 =	sshll.u32 s6, $0x1;
	s7 =	sadd.s32 s21, s5  }
0xa3: {  	[timem:s22], [sflag:s8] =	dma.local [hbm:s7], s6  }
0xa4: {  	_ =	swait.ge [sflag:s8], s6  }
0xa5: {  	s6 =	ssub.s32 $0x0, s6;
	[sflag:s8] =	ssyncset.done $0x0  }
0xa6: {  	[sflag:s8] =	ssyncadd.s32 s6;
	_ =	sdelay $0x1  }
0xa7: {  	s23 =	simm.s32 $0x1B8B  }
0xa8: {  	_ =	swait.ge [sflag:s23], $0x1  }
0xa9: {  	[sflag:s23] =	ssyncset.done $0x0  }
0xaa: {  	[sflag:s23] =	ssyncadd.s32 $0xFFFFFFFF  }
0xab: {  	s6 =	sld [smem:$0x0]  }
0xac: {  	s7 =	sand.u32 $0xFFFFFFFE, s1  }
0xad: {  	p0 =	sne.s32 s1, s7  }
0xae: {  	s7 =	sshll.u32 @p0 s7, $0xE  }
0xaf: {  	s7 =	sadd.s32 @p0 $0x11B8D, s7;
	s8 =	sshll.u32 @p0 s6, $0x11  }
0xb0: {  	s7 =	sor.u32 @p0 s8, s7  }
0xb1: {  	[sflag:s7] =	ssyncadd.remote.s32 @p0 $0x1;
	_ =	sdelay $0x1  }
0xb2: {  	s7 =	simm.s32 @p0 $0x1B8D  }
0xb3: {  	_ =	swait.eq @p0 [sflag:s7], $0x1  }
0xb4: {  	[sflag:s7] =	ssyncadd.s32 @p0 $0xFFFFFFFF  }
0xb5: {  	s8 =	sshll.u32 @!p0 s1, $0xE  }
0xb6: {  	s8 =	sor.u32 @!p0 $0x4000, s8;
	s7 =	simm.s32 @!p0 $0x1B8D  }
0xb7: {  	s6 =	sshll.u32 @!p0 s6, $0x11;
	s8 =	sadd.s32 @!p0 $0x11B8D, s8;
	_ =	swait.eq @!p0 [sflag:s7], $0x1  }
0xb8: {  	s6 =	sor.u32 @!p0 s6, s8;
	[sflag:s7] =	ssyncadd.s32 @!p0 $0xFFFFFFFF  }
0xb9: {  	s25 =	simm.s32 $0x1B8E;
	s24 =	sld [smem:$0x3FFE];
	[sflag:s6] =	ssyncadd.remote.s32 @!p0 $0x1  }
0xba: {  	s26 =	simm.s32 $execute0_lowered;
	[smem:$0x3FD2] =	sst s25  }
0xbb: {  	s7 =	sshll.u32 s26, $0x1;
	_ =	strace $0x80000049;
	[dreg:$0x1] =	wrdreg $0xFFFFFFFF  }
0xbc: {  	s28 =	simm.s32 $_size_execute0_lowered;
	s5 =	sadd.s32 s5, s7;
	[dreg:$0x0] =	wrdreg $0x0  }
0xbd: {  	s7 =	sshll.u32 s28, $0x1;
	[dreg:$0x2] =	wrdreg s5  }
0xbe: {  	[dreg:$0x3] =	wrdreg s7  }
0xbf: {  	[dreg:$0x4] =	wrdreg $0xC0  }
0xc0: {  	_ =	task [dreg:s22], $0x5FFFF  }
0xc1: {  	[dreg:$0x1] =	wrdreg $0xFFFFFFFF  }
0xc2: {  	[dreg:$0x0] =	wrdreg $0x60  }
0xc3: {  	[dreg:$0x2] =	wrdreg s24  }
0xc4: {  	[dreg:$0x3] =	wrdreg s16  }
0xc5: {  	[dreg:$0x4] =	wrdreg s17  }
0xc6: {  	[dreg:$0x5] =	wrdreg $0x85000  }
0xc7: {  	[dreg:$0x6] =	wrdreg $0x1BD800  }
0xc8: {  	[dreg:$0x7] =	wrdreg $0xA  }
0xc9: {  	_ =	task.clear_ibuf [dreg:s22], $0x8FFFF;
	_ =	strace $0x90000049  }
0xca: {  	s29 =	simm.s32 $0xA;
	_ =	strace $0x8000004B  }
0xcb: {  	_ =	swait.ge [sflag:s29], $0x1  }
0xcc: {  	[sflag:s29] =	ssyncadd.s32 $0xFFFFFFFF  }
0xcd: {  	_ =	strace $0x9000004B  }
0xce: {  	_ =	sfence  }
0xcf: {  	s30 =	sld [smem:$0x0];
	_ =	sdelay $0x2  }
0xd0: {  	s31 =	sshll.u32 s1, $0xD;
	s1 =	sshrl.u32 s1, $0x2  }
0xd1: {  	s4 =	sand.u32 $0x4000, s31;
	s1 =	sadd.s32 s1, s30  }
0xd2: {  	s0 =	sor.u32 s4, s0;
	s1 =	sshll.u32 s1, $0x11  }
0xd3: {  	s0 =	sor.u32 s1, s0  }
0xd4: {  	s0 =	sadd.s32 $0x8F2B, s0  }
0xd5: {  	[sflag:s0] =	ssyncadd.remote.s32 $0x1  }
0xd6: {  	_ =	sfence.sel $0xFFFF  }
0xd7: {  	[dreg:$0x0] =	wrdreg $0xFFFFFFFF;
	(pc) =	sbr.abs _section_cstart, $3  }
0xd8: {  	[dreg:$0x1] =	wrdreg $0xFFFFFFFF  }
0xd9: {  	_ =	task.clear_ibuf [dreg:s22], $0x2FFFF;
	_ =	strace $0x9FFFFFFF  }
0xda: {  	(tm) =	ssettm $0x7FFFFFFF  }
0xdb: {  	_ =	shalt  }
tec
execute0_lowered:
.L_overlay_start_1:
0x0: {  	(tag) =	ssettag $0x1  }
0x1: {  	s1 =	rddreg [dreg:$0x0]  }
0x2: {  	s2 =	rddreg [dreg:$0x1]  }
0x3: {  	s3 =	rddreg [dreg:$0x2]  }
0x4: {  	s12 =	rddreg [dreg:$0x3]  }
0x5: {  	s13 =	rddreg [dreg:$0x4];
	s15 =	stileid.u32  }
0x6: {  	s14 =	simm.s32 $0x0;
	s4 =	srdreg.scid;
	s10 =	smul.u32 $0x2710, s15  }
0x7: {  	[smem:$0x7FF] =	sst s14;
	s0 =	sadd.s32 $0x5A200, s1;
	s11 =	smul.u32 $0x13800, s15  }
0x8: {  	s30 =	sadd.s32 $0xA8400, s1;
	s16 =	sadd.s32 $0x1A1800, s1;
	s24 =	smul.u32 $0x2700, s15  }
0x9: {  	s17 =	sadd.s32 $0x19C800, s1;
	s31 =	sand.u32 $0x1, s4;
	s29 =	smul.u32 $0x4E000, s15  }
0xa: {  	_ =	strace $0x8000004A;
	[dreg:$0x7] =	wrdreg s0;
	s0 =	smul.u32 $0x270, s15  }
0xb: {  	s5 =	sadd.s32 $0x1A6800, s1;
	[dreg:$0x8] =	wrdreg s30;
	s7 =	smul.u32 $0x2710, s31  }
0xc: {  	s4 =	ssub.s32 $0x2, s31;
	s19 =	smul.u32 $0x138800, s31;
	[dreg:$0x9] =	wrdreg s16  }
0xd: {  	s20 =	sshll.u32 s31, $0x4;
	s21 =	smul.u32 $0x27100, s31;
	[dreg:$0xa] =	wrdreg s17  }
0xe: {  	s30 =	smul.u32 $0x9C00, s15;
	s8 =	sshrl.u32 s4, $0x1;
	s2 =	sadd.s32 s2, s20  }
0xf: {  	s22 =	sshrl.u32 s10, $0x3;
	s26 =	sadd.s32 $0x50, s10;
	s31 =	sadd.s32 s24, s13  }
0x10: {  	s6 =	sadd.s32 $0x230, s0;
	s4 =	ssub.s32 s4, s8;
	[dreg:$0xd] =	wrdreg s2  }
0x11: {  	s23 =	sadd.s32 s11, s19;
	s16 =	sadd.s32 s16, s22;
	s1 =	sadd.s32 s17, s22  }
0x12: {  	[dreg:$0x10] =	wrdreg s26;
	s28 =	sadd.s32 s24, s21;
	s8 =	sshrl.u32 s19, $0x3  }
0x13: {  	s2 =	sshrl.u32 s21, $0x3;
	s17 =	sadd.s32 $0xA0, s0;
	s20 =	sadd.s32 $0xF0, s0  }
0x14: {  	s31 =	sshrl.u32 s31, $0x3;
	s9 =	sshll.u32 s6, $0x7;
	[dreg:$0xe] =	wrdreg s16  }
0x15: {  	s6 =	sshll.u32 s6, $0x4;
	[dreg:$0xf] =	wrdreg s1;
	s25 =	sshrl.u32 s23, $0x3  }
0x16: {  	s23 =	sadd.s32 $0x140, s0;
	[smem:$0x7FB] =	sst s31;
	s18 =	sadd.s32 s9, s12  }
0x17: {  	s6 =	sadd.s32 s6, s13;
	s1 =	sadd.s32 s5, s25;
	[dreg:$0xb] =	wrdreg s18  }
0x18: {  	s5 =	sadd.s32 s5, s8;
	s8 =	sshrl.u32 s29, $0x2;
	[dreg:$0xc] =	wrdreg s6  }
0x19: {  	s9 =	sshrl.u32 s30, $0x2;
	s25 =	sadd.s32 $0x190, s0;
	[dreg:$0x11] =	wrdreg s1  }
0x1a: {  	s1 =	sadd.s32 s11, s12;
	s6 =	sshrl.u32 s28, $0x3;
	s5 =	sadd.s32 $0x27000, s5  }
0x1b: {  	s10 =	sadd.s32 s9, s13;
	s11 =	sadd.s32 $0x50, s0;
	[dreg:$0x13] =	wrdreg s5  }
0x1c: {  	s0 =	sadd.s32 $0x1E0, s0;
	s6 =	sadd.s32 s3, s6;
	[dreg:$0x17] =	wrdreg s10  }
0x1d: {  	s3 =	sadd.s32 s3, s2;
	s5 =	smax.u32 s4, $0x1;
	[dreg:$0x12] =	wrdreg s6  }
0x1e: {  	s16 =	sshll.u32 s11, $0x7;
	s30 =	sshrl.u32 s1, $0x3;
	[dreg:$0x15] =	wrdreg s5  }
0x1f: {  	s29 =	sshll.u32 s0, $0x7;
	s3 =	sadd.s32 $0x4E00, s3;
	[smem:$0x7FA] =	sst s30  }
0x20: {  	s0 =	sshll.u32 s0, $0x4;
	s4 =	sadd.s32 s16, s12;
	[dreg:$0x14] =	wrdreg s3  }
0x21: {  	v0 =	vimm.s32 $0xEFCDAB89;
	v1 =	vimm.s32 $0x67452301;
	p0 =	sne.s32 s15, $0xF;
	s0 =	sadd.s32 s0, s13;
	[dreg:$0x18] =	wrdreg s4  }
0x22: {  	v2 =	vimm.s32 $0xDCFE98BA;
	v4 =	vimm.s32 $0xBA98FEDC;
	s19 =	sshll.u32 s17, $0x4;
	s5 =	sadd.s32 $0x27000, s13;
	[smem:$0x7F9] =	sst s0  }
0x23: {  	v5 =	vimm.s32 $0x32107654;
	v6 =	vimm.s32 $0xFEDCBA98;
	s3 =	sadd.s32 s8, s12;
	s4 =	sshll.u32 s20, $0x4;
	[smem:$0x7FD] =	sst s5  }
0x24: {  	v7 =	vimm.s32 $0x76543210;
	v0 =	vunpack.c.l.s4.s8 v0;
	v3 =	vmov s7;
	s24 =	sshll.u32 s23, $0x7;
	[dreg:$0x16] =	wrdreg s3;
	s22 =	sadd.s32 s4, s13  }
0x25: {  	v1 =	vunpack.c.l.s4.s8 v1;
	v2 =	vunpack.c.l.s4.s8 v2;
	[tilespmem:$0x1FFB0] =	vst v3;
	v3 =	vimm.s32 $0x54761032;
	s3 =	sshll.u32 s11, $0x4;
	s4 =	sadd.s32 s24, s12;
	[dreg:$0x1d] =	wrdreg s22  }
0x26: {  	v4 =	vunpack.c.l.s4.s8 v4;
	v5 =	vunpack.c.l.s4.s8 v5;
	v3 =	vunpack.c.l.s4.s8 v3;
	s18 =	sshll.u32 s17, $0x7;
	s3 =	sadd.s32 s3, s13;
	[dreg:$0x1e] =	wrdreg s4  }
0x27: {  	v6 =	vunpack.c.l.s4.s8 v6;
	v0 =	vunpack.c.0.s8.s32 v0;
	v1 =	vunpack.c.0.s8.s32 v1;
	s21 =	sshll.u32 s20, $0x7;
	[dreg:$0x19] =	wrdreg s3;
	s3 =	sadd.s32 s18, s12  }
0x28: {  	v7 =	vunpack.c.l.s4.s8 v7;
	v2 =	vunpack.c.0.s8.s32 v2;
	s26 =	sshll.u32 s25, $0x7;
	v3 =	vunpack.c.0.s8.s32 v3;
	[dreg:$0x1a] =	wrdreg s3;
	s3 =	sadd.s32 s19, s13  }
0x29: {  	v4 =	vunpack.c.0.s8.s32 v4;
	v5 =	vunpack.c.0.s8.s32 v5;
	v0 =	vcombine.low v1, v0;
	s28 =	sshll.u32 s25, $0x4;
	[dreg:$0x1b] =	wrdreg s3;
	s3 =	sadd.s32 s21, s12  }
0x2a: {  	v58 =	vunpack.c.0.s8.s32 v6;
	v57 =	vcombine.low v3, v2;
	s4 =	sadd.s32 $0x138000, s12;
	[dreg:$0x1c] =	wrdreg s3;
	s3 =	sshll.u32 s23, $0x4  }
0x2b: {  	s17 =	simm.s32 $0x7A80;
	v0 =	vand.u32 $0xF, v0;
	v3 =	vcombine.low v5, v4;
	v4 =	vunpack.c.0.s8.s32 v7;
	[smem:$0x7FC] =	sst s4;
	s3 =	sadd.s32 s3, s13  }
0x2c: {  	v59 =	vand.u32 $0xF, v58;
	[tilespmem:$0x1FFC0] =	vst v0;
	s6 =	simm.s32 $0x5;
	v55 =	vand.u32 $0xF, v57;
	[dreg:$0x1f] =	wrdreg s3;
	s3 =	sadd.s32 s26, s12  }
0x2d: {  	v61 =	vand.u32 $0xF, v3;
	v62 =	vcombine.low v59, v4;
	s18 =	simm.s32 $0x50;
	[tilespmem:$0x1FFD0] =	vst v55;
	[smem:$0x7F6] =	sst s3;
	s3 =	sadd.s32 s28, s13  }
0x2e: {  	[tilespmem:$0x1FFE0] =	vst v61;
	s19 =	simm.s32 $0x1;
	[smem:$0x7F7] =	sst s3;
	s3 =	sadd.s32 s29, s12  }
0x2f: {  	vm0 =	vmmov $0x1;
	v5 =	vimm.f32 $0.0e+00;
	[tilespmem:$0x1FFF0] =	vst v62;
	s21 =	simm.s32 $0x2;
	s23 =	simm.s32 $0x4;
	[smem:$0x7F8] =	sst s3  }
.LBB2_1:
0x30: {  	s0 =	simm.s32 $0x2C0  }
0x31: {  	[tilespmem:s0+$0xFFFFFFD0] =	vst v5  }
0x32: {  	[tilespmem:s0+$0xFFFFFFE0] =	vst v5  }
0x33: {  	[tilespmem:s0+$0xFFFFFFF0] =	vst v5  }
0x34: {  	[tilespmem:s0+$0x0] =	vst v5  }
0x35: {  	[tilespmem:s0+$0x10] =	vst v5  }
0x36: {  	[tilespmem:s0+$0x20] =	vst v5  }
0x37: {  	[tilespmem:s0+$0x30] =	vst v5  }
0x38: {  	[dreg:$0x6] =	wrdreg s14;
	s2 =	simm.s32 $0x0;
	s1 =	simm.s32 $0x40;
	[tilespmem:s0+$0xFFFFFFC0] =	vst v5  }
.LBB2_2:
0x39: {  	p1 =	sne.s32 s1, $0x13C0;
	[tilespmem:s2+$0x7A80] =	vst v5;
	s0 =	sadd.s32 $0x80, s0  }
0x3a: {  	[tilespmem:s0+$0xFFFFFFD0] =	vst v5  }
0x3b: {  	[tilespmem:s0+$0xFFFFFFE0] =	vst v5  }
0x3c: {  	[tilespmem:s0+$0xFFFFFFF0] =	vst v5  }
.Ltmp0:
0x3d: {  	[tilespmem:s0+$0x0] =	vst v5;
	(pc) =	sbr.rel @p1 .LBB2_2-.Ltmp0, $4  }
0x3e: {  	[tilespmem:s0+$0x10] =	vst v5  }
0x3f: {  	[tilespmem:s0+$0x20] =	vst v5  }
0x40: {  	[tilespmem:s0+$0x30] =	vst v5  }
0x41: {  	s2 =	sshra.s32 s1, $0x2;
	s1 =	sadd.s32 $0x40, s1;
	[tilespmem:s0+$0xFFFFFFC0] =	vst v5  }
0x42: {  	[tilespmem:s2+$0x7A80] =	vst v5;
	s0 =	rddreg [dreg:$0x16];
	s2 =	simm.s32 $0x280  }
0x43: {  	[spmem:s0] =	stream.linear.scatter [tilespmem:s2], [sflag:$0x5], $0x2800, $0x38;
	[tilespmem:$0x1E490] =	vst v63  }
0x44: {  	_ =	swait.ge [sflag:s6], $0x2800  }
0x45: {  	[sflag:s6] =	ssyncset.done $0x0  }
0x46: {  	s1 =	rddreg [dreg:$0x17];
	[sflag:s6] =	ssyncadd.s32 $0xFFFFD800  }
0x47: {  	[spmem:s1] =	stream.linear.scatter [tilespmem:s17], [sflag:$0x5], $0x500, $0x38;
	[tilespmem:$0x1E490] =	vst v63  }
0x48: {  	_ =	swait.ge [sflag:s6], $0x500  }
0x49: {  	[sflag:s6] =	ssyncset.done $0x0  }
0x4a: {  	s3 =	rddreg [dreg:$0x18];
	[sflag:s6] =	ssyncadd.s32 $0xFFFFFB00  }
0x4b: {  	[spmem:s3] =	stream.linear.scatter [tilespmem:s2], [sflag:$0x5], $0x2800, $0x38;
	[tilespmem:$0x1E490] =	vst v63  }
0x4c: {  	_ =	swait.ge [sflag:s6], $0x2800  }
0x4d: {  	[sflag:s6] =	ssyncset.done $0x0  }
0x4e: {  	s7 =	rddreg [dreg:$0x19];
	[sflag:s6] =	ssyncadd.s32 $0xFFFFD800  }
0x4f: {  	[spmem:s7] =	stream.linear.scatter [tilespmem:s17], [sflag:$0x5], $0x500, $0x38;
	[tilespmem:$0x1E490] =	vst v63  }
0x50: {  	_ =	swait.ge [sflag:s6], $0x500  }
0x51: {  	[sflag:s6] =	ssyncset.done $0x0  }
0x52: {  	s8 =	rddreg [dreg:$0x1a];
	[sflag:s6] =	ssyncadd.s32 $0xFFFFFB00  }
0x53: {  	[spmem:s8] =	stream.linear.scatter [tilespmem:s2], [sflag:$0x5], $0x2800, $0x38;
	[tilespmem:$0x1E490] =	vst v63  }
0x54: {  	_ =	swait.ge [sflag:s6], $0x2800  }
0x55: {  	[sflag:s6] =	ssyncset.done $0x0  }
0x56: {  	s9 =	rddreg [dreg:$0x1b];
	[sflag:s6] =	ssyncadd.s32 $0xFFFFD800  }
0x57: {  	[spmem:s9] =	stream.linear.scatter [tilespmem:s17], [sflag:$0x5], $0x500, $0x38;
	[tilespmem:$0x1E490] =	vst v63  }
0x58: {  	_ =	swait.ge [sflag:s6], $0x500  }
0x59: {  	[sflag:s6] =	ssyncset.done $0x0  }
0x5a: {  	s10 =	rddreg [dreg:$0x1c];
	[sflag:s6] =	ssyncadd.s32 $0xFFFFFB00  }
0x5b: {  	[spmem:s10] =	stream.linear.scatter [tilespmem:s2], [sflag:$0x5], $0x2800, $0x38;
	[tilespmem:$0x1E490] =	vst v63  }
0x5c: {  	_ =	swait.ge [sflag:s6], $0x2800  }
0x5d: {  	[sflag:s6] =	ssyncset.done $0x0  }
0x5e: {  	s11 =	rddreg [dreg:$0x1d];
	[sflag:s6] =	ssyncadd.s32 $0xFFFFD800  }
0x5f: {  	[spmem:s11] =	stream.linear.scatter [tilespmem:s17], [sflag:$0x5], $0x500, $0x38;
	[tilespmem:$0x1E490] =	vst v63  }
0x60: {  	_ =	swait.ge [sflag:s6], $0x500  }
0x61: {  	[sflag:s6] =	ssyncset.done $0x0  }
0x62: {  	s12 =	rddreg [dreg:$0x1e];
	[sflag:s6] =	ssyncadd.s32 $0xFFFFFB00  }
0x63: {  	[spmem:s12] =	stream.linear.scatter [tilespmem:s2], [sflag:$0x5], $0x2800, $0x38;
	[tilespmem:$0x1E490] =	vst v63  }
0x64: {  	_ =	swait.ge [sflag:s6], $0x2800  }
0x65: {  	[sflag:s6] =	ssyncset.done $0x0  }
0x66: {  	s13 =	rddreg [dreg:$0x1f];
	[sflag:s6] =	ssyncadd.s32 $0xFFFFD800  }
0x67: {  	[spmem:s13] =	stream.linear.scatter [tilespmem:s17], [sflag:$0x5], $0x500, $0x38;
	[tilespmem:$0x1E490] =	vst v63  }
0x68: {  	_ =	swait.ge [sflag:s6], $0x500  }
0x69: {  	s14 =	sld [smem:$0x7F6]  }
0x6a: {  	[sflag:s6] =	ssyncset.done $0x0  }
0x6b: {  	[sflag:s6] =	ssyncadd.s32 $0xFFFFFB00  }
0x6c: {  	[spmem:s14] =	stream.linear.scatter [tilespmem:s2], [sflag:$0x5], $0x2800, $0x38;
	[tilespmem:$0x1E490] =	vst v63  }
0x6d: {  	_ =	swait.ge [sflag:s6], $0x2800  }
0x6e: {  	s15 =	sld [smem:$0x7F7]  }
0x6f: {  	[sflag:s6] =	ssyncset.done $0x0  }
0x70: {  	[sflag:s6] =	ssyncadd.s32 $0xFFFFD800  }
0x71: {  	[spmem:s15] =	stream.linear.scatter [tilespmem:s17], [sflag:$0x5], $0x500, $0x38;
	[tilespmem:$0x1E490] =	vst v63  }
0x72: {  	_ =	swait.ge [sflag:s6], $0x500  }
0x73: {  	s16 =	sld [smem:$0x7F8]  }
0x74: {  	[sflag:s6] =	ssyncset.done $0x0  }
0x75: {  	[sflag:s6] =	ssyncadd.s32 $0xFFFFFB00  }
0x76: {  	[spmem:s16] =	stream.linear.scatter [tilespmem:s2], [sflag:$0x5], $0x2800, $0x38;
	[tilespmem:$0x1E490] =	vst v63  }
0x77: {  	_ =	swait.ge [sflag:s6], $0x2800  }
0x78: {  	s20 =	sld [smem:$0x7F9]  }
0x79: {  	[sflag:s6] =	ssyncset.done $0x0  }
0x7a: {  	[sflag:s6] =	ssyncadd.s32 $0xFFFFD800  }
0x7b: {  	[spmem:s20] =	stream.linear.scatter [tilespmem:s17], [sflag:$0x5], $0x500, $0x38;
	[tilespmem:$0x1E490] =	vst v63  }
0x7c: {  	_ =	swait.ge [sflag:s6], $0x500  }
0x7d: {  	[sflag:s6] =	ssyncset.done $0x0  }
0x7e: {  	s22 =	rddreg [dreg:$0xb];
	[sflag:s6] =	ssyncadd.s32 $0xFFFFFB00  }
0x7f: {  	[spmem:s22] =	stream.linear.scatter [tilespmem:s2], [sflag:$0x5], $0x2000, $0x38;
	[tilespmem:$0x1E490] =	vst v63  }
0x80: {  	_ =	swait.ge [sflag:s6], $0x2000  }
0x81: {  	[sflag:s6] =	ssyncset.done $0x0  }
0x82: {  	s24 =	rddreg [dreg:$0xc];
	[sflag:s6] =	ssyncadd.s32 $0xFFFFE000  }
0x83: {  	[spmem:s24] =	stream.linear.scatter [tilespmem:s17], [sflag:$0x5], $0x400, $0x38;
	[tilespmem:$0x1E490] =	vst v63  }
0x84: {  	_ =	swait.ge [sflag:s6], $0x400  }
0x85: {  	[sflag:s6] =	ssyncset.done $0x0  }
0x86: {  	s0 =	simm.s32 @!p0 $0x280;
	[sflag:s6] =	ssyncadd.s32 $0xFFFFFC00  }
0x87: {  	[spmem:s4] =	stream.linear.scatter @!p0 [tilespmem:s0], [sflag:$0x5], $0x800, $0x38;
	[tilespmem:$0x1E490] =	vst v63  }
0x88: {  	s0 =	simm.s32 @!p0 $0x5  }
0x89: {  	_ =	swait.ge @!p0 [sflag:s0], $0x800  }
0x8a: {  	[sflag:s0] =	ssyncset.done @!p0 $0x0  }
0x8b: {  	s1 =	simm.s32 @!p0 $0x7A80;
	[sflag:s0] =	ssyncadd.s32 @!p0 $0xFFFFF800  }
0x8c: {  	[spmem:s5] =	stream.linear.scatter @!p0 [tilespmem:s1], [sflag:$0x5], $0x100, $0x38;
	[tilespmem:$0x1E490] =	vst v63  }
0x8d: {  	_ =	swait.ge @!p0 [sflag:s0], $0x100  }
0x8e: {  	s26 =	simm.s32 $0x8480;
	[sflag:s0] =	ssyncset.done @!p0 $0x0  }
0x8f: {  	s24 =	simm.s32 $0x0;
	s25 =	rddreg [dreg:$0xd];
	[sflag:s0] =	ssyncadd.s32 @!p0 $0xFFFFFF00  }
0x90: {  	[tilespmem:s26], [sflag:$0x5] =	stream.linear.gather [hbm4b:s25+s24], $0x80, $0x38;
	[tilespmem:$0x1E490] =	vst v63  }
0x91: {  	_ =	swait.ge [sflag:s6], $0x80  }
0x92: {  	[sflag:s6] =	ssyncset.done $0x0  }
0x93: {  	[sflag:s6] =	ssyncadd.s32 $0xFFFFFF80  }
0x94: {  	[bflag:$0x0] =	sbarrier.arrive $0xFFFF  }
0x95: {  	v53 =	vld [tilespmem:$0x8480]  }
0x96: {  	v54 =	vld [tilespmem:$0x8490]  }
0x97: {  	v57 =	vld [tilespmem:$0x84A0]  }
0x98: {  	v58 =	vld [tilespmem:$0x84B0]  }
0x99: {  	v59 =	vld [tilespmem:$0x84C0]  }
0x9a: {  	v60 =	vld [tilespmem:$0x84D0]  }
0x9b: {  	v63 =	vld [tilespmem:$0x84E0];
	s28 =	rddreg [dreg:$0xe]  }
0x9c: {  	v16 =	vld [tilespmem:$0x84F0];
	[tilespmem:s24], [sflag:$0x5] =	stream.linear.gather [hbm4b:s28+s24], $0x50, $0x38  }
0x9d: {  	_ =	swait.ge [sflag:s6], $0x50  }
0x9e: {  	[sflag:s6] =	ssyncset.done $0x0  }
0x9f: {  	s29 =	rddreg [dreg:$0xf];
	[sflag:s6] =	ssyncadd.s32 $0xFFFFFFB0  }
0xa0: {  	[tilespmem:s18], [sflag:$0x5] =	stream.linear.gather [hbm4b:s29+s24], $0x50, $0x38;
	[tilespmem:$0x1E490] =	vst v63  }
0xa1: {  	_ =	swait.ge [sflag:s6], $0x50  }
0xa2: {  	[sflag:s6] =	ssyncset.done $0x0;
	[tilespmem:$0x1FF30] =	vst v16  }
0xa3: {  	v39 =	vld [tilespmem:$0x1FFB0];
	[tilespmem:$0x1FF40] =	vst v53;
	[sflag:s6] =	ssyncadd.s32 $0xFFFFFFB0  }
0xa4: {  	[tilespmem:$0x1FF50] =	vst v54;
	v0 =	vld [tilespmem:$0x0]  }
0xa5: {  	[tilespmem:$0x1FF60] =	vst v58;
	v1 =	vld [tilespmem:$0x50]  }
0xa6: {  	[tilespmem:$0x1FF70] =	vst v57;
	v3 =	vld [tilespmem:$0x60]  }
0xa7: {  	[tilespmem:$0x1FF80] =	vst v60;
	v41 =	vld [tilespmem:$0x70]  }
0xa8: {  	[tilespmem:$0x1FF90] =	vst v59;
	v45 =	vld [tilespmem:$0x80]  }
0xa9: {  	[tilespmem:$0x1FFA0] =	vst v63;
	v49 =	vld [tilespmem:$0x90]  }
0xaa: {  	[tilespmem:$0x1E0] =	vst v1  }
0xab: {  	v2 =	vld [tilespmem:$0x10];
	[tilespmem:$0x1F0] =	vst v3  }
0xac: {  	[tilespmem:$0x200] =	vst v41  }
0xad: {  	v4 =	vld [tilespmem:$0x20];
	[tilespmem:$0x210] =	vst v45  }
0xae: {  	v0 =	vadd.s32 v39, v0;
	[tilespmem:$0x220] =	vst v49  }
0xaf: {  	v44 =	vld [tilespmem:$0x30];
	v40 =	vadd.s32 v39, v1;
	[tilespmem:$0xA0] =	vst v0  }
0xb0: {  	v42 =	vadd.s32 v39, v2;
	[tilespmem:$0x140] =	vst v40  }
0xb1: {  	v48 =	vld [tilespmem:$0x40];
	v43 =	vadd.s32 v39, v3;
	[tilespmem:$0xB0] =	vst v42  }
0xb2: {  	v46 =	vadd.s32 v39, v4;
	[tilespmem:$0x150] =	vst v43  }
0xb3: {  	v47 =	vadd.s32 v39, v41;
	[tilespmem:$0xC0] =	vst v46  }
0xb4: {  	v50 =	vadd.s32 v39, v44;
	[tilespmem:$0x160] =	vst v47  }
0xb5: {  	v51 =	vadd.s32 v39, v45;
	[tilespmem:$0xD0] =	vst v50  }
0xb6: {  	v52 =	vadd.s32 v39, v48;
	[tilespmem:$0x170] =	vst v51  }
0xb7: {  	v56 =	vadd.s32 v39, v49;
	[tilespmem:$0xE0] =	vst v52  }
0xb8: {  	s31 =	simm.s32 $0xA0;
	p1 =	por $0x0, $0x0;
	s30 =	rddreg [dreg:$0x7];
	[tilespmem:$0x180] =	vst v56  }
0xb9: {  	[tilespmem:s2], [sflag:$0x1] =	stream.indirect.gather [hbm4b:s30+s18], $0x80, s31, s18, $0xb8;
	[tilespmem:$0x1E490] =	vst v63  }
.LBB2_4:
0xba: {  	s25 =	sand.u32 $0x1, s24  }
0xbb: {  	s26 =	smul.u32 $0x50, s25  }
0xbc: {  	p2 =	seq.s32 s24, $0x7C;
	s2 =	rddreg [dreg:$0x8]  }
0xbd: {  	s3 =	simm.s32 $0x5280;
	s1 =	smul.u32 @!p2 $0x50, s24;
	s0 =	sadd.s32 $0x140, s26  }
0xbe: {  	[tilespmem:s3], [sflag:$0x2] =	stream.indirect.gather [hbm4b:s2+s18], $0x80, s0, s18, $0xb8;
	[tilespmem:$0x1E490] =	vst v63  }
0xbf: {  	s0 =	rddreg [dreg:$0x10]  }
0xc0: {  	s0 =	sadd.s32 @!p2 s1, s0  }
0xc1: {  	s1 =	rddreg [dreg:$0x9];
	s0 =	sshrl.u32 @!p2 s0, $0x3  }
0xc2: {  	s2 =	simm.s32 @!p2 $0x0;
	s1 =	sadd.s32 @!p2 s1, s0  }
0xc3: {  	[tilespmem:s2], [sflag:$0x4] =	stream.linear.gather @!p2 [hbm4b:s1+s2], $0x50, $0x38;
	[tilespmem:$0x1E490] =	vst v63  }
0xc4: {  	s1 =	rddreg [dreg:$0xa]  }
0xc5: {  	s0 =	sadd.s32 @!p2 s1, s0;
	s1 =	simm.s32 @!p2 $0x50  }
0xc6: {  	[tilespmem:s1], [sflag:$0x4] =	stream.linear.gather @!p2 [hbm4b:s0+s2], $0x50, $0x38;
	[tilespmem:$0x1E490] =	vst v63  }
0xc7: {  	_ =	swait.ge [sflag:s19], $0x2800  }
0xc8: {  	p2 =	seq.s32 s24, $0x0;
	[sflag:s19] =	ssyncset.done $0x0  }
0xc9: {  	s0 =	simm.s32 @!p2 $0x3;
	[sflag:s19] =	ssyncadd.s32 $0xFFFFD800  }
0xca: {  	_ =	swait.ge @!p2 [sflag:s0], $0x2800  }
0xcb: {  	[sflag:s0] =	ssyncset.done @!p2 $0x0  }
0xcc: {  	[sflag:s0] =	ssyncadd.s32 @!p2 $0xFFFFD800  }
0xcd: {  	_ =	swait.ge @!p2 [sflag:s0], $0x500  }
0xce: {  	p3 =	seq.s32 @!p2 s24, $0x7C;
	[sflag:s0] =	ssyncset.done @!p2 $0x0  }
0xcf: {  	p3 =	por p2, !p3;
	[sflag:s0] =	ssyncadd.s32 @!p2 $0xFFFFFB00  }
0xd0: {  	_ =	swait.ge @p3 [sflag:s23], $0x50  }
0xd1: {  	[sflag:s23] =	ssyncset.done @p3 $0x0  }
0xd2: {  	[sflag:s23] =	ssyncadd.s32 @p3 $0xFFFFFFB0  }
0xd3: {  	_ =	swait.ge @p3 [sflag:s23], $0x50  }
0xd4: {  	[sflag:s23] =	ssyncset.done @p3 $0x0  }
0xd5: {  	v2 =	vld @p3 [tilespmem:$0x1FFB0];
	[sflag:s23] =	ssyncadd.s32 @p3 $0xFFFFFFB0  }
0xd6: {  	v0 =	vld @p3 [tilespmem:$0x0]  }
0xd7: {  	v1 =	vld @p3 [tilespmem:$0x50];
	_ =	sdelay $0x1  }
0xd8: {  	s0 =	sxor.u32 @p3 $0x1, s25  }
0xd9: {  	s1 =	smul.u32 @p3 $0x50, s0;
	_ =	sdelay $0x1  }
0xda: {  	v0 =	vadd.s32 @p3 v2, v0;
	[tilespmem:s1+$0x1E0] =	vst @p3 v1  }
0xdb: {  	[tilespmem:s1+$0xA0] =	vst @p3 v0;
	v0 =	vadd.s32 @p3 v2, v1  }
0xdc: {  	[tilespmem:s1+$0x140] =	vst @p3 v0  }
0xdd: {  	v0 =	vld @p3 [tilespmem:$0x10]  }
0xde: {  	v1 =	vld @p3 [tilespmem:$0x60];
	_ =	sdelay $0x4  }
0xdf: {  	v0 =	vadd.s32 @p3 v2, v0;
	[tilespmem:s1+$0x1F0] =	vst @p3 v1  }
0xe0: {  	[tilespmem:s1+$0xB0] =	vst @p3 v0;
	v0 =	vadd.s32 @p3 v2, v1  }
0xe1: {  	[tilespmem:s1+$0x150] =	vst @p3 v0  }
0xe2: {  	v0 =	vld @p3 [tilespmem:$0x20]  }
0xe3: {  	v1 =	vld @p3 [tilespmem:$0x70];
	_ =	sdelay $0x4  }
0xe4: {  	v0 =	vadd.s32 @p3 v2, v0;
	[tilespmem:s1+$0x200] =	vst @p3 v1  }
0xe5: {  	[tilespmem:s1+$0xC0] =	vst @p3 v0;
	v0 =	vadd.s32 @p3 v2, v1  }
0xe6: {  	[tilespmem:s1+$0x160] =	vst @p3 v0  }
0xe7: {  	v0 =	vld @p3 [tilespmem:$0x30]  }
0xe8: {  	v1 =	vld @p3 [tilespmem:$0x80];
	_ =	sdelay $0x4  }
0xe9: {  	v0 =	vadd.s32 @p3 v2, v0;
	[tilespmem:s1+$0x210] =	vst @p3 v1  }
0xea: {  	[tilespmem:s1+$0xD0] =	vst @p3 v0;
	v0 =	vadd.s32 @p3 v2, v1  }
0xeb: {  	[tilespmem:s1+$0x170] =	vst @p3 v0  }
0xec: {  	v0 =	vld @p3 [tilespmem:$0x40]  }
0xed: {  	v1 =	vld @p3 [tilespmem:$0x90];
	_ =	sdelay $0x3  }
0xee: {  	s0 =	smul.u32 @p3 $0xA000, s0  }
0xef: {  	v0 =	vadd.s32 @p3 v2, v0;
	[tilespmem:s1+$0x220] =	vst @p3 v1  }
0xf0: {  	s0 =	sshrl.u32 @p3 s0, $0x2;
	[tilespmem:s1+$0xE0] =	vst @p3 v0;
	v0 =	vadd.s32 @p3 v2, v1  }
0xf1: {  	s2 =	sadd.s32 @p3 $0xA0, s1;
	s0 =	sor.u32 @p3 $0x280, s0;
	[tilespmem:s1+$0x180] =	vst @p3 v0;
	s1 =	rddreg @p3 [dreg:$0x7]  }
0xf2: {  	[tilespmem:s0], [sflag:$0x1] =	stream.indirect.gather @p3 [hbm4b:s1+s18], $0x80, s2, s18, $0xb8;
	[tilespmem:$0x1E490] =	vst v63  }
0xf3: {  	s0 =	simm.s32 $0x1  }
0xf4: {  	s0 =	simm.s32 @!p1 $0x0;
	_ =	swait.ge [sflag:s21], $0x2800  }
0xf5: {  	s6 =	smul.u32 $0xA000, s0;
	[sflag:s21] =	ssyncset.done $0x0  }
0xf6: {  	s7 =	simm.s32 $0x5340;
	[sflag:s21] =	ssyncadd.s32 $0xFFFFD800  }
0xf7: {  	s12 =	sshrl.u32 s6, $0x2;
	v47 =	vld [tilespmem:s7+$0xA0]  }
0xf8: {  	v32 =	vld [tilespmem:s7+$0x90];
	s28 =	sor.u32 $0x340, s12  }
0xf9: {  	v52 =	vld [tilespmem:s28+$0xA0]  }
0xfa: {  	v49 =	vld [tilespmem:s28+$0x90]  }
0xfb: {  	v50 =	vld [tilespmem:s28+$0x80]  }
0xfc: {  	v33 =	vld [tilespmem:s7+$0x80]  }
0xfd: {  	v11 =	vld [tilespmem:s28+$0x60];
	_ =	sdelay $0x1  }
0xfe: {  	v6 =	vld [tilespmem:s28+$0x40]  }
0xff: {  	v3 =	vld [tilespmem:s7+$0x40]  }
0x100: {  	v7 =	vld [tilespmem:s28+$0x50]  }
0x101: {  	v4 =	vld [tilespmem:s7+$0x50];
	[tilespmem:$0x1FD70] =	vst v11  }
0x102: {  	v12 =	vld [tilespmem:s28+$0x70];
	_ =	sdelay $0x4  }
0x103: {  	v5 =	vld [tilespmem:s7+$0x60];
	[tilespmem:$0x1FD80] =	vst v12  }
0x104: {  	v15 =	vld [tilespmem:s28+$0xFFFFFF40];
	_ =	sdelay $0x4  }
0x105: {  	v8 =	vld [tilespmem:s7+$0x70];
	[tilespmem:$0x1FE90] =	vst v15  }
0x106: {  	v14 =	vld [tilespmem:s28+$0xFFFFFFC0];
	_ =	sdelay $0x4  }
0x107: {  	v10 =	vld [tilespmem:s7+$0xFFFFFF40];
	[tilespmem:$0x1FF10] =	vst v14  }
0x108: {  	v20 =	vld [tilespmem:s28+$0xFFFFFF50]  }
0x109: {  	v3 =	vadd.f32 v3, v6;
	_ =	sdelay $0x1  }
0x10a: {  	v4 =	vadd.f32 v4, v7;
	v9 =	vmul.f32 $2.000000030e-01, v3;
	_ =	sdelay $0x1  }
0x10b: {  	v3 =	vmax.f32 v3, v9;
	v9 =	vmul.f32 $2.000000030e-01, v4;
	v5 =	vadd.f32 v5, v11;
	v11 =	vld [tilespmem:s7+$0xFFFFFFC0];
	[tilespmem:$0x1FEA0] =	vst v20  }
0x10c: {  	v21 =	vld [tilespmem:s28+$0xFFFFFF60]  }
0x10d: {  	v4 =	vmax.f32 v4, v9;
	v9 =	vmul.f32 $2.000000030e-01, v5;
	v8 =	vadd.f32 v8, v12;
	v12 =	vld [tilespmem:s7+$0xFFFFFF50]  }
0x10e: {  	v56 =	vld [tilespmem:s28+$0xB0]  }
0x10f: {  	v5 =	vmax.f32 v5, v9;
	v9 =	vmul.f32 $2.000000030e-01, v8;
	v13 =	vld [tilespmem:s7+$0xB0]  }
0x110: {  	v17 =	vld [tilespmem:s28+$0xFFFFFFD0]  }
0x111: {  	v2 =	vadd.f32 v33, v50;
	v35 =	vmax.f32 v8, v9;
	v9 =	vld [tilespmem:s7+$0xFFFFFFD0];
	[tilespmem:$0x1FEB0] =	vst v21  }
0x112: {  	v22 =	vld [tilespmem:s28+$0xFFFFFF70]  }
0x113: {  	v8 =	vmul.f32 $2.000000030e-01, v2;
	_ =	sdelay $0x1  }
0x114: {  	v2 =	vmax.f32 v2, v8;
	v8 =	vld [tilespmem:s7+$0xFFFFFF60]  }
0x115: {  	v3 =	vmul.f32 v3, v53;
	v18 =	vld [tilespmem:s28+$0xFFFFFFE0]  }
0x116: {  	v39 =	vadd.f32 v13, v56;
	v13 =	vld [tilespmem:s7+$0xFFFFFFE0];
	[tilespmem:$0x1FEC0] =	vst v22  }
0x117: {  	v3 =	vadd.f32 $0.0e+00, v3;
	v4 =	vmul.f32 v4, v54;
	v23 =	vld [tilespmem:s28+$0xFFFFFF80];
	_ =	sdelay $0x1  }
0x118: {  	v3 =	vadd.f32 v4, v3;
	v34 =	vmul.f32 v5, v57  }
0x119: {  	v1 =	vadd.f32 v32, v49;
	v41 =	vld [tilespmem:s7+$0xFFFFFF70]  }
0x11a: {  	v3 =	vadd.f32 v34, v3;
	v36 =	vmul.f32 v35, v58;
	v19 =	vld [tilespmem:s28+$0xFFFFFFF0]  }
0x11b: {  	v0 =	vadd.f32 v47, v52;
	v37 =	vmul.f32 $2.000000030e-01, v1;
	v40 =	vadd.f32 v10, v15;
	v15 =	vld [tilespmem:s7+$0xFFFFFFF0];
	[tilespmem:$0x1FED0] =	vst v23  }
0x11c: {  	v3 =	vadd.f32 v36, v3;
	v2 =	vmul.f32 v2, v59;
	v47 =	vld [tilespmem:s7+$0xFFFFFF80];
	[tilespmem:$0x1F9D0] =	vst v17  }
0x11d: {  	v38 =	vmul.f32 $2.000000030e-01, v0;
	v1 =	vmax.f32 v1, v37;
	v12 =	vadd.f32 v12, v20;
	v20 =	vld [tilespmem:s28+$0x0];
	[tilespmem:$0x1F9E0] =	vst v18  }
0x11e: {  	v1 =	vmul.f32 v1, v60;
	v2 =	vadd.f32 v2, v3;
	v24 =	vld [tilespmem:s28+$0xFFFFFF90]  }
0x11f: {  	v0 =	vmax.f32 v0, v38;
	v42 =	vmul.f32 $2.000000030e-01, v40;
	v10 =	vadd.f32 v11, v14  }
0x120: {  	v0 =	vmul.f32 v0, v63;
	v1 =	vadd.f32 v1, v2  }
0x121: {  	v2 =	vmax.f32 v40, v42;
	v14 =	vmul.f32 $2.000000030e-01, v10;
	v11 =	vmul.f32 $2.000000030e-01, v39  }
0x122: {  	v48 =	vmul.f32 v2, v53;
	v0 =	vadd.f32 v0, v1  }
0x123: {  	v10 =	vmax.f32 v10, v14;
	v9 =	vadd.f32 v9, v17;
	v5 =	vmax.f32 v39, v11;
	v14 =	vld [tilespmem:s7+$0x0];
	[tilespmem:$0x1FEE0] =	vst v24  }
0x124: {  	v43 =	vmul.f32 v5, v16;
	v4 =	vadd.f32 v41, v22;
	v22 =	vmov v16;
	v16 =	vld [tilespmem:s7+$0xFFFFFF90];
	[tilespmem:$0x1F9F0] =	vst v19  }
0x125: {  	v10 =	vmul.f32 v10, v53;
	v11 =	vmul.f32 $2.000000030e-01, v12;
	v8 =	vadd.f32 v8, v21;
	v21 =	vld [tilespmem:s28+$0xFFFFFFA0]  }
0x126: {  	v1 =	vadd.f32 $0.0e+00, v48;
	v51 =	vmul.f32 $2.000000030e-01, v9;
	v13 =	vadd.f32 v13, v18  }
0x127: {  	v10 =	vadd.f32 $0.0e+00, v10;
	v11 =	vmax.f32 v12, v11;
	v12 =	vmul.f32 $2.000000030e-01, v8  }
0x128: {  	v2 =	vmax.f32 v9, v51;
	v11 =	vmul.f32 v11, v54;
	v9 =	vmul.f32 $2.000000030e-01, v13;
	v18 =	vld [tilespmem:s28+$0x10]  }
0x129: {  	v2 =	vmul.f32 v2, v54;
	v8 =	vmax.f32 v8, v12;
	v15 =	vadd.f32 v15, v19;
	v17 =	vld [tilespmem:s7+$0x10];
	[tilespmem:$0x1FA00] =	vst v20  }
0x12a: {  	v1 =	vadd.f32 v11, v1;
	v9 =	vmax.f32 v13, v9;
	v8 =	vmul.f32 v8, v57;
	[tilespmem:$0x1FEF0] =	vst v21  }
0x12b: {  	v12 =	vmul.f32 $2.000000030e-01, v4;
	v13 =	vmul.f32 $2.000000030e-01, v15;
	v14 =	vadd.f32 v14, v20;
	v20 =	vld [tilespmem:s28+$0xFFFFFFB0]  }
0x12c: {  	v45 =	vld [tilespmem:$0x1FFC0];
	v2 =	vadd.f32 v2, v10;
	v9 =	vmul.f32 v9, v57;
	v1 =	vadd.f32 v8, v1  }
0x12d: {  	v4 =	vmax.f32 v4, v12;
	v12 =	vmax.f32 v15, v13;
	v3 =	vadd.f32 v47, v23;
	v11 =	vld [tilespmem:s7+$0xFFFFFFA0]  }
0x12e: {  	v2 =	vadd.f32 v9, v2;
	v4 =	vmul.f32 v4, v58;
	v8 =	vmul.f32 v12, v58;
	v19 =	vld [tilespmem:s28+$0x20]  }
0x12f: {  	s29 =	smul.u32 $0x50, s0;
	v10 =	vmul.f32 $2.000000030e-01, v3;
	v13 =	vmul.f32 $2.000000030e-01, v14;
	v15 =	vld [tilespmem:s7+$0x20];
	[tilespmem:$0x1FA10] =	vst v18  }
0x130: {  	v1 =	vadd.f32 v4, v1;
	v2 =	vadd.f32 v8, v2;
	[tilespmem:$0x1FF00] =	vst v20  }
0x131: {  	s8 =	sadd.s32 $0xFFFFFFFD, s29;
	v3 =	vmax.f32 v3, v10;
	v12 =	vmax.f32 v14, v13;
	v16 =	vadd.f32 v16, v24;
	v9 =	vld [tilespmem:s7+$0xFFFFFFB0]  }
0x132: {  	s9 =	sshll.u32 s8, $0x4;
	v3 =	vmul.f32 v3, v59;
	v12 =	vmul.f32 v12, v59;
	v17 =	vadd.f32 v17, v18;
	v18 =	vld [tilespmem:s28+$0x30]  }
0x133: {  	s1 =	sadd.s32 $0x50, s9;
	v0 =	vadd.f32 v43, v0;
	v10 =	vmul.f32 $2.000000030e-01, v16;
	v13 =	vld [tilespmem:s7+$0x30]  }
0x134: {  	v46 =	vor.u32 s1, v45;
	v1 =	vadd.f32 v3, v1;
	v2 =	vadd.f32 v12, v2  }
0x135: {  	s13 =	sadd.s32 $0x30, s9;
	v10 =	vmax.f32 v16, v10;
	v32 =	vadd.f32 v11, v21;
	v11 =	vmul.f32 $2.000000030e-01, v17  }
0x136: {  	v12 =	vor.u32 s13, v45;
	v10 =	vmul.f32 v10, v60;
	v8 =	vadd.f32 v15, v19  }
0x137: {  	v14 =	vmul.f32 $2.000000030e-01, v32;
	v11 =	vmax.f32 v17, v11;
	v9 =	vadd.f32 v9, v20  }
0x138: {  	v15 =	vmul.f32 $2.000000030e-01, v8;
	v33 =	vmul.f32 v11, v60;
	v11 =	vadd.f32 v13, v18  }
0x139: {  	v1 =	vadd.f32 v10, v1;
	v4 =	vmax.f32 v32, v14;
	v10 =	vmul.f32 $2.000000030e-01, v9  }
0x13a: {  	v8 =	vmax.f32 v8, v15;
	v34 =	vmul.f32 v4, v63;
	v35 =	vmul.f32 $2.000000030e-01, v11  }
0x13b: {  	s0 =	smul.u32 $0x1400, s0;
	[tilespmem:$0x1FA20] =	vst v19;
	v2 =	vadd.f32 v33, v2;
	v8 =	vmul.f32 v8, v63;
	v9 =	vmax.f32 v9, v10  }
0x13c: {  	s15 =	sadd.s32 $0x40, s9;
	s30 =	sadd.s32 $0x180, s28;
	[tilespmem:$0x1FA30] =	vst v18;
	v1 =	vadd.f32 v34, v1;
	v4 =	vmax.f32 v11, v35;
	v36 =	vmul.f32 v9, v22  }
0x13d: {  	s22 =	sshrl.u32 s0, $0x2;
	v2 =	vadd.f32 v8, v2;
	v21 =	vld [tilespmem:s30+$0xA0];
	v9 =	vor.u32 s15, v45;
	v4 =	vmul.f32 v4, v22  }
0x13e: {  	s31 =	sadd.s32 $0x7AA0, s22;
	v1 =	vadd.f32 v36, v1  }
0x13f: {  	[tilespmem:s31+$0x0] =	vst v0;
	v2 =	vadd.f32 v4, v2  }
0x140: {  	v37 =	vld.idx.msk [tilespmem:v46+s17+$0x0], $0xffff;
	[tilespmem:s31+$0xFFFFFFE0] =	vst v1  }
0x141: {  	[tilespmem:s31+$0xFFFFFFF0] =	vst v2;
	v38 =	vld.idx.msk [tilespmem:v12+s17+$0x0], $0xffff  }
0x142: {  	v39 =	vld.idx.msk [tilespmem:v9+s17+$0x0], $0xffff;
	[tilespmem:$0x1FE00] =	vst v21  }
0x143: {  	v25 =	vld [tilespmem:s30+$0x90];
	_ =	sdelay $0x3  }
0x144: {  	s10 =	simm.s32 $0x54C0  }
0x145: {  	v9 =	vld [tilespmem:s10+$0xA0];
	[tilespmem:$0x1FDF0] =	vst v25  }
0x146: {  	v20 =	vld [tilespmem:s30+$0x80];
	_ =	sdelay $0x4  }
0x147: {  	v10 =	vld [tilespmem:s10+$0x90];
	[tilespmem:$0x1FDC0] =	vst v20  }
0x148: {  	v19 =	vld [tilespmem:s30+$0x70];
	_ =	sdelay $0x4  }
0x149: {  	v11 =	vld [tilespmem:s10+$0x80];
	[tilespmem:$0x1FDB0] =	vst v19  }
0x14a: {  	v18 =	vld [tilespmem:s30+$0x50];
	_ =	sdelay $0x2  }
0x14b: {  	v8 =	vmov v22;
	v22 =	vld [tilespmem:s30+$0x40]  }
0x14c: {  	v12 =	vld [tilespmem:s10+$0x40]  }
0x14d: {  	[tilespmem:$0x1FDA0] =	vst v18  }
0x14e: {  	v13 =	vld [tilespmem:s10+$0x50]  }
0x14f: {  	v51 =	vld [tilespmem:s30+$0x60]  }
0x150: {  	v14 =	vld [tilespmem:s10+$0x60]  }
0x151: {  	v12 =	vadd.f32 v12, v22;
	v15 =	vld [tilespmem:s10+$0x70]  }
0x152: {  	v26 =	vld [tilespmem:s30+$0xFFFFFF40]  }
0x153: {  	v27 =	vld [tilespmem:s30+$0xB0];
	v17 =	vmul.f32 $2.000000030e-01, v12;
	v13 =	vadd.f32 v13, v18  }
0x154: {  	v16 =	vld [tilespmem:s10+$0xFFFFFF40]  }
0x155: {  	v23 =	vld [tilespmem:s30+$0xFFFFFFC0];
	v12 =	vmax.f32 v12, v17;
	v14 =	vadd.f32 v14, v51;
	v17 =	vmul.f32 $2.000000030e-01, v13  }
0x156: {  	v29 =	vld [tilespmem:s30+$0xFFFFFF50];
	v12 =	vmul.f32 v12, v53  }
0x157: {  	v18 =	vld [tilespmem:s10+$0xFFFFFFC0];
	v15 =	vadd.f32 v15, v19;
	v13 =	vmax.f32 v13, v17;
	v17 =	vmul.f32 $2.000000030e-01, v14  }
0x158: {  	v19 =	vld [tilespmem:s10+$0xFFFFFF50];
	[tilespmem:$0x1FE10] =	vst v27;
	v12 =	vadd.f32 $0.0e+00, v12;
	v13 =	vmul.f32 v13, v54  }
0x159: {  	v11 =	vadd.f32 v11, v20;
	v20 =	vld [tilespmem:s10+$0xB0];
	v14 =	vmax.f32 v14, v17;
	v17 =	vmul.f32 $2.000000030e-01, v15  }
0x15a: {  	v24 =	vld [tilespmem:s30+$0xFFFFFFD0];
	v12 =	vadd.f32 v13, v12;
	v13 =	vmul.f32 v14, v57  }
0x15b: {  	v10 =	vadd.f32 v10, v25;
	v30 =	vld [tilespmem:s30+$0xFFFFFF60];
	v15 =	vmax.f32 v15, v17;
	v17 =	vmul.f32 $2.000000030e-01, v11  }
0x15c: {  	v25 =	vld [tilespmem:s30+$0xFFFFFFE0];
	v12 =	vadd.f32 v13, v12;
	v13 =	vmul.f32 v15, v58  }
0x15d: {  	v9 =	vadd.f32 v9, v21;
	v31 =	vld [tilespmem:s30+$0xFFFFFF70];
	v11 =	vmax.f32 v11, v17;
	v17 =	vmul.f32 $2.000000030e-01, v10  }
0x15e: {  	v21 =	vld [tilespmem:s10+$0xFFFFFFF0];
	v12 =	vadd.f32 v13, v12;
	v11 =	vmul.f32 v11, v59  }
0x15f: {  	v32 =	vld [tilespmem:s30+$0xFFFFFF80];
	v13 =	vadd.f32 v20, v27;
	v10 =	vmax.f32 v10, v17;
	v17 =	vmul.f32 $2.000000030e-01, v9  }
0x160: {  	v14 =	vld [tilespmem:s10+$0xFFFFFFD0];
	v11 =	vadd.f32 v11, v12;
	v10 =	vmul.f32 v10, v60  }
0x161: {  	v15 =	vld [tilespmem:s10+$0xFFFFFF60];
	v9 =	vmax.f32 v9, v17;
	v17 =	vmul.f32 $2.000000030e-01, v13  }
0x162: {  	s11 =	sadd.s32 $0x0, s29;
	v20 =	vld [tilespmem:s10+$0xFFFFFFE0];
	v10 =	vadd.f32 v10, v11;
	v9 =	vmul.f32 v9, v63  }
0x163: {  	s14 =	sshll.u32 s11, $0x4;
	v27 =	vld [tilespmem:s30+$0xFFFFFFF0];
	v11 =	vmax.f32 v13, v17  }
0x164: {  	s6 =	sadd.s32 $0x50, s14;
	v12 =	vld [tilespmem:s10+$0xFFFFFF70];
	[tilespmem:$0x1FA40] =	vst v26;
	v9 =	vadd.f32 v9, v10;
	v10 =	vmul.f32 v11, v8  }
0x165: {  	v13 =	vld [tilespmem:s10+$0xFFFFFF80];
	[tilespmem:$0x1FA50] =	vst v23;
	v11 =	vor.u32 s6, v45  }
0x166: {  	v40 =	vadd.f32 v16, v26;
	v28 =	vld [tilespmem:s30+$0x0];
	[tilespmem:$0x1FA60] =	vst v29;
	v9 =	vadd.f32 v10, v9  }
0x167: {  	s4 =	sadd.s32 $0x30, s31;
	v16 =	vadd.f32 v18, v23;
	v18 =	vld [tilespmem:s10+$0x0];
	[tilespmem:$0x1FA70] =	vst v24  }
0x168: {  	v17 =	vadd.f32 v19, v29;
	v10 =	vmul.f32 $2.000000030e-01, v40;
	[tilespmem:s4+$0x0] =	vst v9  }
0x169: {  	v42 =	vmul.f32 $2.000000030e-01, v16;
	v43 =	vadd.f32 v14, v24;
	v29 =	vld [tilespmem:s30+$0xFFFFFF90];
	[tilespmem:$0x1FA80] =	vst v30  }
0x16a: {  	v14 =	vadd.f32 v15, v30;
	v3 =	vmax.f32 v40, v10;
	v10 =	vmul.f32 $2.000000030e-01, v17;
	v15 =	vld.idx.msk [tilespmem:v11+s17+$0x0], $0xffff  }
0x16b: {  	s0 =	sadd.s32 $0x180, s30;
	v41 =	vadd.f32 v2, v39;
	v2 =	vmax.f32 v16, v42;
	v16 =	vld [tilespmem:s10+$0xFFFFFF90];
	[tilespmem:$0x1FA90] =	vst v25  }
0x16c: {  	s5 =	simm.s32 $0x5640;
	v19 =	vadd.f32 v20, v25;
	v11 =	vmul.f32 $2.000000030e-01, v43;
	v17 =	vmax.f32 v17, v10;
	v10 =	vld [tilespmem:s0+$0x40];
	[tilespmem:$0x1FAA0] =	vst v31  }
0x16d: {  	v23 =	vld [tilespmem:s5+$0x40]  }
0x16e: {  	v24 =	vmul.f32 $2.000000030e-01, v19;
	v5 =	vmax.f32 v43, v11;
	v11 =	vld [tilespmem:s0+$0x50]  }
0x16f: {  	v26 =	vld [tilespmem:s5+$0x50];
	[tilespmem:$0x1FAB0] =	vst v27  }
0x170: {  	v19 =	vmax.f32 v19, v24;
	v24 =	vld [tilespmem:s0+$0x60];
	_ =	sdelay $0x3  }
0x171: {  	v20 =	vmul.f32 $2.000000030e-01, v14  }
0x172: {  	[tilespmem:$0x1FE30] =	vst v24  }
0x173: {  	v12 =	vadd.f32 v12, v31;
	v14 =	vmax.f32 v14, v20;
	v20 =	vadd.f32 v21, v27;
	v27 =	vld [tilespmem:s0+$0x70];
	_ =	sdelay $0x1  }
0x174: {  	v25 =	vmul.f32 $2.000000030e-01, v12;
	_ =	sdelay $0x1  }
0x175: {  	v21 =	vmul.f32 $2.000000030e-01, v20;
	v44 =	vmax.f32 v12, v25;
	v12 =	vld [tilespmem:s5+$0x60];
	[tilespmem:$0x1FAC0] =	vst v32  }
0x176: {  	[tilespmem:$0x1FE40] =	vst v27  }
0x177: {  	v20 =	vmax.f32 v20, v21;
	v21 =	vadd.f32 v26, v11;
	v26 =	vld [tilespmem:s0+$0x80]  }
0x178: {  	v2 =	vmul.f32 v2, v53;
	v3 =	vmul.f32 v3, v53;
	_ =	sdelay $0x1  }
0x179: {  	v2 =	vadd.f32 $0.0e+00, v2;
	v3 =	vadd.f32 $0.0e+00, v3;
	v5 =	vmul.f32 v5, v54  }
0x17a: {  	v17 =	vmul.f32 v17, v54;
	v46 =	vadd.f32 v9, v15;
	v15 =	vmul.f32 v19, v57;
	v19 =	vld [tilespmem:s5+$0x70]  }
0x17b: {  	v13 =	vadd.f32 v13, v32;
	v2 =	vadd.f32 v5, v2;
	v25 =	vld [tilespmem:s30+$0x10];
	[tilespmem:$0x1FE50] =	vst v26  }
0x17c: {  	v14 =	vmul.f32 v14, v57;
	v17 =	vadd.f32 v17, v3;
	v30 =	vld [tilespmem:s0+$0xA0]  }
0x17d: {  	v2 =	vadd.f32 v15, v2;
	v15 =	vmul.f32 $2.000000030e-01, v13  }
0x17e: {  	v14 =	vadd.f32 v14, v17;
	v17 =	vld [tilespmem:s5+$0x80]  }
0x17f: {  	v9 =	vadd.f32 v23, v10;
	v13 =	vmax.f32 v13, v15;
	v15 =	vld [tilespmem:s10+$0x10]  }
0x180: {  	v19 =	vadd.f32 v19, v27;
	v27 =	vld [tilespmem:s30+$0xFFFFFFA0];
	[tilespmem:$0x1FAD0] =	vst v28  }
0x181: {  	v23 =	vmul.f32 $2.000000030e-01, v9;
	[tilespmem:$0x1FE70] =	vst v30  }
0x182: {  	v18 =	vadd.f32 v18, v28;
	v28 =	vld [tilespmem:s0+$0x90]  }
0x183: {  	v9 =	vmax.f32 v9, v23;
	v23 =	vmul.f32 $2.000000030e-01, v21;
	v12 =	vadd.f32 v12, v24  }
0x184: {  	v5 =	vmul.f32 v44, v58;
	v9 =	vmul.f32 v9, v53  }
0x185: {  	v21 =	vmax.f32 v21, v23;
	v23 =	vmul.f32 $2.000000030e-01, v12  }
0x186: {  	v5 =	vadd.f32 v5, v14;
	v9 =	vadd.f32 $0.0e+00, v9;
	v14 =	vmul.f32 v21, v54  }
0x187: {  	v12 =	vmax.f32 v12, v23;
	v21 =	vmul.f32 $2.000000030e-01, v19;
	[tilespmem:$0x1FE60] =	vst v28  }
0x188: {  	v9 =	vadd.f32 v14, v9;
	v12 =	vmul.f32 v12, v57;
	v14 =	vadd.f32 v17, v26;
	v17 =	vld [tilespmem:s5+$0x90]  }
0x189: {  	v19 =	vmax.f32 v19, v21;
	v23 =	vld [tilespmem:s5+$0xA0]  }
0x18a: {  	v9 =	vadd.f32 v12, v9;
	v21 =	vmul.f32 $2.000000030e-01, v18;
	v12 =	vmul.f32 v19, v58;
	v19 =	vld [tilespmem:s10+$0xFFFFFFA0];
	[tilespmem:$0x1FAE0] =	vst v29  }
0x18b: {  	[tilespmem:$0x1FAF0] =	vst v25  }
0x18c: {  	v21 =	vmax.f32 v18, v21;
	v18 =	vld [tilespmem:s0+$0xB0];
	_ =	sdelay $0x2  }
0x18d: {  	v20 =	vmul.f32 v20, v58;
	v16 =	vadd.f32 v16, v29;
	_ =	sdelay $0x1  }
0x18e: {  	v2 =	vadd.f32 v20, v2;
	v20 =	vmul.f32 $2.000000030e-01, v16;
	v24 =	vmul.f32 $2.000000030e-01, v14;
	[tilespmem:$0x1FE80] =	vst v18  }
0x18f: {  	v17 =	vadd.f32 v17, v28;
	v26 =	vld [tilespmem:s30+$0x20]  }
0x190: {  	v16 =	vmax.f32 v16, v20;
	v15 =	vadd.f32 v15, v25;
	v14 =	vmax.f32 v14, v24;
	v25 =	vld [tilespmem:s10+$0x20]  }
0x191: {  	v9 =	vadd.f32 v12, v9;
	v14 =	vmul.f32 v14, v59;
	v20 =	vmul.f32 $2.000000030e-01, v17  }
0x192: {  	v12 =	vld [tilespmem:s5+$0xB0];
	[tilespmem:$0x1FB00] =	vst v27  }
0x193: {  	v9 =	vadd.f32 v14, v9;
	v14 =	vmax.f32 v17, v20;
	v17 =	vadd.f32 v19, v27;
	v27 =	vld [tilespmem:s30+$0xFFFFFFB0]  }
0x194: {  	v20 =	vld [tilespmem:s10+$0xFFFFFFB0];
	[tilespmem:$0x1FB10] =	vst v26  }
0x195: {  	v19 =	vmul.f32 v21, v59;
	v21 =	vadd.f32 v25, v26;
	v25 =	vld [tilespmem:s30+$0x30];
	_ =	sdelay $0x1  }
0x196: {  	v13 =	vmul.f32 v13, v59;
	v23 =	vadd.f32 v23, v30;
	v14 =	vmul.f32 v14, v60;
	_ =	sdelay $0x1  }
0x197: {  	v5 =	vadd.f32 v13, v5;
	v13 =	vmul.f32 $2.000000030e-01, v23;
	v9 =	vadd.f32 v14, v9;
	v14 =	vld [tilespmem:s10+$0x30];
	[tilespmem:$0x1FB20] =	vst v27  }
0x198: {  	v24 =	vmul.f32 $2.000000030e-01, v15;
	v12 =	vadd.f32 v12, v18;
	[tilespmem:$0x1FB30] =	vst v25  }
0x199: {  	v13 =	vmax.f32 v23, v13;
	v23 =	vmul.f32 $2.000000030e-01, v17;
	v29 =	vld [tilespmem:s0+$0xFFFFFF40]  }
0x19a: {  	v15 =	vmax.f32 v15, v24;
	v13 =	vmul.f32 v13, v63;
	v24 =	vmul.f32 $2.000000030e-01, v12;
	v28 =	vld [tilespmem:s0+$0xFFFFFFC0]  }
0x19b: {  	s7 =	sadd.s32 $0x3, s29;
	v2 =	vadd.f32 v19, v2;
	v17 =	vmax.f32 v17, v23;
	v19 =	vmul.f32 $2.000000030e-01, v21;
	v23 =	vld [tilespmem:s5+$0xFFFFFFC0]  }
0x19c: {  	s11 =	sshll.u32 s7, $0x4;
	v9 =	vadd.f32 v13, v9;
	v13 =	vmul.f32 v16, v60;
	v12 =	vmax.f32 v12, v24;
	v47 =	vld [tilespmem:s0+$0xFFFFFF50]  }
0x19d: {  	s7 =	sadd.s32 $0x50, s11;
	v16 =	vmax.f32 v21, v19;
	v12 =	vmul.f32 v12, v8;
	v24 =	vld [tilespmem:s5+$0xFFFFFF50]  }
0x19e: {  	v19 =	vadd.f32 v20, v27;
	v20 =	vor.u32 s7, v45;
	v5 =	vadd.f32 v13, v5;
	v30 =	vld [tilespmem:s0+$0xFFFFFFD0]  }
0x19f: {  	v13 =	vadd.f32 v14, v25;
	v9 =	vadd.f32 v12, v9;
	v12 =	vmul.f32 v15, v60;
	v25 =	vld [tilespmem:s5+$0xFFFFFFD0]  }
0x1a0: {  	v0 =	vadd.f32 v0, v37;
	v15 =	vmul.f32 $2.000000030e-01, v19;
	v34 =	vld [tilespmem:s0+$0xFFFFFF60]  }
0x1a1: {  	s9 =	sadd.s32 $0x30, s4;
	v14 =	vor.u32 s1, v55;
	v26 =	vld [tilespmem:s5+$0xFFFFFF60];
	v2 =	vadd.f32 v12, v2;
	v12 =	vmul.f32 v17, v63  }
0x1a2: {  	v31 =	vld [tilespmem:s0+$0xFFFFFFE0];
	v21 =	vmul.f32 $2.000000030e-01, v13;
	v17 =	vor.u32 s6, v55;
	v15 =	vmax.f32 v19, v15;
	[tilespmem:s9+$0x0] =	vst v9  }
0x1a3: {  	s2 =	sadd.s32 $0x30, s14;
	v5 =	vadd.f32 v12, v5;
	v12 =	vmul.f32 v16, v63;
	v16 =	vld.idx.msk [tilespmem:v20+s17+$0x0], $0xffff;
	v20 =	vor.u32 s15, v55  }
0x1a4: {  	v27 =	vld [tilespmem:s5+$0xFFFFFFE0];
	v13 =	vmax.f32 v13, v21;
	v15 =	vmul.f32 v15, v8;
	v21 =	vor.u32 s2, v45  }
0x1a5: {  	[tilespmem:s31+$0x0] =	vst v0;
	v33 =	vld [tilespmem:s0+$0xFFFFFF70]  }
0x1a6: {  	s3 =	sadd.s32 $0x40, s14;
	[tilespmem:s4+$0x0] =	vst v46;
	v19 =	vor.u32 s13, v55;
	v2 =	vadd.f32 v12, v2;
	v12 =	vld.idx.msk [tilespmem:v14+s17+$0x0], $0xffff;
	v5 =	vadd.f32 v15, v5  }
0x1a7: {  	[tilespmem:s31+$0xFFFFFFF0] =	vst v41;
	v13 =	vmul.f32 v13, v8;
	v14 =	vor.u32 s3, v45;
	v15 =	vld.idx.msk [tilespmem:v17+s17+$0x0], $0xffff  }
0x1a8: {  	v1 =	vadd.f32 v1, v38;
	[tilespmem:s4+$0xFFFFFFE0] =	vst v5;
	v16 =	vadd.f32 v9, v16;
	v9 =	vld.idx.msk [tilespmem:v20+s17+$0x0], $0xffff  }
0x1a9: {  	v17 =	vor.u32 s7, v55;
	v13 =	vadd.f32 v13, v2;
	v20 =	vld.idx.msk [tilespmem:v21+s17+$0x0], $0xffff  }
0x1aa: {  	[tilespmem:s31+$0xFFFFFFE0] =	vst v1;
	v21 =	vld [tilespmem:s5+$0xFFFFFF40]  }
0x1ab: {  	v19 =	vld.idx.msk [tilespmem:v19+s17+$0x0], $0xffff;
	[tilespmem:s4+$0xFFFFFFF0] =	vst v13  }
0x1ac: {  	v14 =	vld.idx.msk [tilespmem:v14+s17+$0x0], $0xffff  }
0x1ad: {  	[tilespmem:s9+$0x0] =	vst v16;
	v48 =	vadd.f32 v0, v12;
	v12 =	vld [tilespmem:s5+$0xFFFFFF70]  }
0x1ae: {  	v17 =	vld.idx.msk [tilespmem:v17+s17+$0x0], $0xffff;
	[tilespmem:$0x1FB40] =	vst v29  }
0x1af: {  	v3 =	vadd.f32 v46, v15;
	v15 =	vadd.f32 v21, v29;
	v29 =	vld [tilespmem:s0+$0xFFFFFFF0];
	[tilespmem:$0x1FB50] =	vst v28  }
0x1b0: {  	v40 =	vadd.f32 v25, v30;
	[tilespmem:$0x1FB60] =	vst v47  }
0x1b1: {  	v1 =	vadd.f32 v1, v19;
	v19 =	vadd.f32 v23, v28;
	v23 =	vld [tilespmem:s5+$0xFFFFFFF0];
	[tilespmem:$0x1FB70] =	vst v30  }
0x1b2: {  	v21 =	vadd.f32 v24, v47;
	v0 =	vadd.f32 v41, v9;
	v41 =	vld [tilespmem:s0+$0xFFFFFF80]  }
0x1b3: {  	v5 =	vadd.f32 v5, v20;
	v20 =	vmul.f32 $2.000000030e-01, v19;
	v24 =	vmul.f32 $2.000000030e-01, v15;
	v25 =	vld [tilespmem:s5+$0xFFFFFF80]  }
0x1b4: {  	v30 =	vld [tilespmem:s0+$0x0]  }
0x1b5: {  	v9 =	vadd.f32 v13, v14;
	v13 =	vmax.f32 v15, v24;
	v15 =	vmax.f32 v19, v20;
	v20 =	vld [tilespmem:s5+$0x0];
	[tilespmem:$0x1FB80] =	vst v34  }
0x1b6: {  	v28 =	vmul.f32 $2.000000030e-01, v21;
	v14 =	vmul.f32 $2.000000030e-01, v40;
	[tilespmem:$0x1FB90] =	vst v31  }
0x1b7: {  	v42 =	vld [tilespmem:s0+$0xFFFFFF90];
	[tilespmem:$0x1FBA0] =	vst v33  }
0x1b8: {  	v19 =	vmax.f32 v21, v28;
	v4 =	vmax.f32 v40, v14;
	v24 =	vld [tilespmem:s5+$0xFFFFFF90];
	[tilespmem:$0x1FBB0] =	vst v29  }
0x1b9: {  	v14 =	vadd.f32 v26, v34;
	v21 =	vadd.f32 v27, v31;
	v15 =	vmul.f32 v15, v53;
	v31 =	vld [tilespmem:s0+$0x10]  }
0x1ba: {  	v12 =	vadd.f32 v12, v33;
	v13 =	vmul.f32 v13, v53;
	v4 =	vmul.f32 v4, v54;
	v28 =	vld [tilespmem:s5+$0x10]  }
0x1bb: {  	v23 =	vadd.f32 v23, v29;
	v26 =	vmul.f32 $2.000000030e-01, v14;
	v15 =	vadd.f32 $0.0e+00, v15;
	v35 =	vld [tilespmem:s0+$0xFFFFFFA0]  }
0x1bc: {  	v19 =	vmul.f32 v19, v54;
	v27 =	vmul.f32 $2.000000030e-01, v21;
	v13 =	vadd.f32 $0.0e+00, v13;
	v43 =	vld [tilespmem:s0+$0x20]  }
0x1bd: {  	v14 =	vmax.f32 v14, v26;
	v29 =	vmul.f32 $2.000000030e-01, v23;
	v4 =	vadd.f32 v4, v15;
	v15 =	vld [tilespmem:s5+$0xFFFFFFA0];
	[tilespmem:$0x1FBC0] =	vst v41  }
0x1be: {  	v26 =	vmul.f32 $2.000000030e-01, v12;
	v21 =	vmax.f32 v21, v27;
	v13 =	vadd.f32 v19, v13;
	[tilespmem:$0x1FBD0] =	vst v30  }
0x1bf: {  	v14 =	vmul.f32 v14, v57;
	v19 =	vmax.f32 v23, v29;
	v23 =	vadd.f32 v25, v41;
	v25 =	vld [tilespmem:s5+$0x20];
	[tilespmem:$0x1FBE0] =	vst v42  }
0x1c0: {  	v20 =	vadd.f32 v20, v30;
	v21 =	vmul.f32 v21, v57;
	v12 =	vmax.f32 v12, v26;
	v30 =	vld [tilespmem:s0+$0xFFFFFFB0]  }
0x1c1: {  	v13 =	vadd.f32 v14, v13;
	v12 =	vmul.f32 v12, v58;
	v14 =	vadd.f32 v24, v42;
	v26 =	vld [tilespmem:s5+$0xFFFFFFB0];
	[tilespmem:$0x1FBF0] =	vst v31  }
0x1c2: {  	s10 =	sadd.s32 $0x180, s0;
	v4 =	vadd.f32 v21, v4;
	v24 =	vmul.f32 $2.000000030e-01, v20;
	v21 =	vmul.f32 $2.000000030e-01, v23;
	v29 =	vld [tilespmem:s0+$0x30]  }
0x1c3: {  	v19 =	vmul.f32 v19, v58;
	v27 =	vadd.f32 v28, v31;
	v28 =	vmul.f32 $2.000000030e-01, v14;
	v32 =	vld [tilespmem:s10+$0x40]  }
0x1c4: {  	v20 =	vmax.f32 v20, v24;
	v13 =	vadd.f32 v12, v13;
	v21 =	vmax.f32 v23, v21;
	v23 =	vld [tilespmem:s5+$0x30];
	[tilespmem:$0x1FC00] =	vst v35  }
0x1c5: {  	s8 =	simm.s32 $0x57C0;
	v4 =	vadd.f32 v19, v4;
	v12 =	vmul.f32 $2.000000030e-01, v27;
	v15 =	vadd.f32 v15, v35;
	[tilespmem:$0x1FC10] =	vst v43  }
0x1c6: {  	v14 =	vmax.f32 v14, v28;
	v19 =	vmul.f32 v21, v59;
	v21 =	vadd.f32 v25, v43;
	v24 =	vld [tilespmem:s8+$0x40]  }
0x1c7: {  	v33 =	vld [tilespmem:s10+$0x50];
	v25 =	vmax.f32 v27, v12;
	v12 =	vadd.f32 v16, v17;
	v16 =	vmul.f32 v20, v59  }
0x1c8: {  	v17 =	vmul.f32 $2.000000030e-01, v15;
	v20 =	vld [tilespmem:s8+$0x50];
	[tilespmem:$0x1FC20] =	vst v30;
	v13 =	vadd.f32 v19, v13;
	v19 =	vmul.f32 $2.000000030e-01, v21  }
0x1c9: {  	v14 =	vmul.f32 v14, v60;
	v35 =	vld [tilespmem:s10+$0x60];
	v4 =	vadd.f32 v16, v4;
	v16 =	vadd.f32 v26, v30  }
0x1ca: {  	v34 =	vld [tilespmem:s10+$0x70];
	v15 =	vmax.f32 v15, v17;
	v17 =	vmax.f32 v21, v19;
	v19 =	vmul.f32 v25, v60  }
0x1cb: {  	v21 =	vld [tilespmem:s8+$0x60];
	v13 =	vadd.f32 v14, v13;
	[tilespmem:$0x1FC30] =	vst v29;
	v15 =	vmul.f32 v15, v63  }
0x1cc: {  	v14 =	vadd.f32 v24, v32;
	v24 =	vmul.f32 $2.000000030e-01, v16;
	v26 =	vld [tilespmem:s10+$0x80];
	v4 =	vadd.f32 v19, v4  }
0x1cd: {  	v19 =	vadd.f32 v23, v29;
	v23 =	vld [tilespmem:s8+$0x70];
	v13 =	vadd.f32 v15, v13;
	v15 =	vmul.f32 v17, v63  }
0x1ce: {  	v25 =	vld [tilespmem:s8+$0x80];
	v20 =	vadd.f32 v20, v33;
	v16 =	vmax.f32 v16, v24;
	v24 =	vmul.f32 $2.000000030e-01, v14  }
0x1cf: {  	v27 =	vld [tilespmem:s10+$0x90];
	v17 =	vmul.f32 $2.000000030e-01, v19;
	v4 =	vadd.f32 v15, v4  }
0x1d0: {  	v28 =	vld [tilespmem:s10+$0xA0];
	v14 =	vmax.f32 v14, v24;
	v21 =	vadd.f32 v21, v35;
	v24 =	vmul.f32 $2.000000030e-01, v20  }
0x1d1: {  	v15 =	vld [tilespmem:s8+$0x90];
	v16 =	vmul.f32 v16, v8;
	v17 =	vmax.f32 v19, v17;
	v14 =	vmul.f32 v14, v53  }
0x1d2: {  	v47 =	vld [tilespmem:s10+$0xFFFFFF50];
	v19 =	vmax.f32 v20, v24;
	v20 =	vadd.f32 v23, v34;
	v23 =	vmul.f32 $2.000000030e-01, v21  }
0x1d3: {  	v39 =	vld [tilespmem:s8+$0xFFFFFF50];
	v30 =	vadd.f32 v16, v13;
	v14 =	vadd.f32 $0.0e+00, v14;
	v19 =	vmul.f32 v19, v54  }
0x1d4: {  	v24 =	vld [tilespmem:s8+$0xA0];
	v21 =	vmax.f32 v21, v23;
	v23 =	vadd.f32 v25, v26;
	v25 =	vmul.f32 $2.000000030e-01, v20  }
0x1d5: {  	v43 =	vld [tilespmem:s10+$0xFFFFFFD0];
	v17 =	vmul.f32 v17, v8;
	v13 =	vadd.f32 v19, v14;
	v14 =	vmul.f32 v21, v57  }
0x1d6: {  	v29 =	vld [tilespmem:s10+$0xB0];
	v15 =	vadd.f32 v15, v27;
	v16 =	vmax.f32 v20, v25;
	v20 =	vmul.f32 $2.000000030e-01, v23  }
0x1d7: {  	v19 =	vld [tilespmem:s8+$0xB0];
	v21 =	vor.u32 s6, v61;
	v13 =	vadd.f32 v14, v13;
	v14 =	vmul.f32 v16, v58  }
0x1d8: {  	v40 =	vld [tilespmem:s8+$0xFFFFFFD0];
	v25 =	vor.u32 s13, v61;
	v16 =	vor.u32 s1, v61;
	v20 =	vmax.f32 v23, v20  }
0x1d9: {  	v46 =	vld [tilespmem:s10+$0xFFFFFF60];
	v23 =	vmul.f32 $2.000000030e-01, v15;
	v13 =	vadd.f32 v14, v13;
	v14 =	vadd.f32 v24, v28  }
0x1da: {  	v41 =	vld [tilespmem:s8+$0xFFFFFF60];
	v37 =	vadd.f32 v17, v4;
	v24 =	vor.u32 s2, v55;
	v20 =	vmul.f32 v20, v59  }
0x1db: {  	[tilespmem:s4+$0x0] =	vst v3;
	v4 =	vld [tilespmem:s10+$0xFFFFFFC0];
	v15 =	vmax.f32 v15, v23;
	v23 =	vor.u32 s3, v55;
	v31 =	vmul.f32 $2.000000030e-01, v14  }
0x1dc: {  	[tilespmem:s31+$0xFFFFFFE0] =	vst v1;
	v19 =	vadd.f32 v19, v29;
	v21 =	vld.idx.msk [tilespmem:v21+s17+$0x0], $0xffff;
	v13 =	vadd.f32 v20, v13;
	v20 =	vor.u32 s15, v61  }
0x1dd: {  	[tilespmem:s31+$0x0] =	vst v48;
	v15 =	vmul.f32 v15, v60;
	v25 =	vld.idx.msk [tilespmem:v25+s17+$0x0], $0xffff;
	v14 =	vmax.f32 v14, v31;
	v31 =	vor.u32 s7, v61  }
0x1de: {  	s5 =	sadd.s32 $0x40, s11;
	[tilespmem:s4+$0xFFFFFFE0] =	vst v5;
	v16 =	vld.idx.msk [tilespmem:v16+s17+$0x0], $0xffff;
	v36 =	vmul.f32 $2.000000030e-01, v19  }
0x1df: {  	s14 =	sadd.s32 $0x6, s29;
	v44 =	vor.u32 s5, v45;
	[tilespmem:s4+$0xFFFFFFF0] =	vst v9;
	v13 =	vadd.f32 v15, v13;
	v15 =	vld.idx.msk [tilespmem:v24+s17+$0x0], $0xffff;
	v14 =	vmul.f32 v14, v63  }
0x1e0: {  	s14 =	sshll.u32 s14, $0x4;
	s20 =	sadd.s32 $0x30, s11;
	[tilespmem:s31+$0xFFFFFFF0] =	vst v0;
	v19 =	vmax.f32 v19, v36;
	v23 =	vld.idx.msk [tilespmem:v23+s17+$0x0], $0xffff  }
0x1e1: {  	s16 =	sadd.s32 $0x50, s14;
	[tilespmem:s9+$0x0] =	vst v12;
	v24 =	vor.u32 s20, v45;
	v13 =	vadd.f32 v14, v13;
	v14 =	vmul.f32 v19, v8;
	v20 =	vld.idx.msk [tilespmem:v20+s17+$0x0], $0xffff  }
0x1e2: {  	v19 =	vor.u32 s16, v45;
	v17 =	vld.idx.msk [tilespmem:v31+s17+$0x0], $0xffff  }
0x1e3: {  	[tilespmem:s9+$0xFFFFFFF0] =	vst v37;
	v38 =	vadd.f32 v14, v13;
	v14 =	vld [tilespmem:s10+$0xFFFFFF40]  }
0x1e4: {  	v31 =	vld.idx.msk [tilespmem:v44+s17+$0x0], $0xffff  }
0x1e5: {  	s11 =	sadd.s32 $0x30, s9;
	[tilespmem:s9+$0xFFFFFFE0] =	vst v30;
	v13 =	vld [tilespmem:s8+$0xFFFFFF40]  }
0x1e6: {  	v24 =	vld.idx.msk [tilespmem:v24+s17+$0x0], $0xffff;
	[tilespmem:s11+$0x0] =	vst v38  }
0x1e7: {  	v36 =	vld.idx.msk [tilespmem:v19+s17+$0x0], $0xffff  }
0x1e8: {  	v19 =	vld [tilespmem:s8+$0xFFFFFFC0];
	[tilespmem:$0x1FC40] =	vst v14  }
0x1e9: {  	v44 =	vld [tilespmem:s10+$0xFFFFFFE0]  }
0x1ea: {  	v42 =	vadd.f32 v13, v14;
	v2 =	vld [tilespmem:s8+$0xFFFFFFE0]  }
0x1eb: {  	v14 =	vadd.f32 v48, v16;
	v13 =	vadd.f32 v3, v21;
	v48 =	vld [tilespmem:s10+$0xFFFFFF70];
	[tilespmem:$0x1FC50] =	vst v47  }
0x1ec: {  	v17 =	vadd.f32 v12, v17;
	v12 =	vadd.f32 v39, v47;
	v45 =	vmul.f32 $2.000000030e-01, v42;
	v21 =	vld [tilespmem:s8+$0xFFFFFF70];
	[tilespmem:$0x1FC60] =	vst v4  }
0x1ed: {  	v3 =	vadd.f32 v19, v4;
	v4 =	vld [tilespmem:s10+$0xFFFFFFF0];
	[tilespmem:$0x1FC70] =	vst v43  }
0x1ee: {  	v5 =	vadd.f32 v5, v15;
	[tilespmem:$0x1FC80] =	vst v46;
	v19 =	vmul.f32 $2.000000030e-01, v12;
	v45 =	vmax.f32 v42, v45  }
0x1ef: {  	v15 =	vadd.f32 v1, v25;
	v25 =	vadd.f32 v41, v46;
	v39 =	vld [tilespmem:s8+$0xFFFFFFF0];
	v47 =	vmul.f32 v45, v53  }
0x1f0: {  	v9 =	vadd.f32 v9, v23;
	v23 =	vadd.f32 v40, v43;
	v43 =	vld [tilespmem:s10+$0xFFFFFF80];
	v12 =	vmax.f32 v12, v19  }
0x1f1: {  	v16 =	vadd.f32 v0, v20;
	v20 =	vld [tilespmem:s8+$0xFFFFFF80];
	v12 =	vmul.f32 v12, v54;
	v0 =	vadd.f32 $0.0e+00, v47  }
0x1f2: {  	v41 =	vmul.f32 $2.000000030e-01, v25;
	v40 =	vmul.f32 $2.000000030e-01, v23;
	v42 =	vld [tilespmem:s10+$0x0]  }
0x1f3: {  	v19 =	vadd.f32 v30, v24;
	v24 =	vld [tilespmem:s8+$0x0];
	[tilespmem:$0x1FC90] =	vst v44;
	v0 =	vadd.f32 v12, v0;
	v12 =	vor.u32 s16, v55  }
0x1f4: {  	v46 =	vmax.f32 v23, v40;
	v23 =	vmax.f32 v25, v41;
	v45 =	vmul.f32 $2.000000030e-01, v3;
	v41 =	vld [tilespmem:s10+$0xFFFFFF90];
	[tilespmem:$0x1FCA0] =	vst v48  }
0x1f5: {  	v25 =	vadd.f32 v38, v36;
	v23 =	vmul.f32 v23, v57;
	v2 =	vadd.f32 v2, v44;
	v30 =	vld [tilespmem:s8+$0xFFFFFF90];
	[tilespmem:$0x1FCB0] =	vst v4  }
0x1f6: {  	v1 =	vmax.f32 v3, v45;
	v21 =	vadd.f32 v21, v48;
	v36 =	vadd.f32 v39, v4;
	v4 =	vld [tilespmem:s10+$0x10]  }
0x1f7: {  	v31 =	vadd.f32 v37, v31;
	v1 =	vmul.f32 v1, v53;
	v47 =	vmul.f32 $2.000000030e-01, v2;
	v44 =	vld [tilespmem:s8+$0x10];
	[tilespmem:s11+$0x0] =	vst v25  }
0x1f8: {  	v3 =	vmul.f32 v46, v54;
	v48 =	vmul.f32 $2.000000030e-01, v21;
	v20 =	vadd.f32 v20, v43;
	v12 =	vld.idx.msk [tilespmem:v12+s17+$0x0], $0xffff;
	[tilespmem:$0x1FCC0] =	vst v43  }
0x1f9: {  	v1 =	vadd.f32 $0.0e+00, v1;
	v45 =	vmax.f32 v2, v47;
	v24 =	vadd.f32 v24, v42;
	[tilespmem:$0x1FCD0] =	vst v42  }
0x1fa: {  	v46 =	vmul.f32 $2.000000030e-01, v36;
	v47 =	vmax.f32 v21, v48;
	v21 =	vadd.f32 v23, v0;
	v2 =	vld [tilespmem:s10+$0xFFFFFFA0];
	[tilespmem:$0x1FCE0] =	vst v41  }
0x1fb: {  	v48 =	vmul.f32 v45, v57;
	v45 =	vmul.f32 $2.000000030e-01, v20;
	v1 =	vadd.f32 v3, v1;
	v37 =	vld [tilespmem:s8+$0xFFFFFFA0];
	[tilespmem:$0x1FCF0] =	vst v4  }
0x1fc: {  	v3 =	vmul.f32 v47, v58;
	v23 =	vmax.f32 v36, v46;
	v4 =	vadd.f32 v44, v4;
	v44 =	vld [tilespmem:s10+$0x20]  }
0x1fd: {  	v46 =	vmul.f32 $2.000000030e-01, v24;
	v1 =	vadd.f32 v48, v1;
	v23 =	vmul.f32 v23, v58  }
0x1fe: {  	v30 =	vadd.f32 v30, v41;
	v20 =	vmax.f32 v20, v45;
	v45 =	vor.u32 s1, v62  }
0x1ff: {  	v24 =	vmax.f32 v24, v46;
	v23 =	vadd.f32 v23, v1;
	v1 =	vld [tilespmem:s10+$0xFFFFFFB0];
	v48 =	vmul.f32 $2.000000030e-01, v4  }
0x200: {  	v21 =	vadd.f32 v3, v21;
	v20 =	vmul.f32 v20, v59;
	v24 =	vmul.f32 v24, v59;
	v47 =	vld [tilespmem:s8+$0x20];
	[tilespmem:$0x1FD00] =	vst v2  }
0x201: {  	v41 =	vmul.f32 $2.000000030e-01, v30;
	v46 =	vor.u32 s6, v62;
	v38 =	vmax.f32 v4, v48;
	v4 =	vld [tilespmem:s8+$0xFFFFFFB0];
	[tilespmem:$0x1FD10] =	vst v44  }
0x202: {  	v20 =	vadd.f32 v20, v21;
	v21 =	vadd.f32 v24, v23;
	v23 =	vor.u32 s7, v62;
	v0 =	vld [tilespmem:s10+$0x30]  }
0x203: {  	v30 =	vmax.f32 v30, v41;
	v24 =	vld [tilespmem:s8+$0x30];
	[tilespmem:s31+$0x0] =	vst v14  }
0x204: {  	v30 =	vmul.f32 v30, v60;
	[tilespmem:$0x1FD20] =	vst v1  }
0x205: {  	v41 =	vor.u32 s16, v61;
	v12 =	vadd.f32 v25, v12;
	v25 =	vadd.f32 v37, v2;
	v39 =	vld.idx.msk [tilespmem:v45+s17+$0x0], $0xffff;
	[tilespmem:s4+$0x0] =	vst v13  }
0x206: {  	v20 =	vadd.f32 v30, v20;
	v2 =	vor.u32 s20, v55;
	v36 =	vadd.f32 v47, v44;
	[tilespmem:s9+$0x0] =	vst v17;
	v30 =	vld.idx.msk [tilespmem:v46+s17+$0x0], $0xffff  }
0x207: {  	v3 =	vor.u32 s5, v55;
	v44 =	vor.u32 s13, v62;
	s13 =	sadd.s32 $0x180, s10;
	v47 =	vmul.f32 $2.000000030e-01, v25;
	v23 =	vld.idx.msk [tilespmem:v23+s17+$0x0], $0xffff;
	[tilespmem:$0x1FD30] =	vst v0  }
0x208: {  	v40 =	vor.u32 s2, v61;
	v48 =	vmul.f32 $2.000000030e-01, v36;
	v24 =	vadd.f32 v24, v0;
	v0 =	vld [tilespmem:s13+$0x70]  }
0x209: {  	v38 =	vmul.f32 v38, v60;
	v25 =	vmax.f32 v25, v47;
	v37 =	vadd.f32 v4, v1;
	[tilespmem:s11+$0x0] =	vst v12;
	v1 =	vld [tilespmem:s13+$0xA0]  }
0x20a: {  	v36 =	vmax.f32 v36, v48;
	v48 =	vor.u32 s3, v61;
	v25 =	vmul.f32 v25, v63;
	[tilespmem:s9+$0xFFFFFFE0] =	vst v19;
	v41 =	vld.idx.msk [tilespmem:v41+s17+$0x0], $0xffff  }
0x20b: {  	v21 =	vadd.f32 v38, v21;
	[tilespmem:s9+$0xFFFFFFF0] =	vst v31;
	v43 =	vld.idx.msk [tilespmem:v2+s17+$0x0], $0xffff  }
0x20c: {  	v36 =	vmul.f32 v36, v63;
	v20 =	vadd.f32 v25, v20;
	[tilespmem:s4+$0xFFFFFFE0] =	vst v5;
	v25 =	vld.idx.msk [tilespmem:v3+s17+$0x0], $0xffff  }
0x20d: {  	v45 =	vor.u32 s15, v62;
	v4 =	vmul.f32 $2.000000030e-01, v37;
	v47 =	vld [tilespmem:$0x1FFC0]  }
0x20e: {  	v21 =	vadd.f32 v36, v21;
	[tilespmem:s4+$0xFFFFFFF0] =	vst v9;
	v36 =	vld.idx.msk [tilespmem:v40+s17+$0x0], $0xffff  }
0x20f: {  	v37 =	vmax.f32 v37, v4;
	v4 =	vmul.f32 $2.000000030e-01, v24;
	v40 =	vor.u32 s16, v62;
	[tilespmem:s31+$0xFFFFFFE0] =	vst v15;
	v38 =	vld.idx.msk [tilespmem:v48+s17+$0x0], $0xffff  }
0x210: {  	v48 =	vld [tilespmem:$0x1FFC0]  }
0x211: {  	[tilespmem:s31+$0xFFFFFFF0] =	vst v16;
	v24 =	vmax.f32 v24, v4;
	v4 =	vld.idx.msk [tilespmem:v44+s17+$0x0], $0xffff;
	v46 =	vadd.f32 v12, v41  }
0x212: {  	v44 =	vld.idx.msk [tilespmem:v45+s17+$0x0], $0xffff  }
0x213: {  	v24 =	vmul.f32 v24, v8;
	v12 =	vld [tilespmem:s13+$0x40];
	[tilespmem:s11+$0x0] =	vst v46  }
0x214: {  	s1 =	simm.s32 $0x5940;
	v45 =	vld.idx.msk [tilespmem:v40+s17+$0x0], $0xffff  }
0x215: {  	s6 =	sadd.s32 $0x30, s14;
	v24 =	vadd.f32 v24, v21;
	v21 =	vadd.f32 v39, v14;
	v40 =	vld [tilespmem:s1+$0x40]  }
0x216: {  	s7 =	sadd.s32 $0x40, s14;
	v37 =	vmul.f32 v37, v8;
	v13 =	vadd.f32 v30, v13;
	v30 =	vld [tilespmem:s1+$0x50];
	v42 =	vor.u32 s6, v47  }
0x217: {  	v17 =	vadd.f32 v23, v17;
	v14 =	vld [tilespmem:s13+$0x50];
	v3 =	vor.u32 s7, v48;
	v23 =	vmul.f32 $1.442695020e+00, v21  }
0x218: {  	v20 =	vadd.f32 v37, v20;
	v13 =	vmul.f32 $1.442695020e+00, v13;
	v21 =	vld [tilespmem:s13+$0x60]  }
0x219: {  	v17 =	vmul.f32 $1.442695020e+00, v17;
	(erf) = vpow2.f32 v23;
	v23 =	vld [tilespmem:s1+$0x60]  }
0x21a: {  	v2 =	vld [tilespmem:s13+$0x90];
	[tilespmem:s11+$0xFFFFFFE0] =	vst v20;
	(erf) = vpow2.f32 v13;
	v48 =	vadd.f32 v40, v12  }
0x21b: {  	v37 =	vadd.f32 v31, v25;
	[tilespmem:s11+$0xFFFFFFF0] =	vst v24;
	v42 =	vld.idx.msk [tilespmem:v42+s17+$0x0], $0xffff;
	(erf) = vpow2.f32 v17;
	v17 =	vadd.f32 v4, v15  }
0x21c: {  	v41 =	vadd.f32 v5, v36;
	v25 =	vadd.f32 v30, v14;
	v47 =	vld.idx.msk [tilespmem:v3+s17+$0x0], $0xffff;
	v30 =	vmul.f32 $2.000000030e-01, v48  }
0x21d: {  	v36 =	vadd.f32 v9, v38;
	v15 =	vld [tilespmem:s13+$0x80];
	v40 =	vadd.f32 v19, v43;
	v38 =	vmul.f32 $1.442695020e+00, v17  }
0x21e: {  	v43 =	vld [tilespmem:s1+$0x70];
	v17 =	vadd.f32 v23, v21;
	v9 =	vmax.f32 v48, v30;
	v30 =	vmul.f32 $2.000000030e-01, v25  }
0x21f: {  	v23 =	vld [tilespmem:s1+$0x80];
	[tilespmem:$0x1FD40] =	vst v0;
	v48 =	vmul.f32 v9, v53  }
0x220: {  	v3 =	vmul.f32 $2.000000030e-01, v17;
	v9 =	vmax.f32 v25, v30;
	v30 =	vld [tilespmem:s1+$0x90]  }
0x221: {  	v42 =	vadd.f32 v20, v42;
	v20 =	vadd.f32 $0.0e+00, v48;
	v9 =	vmul.f32 v9, v54  }
0x222: {  	v31 =	vadd.f32 v44, v16;
	v17 =	vmax.f32 v17, v3  }
0x223: {  	v4 =	vld [tilespmem:s1+$0xA0];
	v25 =	vadd.f32 v43, v0;
	v17 =	vmul.f32 v17, v57;
	v20 =	vadd.f32 v9, v20  }
0x224: {  	v31 =	vmul.f32 $1.442695020e+00, v31;
	(erf) = vpow2.f32 v38;
	v44 =	vld [tilespmem:s1+$0xFFFFFF40]  }
0x225: {  	v0 =	vld [tilespmem:s13+$0xFFFFFF40];
	v5 =	vmul.f32 $2.000000030e-01, v25;
	v17 =	vadd.f32 v17, v20;
	v20 =	vadd.f32 v30, v2;
	v30 =	vpop (erf)  }
0x226: {  	(erf) = vpow2.f32 v31;
	v31 =	vadd.f32 v45, v46;
	v9 =	vld [tilespmem:s13+$0xFFFFFFC0];
	[tilespmem:$0x1FD50] =	vst v2;
	v45 =	vmul.f32 v30, v6  }
0x227: {  	v48 =	vadd.f32 v23, v15;
	v25 =	vmax.f32 v25, v5;
	v23 =	vld [tilespmem:s13+$0xB0];
	[tilespmem:$0x1FD60] =	vst v1;
	v5 =	vmul.f32 $2.000000030e-01, v20  }
0x228: {  	v7 =	vmul.f32 v30, v7;
	[tilespmem:s28+$0x40] =	vst v45  }
0x229: {  	v20 =	vmax.f32 v20, v5;
	v5 =	vld [tilespmem:$0x1FD70]  }
0x22a: {  	[tilespmem:s28+$0x50] =	vst v7  }
0x22b: {  	v39 =	vadd.f32 v4, v1;
	v4 =	vld [tilespmem:$0x1FD80]  }
0x22c: {  	v3 =	vmul.f32 v25, v58;
	v25 =	vld [tilespmem:s1+$0xB0]  }
0x22d: {  	v31 =	vmul.f32 $1.442695020e+00, v31;
	v46 =	vld [tilespmem:s1+$0xFFFFFFC0]  }
0x22e: {  	v1 =	vld [tilespmem:s13+$0xFFFFFF50];
	v6 =	vmul.f32 v30, v5  }
0x22f: {  	v2 =	vmul.f32 $2.000000030e-01, v48;
	(erf) = vpow2.f32 v31;
	v31 =	vld [tilespmem:s1+$0xFFFFFF50]  }
0x230: {  	v16 =	vld [tilespmem:s13+$0xFFFFFFD0];
	v5 =	vmul.f32 v30, v4;
	[tilespmem:s28+$0x60] =	vst v6  }
0x231: {  	v38 =	vmax.f32 v48, v2;
	v48 =	vld [tilespmem:s1+$0xFFFFFFD0];
	v6 =	vmul.f32 v30, v50;
	[tilespmem:$0x1FD90] =	vst v0  }
0x232: {  	v49 =	vmul.f32 v30, v49;
	v17 =	vadd.f32 v3, v17;
	v3 =	vmul.f32 $2.000000030e-01, v39;
	[tilespmem:s28+$0x70] =	vst v5  }
0x233: {  	v43 =	vadd.f32 v24, v47;
	v24 =	vmul.f32 v30, v52;
	[tilespmem:s28+$0x80] =	vst v6  }
0x234: {  	v39 =	vmax.f32 v39, v3;
	v3 =	vmul.f32 v30, v56;
	[tilespmem:s28+$0x90] =	vst v49  }
0x235: {  	[tilespmem:s28+$0xA0] =	vst v24  }
0x236: {  	v44 =	vadd.f32 v44, v0;
	v25 =	vadd.f32 v25, v23;
	v0 =	vld [tilespmem:s13+$0xFFFFFF60];
	[tilespmem:s28+$0xB0] =	vst v3  }
0x237: {  	v5 =	vld [tilespmem:$0x1FDA0]  }
0x238: {  	v7 =	vmul.f32 $2.000000030e-01, v25;
	v30 =	vnsel vm0, $0x0, v30;
	v45 =	vld [tilespmem:s1+$0xFFFFFF60]  }
0x239: {  	v18 =	vld [tilespmem:s13+$0xFFFFFFE0];
	v49 =	vpop (erf);
	[tilespmem:s31+$0x0] =	vst v30  }
0x23a: {  	v25 =	vmax.f32 v25, v7;
	v7 =	vmul.f32 v49, v51;
	v51 =	vld [tilespmem:$0x1FDB0]  }
0x23b: {  	v22 =	vmul.f32 v49, v22;
	v52 =	vld [tilespmem:$0x1FDC0]  }
0x23c: {  	v4 =	vld [tilespmem:s1+$0xFFFFFFE0];
	[tilespmem:$0x1FDD0] =	vst v1;
	v6 =	vmul.f32 v49, v5  }
0x23d: {  	[tilespmem:s30+$0x40] =	vst v22  }
0x23e: {  	[tilespmem:s30+$0x50] =	vst v6  }
0x23f: {  	v38 =	vmul.f32 v38, v59;
	v46 =	vadd.f32 v46, v9;
	v30 =	vmul.f32 v49, v51;
	[tilespmem:$0x1FDE0] =	vst v0  }
0x240: {  	v2 =	vmul.f32 $2.000000030e-01, v44;
	v31 =	vadd.f32 v31, v1;
	v47 =	vmul.f32 v49, v52;
	v1 =	vld [tilespmem:$0x1FFC0];
	[tilespmem:s30+$0x60] =	vst v7  }
0x241: {  	v38 =	vadd.f32 v38, v17;
	v20 =	vmul.f32 v20, v60;
	v56 =	vmul.f32 $2.000000030e-01, v46;
	[tilespmem:s30+$0x70] =	vst v30  }
0x242: {  	v39 =	vmul.f32 v39, v63;
	[tilespmem:s30+$0x80] =	vst v47  }
0x243: {  	v38 =	vadd.f32 v20, v38;
	v24 =	vmax.f32 v44, v2;
	v44 =	vmax.f32 v46, v56;
	v56 =	vld [tilespmem:$0x1FDF0]  }
0x244: {  	v22 =	vmul.f32 v25, v8;
	v25 =	vadd.f32 v48, v16  }
0x245: {  	v38 =	vadd.f32 v39, v38;
	v39 =	vadd.f32 v45, v0  }
0x246: {  	v5 =	vmul.f32 $2.000000030e-01, v25;
	v0 =	vadd.f32 v4, v18;
	v4 =	vmul.f32 $2.000000030e-01, v31  }
0x247: {  	v30 =	vadd.f32 v22, v38  }
0x248: {  	s15 =	sadd.s32 $0x30, s11;
	s16 =	sadd.s32 $0x9, s29;
	v25 =	vmax.f32 v25, v5;
	v31 =	vmax.f32 v31, v4;
	v5 =	vld [tilespmem:$0x1FE00];
	v4 =	vmul.f32 v49, v56  }
0x249: {  	s8 =	sshll.u32 s16, $0x4;
	v6 =	vmul.f32 $2.000000030e-01, v39;
	[tilespmem:s15+$0x0] =	vst v30  }
0x24a: {  	s14 =	sadd.s32 $0x50, s8;
	v2 =	vld [tilespmem:s13+$0xFFFFFF70];
	[tilespmem:s30+$0x90] =	vst v4  }
0x24b: {  	v38 =	vmax.f32 v39, v6;
	v7 =	vmul.f32 $2.000000030e-01, v0;
	v50 =	vor.u32 s14, v1;
	v6 =	vld [tilespmem:$0x1FE10];
	_ =	sdelay $0x1  }
0x24c: {  	v46 =	vld [tilespmem:s1+$0xFFFFFF70];
	v39 =	vmax.f32 v0, v7;
	v0 =	vmul.f32 v49, v5  }
0x24d: {  	v51 =	vpop (erf);
	v22 =	vld [tilespmem:s13+$0xFFFFFFF0]  }
0x24e: {  	v48 =	vld [tilespmem:s1+$0xFFFFFFF0];
	v56 =	vmul.f32 v51, v10;
	[tilespmem:s30+$0xA0] =	vst v0  }
0x24f: {  	v50 =	vld.idx.msk [tilespmem:v50+s17+$0x0], $0xffff;
	[tilespmem:$0x1FE20] =	vst v2;
	v7 =	vmul.f32 v49, v6  }
0x250: {  	[tilespmem:s0+$0x40] =	vst v56  }
0x251: {  	v11 =	vmul.f32 v51, v11;
	v49 =	vnsel vm0, $0x0, v49;
	[tilespmem:s30+$0xB0] =	vst v7  }
0x252: {  	[tilespmem:s4+$0x0] =	vst v49  }
0x253: {  	v0 =	vld [tilespmem:$0x1FE30];
	[tilespmem:s0+$0x50] =	vst v11  }
0x254: {  	v7 =	vld [tilespmem:$0x1FE40]  }
0x255: {  	v44 =	vmul.f32 v44, v53;
	_ =	sdelay $0x1  }
0x256: {  	v44 =	vadd.f32 $0.0e+00, v44;
	v25 =	vmul.f32 v25, v54  }
0x257: {  	v24 =	vmul.f32 v24, v53;
	v0 =	vmul.f32 v51, v0  }
0x258: {  	v44 =	vadd.f32 v25, v44;
	v25 =	vmul.f32 v51, v7  }
0x259: {  	v31 =	vmul.f32 v31, v54;
	v4 =	vadd.f32 $0.0e+00, v24;
	[tilespmem:s0+$0x60] =	vst v0  }
0x25a: {  	v0 =	vld [tilespmem:$0x1FE50];
	[tilespmem:s0+$0x70] =	vst v25  }
0x25b: {  	v31 =	vadd.f32 v31, v4;
	v4 =	vld [tilespmem:$0x1FE60]  }
0x25c: {  	v46 =	vadd.f32 v46, v2;
	_ =	sdelay $0x1  }
0x25d: {  	v5 =	vmul.f32 $2.000000030e-01, v46  }
0x25e: {  	v6 =	vadd.f32 v48, v22;
	v0 =	vmul.f32 v51, v0  }
0x25f: {  	v46 =	vmax.f32 v46, v5;
	v5 =	vmul.f32 v51, v4  }
0x260: {  	v45 =	vmul.f32 $2.000000030e-01, v6;
	[tilespmem:s0+$0x80] =	vst v0  }
0x261: {  	[tilespmem:s0+$0x90] =	vst v5  }
0x262: {  	v0 =	vadd.f32 v30, v50;
	v30 =	vmax.f32 v6, v45;
	v6 =	vld [tilespmem:$0x1FE70]  }
0x263: {  	v56 =	vld [tilespmem:$0x1FE80];
	_ =	sdelay $0x2  }
0x264: {  	v10 =	vld [tilespmem:s13+$0xFFFFFF80]  }
0x265: {  	v38 =	vmul.f32 v38, v57;
	v52 =	vld [tilespmem:s1+$0xFFFFFF80];
	v7 =	vmul.f32 v51, v6  }
0x266: {  	v39 =	vmul.f32 v39, v57;
	v24 =	vld [tilespmem:s13+$0x0];
	[tilespmem:s15+$0x0] =	vst v0;
	v57 =	vmul.f32 v51, v56  }
0x267: {  	v48 =	vld [tilespmem:s1+$0x0];
	[tilespmem:s0+$0xA0] =	vst v7  }
0x268: {  	v5 =	vnsel vm0, $0x0, v51;
	v6 =	vld [tilespmem:$0x1FE90];
	[tilespmem:s0+$0xB0] =	vst v57  }
0x269: {  	v57 =	vld [tilespmem:$0x1FEA0];
	[tilespmem:s9+$0x0] =	vst v5  }
0x26a: {  	v52 =	vadd.f32 v52, v10;
	v5 =	vld [tilespmem:$0x1FEB0]  }
0x26b: {  	v54 =	vor.u32 s14, v55;
	v47 =	vld [tilespmem:s1+$0x10]  }
0x26c: {  	v39 =	vadd.f32 v39, v44;
	v53 =	vmul.f32 $2.000000030e-01, v52;
	v44 =	vadd.f32 v48, v24;
	v48 =	vpop (erf);
	v25 =	vld [tilespmem:s13+$0x10]  }
0x26d: {  	v7 =	vmul.f32 v48, v6  }
0x26e: {  	v31 =	vadd.f32 v38, v31;
	v38 =	vmax.f32 v52, v53;
	v53 =	vmul.f32 v48, v57  }
0x26f: {  	v6 =	vmul.f32 v48, v5;
	[tilespmem:s28+$0xFFFFFF40] =	vst v7  }
0x270: {  	v4 =	vmul.f32 $2.000000030e-01, v44;
	v52 =	vld.idx.msk [tilespmem:v54+s17+$0x0], $0xffff;
	[tilespmem:s28+$0xFFFFFF50] =	vst v53  }
0x271: {  	v47 =	vadd.f32 v47, v25;
	v54 =	vld [tilespmem:$0x1FEC0];
	[tilespmem:s28+$0xFFFFFF60] =	vst v6  }
0x272: {  	v44 =	vmax.f32 v44, v4;
	v30 =	vmul.f32 v30, v58;
	v4 =	vld [tilespmem:$0x1FED0]  }
0x273: {  	v46 =	vmul.f32 v46, v58;
	v58 =	vmul.f32 $2.000000030e-01, v47;
	_ =	sdelay $0x2  }
0x274: {  	v50 =	vadd.f32 v30, v39;
	v30 =	vpop (erf);
	v57 =	vmul.f32 v48, v54  }
0x275: {  	v47 =	vmax.f32 v47, v58;
	v58 =	vpop (erf);
	v5 =	vmul.f32 v48, v4  }
0x276: {  	v49 =	vld [tilespmem:s1+$0xFFFFFF90];
	v32 =	vmul.f32 v58, v32;
	[tilespmem:s28+$0xFFFFFF70] =	vst v57  }
0x277: {  	v33 =	vmul.f32 v58, v33;
	v6 =	vld [tilespmem:$0x1FEE0];
	[tilespmem:s28+$0xFFFFFF80] =	vst v5  }
0x278: {  	v11 =	vld [tilespmem:s13+$0xFFFFFF90];
	v35 =	vmul.f32 v58, v35;
	[tilespmem:s10+$0x40] =	vst v32  }
0x279: {  	[tilespmem:s10+$0x50] =	vst v33  }
0x27a: {  	v13 =	vld [tilespmem:s13+$0xFFFFFFA0];
	[tilespmem:s10+$0x60] =	vst v35  }
0x27b: {  	v56 =	vld [tilespmem:s1+$0xFFFFFFA0];
	[tilespmem:s11+$0xFFFFFFE0] =	vst v42  }
0x27c: {  	v0 =	vadd.f32 v0, v52;
	v4 =	vmul.f32 v44, v59;
	[tilespmem:s11+$0xFFFFFFF0] =	vst v43  }
0x27d: {  	v46 =	vadd.f32 v46, v31;
	v31 =	vld [tilespmem:s13+$0x20];
	v49 =	vadd.f32 v49, v11;
	v44 =	vor.u32 s6, v55;
	[tilespmem:s9+$0xFFFFFFE0] =	vst v40  }
0x27e: {  	v45 =	vmul.f32 v38, v59;
	v38 =	vld [tilespmem:s13+$0xFFFFFFB0];
	v32 =	vadd.f32 v4, v50;
	v50 =	vor.u32 s20, v61;
	[tilespmem:s15+$0x0] =	vst v0  }
0x27f: {  	v51 =	vld [tilespmem:s1+$0x20];
	v7 =	vmul.f32 $2.000000030e-01, v49;
	[tilespmem:s9+$0xFFFFFFF0] =	vst v37  }
0x280: {  	s16 =	sadd.s32 $0x30, s8;
	s8 =	sadd.s32 $0x40, s8;
	v26 =	vmul.f32 v58, v26;
	v3 =	vadd.f32 v56, v13;
	v56 =	vld [tilespmem:s1+$0xFFFFFFB0];
	[tilespmem:s4+$0xFFFFFFE0] =	vst v41  }
0x281: {  	v17 =	vor.u32 s8, v62;
	v27 =	vmul.f32 v58, v27;
	v49 =	vmax.f32 v49, v7;
	[tilespmem:s4+$0xFFFFFFF0] =	vst v36  }
0x282: {  	v2 =	vmul.f32 v49, v60;
	v49 =	vor.u32 s14, v61;
	[tilespmem:s10+$0x80] =	vst v26;
	v26 =	vmul.f32 v58, v28;
	v44 =	vld.idx.msk [tilespmem:v44+s17+$0x0], $0xffff  }
0x283: {  	v20 =	vor.u32 s7, v62;
	v47 =	vmul.f32 v47, v60;
	[tilespmem:s10+$0x90] =	vst v27;
	v7 =	vmul.f32 v48, v6;
	v50 =	vld.idx.msk [tilespmem:v50+s17+$0x0], $0xffff  }
0x284: {  	v46 =	vadd.f32 v45, v46;
	v39 =	vld [tilespmem:s13+$0x30];
	v5 =	vmul.f32 $2.000000030e-01, v3;
	v27 =	vmul.f32 v58, v29;
	[tilespmem:s10+$0xA0] =	vst v26  }
0x285: {  	v53 =	vld [tilespmem:s1+$0x30];
	v4 =	vadd.f32 v56, v38;
	v6 =	vmul.f32 v58, v34;
	[tilespmem:s28+$0xFFFFFF90] =	vst v7;
	v7 =	vadd.f32 v51, v31  }
0x286: {  	v33 =	vadd.f32 v2, v46;
	v35 =	vmax.f32 v3, v5;
	v5 =	vor.u32 s5, v61;
	[tilespmem:s10+$0xB0] =	vst v27  }
0x287: {  	v2 =	vor.u32 s3, v62;
	v49 =	vld.idx.msk [tilespmem:v49+s17+$0x0], $0xffff;
	v51 =	vor.u32 s7, v55;
	[tilespmem:s10+$0x70] =	vst v6;
	v3 =	vmul.f32 $2.000000030e-01, v7  }
0x288: {  	v28 =	vnsel vm0, $0x0, v58;
	v54 =	vadd.f32 v42, v44;
	v44 =	vadd.f32 v40, v50;
	v50 =	vld [tilespmem:$0x1FEF0]  }
0x289: {  	v60 =	vmul.f32 $2.000000030e-01, v4;
	v34 =	vmax.f32 v7, v3;
	v7 =	vor.u32 s2, v62  }
0x28a: {  	v29 =	vor.u32 s14, v62;
	v35 =	vmul.f32 v35, v63;
	v6 =	vadd.f32 v53, v39  }
0x28b: {  	v32 =	vadd.f32 v47, v32;
	v26 =	vor.u32 s16, v1;
	v47 =	vmax.f32 v4, v60;
	v5 =	vld.idx.msk [tilespmem:v5+s17+$0x0], $0xffff  }
0x28c: {  	v33 =	vadd.f32 v35, v33;
	v47 =	vmul.f32 v47, v8;
	[tilespmem:s11+$0x0] =	vst v28;
	v3 =	vmul.f32 $2.000000030e-01, v6;
	v46 =	vld.idx.msk [tilespmem:v51+s17+$0x0], $0xffff  }
0x28d: {  	v60 =	vadd.f32 v0, v49;
	v34 =	vmul.f32 v34, v63;
	v51 =	vld [tilespmem:$0x1FF00];
	v27 =	vmul.f32 v48, v50  }
0x28e: {  	v57 =	vadd.f32 v47, v33;
	v33 =	vor.u32 s6, v62;
	v4 =	vmax.f32 v6, v3;
	v6 =	vld.idx.msk [tilespmem:v7+s17+$0x0], $0xffff  }
0x28f: {  	v42 =	vor.u32 s16, v55;
	v32 =	vadd.f32 v34, v32;
	v35 =	vmul.f32 v4, v8;
	v7 =	vld.idx.msk [tilespmem:v2+s17+$0x0], $0xffff;
	[tilespmem:s28+$0xFFFFFFA0] =	vst v27  }
0x290: {  	v28 =	vor.u32 s8, v1;
	v40 =	vnsel vm0, $0x0, v30;
	v63 =	vor.u32 s7, v61;
	v58 =	vld [tilespmem:$0x1FF10]  }
0x291: {  	v34 =	vor.u32 s16, v61;
	v56 =	vadd.f32 v35, v32;
	v35 =	vor.u32 s8, v55;
	[tilespmem:s15+$0xFFFFFFE0] =	vst v57  }
0x292: {  	v32 =	vor.u32 s16, v62;
	v53 =	vadd.f32 v43, v46;
	v43 =	vadd.f32 v37, v5;
	[tilespmem:$0x1FF20] =	vst v63  }
0x293: {  	v50 =	vmul.f32 v48, v51;
	v46 =	vnsel vm0, $0x0, v48;
	v37 =	vor.u32 s6, v61;
	v47 =	vld.idx.msk [tilespmem:v26+s17+$0x0], $0xffff;
	[tilespmem:s15+$0x0] =	vst v60  }
0x294: {  	s22 =	sadd.s32 $0x7F60, s22;
	s12 =	sadd.s32 $0x29F0, s12;
	[tilespmem:s15+$0xFFFFFFF0] =	vst v56;
	v26 =	vor.u32 s8, v61;
	v52 =	vadd.f32 v6, v41;
	v59 =	vadd.f32 v7, v36;
	v51 =	vld.idx.msk [tilespmem:v29+s17+$0x0], $0xffff  }
0x295: {  	s3 =	sadd.s32 $0x4E, s29;
	s2 =	simm.s32 $0xC;
	[tilespmem:s11+$0xFFFFFFE0] =	vst v54;
	v41 =	vor.u32 s20, v62;
	v36 =	vor.u32 s5, v62;
	v48 =	vld.idx.msk [tilespmem:v28+s17+$0x0], $0xffff;
	s5 =	sadd.s32 $0x180, s13;
	v49 =	vmul.f32 v30, v58  }
.LBB2_5:
0x296: {  	v58 =	vld [tilespmem:s5+$0xA0]  }
0x297: {  	v0 =	vld [tilespmem:$0x1FB50]  }
0x298: {  	v6 =	vld [tilespmem:$0x1FC60]  }
0x299: {  	v45 =	vld [tilespmem:$0x1F9D0]  }
0x29a: {  	v55 =	vld [tilespmem:$0x1F9E0]  }
0x29b: {  	v61 =	vmul.f32 $1.442695020e+00, v59;
	v59 =	vld [tilespmem:$0x1FA70]  }
0x29c: {  	v4 =	vld [tilespmem:$0x1FB70]  }
0x29d: {  	[tilespmem:$0x1F990] =	vst v20;
	v47 =	vadd.f32 v57, v47;
	v57 =	vld [tilespmem:s5+$0x80]  }
0x29e: {  	[tilespmem:$0x1F9A0] =	vst v17;
	s1 =	sadd.s32 $0x180, s1;
	v20 =	vld [tilespmem:s5+$0x70]  }
0x29f: {  	[tilespmem:s11+$0xFFFFFFF0] =	vst v53;
	v7 =	vmov v9;
	v9 =	vld [tilespmem:s1+$0xA0]  }
0x2a0: {  	[tilespmem:$0x1FC60] =	vst v7;
	v7 =	vld [tilespmem:$0x1FC70]  }
0x2a1: {  	[tilespmem:s9+$0xFFFFFFE0] =	vst v44;
	v17 =	vld [tilespmem:s1+$0x90]  }
0x2a2: {  	[tilespmem:s28+$0xFFFFFFB0] =	vst v50;
	v50 =	vld [tilespmem:$0x1FCB0]  }
0x2a3: {  	[tilespmem:s31+$0xFFFFFFE0] =	vst v46;
	v46 =	vld [tilespmem:$0x1FBB0]  }
0x2a4: {  	[tilespmem:s9+$0xFFFFFFF0] =	vst v43;
	v48 =	vadd.f32 v56, v48;
	v56 =	vld [tilespmem:$0x1FA30]  }
0x2a5: {  	[tilespmem:s28+$0xFFFFFFC0] =	vst v49;
	v3 =	vmov v59;
	v5 =	vmov v4;
	v59 =	vld [tilespmem:s5+$0x90]  }
0x2a6: {  	v63 =	vmul.f32 v30, v55;
	v55 =	vld [tilespmem:$0x1FA90];
	[tilespmem:$0x1FA70] =	vst v5  }
0x2a7: {  	v62 =	vmul.f32 v30, v45;
	v45 =	vmov v7;
	v5 =	vld [tilespmem:$0x1FA00];
	[tilespmem:s15+$0xFFFFFFF0] =	vst v48  }
0x2a8: {  	v1 =	vmov v0;
	[tilespmem:$0x1FB70] =	vst v45;
	v45 =	vadd.f32 v51, v60;
	v51 =	vld [tilespmem:$0x1FA10]  }
0x2a9: {  	[tilespmem:s28+$0xFFFFFFD0] =	vst v62;
	v62 =	vld [tilespmem:$0x1FB10]  }
0x2aa: {  	[tilespmem:s28+$0xFFFFFFE0] =	vst v63;
	v63 =	vld [tilespmem:$0x1FC10]  }
0x2ab: {  	[tilespmem:$0x1F9C0] =	vst v1;
	v1 =	vmov v6;
	v6 =	vld [tilespmem:$0x1F9F0]  }
0x2ac: {  	v49 =	vmov v46;
	v46 =	vld [tilespmem:$0x1FAF0]  }
0x2ad: {  	v4 =	vmov v55;
	v55 =	vld [tilespmem:$0x1FA20]  }
0x2ae: {  	v52 =	vmul.f32 $1.442695020e+00, v52;
	[tilespmem:$0x1F9E0] =	vst v4;
	v4 =	vld [tilespmem:$0x1FC90]  }
0x2af: {  	v60 =	vmul.f32 v30, v51;
	v51 =	vmov v50;
	v50 =	vld [tilespmem:$0x1FBF0]  }
0x2b0: {  	(erf) = vpow2.f32 v52;
	v52 =	vmul.f32 v30, v6;
	v6 =	vld [tilespmem:$0x1FB90]  }
0x2b1: {  	(erf) = vpow2.f32 v61;
	v61 =	vmul.f32 v30, v5;
	[tilespmem:$0x1FBB0] =	vst v51;
	v51 =	vld [tilespmem:$0x1FCF0]  }
0x2b2: {  	[tilespmem:s28+$0x10] =	vst v60;
	v60 =	vld [tilespmem:s1+$0x70]  }
0x2b3: {  	[tilespmem:s28+$0x0] =	vst v61;
	v0 =	vmul.f32 v30, v55;
	v55 =	vld [tilespmem:s1+$0x80]  }
0x2b4: {  	v2 =	vmovc v16;
	v16 =	vmov v63;
	[tilespmem:s28+$0xFFFFFFF0] =	vst v52;
	v5 =	vmov v4;
	v4 =	vmov v22;
	v22 =	vld [tilespmem:s5+$0x40]  }
0x2b5: {  	[tilespmem:$0x1FB10] =	vst v16;
	v16 =	vld [tilespmem:s5+$0xFFFFFFD0]  }
0x2b6: {  	[tilespmem:$0x1FB90] =	vst v5;
	v5 =	vld [tilespmem:$0x1FAD0]  }
0x2b7: {  	[tilespmem:s15+$0xFFFFFFE0] =	vst v47;
	v27 =	vmov v50;
	v50 =	vmov v38;
	v38 =	vld [tilespmem:s5+$0x60]  }
0x2b8: {  	[tilespmem:s28+$0x20] =	vst v0;
	v0 =	vld [tilespmem:s5+$0xFFFFFF40];
	v7 =	vmov v6  }
0x2b9: {  	[tilespmem:$0x1FA90] =	vst v7;
	v7 =	vld [tilespmem:$0x1FAB0]  }
0x2ba: {  	v19 =	vmov v51;
	v51 =	vld [tilespmem:$0x1FB30]  }
0x2bb: {  	[tilespmem:$0x1FC70] =	vst v2;
	v6 =	vmov v18;
	v18 =	vmov v62;
	v62 =	vld [tilespmem:$0x1FC30]  }
0x2bc: {  	[tilespmem:$0x1FC90] =	vst v6;
	v6 =	vld [tilespmem:$0x1FBD0]  }
0x2bd: {  	[tilespmem:$0x1FCB0] =	vst v4;
	v4 =	vmov v24;
	v24 =	vld [tilespmem:s1+$0x40]  }
0x2be: {  	v56 =	vmul.f32 v30, v56;
	v30 =	vmul.f32 $1.442695020e+00, v45;
	[tilespmem:$0x1FAB0] =	vst v49;
	v49 =	vmovc v46;
	v46 =	vld [tilespmem:$0x1FD20];
	v45 =	vmov v7  }
0x2bf: {  	[tilespmem:$0x1F9F0] =	vst v45;
	v45 =	vld [tilespmem:$0x1FCD0]  }
0x2c0: {  	[tilespmem:$0x1FA20] =	vst v18;
	v18 =	vld [tilespmem:s5+$0xFFFFFFE0]  }
0x2c1: {  	[tilespmem:$0x1FCD0] =	vst v4;
	v4 =	vld [tilespmem:$0x1FD10]  }
0x2c2: {  	[tilespmem:$0x1F9D0] =	vst v3;
	v28 =	vmov v5;
	v5 =	vmov v25;
	v25 =	vld [tilespmem:s5+$0x50]  }
0x2c3: {  	[tilespmem:$0x1FA10] =	vst v49;
	v63 =	vmov v62;
	v62 =	vld [tilespmem:$0x1FA80]  }
0x2c4: {  	[tilespmem:$0x1FCF0] =	vst v5;
	v7 =	vmov v6;
	v49 =	vmov v46;
	v46 =	vld [tilespmem:$0x1FA60];
	v6 =	vmov v45  }
0x2c5: {  	v5 =	vmov v31;
	[tilespmem:$0x1FBD0] =	vst v6;
	v6 =	vld [tilespmem:$0x1FB20]  }
0x2c6: {  	[tilespmem:$0x1FD20] =	vst v50;
	v8 =	vmov v4;
	v4 =	vld [tilespmem:$0x1FD30]  }
0x2c7: {  	[tilespmem:$0x1FB30] =	vst v63;
	v63 =	vld [tilespmem:$0x1FAA0]  }
0x2c8: {  	[tilespmem:$0x1FD10] =	vst v5;
	v5 =	vmov v39;
	v45 =	vld [tilespmem:$0x1FC20]  }
0x2c9: {  	[tilespmem:$0x1FD30] =	vst v5;
	v5 =	vld [tilespmem:$0x1FAE0]  }
0x2ca: {  	[tilespmem:$0x1FAD0] =	vst v7;
	v7 =	vmov v6;
	v6 =	vld [tilespmem:$0x1FA40]  }
0x2cb: {  	[tilespmem:$0x1FA00] =	vst v28;
	v52 =	vmov v51;
	v2 =	vmov v4;
	v4 =	vld [tilespmem:$0x1FAC0]  }
0x2cc: {  	(erf) = vpow2.f32 v30;
	[tilespmem:$0x1FA30] =	vst v52;
	v31 =	vld [tilespmem:s1+$0x50]  }
0x2cd: {  	v50 =	vpop (erf);
	v28 =	vmov v13;
	v13 =	vmov v10;
	v10 =	vld [tilespmem:$0x1FF40];
	[tilespmem:$0x1FC20] =	vst v49  }
0x2ce: {  	v39 =	vld [tilespmem:s1+$0x60];
	v61 =	vmul.f32 v50, v62;
	v62 =	vmul.f32 v50, v63;
	[tilespmem:$0x1F9B0] =	vst v7;
	v7 =	vmov v45  }
0x2cf: {  	v52 =	vmov v53;
	v63 =	vmul.f32 v50, v5;
	v5 =	vld [tilespmem:s1+$0xFFFFFFC0];
	[tilespmem:$0x1FB20] =	vst v7;
	v7 =	vmul.f32 v50, v6  }
0x2d0: {  	v49 =	vmul.f32 v50, v46;
	[tilespmem:$0x1FC30] =	vst v2;
	v53 =	vmul.f32 v50, v4;
	v4 =	vadd.f32 v9, v58;
	v9 =	vld [tilespmem:$0x1FF70]  }
0x2d1: {  	v24 =	vadd.f32 v24, v22;
	v6 =	vld [tilespmem:$0x1FB40];
	[tilespmem:s30+$0xFFFFFF40] =	vst v7  }
0x2d2: {  	v2 =	vld [tilespmem:s1+$0xFFFFFF40];
	[tilespmem:s30+$0xFFFFFF50] =	vst v49  }
0x2d3: {  	v45 =	vmul.f32 $2.000000030e-01, v24;
	v49 =	vld [tilespmem:$0x1FC40];
	[tilespmem:s30+$0xFFFFFF60] =	vst v61  }
0x2d4: {  	v30 =	vpop (erf);
	v61 =	vld [tilespmem:$0x1FB00];
	[tilespmem:s30+$0xFFFFFF70] =	vst v62  }
0x2d5: {  	v3 =	vmax.f32 v24, v45;
	v24 =	vadd.f32 v39, v38;
	v39 =	vpop (erf);
	v62 =	vld [tilespmem:s5+$0xFFFFFF50];
	[tilespmem:s30+$0xFFFFFF80] =	vst v53  }
0x2d6: {  	[tilespmem:$0x1FC10] =	vst v8;
	v7 =	vmov v6;
	v6 =	vmul.f32 v39, v12;
	v53 =	vld [tilespmem:s1+$0xFFFFFF50]  }
0x2d7: {  	v31 =	vadd.f32 v31, v25;
	[tilespmem:s30+$0xFFFFFF90] =	vst v63;
	v12 =	vld [tilespmem:$0x1FF50]  }
0x2d8: {  	v51 =	vmovc v54;
	v45 =	vmul.f32 v39, v14;
	v63 =	vld [tilespmem:s5+$0xB0];
	[tilespmem:s13+$0x40] =	vst v6;
	v6 =	vmul.f32 v39, v21;
	v54 =	vmov v49  }
0x2d9: {  	v14 =	vmovc v25;
	v25 =	vld [tilespmem:s1+$0xB0];
	[tilespmem:$0x1FB40] =	vst v54;
	v54 =	vadd.f32 v55, v57;
	v55 =	vadd.f32 v17, v59;
	v17 =	vmul.f32 $2.000000030e-01, v31  }
0x2da: {  	v60 =	vadd.f32 v60, v20;
	v8 =	vmov v20;
	v3 =	vmul.f32 v3, v10;
	[tilespmem:s13+$0x50] =	vst v45;
	v45 =	vld [tilespmem:$0x1FD40]  }
0x2db: {  	[tilespmem:s13+$0x60] =	vst v6;
	v6 =	vmul.f32 v39, v15;
	v15 =	vld [tilespmem:$0x1FF60];
	v17 =	vmax.f32 v31, v17;
	v31 =	vmul.f32 $2.000000030e-01, v24  }
0x2dc: {  	[tilespmem:$0x1FAF0] =	vst v27;
	v27 =	vmovc v22;
	v3 =	vadd.f32 $0.0e+00, v3;
	v49 =	vmovc v26;
	v26 =	vmov v11;
	v11 =	vld [tilespmem:s5+$0xFFFFFFC0];
	v22 =	vmul.f32 v17, v12  }
0x2dd: {  	[tilespmem:$0x1FD40] =	vst v8;
	v8 =	vmov v59;
	v59 =	vld [tilespmem:s5+$0xFFFFFF60];
	v21 =	vmax.f32 v24, v31;
	v24 =	vmul.f32 $2.000000030e-01, v60  }
0x2de: {  	[tilespmem:$0x1FBF0] =	vst v19;
	v31 =	vld [tilespmem:s1+$0xFFFFFFD0];
	v3 =	vadd.f32 v22, v3;
	v20 =	vmul.f32 v21, v9  }
0x2df: {  	[tilespmem:$0x1FA40] =	vst v7;
	v7 =	vmul.f32 v39, v45;
	v45 =	vld [tilespmem:$0x1FD50];
	v19 =	vmax.f32 v60, v24  }
0x2e0: {  	v3 =	vadd.f32 v20, v3;
	v19 =	vmul.f32 v19, v15;
	v20 =	vld [tilespmem:$0x1FF90]  }
0x2e1: {  	[tilespmem:$0x1FD50] =	vst v8;
	v8 =	vmov v58;
	v58 =	vmul.f32 $2.000000030e-01, v4;
	v21 =	vmul.f32 $2.000000030e-01, v54;
	v60 =	vld [tilespmem:$0x1FD60]  }
0x2e2: {  	v61 =	vmul.f32 v50, v61;
	v2 =	vadd.f32 v2, v0;
	[tilespmem:s13+$0x80] =	vst v6;
	v3 =	vadd.f32 v19, v3;
	v19 =	vld [tilespmem:$0x1FF80]  }
0x2e3: {  	v25 =	vadd.f32 v25, v63;
	v22 =	vmul.f32 $2.000000030e-01, v55;
	[tilespmem:s13+$0x70] =	vst v7;
	v24 =	vld [tilespmem:s1+$0xFFFFFF60];
	v4 =	vmax.f32 v4, v58  }
0x2e4: {  	[tilespmem:$0x1FD60] =	vst v8;
	v58 =	vld [tilespmem:$0x1FB60];
	v29 =	vmax.f32 v54, v21;
	v54 =	vmul.f32 $2.000000030e-01, v2;
	v7 =	vmul.f32 v39, v45  }
0x2e5: {  	v22 =	vmax.f32 v55, v22;
	v45 =	vmul.f32 v39, v23;
	v21 =	vmovc v38;
	v38 =	vld [tilespmem:s5+$0xFFFFFF70];
	v23 =	vmul.f32 v29, v20  }
0x2e6: {  	v8 =	vmov v0;
	v0 =	vadd.f32 v53, v62;
	v2 =	vmax.f32 v2, v54;
	[tilespmem:s13+$0x90] =	vst v7;
	v29 =	vld [tilespmem:$0x1FFA0]  }
0x2e7: {  	v6 =	vmul.f32 v39, v60;
	[tilespmem:s13+$0xB0] =	vst v45;
	v3 =	vadd.f32 v23, v3;
	v23 =	vmul.f32 v22, v19;
	v22 =	vld [tilespmem:$0x1FD90]  }
0x2e8: {  	v54 =	vmul.f32 $2.000000030e-01, v0;
	v60 =	vnsel vm0, $0x0, v39;
	v7 =	vld [tilespmem:s1+$0xFFFFFF70];
	v39 =	vmul.f32 $2.000000030e-01, v25;
	[tilespmem:s30+$0xFFFFFFA0] =	vst v61  }
0x2e9: {  	v5 =	vadd.f32 v5, v11;
	[tilespmem:s13+$0xA0] =	vst v6;
	v6 =	vld [tilespmem:s1+$0xFFFFFFE0]  }
0x2ea: {  	v2 =	vmul.f32 v2, v10;
	v0 =	vmax.f32 v0, v54;
	[tilespmem:s28+$0x30] =	vst v56;
	v25 =	vmax.f32 v25, v39;
	v39 =	vld [tilespmem:$0x1FC50]  }
0x2eb: {  	v0 =	vmul.f32 v0, v12;
	[tilespmem:s15+$0x0] =	vst v60;
	v53 =	vld [tilespmem:s1+$0xFFFFFFF0]  }
0x2ec: {  	v2 =	vadd.f32 $0.0e+00, v2;
	[tilespmem:$0x1FD90] =	vst v8;
	v60 =	vmul.f32 $2.000000030e-01, v5;
	v8 =	vld [tilespmem:$0x1FFC0];
	v4 =	vmul.f32 v4, v29;
	v45 =	vmovc v22  }
0x2ed: {  	[tilespmem:$0x1FC40] =	vst v45;
	v45 =	vld [tilespmem:$0x1FF30]  }
0x2ee: {  	v0 =	vadd.f32 v0, v2;
	v2 =	vld [tilespmem:s1+$0xFFFFFFA0];
	v3 =	vadd.f32 v23, v3;
	v5 =	vmax.f32 v5, v60  }
0x2ef: {  	v5 =	vmul.f32 v5, v10;
	v10 =	vld [tilespmem:$0x1FE20]  }
0x2f0: {  	v3 =	vadd.f32 v4, v3;
	v4 =	vmov v58;
	v58 =	vld [tilespmem:$0x1FDD0]  }
0x2f1: {  	v17 =	vmov v57;
	v57 =	vmov v39;
	v39 =	vld [tilespmem:s1+$0xFFFFFF80]  }
0x2f2: {  	s6 =	smov.u32 s2;
	v23 =	vmov v63;
	v63 =	vld [tilespmem:$0x1FB80];
	v61 =	vmul.f32 v25, v45  }
0x2f3: {  	s6 =	sadd.s32 s6, s29;
	[tilespmem:$0x1FB50] =	vst v1;
	v1 =	vnsel vm0, $0x0, v30;
	v22 =	vld [tilespmem:s5+$0xFFFFFFF0]  }
0x2f4: {  	s8 =	sshll.u32 s6, $0x4;
	v31 =	vadd.f32 v31, v16;
	[tilespmem:s31+$0xFFFFFFF0] =	vst v40;
	v40 =	vmov v1;
	v1 =	vld [tilespmem:s5+$0xFFFFFF80]  }
0x2f5: {  	s7 =	sadd.s32 $0x30, s8;
	s6 =	sadd.s32 $0x40, s8;
	s8 =	sadd.s32 $0x50, s8;
	v6 =	vadd.f32 v6, v18;
	v60 =	vmov v58;
	v58 =	vld [tilespmem:$0x1FDE0]  }
0x2f6: {  	[tilespmem:$0x1FA60] =	vst v4;
	v4 =	vmul.f32 $2.000000030e-01, v31;
	v25 =	vor.u32 s8, v8;
	v3 =	vadd.f32 v61, v3;
	v61 =	vmovc v62;
	v62 =	vld [tilespmem:$0x1FC80]  }
0x2f7: {  	v55 =	vadd.f32 v24, v59;
	v24 =	vld [tilespmem:s5+$0x0]  }
0x2f8: {  	[tilespmem:$0x1FB60] =	vst v57;
	s31 =	smov.u32 s4;
	s4 =	smov.u32 s9;
	v56 =	vld [tilespmem:s1+$0x0];
	v57 =	vmov v63;
	v4 =	vmax.f32 v31, v4;
	v31 =	vmul.f32 $2.000000030e-01, v6  }
0x2f9: {  	v54 =	vmul.f32 $2.000000030e-01, v55;
	s9 =	smov.u32 s11;
	s11 =	smov.u32 s15;
	s15 =	sadd.s32 $0x30, s15;
	[tilespmem:$0x1FA80] =	vst v57;
	v57 =	vld [tilespmem:s5+$0xFFFFFF90]  }
0x2fa: {  	v7 =	vadd.f32 v7, v38;
	v6 =	vmax.f32 v6, v31;
	v31 =	vld [tilespmem:$0x1FBC0];
	[tilespmem:s15+$0x0] =	vst v3  }
0x2fb: {  	v54 =	vmax.f32 v55, v54;
	v63 =	vmovc v62;
	v62 =	vmov v58;
	v58 =	vld.idx.msk [tilespmem:v25+s17+$0x0], $0xffff;
	v25 =	vmov v59  }
0x2fc: {  	v55 =	vmovc v38;
	v38 =	vmul.f32 $2.000000030e-01, v7;
	v5 =	vadd.f32 $0.0e+00, v5;
	v4 =	vmul.f32 v4, v12;
	[tilespmem:$0x1FDE0] =	vst v25;
	v25 =	vld [tilespmem:$0x1FBA0]  }
0x2fd: {  	[tilespmem:$0x1FE20] =	vst v55;
	v53 =	vadd.f32 v53, v22;
	v12 =	vmov v27;
	v27 =	vld [tilespmem:$0x1FFD0]  }
0x2fe: {  	[tilespmem:$0x1FC50] =	vst v60;
	v4 =	vadd.f32 v4, v5;
	v5 =	vmax.f32 v7, v38;
	v38 =	vld [tilespmem:s5+$0xFFFFFFB0]  }
0x2ff: {  	v55 =	vmul.f32 $2.000000030e-01, v53;
	[tilespmem:$0x1FDD0] =	vst v61;
	v61 =	vmov v31;
	v59 =	vld [tilespmem:s1+$0xFFFFFF90]  }
0x300: {  	[tilespmem:$0x1FAC0] =	vst v61;
	v61 =	vld [tilespmem:$0x1FCC0]  }
0x301: {  	v53 =	vmax.f32 v53, v55;
	v55 =	vld [tilespmem:s1+$0x20];
	[tilespmem:$0x1FB80] =	vst v63;
	v60 =	vmov v25  }
0x302: {  	v13 =	vmovc v13;
	v39 =	vadd.f32 v39, v1;
	v6 =	vmul.f32 v6, v9;
	v63 =	vmov v10;
	[tilespmem:$0x1FAA0] =	vst v60;
	v60 =	vld [tilespmem:$0x1FCA0]  }
0x303: {  	[tilespmem:$0x1FCC0] =	vst v13;
	v10 =	vmovc v1;
	v1 =	vmul.f32 v54, v9;
	v9 =	vmov v11;
	v54 =	vld [tilespmem:$0x1FCE0];
	v11 =	vmov v57  }
0x304: {  	[tilespmem:$0x1FC80] =	vst v62;
	v62 =	vor.u32 s8, v27;
	v57 =	vadd.f32 v59, v11;
	v59 =	vld [tilespmem:s1+$0xFFFFFFB0]  }
0x305: {  	v3 =	vadd.f32 v3, v58;
	[tilespmem:$0x1FCA0] =	vst v63;
	v63 =	vmov v61;
	v61 =	vld [tilespmem:s5+$0xFFFFFFA0]  }
0x306: {  	[tilespmem:$0x1FBC0] =	vst v63;
	v63 =	vld [tilespmem:$0x1FBE0]  }
0x307: {  	[tilespmem:s15+$0x0] =	vst v3;
	v25 =	vmov v60;
	v60 =	vld [tilespmem:s1+$0x10]  }
0x308: {  	v0 =	vadd.f32 v1, v0;
	[tilespmem:$0x1FBA0] =	vst v25;
	v25 =	vld [tilespmem:s5+$0x10]  }
0x309: {  	v1 =	vadd.f32 v6, v4;
	v4 =	vmul.f32 v53, v15;
	v53 =	vmul.f32 $2.000000030e-01, v57;
	v58 =	vmovc v54;
	v6 =	vld.idx.msk [tilespmem:v62+s17+$0x0], $0xffff  }
0x30a: {  	v62 =	vld [tilespmem:$0x1FC00];
	[tilespmem:$0x1FBE0] =	vst v58  }
0x30b: {  	v2 =	vadd.f32 v2, v61;
	v13 =	vmovc v61;
	v61 =	vmovc v44;
	v44 =	vmax.f32 v57, v53;
	v57 =	vld [tilespmem:$0x1FF20];
	v31 =	vmov v63  }
0x30c: {  	v56 =	vadd.f32 v56, v24;
	v7 =	vmul.f32 $2.000000030e-01, v39;
	v58 =	vmov v26;
	[tilespmem:$0x1FAE0] =	vst v31;
	v31 =	vld [tilespmem:s5+$0x20]  }
0x30d: {  	v5 =	vmul.f32 v5, v15;
	[tilespmem:$0x1FCE0] =	vst v58;
	v58 =	vadd.f32 v60, v25;
	v60 =	vld [tilespmem:$0x1FD00]  }
0x30e: {  	v7 =	vmax.f32 v39, v7;
	v39 =	vld [tilespmem:s5+$0x30];
	v63 =	vmul.f32 $2.000000030e-01, v56  }
0x30f: {  	v7 =	vmul.f32 v7, v20;
	v15 =	vmov v17;
	v17 =	vld [tilespmem:$0x1FFE0];
	v0 =	vadd.f32 v5, v0  }
0x310: {  	v1 =	vadd.f32 v4, v1;
	v26 =	vld [tilespmem:$0x1F9A0];
	v3 =	vadd.f32 v3, v6;
	v5 =	vmul.f32 $2.000000030e-01, v58  }
0x311: {  	v6 =	vld.idx.msk [tilespmem:v37+s17+$0x0], $0xffff;
	v54 =	vmax.f32 v56, v63;
	v56 =	vmul.f32 v44, v19;
	v44 =	vadd.f32 v59, v38  }
0x312: {  	v63 =	vmovc v62;
	v4 =	vadd.f32 v55, v31;
	v55 =	vld [tilespmem:s1+$0x30];
	v5 =	vmax.f32 v58, v5;
	v62 =	vmov v60  }
0x313: {  	v5 =	vmul.f32 v5, v19;
	v19 =	vmov v49;
	[tilespmem:$0x1FC00] =	vst v62;
	v62 =	vld.idx.msk [tilespmem:v42+s17+$0x0], $0xffff;
	v42 =	vmul.f32 $2.000000030e-01, v2  }
0x314: {  	v0 =	vadd.f32 v7, v0;
	v53 =	vmul.f32 v54, v20;
	v59 =	vmul.f32 $2.000000030e-01, v44;
	[tilespmem:$0x1FF20] =	vst v19;
	v19 =	vld [tilespmem:$0x1F990]  }
0x315: {  	v54 =	vor.u32 s8, v17;
	[tilespmem:$0x1FB00] =	vst v63;
	v63 =	vmov v28;
	v7 =	vld.idx.msk [tilespmem:v57+s17+$0x0], $0xffff;
	v2 =	vmax.f32 v2, v42  }
0x316: {  	v0 =	vadd.f32 v56, v0;
	v28 =	vmax.f32 v44, v59;
	v58 =	vld.idx.msk [tilespmem:v35+s17+$0x0], $0xffff;
	v2 =	vmul.f32 v2, v29  }
0x317: {  	v1 =	vadd.f32 v53, v1;
	v59 =	vld.idx.msk [tilespmem:v36+s17+$0x0], $0xffff;
	[tilespmem:$0x1FD00] =	vst v63;
	v57 =	vmul.f32 v28, v45;
	v60 =	vmul.f32 $2.000000030e-01, v4  }
0x318: {  	v63 =	vmovc v43;
	v43 =	vor.u32 s7, v8;
	v42 =	vadd.f32 v55, v39;
	v55 =	vld.idx.msk [tilespmem:v41+s17+$0x0], $0xffff;
	v0 =	vadd.f32 v2, v0  }
0x319: {  	[tilespmem:s15+$0x0] =	vst v3;
	v4 =	vmax.f32 v4, v60;
	v36 =	vmov v19;
	v19 =	vld [tilespmem:$0x1FFF0]  }
0x31a: {  	v1 =	vadd.f32 v5, v1;
	v5 =	vld.idx.msk [tilespmem:v54+s17+$0x0], $0xffff;
	v60 =	vmul.f32 $2.000000030e-01, v42;
	v57 =	vadd.f32 v57, v0  }
0x31b: {  	v4 =	vmul.f32 v4, v29;
	v53 =	vadd.f32 v48, v58;
	v58 =	vld [tilespmem:$0x1F9B0]  }
0x31c: {  	v54 =	vadd.f32 v47, v62;
	v62 =	vld [tilespmem:$0x1F9C0];
	v28 =	vmax.f32 v42, v60;
	[tilespmem:s15+$0xFFFFFFE0] =	vst v57  }
0x31d: {  	s2 =	sadd.s32 $0x3, s2;
	v8 =	vor.u32 s6, v8;
	v1 =	vadd.f32 v4, v1;
	v60 =	vmul.f32 v28, v45;
	v47 =	vld.idx.msk [tilespmem:v43+s17+$0x0], $0xffff  }
0x31e: {  	p2 =	slt.u32 s2, $0x4B;
	v49 =	vor.u32 s8, v19;
	v43 =	vadd.f32 v52, v7;
	v52 =	vadd.f32 v55, v61;
	v61 =	vld [tilespmem:$0x1FA50]  }
.Ltmp1:
0x31f: {  	v46 =	vnsel vm0, $0x0, v50;
	v56 =	vadd.f32 v60, v1;
	(pc) =	sbr.rel @p2 .LBB2_5-.Ltmp1, $4  }
0x320: {  	v37 =	vmovc v34;
	v34 =	vor.u32 s7, v17;
	v20 =	vmovc v26;
	v26 =	vor.u32 s6, v17;
	v60 =	vadd.f32 v3, v5;
	[tilespmem:s11+$0xFFFFFFE0] =	vst v54  }
0x321: {  	v44 =	vadd.f32 v51, v6;
	v35 =	vor.u32 s6, v27;
	v59 =	vadd.f32 v59, v63;
	[tilespmem:s15+$0xFFFFFFF0] =	vst v56  }
0x322: {  	s28 =	smov.u32 s30;
	s30 =	smov.u32 s0;
	s0 =	smov.u32 s10;
	v41 =	vmovc v33;
	v42 =	vor.u32 s7, v27;
	v50 =	vmul.f32 v50, v58;
	v63 =	vmov v62;
	[tilespmem:s15+$0x0] =	vst v60;
	v48 =	vld.idx.msk [tilespmem:v8+s17+$0x0], $0xffff  }
0x323: {  	s10 =	smov.u32 s13;
	s13 =	smov.u32 s5;
	s5 =	sadd.s32 $0x180, s5;
	v33 =	vmovc v32;
	v32 =	vor.u32 s7, v19;
	v17 =	vor.u32 s6, v19;
	[tilespmem:$0x1FA50] =	vst v63;
	v51 =	vld.idx.msk [tilespmem:v49+s17+$0x0], $0xffff;
	v49 =	vmul.f32 v30, v61  }
0x324: {  	[tilespmem:s28+$0xFFFFFFB0] =	vst v50  }
0x325: {  	[tilespmem:s31+$0xFFFFFFE0] =	vst v46  }
0x326: {  	v2 =	vld [tilespmem:$0x1F9D0];
	[tilespmem:s28+$0xFFFFFFC0] =	vst v49  }
0x327: {  	v6 =	vld [tilespmem:$0x1F9E0];
	_ =	sdelay $0x1  }
0x328: {  	v0 =	vmul.f32 $1.442695020e+00, v52  }
0x329: {  	v1 =	vmul.f32 $1.442695020e+00, v59  }
0x32a: {  	(erf) = vpow2.f32 v0;
	v2 =	vmul.f32 v30, v2  }
0x32b: {  	(erf) = vpow2.f32 v1;
	v1 =	vmul.f32 v30, v6  }
0x32c: {  	[tilespmem:s28+$0xFFFFFFD0] =	vst v2  }
0x32d: {  	v7 =	vld [tilespmem:$0x1F9F0];
	[tilespmem:s28+$0xFFFFFFE0] =	vst v1  }
0x32e: {  	v5 =	vadd.f32 v51, v60;
	v1 =	vld [tilespmem:$0x1FA00];
	_ =	sdelay $0x1  }
0x32f: {  	v0 =	vmul.f32 $1.442695020e+00, v5;
	_ =	sdelay $0x1  }
0x330: {  	(erf) = vpow2.f32 v0;
	v0 =	vmul.f32 v30, v7  }
0x331: {  	v1 =	vmul.f32 v30, v1  }
0x332: {  	[tilespmem:s28+$0xFFFFFFF0] =	vst v0  }
0x333: {  	v0 =	vld [tilespmem:$0x1FA10];
	[tilespmem:s28+$0x0] =	vst v1  }
0x334: {  	v1 =	vld [tilespmem:$0x1FA20];
	_ =	sdelay $0x3  }
0x335: {  	v0 =	vmul.f32 v30, v0  }
0x336: {  	v1 =	vmul.f32 v30, v1  }
0x337: {  	[tilespmem:s28+$0x10] =	vst v0  }
0x338: {  	v0 =	vld [tilespmem:$0x1FA40];
	[tilespmem:s28+$0x20] =	vst v1  }
0x339: {  	v1 =	vld [tilespmem:$0x1FA60];
	_ =	sdelay $0x2  }
0x33a: {  	v8 =	vpop (erf)  }
0x33b: {  	v0 =	vmul.f32 v8, v0  }
0x33c: {  	v1 =	vmul.f32 v8, v1  }
0x33d: {  	[tilespmem:s30+$0xFFFFFF40] =	vst v0  }
0x33e: {  	v0 =	vld [tilespmem:$0x1FA80];
	[tilespmem:s30+$0xFFFFFF50] =	vst v1  }
0x33f: {  	v1 =	vld [tilespmem:$0x1FAA0];
	_ =	sdelay $0x3  }
0x340: {  	v0 =	vmul.f32 v8, v0  }
0x341: {  	v1 =	vmul.f32 v8, v1  }
0x342: {  	[tilespmem:s30+$0xFFFFFF60] =	vst v0  }
0x343: {  	v3 =	vpop (erf);
	v0 =	vld [tilespmem:$0x1FAC0];
	[tilespmem:s30+$0xFFFFFF70] =	vst v1  }
0x344: {  	v4 =	vpop (erf);
	v1 =	vld [tilespmem:$0x1FAE0]  }
0x345: {  	v12 =	vmul.f32 v4, v12;
	_ =	sdelay $0x1  }
0x346: {  	v14 =	vmul.f32 v4, v14;
	[tilespmem:s13+$0x40] =	vst v12  }
0x347: {  	[tilespmem:s9+$0xFFFFFFE0] =	vst v44;
	v0 =	vmul.f32 v8, v0  }
0x348: {  	[tilespmem:s13+$0x50] =	vst v14;
	v1 =	vmul.f32 v8, v1  }
0x349: {  	[tilespmem:s30+$0xFFFFFF80] =	vst v0  }
0x34a: {  	[tilespmem:s30+$0xFFFFFF90] =	vst v1  }
0x34b: {  	v0 =	vld [tilespmem:$0x1FD40];
	_ =	sdelay $0x3  }
0x34c: {  	v27 =	vmul.f32 v4, v21  }
0x34d: {  	v0 =	vmul.f32 v4, v0  }
0x34e: {  	v28 =	vmul.f32 v4, v15;
	[tilespmem:s13+$0x60] =	vst v27  }
0x34f: {  	[tilespmem:s13+$0x70] =	vst v0  }
0x350: {  	v0 =	vld [tilespmem:$0x1FD50];
	[tilespmem:s13+$0x80] =	vst v28  }
0x351: {  	v1 =	vld [tilespmem:$0x1FD60];
	_ =	sdelay $0x2  }
0x352: {  	v29 =	vmul.f32 v4, v23  }
0x353: {  	v5 =	vld.idx.msk [tilespmem:v41+s17+$0x0], $0xffff;
	v0 =	vmul.f32 v4, v0  }
0x354: {  	[tilespmem:s13+$0xB0] =	vst v29;
	v1 =	vmul.f32 v4, v1  }
0x355: {  	[tilespmem:s13+$0x90] =	vst v0  }
0x356: {  	[tilespmem:s13+$0xA0] =	vst v1  }
0x357: {  	v0 =	vld [tilespmem:$0x1FB00]  }
0x358: {  	v41 =	vadd.f32 v5, v44;
	v44 =	vld [tilespmem:$0x1FA30];
	_ =	sdelay $0x3  }
0x359: {  	v4 =	vnsel vm0, $0x0, v4;
	v0 =	vmul.f32 v8, v0  }
0x35a: {  	[tilespmem:s15+$0x0] =	vst v4;
	v5 =	vmul.f32 v30, v44  }
0x35b: {  	[tilespmem:s30+$0xFFFFFFA0] =	vst v0  }
0x35c: {  	[tilespmem:s28+$0x30] =	vst v5  }
0x35d: {  	v0 =	vld [tilespmem:$0x1FB20];
	_ =	sdelay $0x4  }
0x35e: {  	v0 =	vmul.f32 v8, v0  }
0x35f: {  	[tilespmem:s31+$0xFFFFFFF0] =	vst v40  }
0x360: {  	v45 =	vnsel vm0, $0x0, v8;
	[tilespmem:s30+$0xFFFFFFB0] =	vst v0  }
0x361: {  	[tilespmem:s4+$0xFFFFFFE0] =	vst v45  }
0x362: {  	v0 =	vld [tilespmem:$0x1FA50];
	[tilespmem:s9+$0xFFFFFFF0] =	vst v43  }
0x363: {  	v46 =	vld [tilespmem:$0x1FA70];
	_ =	sdelay $0x2  }
0x364: {  	v1 =	vmul.f32 $1.442695020e+00, v41  }
0x365: {  	v0 =	vmul.f32 v3, v0  }
0x366: {  	(erf) = vpow2.f32 v1;
	v1 =	vmul.f32 v3, v46  }
0x367: {  	[tilespmem:s30+$0xFFFFFFC0] =	vst v0  }
0x368: {  	v50 =	vld [tilespmem:$0x1FA90];
	[tilespmem:s30+$0xFFFFFFD0] =	vst v1  }
0x369: {  	v1 =	vld [tilespmem:$0x1FAB0];
	_ =	sdelay $0x3  }
0x36a: {  	v2 =	vmul.f32 v3, v50  }
0x36b: {  	v1 =	vmul.f32 v3, v1  }
0x36c: {  	[tilespmem:s30+$0xFFFFFFE0] =	vst v2  }
0x36d: {  	v2 =	vld [tilespmem:$0x1FAD0];
	[tilespmem:s30+$0xFFFFFFF0] =	vst v1  }
0x36e: {  	v4 =	vld [tilespmem:$0x1FAF0];
	_ =	sdelay $0x3  }
0x36f: {  	v2 =	vmul.f32 v3, v2  }
0x370: {  	v4 =	vmul.f32 v3, v4  }
0x371: {  	[tilespmem:s30+$0x0] =	vst v2  }
0x372: {  	v2 =	vld [tilespmem:$0x1FB10];
	[tilespmem:s30+$0x10] =	vst v4  }
0x373: {  	v4 =	vld [tilespmem:$0x1FB40];
	_ =	sdelay $0x3  }
0x374: {  	v52 =	vpop (erf);
	v2 =	vmul.f32 v3, v2  }
0x375: {  	v4 =	vmul.f32 v52, v4  }
0x376: {  	[tilespmem:s30+$0x20] =	vst v2  }
0x377: {  	v2 =	vld [tilespmem:$0x1FB60];
	[tilespmem:s0+$0xFFFFFF40] =	vst v4  }
0x378: {  	v4 =	vld [tilespmem:$0x1FB80];
	_ =	sdelay $0x2  }
0x379: {  	v51 =	vld.idx.msk [tilespmem:v37+s17+$0x0], $0xffff  }
0x37a: {  	v49 =	vld.idx.msk [tilespmem:v36+s17+$0x0], $0xffff;
	v2 =	vmul.f32 v52, v2  }
0x37b: {  	v4 =	vmul.f32 v52, v4  }
0x37c: {  	[tilespmem:s0+$0xFFFFFF50] =	vst v2  }
0x37d: {  	[tilespmem:s0+$0xFFFFFF60] =	vst v4  }
0x37e: {  	v1 =	vadd.f32 v54, v51;
	v54 =	vld [tilespmem:$0x1FBA0]  }
0x37f: {  	v0 =	vadd.f32 v49, v43;
	_ =	sdelay $0x1  }
0x380: {  	v0 =	vmul.f32 $1.442695020e+00, v0;
	_ =	sdelay $0x1  }
0x381: {  	(erf) = vpow2.f32 v0;
	[tilespmem:s11+$0xFFFFFFE0] =	vst v1;
	v0 =	vmul.f32 v52, v54  }
0x382: {  	v2 =	vld [tilespmem:$0x1FBC0]  }
0x383: {  	[tilespmem:s0+$0xFFFFFF70] =	vst v0  }
0x384: {  	v0 =	vld [tilespmem:$0x1FBE0];
	_ =	sdelay $0x2  }
0x385: {  	v2 =	vmul.f32 v52, v2  }
0x386: {  	v6 =	vadd.f32 v57, v47  }
0x387: {  	[tilespmem:s0+$0xFFFFFF80] =	vst v2;
	v0 =	vmul.f32 v52, v0  }
0x388: {  	[tilespmem:s15+$0xFFFFFFE0] =	vst v6  }
0x389: {  	[tilespmem:s0+$0xFFFFFF90] =	vst v0  }
0x38a: {  	v0 =	vld [tilespmem:$0x1FC00];
	[tilespmem:s11+$0xFFFFFFF0] =	vst v53  }
0x38b: {  	v7 =	vld [tilespmem:$0x1FB30];
	_ =	sdelay $0x3  }
0x38c: {  	v0 =	vmul.f32 v52, v0  }
0x38d: {  	v7 =	vmul.f32 v3, v7  }
0x38e: {  	[tilespmem:s0+$0xFFFFFFA0] =	vst v0  }
0x38f: {  	v60 =	vld [tilespmem:$0x1FF20];
	[tilespmem:s30+$0x30] =	vst v7  }
0x390: {  	v61 =	vld [tilespmem:$0x1FC20];
	_ =	sdelay $0x4  }
0x391: {  	v3 =	vnsel vm0, $0x0, v3;
	v4 =	vmul.f32 v52, v61  }
0x392: {  	[tilespmem:s4+$0xFFFFFFF0] =	vst v3  }
0x393: {  	v58 =	vld.idx.msk [tilespmem:v42+s17+$0x0], $0xffff;
	[tilespmem:s0+$0xFFFFFFB0] =	vst v4  }
0x394: {  	v8 =	vld [tilespmem:$0x1FB50];
	_ =	sdelay $0x1  }
0x395: {  	v55 =	vld.idx.msk [tilespmem:v33+s17+$0x0], $0xffff;
	_ =	sdelay $0x1  }
0x396: {  	v63 =	vnsel vm0, $0x0, v52;
	v62 =	vpop (erf);
	v2 =	vadd.f32 v6, v58  }
0x397: {  	[tilespmem:s9+$0xFFFFFFE0] =	vst v63;
	v5 =	vmul.f32 v62, v8  }
0x398: {  	[tilespmem:s15+$0xFFFFFFE0] =	vst v2  }
0x399: {  	v59 =	vadd.f32 v55, v1;
	v1 =	vld.idx.msk [tilespmem:v60+s17+$0x0], $0xffff;
	[tilespmem:s0+$0xFFFFFFC0] =	vst v5  }
0x39a: {  	v14 =	vld [tilespmem:$0x1FB70];
	_ =	sdelay $0x3  }
0x39b: {  	v12 =	vadd.f32 v53, v1  }
0x39c: {  	v1 =	vmul.f32 v62, v14  }
0x39d: {  	v21 =	vadd.f32 v56, v48;
	[tilespmem:s11+$0xFFFFFFF0] =	vst v12  }
0x39e: {  	[tilespmem:s0+$0xFFFFFFD0] =	vst v1  }
0x39f: {  	v28 =	vld [tilespmem:$0x1FB90];
	[tilespmem:s15+$0xFFFFFFF0] =	vst v21  }
0x3a0: {  	v7 =	vld [tilespmem:$0x1FBB0];
	_ =	sdelay $0x3  }
0x3a1: {  	v6 =	vmul.f32 v62, v28  }
0x3a2: {  	v7 =	vmul.f32 v62, v7  }
0x3a3: {  	[tilespmem:s0+$0xFFFFFFE0] =	vst v6  }
0x3a4: {  	v8 =	vld [tilespmem:$0x1FBD0];
	[tilespmem:s0+$0xFFFFFFF0] =	vst v7  }
0x3a5: {  	v7 =	vld [tilespmem:$0x1FBF0]  }
0x3a6: {  	v23 =	vld.idx.msk [tilespmem:v34+s17+$0x0], $0xffff  }
0x3a7: {  	v0 =	vmul.f32 $1.442695020e+00, v59;
	_ =	sdelay $0x1  }
0x3a8: {  	(erf) = vpow2.f32 v0;
	v8 =	vmul.f32 v62, v8  }
0x3a9: {  	v7 =	vmul.f32 v62, v7  }
0x3aa: {  	v2 =	vadd.f32 v2, v23;
	[tilespmem:s0+$0x0] =	vst v8  }
0x3ab: {  	v30 =	vld [tilespmem:$0x1FC10];
	[tilespmem:s0+$0x10] =	vst v7  }
0x3ac: {  	[tilespmem:s15+$0xFFFFFFE0] =	vst v2  }
0x3ad: {  	v7 =	vld [tilespmem:$0x1FC40];
	_ =	sdelay $0x3  }
0x3ae: {  	v33 =	vpop (erf);
	v1 =	vmul.f32 v62, v30  }
0x3af: {  	v7 =	vmul.f32 v33, v7  }
0x3b0: {  	v29 =	vld.idx.msk [tilespmem:v35+s17+$0x0], $0xffff;
	[tilespmem:s0+$0x20] =	vst v1  }
0x3b1: {  	[tilespmem:s10+$0xFFFFFF40] =	vst v7  }
0x3b2: {  	v35 =	vld [tilespmem:$0x1FC50];
	_ =	sdelay $0x1  }
0x3b3: {  	v27 =	vld.idx.msk [tilespmem:v20+s17+$0x0], $0xffff  }
0x3b4: {  	v4 =	vadd.f32 v21, v29;
	_ =	sdelay $0x1  }
0x3b5: {  	[tilespmem:s15+$0xFFFFFFF0] =	vst v4;
	v6 =	vmul.f32 v33, v35  }
0x3b6: {  	v36 =	vld [tilespmem:$0x1FC80]  }
0x3b7: {  	v0 =	vadd.f32 v27, v12;
	[tilespmem:s10+$0xFFFFFF50] =	vst v6  }
0x3b8: {  	v7 =	vld [tilespmem:$0x1FCA0]  }
0x3b9: {  	v0 =	vmul.f32 $1.442695020e+00, v0;
	_ =	sdelay $0x1  }
0x3ba: {  	(erf) = vpow2.f32 v0;
	v0 =	vmul.f32 v33, v36;
	_ =	sdelay $0x1  }
0x3bb: {  	[tilespmem:s10+$0xFFFFFF60] =	vst v0;
	v7 =	vmul.f32 v33, v7  }
0x3bc: {  	v0 =	vld [tilespmem:$0x1FCC0]  }
0x3bd: {  	v34 =	vld.idx.msk [tilespmem:v32+s17+$0x0], $0xffff;
	[tilespmem:s10+$0xFFFFFF70] =	vst v7  }
0x3be: {  	v40 =	vld [tilespmem:$0x1FCE0];
	_ =	sdelay $0x2  }
0x3bf: {  	v0 =	vmul.f32 v33, v0;
	_ =	sdelay $0x1  }
0x3c0: {  	v1 =	vadd.f32 v34, v2;
	[tilespmem:s10+$0xFFFFFF80] =	vst v0;
	v2 =	vmul.f32 v33, v40  }
0x3c1: {  	v0 =	vld [tilespmem:$0x1FD00]  }
0x3c2: {  	v37 =	vld.idx.msk [tilespmem:v26+s17+$0x0], $0xffff;
	[tilespmem:s10+$0xFFFFFF90] =	vst v2  }
0x3c3: {  	v2 =	vld [tilespmem:$0x1FC30];
	_ =	sdelay $0x2  }
0x3c4: {  	v0 =	vmul.f32 v33, v0  }
0x3c5: {  	v4 =	vadd.f32 v4, v37  }
0x3c6: {  	[tilespmem:s10+$0xFFFFFFA0] =	vst v0;
	v2 =	vmul.f32 v62, v2  }
0x3c7: {  	[tilespmem:s15+$0xFFFFFFF0] =	vst v4  }
0x3c8: {  	[tilespmem:s0+$0x30] =	vst v2  }
0x3c9: {  	v42 =	vld [tilespmem:$0x1FD20];
	_ =	sdelay $0x2  }
0x3ca: {  	v1 =	vmul.f32 $1.442695020e+00, v1;
	_ =	sdelay $0x1  }
0x3cb: {  	v41 =	vnsel vm0, $0x0, v62;
	(erf) = vpow2.f32 v1;
	v1 =	vmul.f32 v33, v42  }
0x3cc: {  	[tilespmem:s9+$0xFFFFFFF0] =	vst v41  }
0x3cd: {  	v45 =	vnsel vm0, $0x0, v33;
	[tilespmem:s10+$0xFFFFFFB0] =	vst v1  }
0x3ce: {  	v46 =	vld [tilespmem:$0x1FC60];
	[tilespmem:s11+$0xFFFFFFE0] =	vst v45  }
0x3cf: {  	v1 =	vld [tilespmem:$0x1FC70];
	_ =	sdelay $0x2  }
0x3d0: {  	v43 =	vpop (erf)  }
0x3d1: {  	v3 =	vmul.f32 v43, v46  }
0x3d2: {  	v1 =	vmul.f32 v43, v1  }
0x3d3: {  	[tilespmem:s10+$0xFFFFFFC0] =	vst v3  }
0x3d4: {  	v3 =	vld [tilespmem:$0x1FC90];
	[tilespmem:s10+$0xFFFFFFD0] =	vst v1  }
0x3d5: {  	v1 =	vld [tilespmem:$0x1FCB0];
	_ =	sdelay $0x3  }
0x3d6: {  	v3 =	vmul.f32 v43, v3  }
0x3d7: {  	v1 =	vmul.f32 v43, v1  }
0x3d8: {  	v44 =	vld.idx.msk [tilespmem:v17+s17+$0x0], $0xffff;
	[tilespmem:s10+$0xFFFFFFE0] =	vst v3  }
0x3d9: {  	v3 =	vld [tilespmem:$0x1FCD0];
	[tilespmem:s10+$0xFFFFFFF0] =	vst v1  }
0x3da: {  	v1 =	vld [tilespmem:$0x1FCF0]  }
0x3db: {  	v47 =	vld [tilespmem:$0x1FD10];
	_ =	sdelay $0x2  }
0x3dc: {  	v3 =	vmul.f32 v43, v3  }
0x3dd: {  	v1 =	vmul.f32 v43, v1  }
0x3de: {  	v2 =	vadd.f32 v44, v4;
	v4 =	vmul.f32 v43, v47;
	[tilespmem:s10+$0x0] =	vst v3  }
0x3df: {  	[tilespmem:s10+$0x10] =	vst v1  }
0x3e0: {  	v1 =	vld [tilespmem:$0x1FD90];
	[tilespmem:s10+$0x20] =	vst v4  }
0x3e1: {  	v49 =	vld [tilespmem:$0x1FDD0];
	_ =	sdelay $0x2  }
0x3e2: {  	v48 =	vpop (erf);
	v2 =	vmul.f32 $1.442695020e+00, v2  }
0x3e3: {  	v1 =	vmul.f32 v48, v1  }
0x3e4: {  	(erf) = vpow2.f32 v2;
	v2 =	vmul.f32 v48, v49  }
0x3e5: {  	[tilespmem:s13+$0xFFFFFF40] =	vst v1  }
0x3e6: {  	v1 =	vld [tilespmem:$0x1FDE0];
	[tilespmem:s13+$0xFFFFFF50] =	vst v2  }
0x3e7: {  	v2 =	vld [tilespmem:$0x1FE20];
	_ =	sdelay $0x1  }
0x3e8: {  	v50 =	vmul.f32 v48, v10  }
0x3e9: {  	v51 =	vmul.f32 v48, v11  }
0x3ea: {  	[tilespmem:s13+$0xFFFFFF80] =	vst v50;
	v1 =	vmul.f32 v48, v1  }
0x3eb: {  	[tilespmem:s13+$0xFFFFFF90] =	vst v51;
	v2 =	vmul.f32 v48, v2  }
0x3ec: {  	v52 =	vmul.f32 v48, v13;
	[tilespmem:s13+$0xFFFFFF60] =	vst v1  }
0x3ed: {  	v53 =	vmul.f32 v48, v38;
	v54 =	vpop (erf);
	[tilespmem:s13+$0xFFFFFF70] =	vst v2  }
0x3ee: {  	v56 =	vmul.f32 v54, v9;
	v2 =	vld [tilespmem:$0x1FD30];
	[tilespmem:s13+$0xFFFFFFA0] =	vst v52  }
0x3ef: {  	v57 =	vmul.f32 v54, v16;
	[tilespmem:s13+$0xFFFFFFB0] =	vst v53  }
0x3f0: {  	v58 =	vmul.f32 v54, v18;
	[tilespmem:s13+$0xFFFFFFC0] =	vst v56  }
0x3f1: {  	v59 =	vmul.f32 v54, v22;
	[tilespmem:s13+$0xFFFFFFD0] =	vst v57  }
0x3f2: {  	v60 =	vmul.f32 v54, v24;
	[tilespmem:s13+$0xFFFFFFE0] =	vst v58  }
0x3f3: {  	v61 =	vmul.f32 v54, v25;
	[tilespmem:s13+$0xFFFFFFF0] =	vst v59  }
0x3f4: {  	v62 =	vmul.f32 v54, v31;
	[tilespmem:s13+$0x0] =	vst v60  }
0x3f5: {  	v63 =	vmul.f32 v54, v39;
	[tilespmem:s13+$0x10] =	vst v61  }
0x3f6: {  	[tilespmem:s13+$0x20] =	vst v62  }
0x3f7: {  	v55 =	vnsel vm0, $0x0, v48;
	[tilespmem:s13+$0x30] =	vst v63;
	v2 =	vmul.f32 v43, v2  }
0x3f8: {  	[tilespmem:s15+$0xFFFFFFE0] =	vst v55  }
0x3f9: {  	v0 =	vnsel vm0, $0x0, v43;
	[tilespmem:s10+$0x30] =	vst v2  }
0x3fa: {  	[tilespmem:s11+$0xFFFFFFF0] =	vst v0;
	v0 =	vnsel vm0, $0x0, v54  }
0x3fb: {  	[tilespmem:s15+$0xFFFFFFF0] =	vst v0  }
0x3fc: {  	v55 =	vld [tilespmem:$0x1FFD0]  }
0x3fd: {  	v61 =	vld [tilespmem:$0x1FFE0]  }
0x3fe: {  	v62 =	vld [tilespmem:$0x1FFF0]  }
0x3ff: {  	v53 =	vld [tilespmem:$0x1FF40]  }
0x400: {  	v54 =	vld [tilespmem:$0x1FF50]  }
0x401: {  	v57 =	vld [tilespmem:$0x1FF70]  }
0x402: {  	v58 =	vld [tilespmem:$0x1FF60]  }
0x403: {  	v59 =	vld [tilespmem:$0x1FF90]  }
0x404: {  	v60 =	vld [tilespmem:$0x1FF80]  }
0x405: {  	v63 =	vld [tilespmem:$0x1FFA0]  }
0x406: {  	s0 =	simm.s32 $0x0;
	v16 =	vld [tilespmem:$0x1FF30]  }
.LBB2_7:
0x407: {  	s2 =	sshra.s32 s0, $0x2  }
0x408: {  	s1 =	sadd.s32 s2, s12;
	v1 =	vld [tilespmem:s2+$0x7980]  }
0x409: {  	v0 =	vld [tilespmem:s1+$0xFFFFFF90]  }
0x40a: {  	v3 =	vld [tilespmem:s2+$0x7990]  }
0x40b: {  	v2 =	vld [tilespmem:s1+$0xFFFFFFA0]  }
0x40c: {  	v5 =	vld [tilespmem:s2+$0x79A0]  }
0x40d: {  	v4 =	vld [tilespmem:s1+$0xFFFFFFB0]  }
0x40e: {  	v7 =	vld [tilespmem:s2+$0x79B0];
	v1 =	vadd.f32 v1, v0  }
0x40f: {  	v6 =	vld [tilespmem:s1+$0xFFFFFFC0]  }
0x410: {  	v10 =	vld [tilespmem:s2+$0x79C0];
	v3 =	vadd.f32 v3, v2;
	v8 =	vmul.f32 $2.000000030e-01, v1  }
0x411: {  	v9 =	vld [tilespmem:s1+$0xFFFFFFD0]  }
0x412: {  	v12 =	vld [tilespmem:s2+$0x79D0];
	v5 =	vadd.f32 v5, v4;
	v21 =	vmul.f32 $2.000000030e-01, v3;
	v1 =	vmax.f32 v1, v8  }
0x413: {  	v11 =	vld [tilespmem:s1+$0xFFFFFFE0];
	v1 =	vmul.f32 v1, v53  }
0x414: {  	v14 =	vld [tilespmem:s2+$0x79E0];
	v7 =	vadd.f32 v7, v6;
	v22 =	vmul.f32 $2.000000030e-01, v5;
	v3 =	vmax.f32 v3, v21  }
0x415: {  	v13 =	vld [tilespmem:s1+$0xFFFFFFF0];
	v3 =	vmul.f32 v3, v54;
	v1 =	vadd.f32 $0.0e+00, v1  }
0x416: {  	v25 =	vld [tilespmem:s2+$0x79F0];
	v10 =	vadd.f32 v10, v9;
	v23 =	vmul.f32 $2.000000030e-01, v7;
	v5 =	vmax.f32 v5, v22  }
0x417: {  	v15 =	vld [tilespmem:s1+$0x0];
	v24 =	vmul.f32 v5, v57;
	v1 =	vadd.f32 v3, v1  }
0x418: {  	v12 =	vadd.f32 v12, v11;
	v26 =	vmul.f32 $2.000000030e-01, v10;
	v7 =	vmax.f32 v7, v23  }
0x419: {  	v27 =	vmul.f32 v7, v58;
	v1 =	vadd.f32 v24, v1  }
0x41a: {  	v30 =	vadd.f32 v14, v13;
	v29 =	vmul.f32 $2.000000030e-01, v12;
	v28 =	vmax.f32 v10, v26  }
0x41b: {  	v31 =	vmul.f32 v28, v59;
	v1 =	vadd.f32 v27, v1  }
0x41c: {  	v39 =	vld [tilespmem:$0x1FFC0];
	v33 =	vmul.f32 $2.000000030e-01, v30;
	v32 =	vmax.f32 v12, v29;
	v5 =	vadd.f32 v25, v15  }
0x41d: {  	v34 =	vmul.f32 v32, v60;
	v1 =	vadd.f32 v31, v1  }
0x41e: {  	v35 =	vmax.f32 v30, v33;
	v36 =	vmul.f32 $2.000000030e-01, v5  }
0x41f: {  	v37 =	vmul.f32 v35, v63;
	v1 =	vadd.f32 v34, v1  }
0x420: {  	s31 =	sshll.u32 s3, $0x4;
	v5 =	vmax.f32 v5, v36  }
0x421: {  	v38 =	vmul.f32 v5, v16;
	v5 =	vor.u32 s31, v39;
	v1 =	vadd.f32 v37, v1;
	_ =	sdelay $0x1  }
0x422: {  	v1 =	vadd.f32 v38, v1;
	_ =	sdelay $0x1  }
0x423: {  	[tilespmem:s22+$0x0] =	vst v1  }
0x424: {  	v40 =	vld.idx.msk [tilespmem:v5+s17+$0x0], $0xffff;
	_ =	sdelay $0x2  }
0x425: {  	v41 =	vor.u32 s31, v55;
	_ =	sdelay $0x1  }
0x426: {  	v1 =	vadd.f32 v1, v40;
	_ =	sdelay $0x1  }
0x427: {  	[tilespmem:s22+$0x0] =	vst v1  }
0x428: {  	v42 =	vld.idx.msk [tilespmem:v41+s17+$0x0], $0xffff;
	_ =	sdelay $0x2  }
0x429: {  	v43 =	vor.u32 s31, v61;
	_ =	sdelay $0x1  }
0x42a: {  	v1 =	vadd.f32 v1, v42;
	_ =	sdelay $0x1  }
0x42b: {  	[tilespmem:s22+$0x0] =	vst v1  }
0x42c: {  	v44 =	vld.idx.msk [tilespmem:v43+s17+$0x0], $0xffff;
	_ =	sdelay $0x2  }
0x42d: {  	v45 =	vor.u32 s31, v62;
	_ =	sdelay $0x1  }
0x42e: {  	v1 =	vadd.f32 v1, v44;
	_ =	sdelay $0x1  }
0x42f: {  	[tilespmem:s22+$0x0] =	vst v1  }
0x430: {  	v46 =	vld.idx.msk [tilespmem:v45+s17+$0x0], $0xffff;
	_ =	sdelay $0x4  }
0x431: {  	v1 =	vadd.f32 v46, v1;
	_ =	sdelay $0x1  }
0x432: {  	v1 =	vmul.f32 $1.442695020e+00, v1;
	_ =	sdelay $0x1  }
0x433: {  	(erf) = vpow2.f32 v1;
	_ =	sdelay $0x8  }
0x434: {  	v1 =	vpop (erf)  }
0x435: {  	v0 =	vmul.f32 v1, v0  }
0x436: {  	v2 =	vmul.f32 v1, v2  }
0x437: {  	v47 =	vmul.f32 v1, v4;
	[tilespmem:s1+$0xFFFFFF90] =	vst v0  }
0x438: {  	v48 =	vmul.f32 v1, v6;
	[tilespmem:s1+$0xFFFFFFA0] =	vst v2  }
0x439: {  	v49 =	vmul.f32 v1, v9;
	[tilespmem:s1+$0xFFFFFFB0] =	vst v47  }
0x43a: {  	p2 =	sne.s32 s0, $0x200;
	v50 =	vmul.f32 v1, v11;
	[tilespmem:s1+$0xFFFFFFC0] =	vst v48  }
.Ltmp2:
0x43b: {  	v51 =	vmul.f32 v1, v13;
	[tilespmem:s1+$0xFFFFFFD0] =	vst v49;
	(pc) =	sbr.rel @p2 .LBB2_7-.Ltmp2, $4  }
0x43c: {  	v52 =	vmul.f32 v1, v15;
	[tilespmem:s1+$0xFFFFFFE0] =	vst v50  }
0x43d: {  	[tilespmem:s1+$0xFFFFFFF0] =	vst v51  }
0x43e: {  	v56 =	vnsel vm0, $0x0, v1;
	[tilespmem:s1+$0x0] =	vst v52  }
0x43f: {  	s3 =	sadd.s32 $0x1, s3;
	s0 =	sadd.s32 $0x200, s0;
	[tilespmem:s22+$0x0] =	vst v56;
	s22 =	sadd.s32 $0x10, s22  }
0x440: {  	s0 =	smul.u32 $0x1400, s25;
	s24 =	sadd.s32 $0x1, s24  }
0x441: {  	s2 =	smul.u32 $0xA000, s25;
	p2 =	sne.s32 s24, $0x7D  }
.Ltmp3:
0x442: {  	s1 =	sadd.s32 $0x1E0, s26;
	s0 =	sshrl.u32 s0, $0x2;
	(pc) =	sbr.rel @p2 .LBB2_4-.Ltmp3, $4  }
0x443: {  	s3 =	rddreg [dreg:$0x4];
	s30 =	sshrl.u32 s2, $0x2;
	s0 =	sadd.s32 $0x7A80, s0  }
0x444: {  	[spmem:s3] =	stream.indirect.scatter.add.f32 [tilespmem:s0], [sflag:$0x3], $0x10, s1, s18, $0xb8;
	[tilespmem:$0x1E490] =	vst v63  }
0x445: {  	s31 =	rddreg [dreg:$0x3];
	p1 =	por !p1, !p1;
	s0 =	sor.u32 $0x280, s30  }
0x446: {  	[spmem:s31] =	stream.indirect.scatter.add.f32 [tilespmem:s0], [sflag:$0x3], $0x80, s1, s18, $0xb8;
	[tilespmem:$0x1E490] =	vst v63  }
0x447: {  	s0 =	simm.s32 $0x3  }
0x448: {  	_ =	swait.ge [sflag:s0], $0x2800  }
0x449: {  	[sflag:s0] =	ssyncset.done $0x0  }
0x44a: {  	[sflag:s0] =	ssyncadd.s32 $0xFFFFD800  }
0x44b: {  	_ =	swait.ge [sflag:s0], $0x500  }
0x44c: {  	[sflag:s0] =	ssyncset.done $0x0  }
0x44d: {  	[sflag:s0] =	ssyncadd.s32 $0xFFFFFB00  }
0x44e: {  	[bflag:$0x0] =	sbarrier.arrive $0xFFFF  }
0x44f: {  	s28 =	stileid.u32;
	s2 =	sld [smem:$0x7FA]  }
0x450: {  	s0 =	sshll.u32 s28, $0x6  }
0x451: {  	s6 =	simm.s32 $0x5;
	s0 =	sor.u32 $0x1C05, s0;
	s1 =	rddreg [dreg:$0x11]  }
0x452: {  	[hbm:s1], [sflag:s0] =	dma.local [spmem:s2], $0x2700  }
0x453: {  	_ =	swait.ge [sflag:s6], $0x2700  }
0x454: {  	s30 =	sld [smem:$0x7FB]  }
0x455: {  	[sflag:s6] =	ssyncset.done $0x0  }
0x456: {  	s29 =	rddreg [dreg:$0x12];
	[sflag:s6] =	ssyncadd.s32 $0xFFFFD900  }
0x457: {  	[hbm:s29], [sflag:s0] =	dma.local [spmem:s30], $0x4E0  }
0x458: {  	_ =	swait.ge [sflag:s6], $0x4E0  }
0x459: {  	s4 =	sld [smem:$0x7FC];
	_ =	sdelay $0x1  }
0x45a: {  	[sflag:s6] =	ssyncset.done $0x0  }
0x45b: {  	s2 =	rddreg [dreg:$0x13];
	[sflag:s6] =	ssyncadd.s32 $0xFFFFFB20;
	s1 =	sshrl.u32 @!p0 s4, $0x3  }
0x45c: {  	[hbm:s2], [sflag:s0] =	dma.local @!p0 [spmem:s1], $0x100  }
0x45d: {  	s1 =	simm.s32 @!p0 $0x5  }
0x45e: {  	_ =	swait.ge @!p0 [sflag:s1], $0x100  }
0x45f: {  	s5 =	sld [smem:$0x7FD];
	_ =	sdelay $0x1  }
0x460: {  	[sflag:s1] =	ssyncset.done @!p0 $0x0  }
0x461: {  	s3 =	rddreg [dreg:$0x14];
	[sflag:s1] =	ssyncadd.s32 @!p0 $0xFFFFFF00;
	s2 =	sshrl.u32 @!p0 s5, $0x3  }
0x462: {  	[hbm:s3], [sflag:s0] =	dma.local @!p0 [spmem:s2], $0x20  }
0x463: {  	_ =	swait.ge @!p0 [sflag:s1], $0x20  }
0x464: {  	s14 =	rddreg [dreg:$0x6]  }
0x465: {  	s31 =	rddreg [dreg:$0x15];
	s14 =	sadd.s32 $0x1, s14  }
0x466: {  	p1 =	sne.s32 s14, s31  }
.Ltmp4:
0x467: {  	_ = 	snop;
	(pc) =	sbr.rel @p1 .LBB2_1-.Ltmp4, $3  }
0x468: {  	_ =	sdelay $0x1  }
0x469: {  	[sflag:s1] =	ssyncset.done @!p0 $0x0  }
0x46a: {  	v5 =	vimm.f32 $0.0e+00;
	[sflag:s1] =	ssyncadd.s32 @!p0 $0xFFFFFFE0  }
0x46b: {  	_ =	sfence.sel $0x180000  }
0x46c: {  	[bflag:$0x0] =	sbarrier.arrive $0xFFFF  }
0x46d: {  	_ =	strace $0x9000004A  }
0x46e: {  	s0 =	stileid.u32;
	[bflag:$0x2] =	sbarrier.arrive $0xFFFF  }
0x46f: {  	p0 =	sne.s32 s0, $0x0;
	s0 =	rddreg [dreg:$0x5]  }
0x470: {  	s0 =	sadd.s32 @!p0 $0x100000, s0  }
0x471: {  	[sflag:s0] =	ssyncadd.tile.s32 @!p0 $0x1;
	_ =	shalt  }
.Lfunc_end2:
_tile_overlayer_lowered:
.L_overlay_start_2:
0x472: {  	(tag) =	ssettag $0x2  }
0x473: {  	s0 =	rddreg [dreg:$0x0];
	s2 =	stileid.u32  }
0x474: {  	s1 =	rddreg [dreg:$0x1];
	p0 =	sne.s32 s2, $0x0  }
0x475: {  	s3 =	rddreg [dreg:$0x2];
	[bflag:$0x3] =	sbarrier.arrive $0xFFFF;
	s2 =	simm.s32 @!p0 $0x1C05  }
0x476: {  	[timem:s3], [sflag:s2] =	dma.local @!p0 [hbm:s0], s1  }
0x477: {  	s0 =	simm.s32 @!p0 $0x5  }
0x478: {  	_ =	swait.ge @!p0 [sflag:s0], s1  }
0x479: {  	s1 =	ssub.s32 @!p0 $0x0, s1;
	[sflag:s0] =	ssyncset.done @!p0 $0x0  }
0x47a: {  	[sflag:s0] =	ssyncadd.s32 @!p0 s1  }
0x47b: {  	[bflag:$0x3] =	sbarrier.arrive $0xFFFF  }
0x47c: {  	_ =	shalt  }

// kernel: kernel.7.cloned.1.call-start
scs
__scs_entry_jumppad:
0x0: {  	(pc) =	sbr.rel $0x88, $3  }
0x1: {  	(tag) =	ssettag $0x0;
	lr =	simm.s32 $0x1  }
0x2: {  	[smem:$0x3F8F] =	sst lr;
	_ =	strace $0xD0000000  }
0x3: {  	_ = 	snop  }
0x4: {  	_ = 	snop  }
0x5: {  	_ = 	snop  }
0x6: {  	_ = 	snop  }
0x7: {  	_ = 	snop  }
__scs_overlays_trampoline_lowered:
0x8: {  	[smem:$0x3F9E] =	sst s0  }
0x9: {  	[smem:$0x3F9F] =	sst s1  }
0xa: {  	[smem:$0x3FA0] =	sst s2  }
0xb: {  	[smem:$0x3FA1] =	sst s3  }
0xc: {  	[smem:$0x3FA2] =	sst s4  }
0xd: {  	[smem:$0x3FA3] =	sst s5  }
0xe: {  	[smem:$0x3FA4] =	sst s6  }
0xf: {  	[smem:$0x3FA5] =	sst s7  }
0x10: {  	[smem:$0x3FA6] =	sst s8  }
0x11: {  	[smem:$0x3FA7] =	sst s9;
	s0 =	simm.s32 @!p0 $0x0  }
0x12: {  	s1 =	sld [smem:$0x3F8D];
	s0 =	simm.s32 @p0 $0x1  }
0x13: {  	[smem:$0x3FA8] =	sst s0;
	s0 =	simm.s32 @!p1 $0x0  }
0x14: {  	s2 =	sld [smem:$0x3F8C];
	s0 =	simm.s32 @p1 $0x1  }
0x15: {  	[smem:$0x3FA9] =	sst s0;
	s0 =	simm.s32 @!p2 $0x0  }
0x16: {  	s3 =	sld [smem:$0x3FDB];
	s0 =	simm.s32 @p2 $0x1  }
0x17: {  	s4 =	simm.s32 $0x1BF5;
	[smem:$0x3FAB] =	sst s0  }
0x18: {  	s0 =	sld [smem:$0x3F8E];
	_ =	swait.ge [sflag:s4], $0x0  }
0x19: {  	s7 =	sld [smem:$0x3F8F]  }
0x1a: {  	s8 =	sadd.s32 $0xFFFFE003, lr  }
0x1b: {  	s9 =	sadd.s32 $0xFFFFFEF7, lr;
	s5 =	simm.s32 $0xFFFFFFFF;
	p2 =	slt.u32 s8, $0xFFFFF086  }
0x1c: {  	p1 =	slt.u32 s9, $0xF7A;
	s5 =	simm.s32 @!p2 $0x0  }
0x1d: {  	s5 =	simm.s32 @p1 $0x1;
	p0 =	seq.s32 s7, s2  }
0x1e: {  	s7 =	smul.u32 @!p0 $0xF7A, s2;
	p2 =	seq.s32 @!p0 s5, $0x0  }
0x1f: {  	s9 =	smul.u32 $0xF7A, s1;
	s8 =	simm.s32 @!p0 $0x1BF5;
	p2 =	por !p2, p0  }
0x20: {  	[sflag:s8] =	ssyncset.s32 @!p0 $0xFFFFF086;
	s6 =	sadd.s32 @!p0 s3, s7;
	s7 =	simm.s32 @!p0 $0x108  }
0x21: {  	s3 =	sadd.s32 s3, s9;
	s6 =	sadd.s32 @!p0 $0x88, s6;
	s7 =	simm.s32 @p2 $0x1082  }
0x22: {  	[simem:s7], [sflag:s8] =	dma.local @!p0 [hbm:s6], $0xF7A  }
0x23: {  	s9 =	sor.u32 $0xD0000000, s2;
	s6 =	simm.s32 $0x108;
	_ =	swait.ge @!p0 [sflag:s8], $0x0  }
0x24: {  	s3 =	sadd.s32 $0x88, s3;
	s6 =	simm.s32 @!p1 $0x1082;
	[sflag:s4] =	ssyncset.s32 $0xFFFFF086  }
0x25: {  	[simem:s6], [sflag:s4] =	dma.local [hbm:s3], $0xF7A  }
0x26: {  	[smem:$0x3F8F] =	sst s1;
	(tag) =	ssettag s2;
	_ =	strace s9  }
0x27: {  	s1 =	sld [smem:$0x3F9F]  }
0x28: {  	s2 =	sld [smem:$0x3FA0]  }
0x29: {  	s4 =	sld [smem:$0x3FA2]  }
0x2a: {  	p0 =	seq.s32 s5, $0x0;
	s5 =	sld [smem:$0x3FA3]  }
0x2b: {  	s6 =	sld [smem:$0x3FA4]  }
0x2c: {  	s7 =	sld [smem:$0x3FA5]  }
0x2d: {  	s3 =	simm.s32 $0x108;
	s8 =	sld [smem:$0x3FA6]  }
0x2e: {  	s3 =	simm.s32 @!p0 $0x1082;
	s9 =	sld [smem:$0x3FA7]  }
0x2f: {  	lr =	sadd.s32 s0, s3;
	s0 =	sld [smem:$0x3F9E]  }
0x30: {  	s3 =	sld [smem:$0x3FA1]  }
0x31: {  	[smem:$0x3FAA] =	sst s10  }
0x32: {  	s10 =	sld [smem:$0x3FA8];
	_ =	sdelay $0x3  }
0x33: {  	p0 =	seq.s32 s10, $0x1;
	s10 =	sld [smem:$0x3FAA];
	_ =	sdelay $0x3  }
0x34: {  	[smem:$0x3FAA] =	sst s10  }
0x35: {  	s10 =	sld [smem:$0x3FA9];
	_ =	sdelay $0x3  }
0x36: {  	p1 =	seq.s32 s10, $0x1;
	s10 =	sld [smem:$0x3FAA];
	_ =	sdelay $0x3  }
0x37: {  	[smem:$0x3FAA] =	sst s10  }
0x38: {  	s10 =	sld [smem:$0x3FAB]  }
0x39: {  	_ = 	snop;
	(pc) =	sbr.ind lr, $3  }
0x3a: {  	_ = 	snop  }
0x3b: {  	_ = 	snop  }
0x3c: {  	p2 =	seq.s32 s10, $0x1;
	s10 =	sld [smem:$0x3FAA]  }
0x3d: {  	_ =	shalt  }
0x3e: {  	_ =	shalt  }
0x3f: {  	_ =	shalt  }
0x40: {  	_ =	shalt  }
0x41: {  	_ =	shalt  }
0x42: {  	_ =	shalt  }
0x43: {  	_ =	shalt  }
0x44: {  	_ =	shalt  }
0x45: {  	_ =	shalt  }
0x46: {  	_ =	shalt  }
0x47: {  	_ =	shalt  }
0x48: {  	_ =	shalt  }
0x49: {  	_ =	shalt  }
0x4a: {  	_ =	shalt  }
0x4b: {  	_ =	shalt  }
0x4c: {  	_ =	shalt  }
0x4d: {  	_ =	shalt  }
0x4e: {  	_ =	shalt  }
0x4f: {  	_ =	shalt  }
0x50: {  	_ =	shalt  }
0x51: {  	_ =	shalt  }
0x52: {  	_ =	shalt  }
0x53: {  	_ =	shalt  }
0x54: {  	_ =	shalt  }
0x55: {  	_ =	shalt  }
0x56: {  	_ =	shalt  }
0x57: {  	_ =	shalt  }
0x58: {  	_ =	shalt  }
0x59: {  	_ =	shalt  }
0x5a: {  	_ =	shalt  }
0x5b: {  	_ =	shalt  }
0x5c: {  	_ =	shalt  }
0x5d: {  	_ =	shalt  }
0x5e: {  	_ =	shalt  }
0x5f: {  	_ =	shalt  }
0x60: {  	_ =	shalt  }
0x61: {  	_ =	shalt  }
0x62: {  	_ =	shalt  }
0x63: {  	_ =	shalt  }
0x64: {  	_ =	shalt  }
0x65: {  	_ =	shalt  }
0x66: {  	_ =	shalt  }
0x67: {  	_ =	shalt  }
0x68: {  	_ =	shalt  }
0x69: {  	_ =	shalt  }
0x6a: {  	_ =	shalt  }
0x6b: {  	_ =	shalt  }
0x6c: {  	_ =	shalt  }
0x6d: {  	_ =	shalt  }
0x6e: {  	_ =	shalt  }
0x6f: {  	_ =	shalt  }
0x70: {  	_ =	shalt  }
0x71: {  	_ =	shalt  }
0x72: {  	_ =	shalt  }
0x73: {  	_ =	shalt  }
0x74: {  	_ =	shalt  }
0x75: {  	_ =	shalt  }
0x76: {  	_ =	shalt  }
0x77: {  	_ =	shalt  }
0x78: {  	_ =	shalt  }
0x79: {  	_ =	shalt  }
0x7a: {  	_ =	shalt  }
0x7b: {  	_ =	shalt  }
0x7c: {  	_ =	shalt  }
0x7d: {  	_ =	shalt  }
0x7e: {  	_ =	shalt  }
0x7f: {  	_ =	shalt  }
0x80: {  	_ =	shalt  }
0x81: {  	_ =	shalt  }
0x82: {  	_ =	shalt  }
0x83: {  	_ =	shalt  }
0x84: {  	_ =	shalt  }
0x85: {  	_ =	shalt  }
0x86: {  	_ =	shalt  }
0x87: {  	_ =	shalt  }
.Lfunc_end0:
.L_simem_size_0:
called_computation_lowered:
.L_overlay_start_0:
0x88: {  	s2 =	sld [smem:$0x3FD9]  }
0x89: {  	s3 =	sld [smem:$0x3FFE];
	_ =	sdelay $0x1  }
0x8a: {  	s1 =	srdreg.scid  }
0x8b: {  	s0 =	sand.u32 $0x1, s1  }
0x8c: {  	s17 =	sshll.u32 s0, $0xA;
	s2 =	sadd.s32 s3, s2  }
0x8d: {  	s2 =	sadd.s32 s2, s17  }
0x8e: {  	[smem:$0x3FB6] =	sst s2  }
0x8f: {  	_ = 	snop  }
0x90: {  	s2 =	sld [smem:$0x3FC3];
	(tm) =	ssettm $0x1  }
0x91: {  	s18 =	sld [smem:$0x3FFB];
	_ =	sdelay $0x3  }
0x92: {  	_ =	strace s18  }
0x93: {  	s3 =	sld [smem:$0x3FFC];
	_ =	sdelay $0x3  }
0x94: {  	_ =	strace s3  }
0x95: {  	s3 =	sld [smem:$0x3FFD];
	_ =	sdelay $0x3  }
0x96: {  	_ =	strace s3  }
0x97: {  	_ =	strace $0x8FFFFFFF  }
0x98: {  	s19 =	sld [smem:$0x3FDB];
	_ =	sdelay $0x1  }
0x99: {  	s4 =	simm.s32 $_scs_section_size  }
0x9a: {  	s5 =	simm.s32 $_size__tile_overlayer_lowered;
	s6 =	simm.s32 $_tile_overlayer_lowered  }
0x9b: {  	s22 =	simm.s32 $0x1BFF;
	s21 =	sshll.u32 s6, $0x1;
	s3 =	sadd.s32 s4, s19  }
0x9c: {  	s7 =	simm.s32 $0x0;
	s20 =	sshll.u32 s5, $0x1;
	s5 =	sadd.s32 s21, s3  }
0x9d: {  	[timem:s7], [sflag:s22] =	dma.local [hbm:s5], s20  }
0x9e: {  	_ =	swait.ge [sflag:s22], s20  }
0x9f: {  	s4 =	ssub.s32 $0x0, s20;
	[sflag:s22] =	ssyncset.done $0x0  }
0xa0: {  	[sflag:s22] =	ssyncadd.s32 s4;
	_ =	sdelay $0x1  }
0xa1: {  	s23 =	simm.s32 $0x1B8B  }
0xa2: {  	_ =	swait.ge [sflag:s23], $0x1  }
0xa3: {  	[sflag:s23] =	ssyncset.done $0x0  }
0xa4: {  	s25 =	simm.s32 $0x1B8E;
	s24 =	sld [smem:$0x3FFE];
	[sflag:s23] =	ssyncadd.s32 $0xFFFFFFFF  }
0xa5: {  	s26 =	simm.s32 $execute0_lowered;
	[smem:$0x3FD2] =	sst s25  }
0xa6: {  	s5 =	sshll.u32 s26, $0x1;
	_ =	strace $0x80000046;
	[dreg:$0x1] =	wrdreg $0xFFFFFFFF  }
0xa7: {  	s28 =	simm.s32 $_size_execute0_lowered;
	s3 =	sadd.s32 s3, s5;
	[dreg:$0x0] =	wrdreg $0x0  }
0xa8: {  	s5 =	sshll.u32 s28, $0x1;
	[dreg:$0x2] =	wrdreg s3  }
0xa9: {  	[dreg:$0x3] =	wrdreg s5  }
0xaa: {  	[dreg:$0x4] =	wrdreg $0xC0  }
0xab: {  	_ =	task [dreg:s7], $0x5FFFF  }
0xac: {  	[dreg:$0x1] =	wrdreg $0xFFFFFFFF  }
0xad: {  	[dreg:$0x0] =	wrdreg $0x60  }
0xae: {  	[dreg:$0x2] =	wrdreg s24  }
0xaf: {  	[dreg:$0x3] =	wrdreg s2  }
0xb0: {  	[dreg:$0x4] =	wrdreg $0x85000  }
0xb1: {  	[dreg:$0x5] =	wrdreg $0x1BD800  }
0xb2: {  	[dreg:$0x6] =	wrdreg $0x9  }
0xb3: {  	_ =	task.clear_ibuf [dreg:s7], $0x7FFFF;
	_ =	strace $0x90000046  }
0xb4: {  	s29 =	simm.s32 $0x9;
	_ =	strace $0x80000048  }
0xb5: {  	_ =	swait.ge [sflag:s29], $0x1  }
0xb6: {  	[sflag:s29] =	ssyncadd.s32 $0xFFFFFFFF  }
0xb7: {  	_ =	strace $0x90000048  }
0xb8: {  	_ =	sfence  }
0xb9: {  	s30 =	sld [smem:$0x0];
	_ =	sdelay $0x2  }
0xba: {  	s31 =	sshll.u32 s1, $0xD;
	s1 =	sshrl.u32 s1, $0x2  }
0xbb: {  	s3 =	sand.u32 $0x4000, s31;
	s1 =	sadd.s32 s1, s30  }
0xbc: {  	s0 =	sor.u32 s3, s0;
	s1 =	sshll.u32 s1, $0x11  }
0xbd: {  	s0 =	sor.u32 s1, s0  }
0xbe: {  	s0 =	sadd.s32 $0x8F2B, s0  }
0xbf: {  	[sflag:s0] =	ssyncadd.remote.s32 $0x1  }
0xc0: {  	_ =	sfence.sel $0xFFFF  }
0xc1: {  	[dreg:$0x0] =	wrdreg $0xFFFFFFFF;
	(pc) =	sbr.abs _section_cstart, $3  }
0xc2: {  	[dreg:$0x1] =	wrdreg $0xFFFFFFFF  }
0xc3: {  	_ =	task.clear_ibuf [dreg:s7], $0x2FFFF;
	_ =	strace $0x9FFFFFFF  }
0xc4: {  	(tm) =	ssettm $0x7FFFFFFF  }
0xc5: {  	_ =	shalt  }
tec
execute0_lowered:
.L_overlay_start_1:
0x0: {  	(tag) =	ssettag $0x1  }
0x1: {  	s1 =	rddreg [dreg:$0x0]  }
0x2: {  	s2 =	rddreg [dreg:$0x1]  }
0x3: {  	s12 =	rddreg [dreg:$0x2]  }
0x4: {  	s13 =	rddreg [dreg:$0x3]  }
0x5: {  	s14 =	simm.s32 $0x0;
	s15 =	stileid.u32;
	s3 =	srdreg.scid  }
0x6: {  	[smem:$0x7FF] =	sst s14;
	s10 =	smul.u32 $0x2710, s15  }
0x7: {  	s0 =	sadd.s32 $0xF6600, s1;
	s30 =	sadd.s32 $0xC000, s1;
	s11 =	smul.u32 $0x13800, s15  }
0x8: {  	s16 =	sadd.s32 $0x7000, s1;
	s17 =	sadd.s32 $0x2000, s1;
	s24 =	smul.u32 $0x2700, s15  }
0x9: {  	s4 =	sadd.s32 $0x14E600, s1;
	s31 =	sand.u32 $0x1, s3;
	s29 =	smul.u32 $0x4E000, s15  }
0xa: {  	_ =	strace $0x80000047;
	[dreg:$0x6] =	wrdreg s0;
	s0 =	smul.u32 $0x270, s15  }
0xb: {  	s5 =	sadd.s32 $0x144800, s1;
	p0 =	sne.s32 s15, $0xF;
	s7 =	smul.u32 $0x2710, s31  }
0xc: {  	[dreg:$0x7] =	wrdreg s30;
	s3 =	ssub.s32 $0x2, s31;
	s19 =	smul.u32 $0x138800, s31  }
0xd: {  	s20 =	sshll.u32 s31, $0x4;
	s21 =	smul.u32 $0x27100, s31;
	[dreg:$0x8] =	wrdreg s16  }
0xe: {  	[dreg:$0x9] =	wrdreg s17;
	s30 =	smul.u32 $0x9C00, s15;
	s8 =	sshrl.u32 s3, $0x1  }
0xf: {  	s2 =	sadd.s32 s2, s20;
	s22 =	sshrl.u32 s10, $0x3;
	s26 =	sadd.s32 $0x50, s10  }
0x10: {  	s31 =	sadd.s32 s24, s13;
	s6 =	sadd.s32 $0x230, s0;
	s3 =	ssub.s32 s3, s8  }
0x11: {  	[dreg:$0xc] =	wrdreg s2;
	s23 =	sadd.s32 s11, s19;
	s16 =	sadd.s32 s16, s22  }
0x12: {  	s1 =	sadd.s32 s17, s22;
	[dreg:$0xf] =	wrdreg s26;
	s28 =	sadd.s32 s24, s21  }
0x13: {  	s8 =	sshrl.u32 s19, $0x3;
	s2 =	sshrl.u32 s21, $0x3;
	s17 =	sadd.s32 $0xA0, s0  }
0x14: {  	s20 =	sadd.s32 $0xF0, s0;
	s31 =	sshrl.u32 s31, $0x3;
	[dreg:$0xd] =	wrdreg s16  }
0x15: {  	s9 =	sshll.u32 s6, $0x7;
	s6 =	sshll.u32 s6, $0x4;
	[dreg:$0xe] =	wrdreg s1  }
0x16: {  	s25 =	sshrl.u32 s23, $0x3;
	s3 =	smax.u32 s3, $0x1;
	[smem:$0x7FB] =	sst s31  }
0x17: {  	s23 =	sadd.s32 $0x140, s0;
	s18 =	sadd.s32 s9, s12;
	[dreg:$0x14] =	wrdreg s3  }
0x18: {  	s6 =	sadd.s32 s6, s13;
	s1 =	sadd.s32 s4, s25;
	[dreg:$0xa] =	wrdreg s18  }
0x19: {  	s4 =	sadd.s32 s4, s8;
	s8 =	sshrl.u32 s29, $0x2;
	[dreg:$0xb] =	wrdreg s6  }
0x1a: {  	s9 =	sshrl.u32 s30, $0x2;
	s25 =	sadd.s32 $0x190, s0;
	[dreg:$0x10] =	wrdreg s1  }
0x1b: {  	s1 =	sadd.s32 s11, s12;
	s6 =	sshrl.u32 s28, $0x3;
	s4 =	sadd.s32 $0x27000, s4  }
0x1c: {  	s3 =	sadd.s32 s8, s12;
	s10 =	sadd.s32 s9, s13;
	[dreg:$0x12] =	wrdreg s4  }
0x1d: {  	s11 =	sadd.s32 $0x50, s0;
	s0 =	sadd.s32 $0x1E0, s0;
	[dreg:$0x15] =	wrdreg s3  }
0x1e: {  	s6 =	sadd.s32 s5, s6;
	s5 =	sadd.s32 s5, s2;
	[dreg:$0x16] =	wrdreg s10  }
0x1f: {  	s16 =	sshll.u32 s11, $0x7;
	s30 =	sshrl.u32 s1, $0x3;
	[dreg:$0x11] =	wrdreg s6  }
0x20: {  	s3 =	sshll.u32 s11, $0x4;
	s5 =	sadd.s32 $0x4E00, s5;
	[smem:$0x7FA] =	sst s30  }
0x21: {  	s29 =	sshll.u32 s0, $0x7;
	s4 =	sadd.s32 s16, s12;
	[dreg:$0x13] =	wrdreg s5  }
0x22: {  	v0 =	vimm.s32 $0xEFCDAB89;
	v1 =	vimm.s32 $0x67452301;
	v2 =	vimm.s32 $0xDCFE98BA;
	s0 =	sshll.u32 s0, $0x4;
	s3 =	sadd.s32 s3, s13;
	[dreg:$0x17] =	wrdreg s4  }
0x23: {  	v4 =	vimm.s32 $0xBA98FEDC;
	v5 =	vimm.s32 $0x32107654;
	v6 =	vimm.s32 $0xFEDCBA98;
	s18 =	sshll.u32 s17, $0x7;
	s0 =	sadd.s32 s0, s13;
	[dreg:$0x18] =	wrdreg s3  }
0x24: {  	v7 =	vimm.s32 $0x76543210;
	v0 =	vunpack.c.l.s4.s8 v0;
	v3 =	vmov s7;
	s19 =	sshll.u32 s17, $0x4;
	s3 =	sadd.s32 s18, s12;
	[smem:$0x7F9] =	sst s0  }
0x25: {  	v1 =	vunpack.c.l.s4.s8 v1;
	v2 =	vunpack.c.l.s4.s8 v2;
	s21 =	sshll.u32 s20, $0x7;
	[tilespmem:$0x1FFB0] =	vst v3;
	v3 =	vimm.s32 $0x54761032;
	s5 =	sadd.s32 $0x27000, s13;
	[dreg:$0x19] =	wrdreg s3  }
0x26: {  	v4 =	vunpack.c.l.s4.s8 v4;
	v5 =	vunpack.c.l.s4.s8 v5;
	v3 =	vunpack.c.l.s4.s8 v3;
	s4 =	sshll.u32 s20, $0x4;
	s3 =	sadd.s32 s19, s13;
	[smem:$0x7FD] =	sst s5  }
0x27: {  	v6 =	vunpack.c.l.s4.s8 v6;
	v0 =	vunpack.c.0.s8.s32 v0;
	v1 =	vunpack.c.0.s8.s32 v1;
	s24 =	sshll.u32 s23, $0x7;
	s22 =	sadd.s32 s4, s13;
	[dreg:$0x1a] =	wrdreg s3  }
0x28: {  	v7 =	vunpack.c.l.s4.s8 v7;
	v2 =	vunpack.c.0.s8.s32 v2;
	s26 =	sshll.u32 s25, $0x7;
	v3 =	vunpack.c.0.s8.s32 v3;
	s4 =	sadd.s32 s24, s12;
	[dreg:$0x1c] =	wrdreg s22  }
0x29: {  	v4 =	vunpack.c.0.s8.s32 v4;
	v5 =	vunpack.c.0.s8.s32 v5;
	v0 =	vcombine.low v1, v0;
	s28 =	sshll.u32 s25, $0x4;
	s3 =	sadd.s32 s21, s12;
	[dreg:$0x1d] =	wrdreg s4  }
0x2a: {  	v58 =	vunpack.c.0.s8.s32 v6;
	v57 =	vcombine.low v3, v2;
	s4 =	sadd.s32 $0x138000, s12;
	[dreg:$0x1b] =	wrdreg s3;
	s3 =	sshll.u32 s23, $0x4  }
0x2b: {  	s17 =	simm.s32 $0x7A80;
	v0 =	vand.u32 $0xF, v0;
	v3 =	vcombine.low v5, v4;
	v4 =	vunpack.c.0.s8.s32 v7;
	[smem:$0x7FC] =	sst s4;
	s3 =	sadd.s32 s3, s13  }
0x2c: {  	v59 =	vand.u32 $0xF, v58;
	[tilespmem:$0x1FFC0] =	vst v0;
	s6 =	simm.s32 $0x5;
	v55 =	vand.u32 $0xF, v57;
	[dreg:$0x1e] =	wrdreg s3;
	s3 =	sadd.s32 s26, s12  }
0x2d: {  	s18 =	simm.s32 $0x50;
	v61 =	vand.u32 $0xF, v3;
	v62 =	vcombine.low v59, v4;
	[tilespmem:$0x1FFD0] =	vst v55;
	[dreg:$0x1f] =	wrdreg s3;
	s3 =	sadd.s32 s28, s13  }
0x2e: {  	s19 =	simm.s32 $0x1;
	[tilespmem:$0x1FFE0] =	vst v61;
	[smem:$0x7F7] =	sst s3;
	s3 =	sadd.s32 s29, s12  }
0x2f: {  	vm0 =	vmmov $0x1;
	v5 =	vimm.f32 $0.0e+00;
	s21 =	simm.s32 $0x2;
	s23 =	simm.s32 $0x4;
	[tilespmem:$0x1FFF0] =	vst v62;
	[smem:$0x7F8] =	sst s3  }
.LBB2_1:
0x30: {  	s0 =	simm.s32 $0x2C0  }
0x31: {  	[tilespmem:s0+$0xFFFFFFD0] =	vst v5  }
0x32: {  	[tilespmem:s0+$0xFFFFFFE0] =	vst v5  }
0x33: {  	[tilespmem:s0+$0xFFFFFFF0] =	vst v5  }
0x34: {  	[tilespmem:s0+$0x0] =	vst v5  }
0x35: {  	[tilespmem:s0+$0x10] =	vst v5  }
0x36: {  	[tilespmem:s0+$0x20] =	vst v5  }
0x37: {  	[tilespmem:s0+$0x30] =	vst v5  }
0x38: {  	[dreg:$0x5] =	wrdreg s14;
	s2 =	simm.s32 $0x0;
	s1 =	simm.s32 $0x40;
	[tilespmem:s0+$0xFFFFFFC0] =	vst v5  }
.LBB2_2:
0x39: {  	p1 =	sne.s32 s1, $0x13C0;
	[tilespmem:s2+$0x7A80] =	vst v5;
	s0 =	sadd.s32 $0x80, s0  }
0x3a: {  	[tilespmem:s0+$0xFFFFFFD0] =	vst v5  }
0x3b: {  	[tilespmem:s0+$0xFFFFFFE0] =	vst v5  }
0x3c: {  	[tilespmem:s0+$0xFFFFFFF0] =	vst v5  }
.Ltmp0:
0x3d: {  	[tilespmem:s0+$0x0] =	vst v5;
	(pc) =	sbr.rel @p1 .LBB2_2-.Ltmp0, $4  }
0x3e: {  	[tilespmem:s0+$0x10] =	vst v5  }
0x3f: {  	[tilespmem:s0+$0x20] =	vst v5  }
0x40: {  	[tilespmem:s0+$0x30] =	vst v5  }
0x41: {  	s2 =	sshra.s32 s1, $0x2;
	s1 =	sadd.s32 $0x40, s1;
	[tilespmem:s0+$0xFFFFFFC0] =	vst v5  }
0x42: {  	[tilespmem:s2+$0x7A80] =	vst v5;
	s0 =	rddreg [dreg:$0x15];
	s2 =	simm.s32 $0x280  }
0x43: {  	[spmem:s0] =	stream.linear.scatter [tilespmem:s2], [sflag:$0x5], $0x2800, $0x38;
	[tilespmem:$0x1E490] =	vst v63  }
0x44: {  	_ =	swait.ge [sflag:s6], $0x2800  }
0x45: {  	[sflag:s6] =	ssyncset.done $0x0  }
0x46: {  	s1 =	rddreg [dreg:$0x16];
	[sflag:s6] =	ssyncadd.s32 $0xFFFFD800  }
0x47: {  	[spmem:s1] =	stream.linear.scatter [tilespmem:s17], [sflag:$0x5], $0x500, $0x38;
	[tilespmem:$0x1E490] =	vst v63  }
0x48: {  	_ =	swait.ge [sflag:s6], $0x500  }
0x49: {  	[sflag:s6] =	ssyncset.done $0x0  }
0x4a: {  	s3 =	rddreg [dreg:$0x17];
	[sflag:s6] =	ssyncadd.s32 $0xFFFFFB00  }
0x4b: {  	[spmem:s3] =	stream.linear.scatter [tilespmem:s2], [sflag:$0x5], $0x2800, $0x38;
	[tilespmem:$0x1E490] =	vst v63  }
0x4c: {  	_ =	swait.ge [sflag:s6], $0x2800  }
0x4d: {  	[sflag:s6] =	ssyncset.done $0x0  }
0x4e: {  	s7 =	rddreg [dreg:$0x18];
	[sflag:s6] =	ssyncadd.s32 $0xFFFFD800  }
0x4f: {  	[spmem:s7] =	stream.linear.scatter [tilespmem:s17], [sflag:$0x5], $0x500, $0x38;
	[tilespmem:$0x1E490] =	vst v63  }
0x50: {  	_ =	swait.ge [sflag:s6], $0x500  }
0x51: {  	[sflag:s6] =	ssyncset.done $0x0  }
0x52: {  	s8 =	rddreg [dreg:$0x19];
	[sflag:s6] =	ssyncadd.s32 $0xFFFFFB00  }
0x53: {  	[spmem:s8] =	stream.linear.scatter [tilespmem:s2], [sflag:$0x5], $0x2800, $0x38;
	[tilespmem:$0x1E490] =	vst v63  }
0x54: {  	_ =	swait.ge [sflag:s6], $0x2800  }
0x55: {  	[sflag:s6] =	ssyncset.done $0x0  }
0x56: {  	s9 =	rddreg [dreg:$0x1a];
	[sflag:s6] =	ssyncadd.s32 $0xFFFFD800  }
0x57: {  	[spmem:s9] =	stream.linear.scatter [tilespmem:s17], [sflag:$0x5], $0x500, $0x38;
	[tilespmem:$0x1E490] =	vst v63  }
0x58: {  	_ =	swait.ge [sflag:s6], $0x500  }
0x59: {  	[sflag:s6] =	ssyncset.done $0x0  }
0x5a: {  	s10 =	rddreg [dreg:$0x1b];
	[sflag:s6] =	ssyncadd.s32 $0xFFFFFB00  }
0x5b: {  	[spmem:s10] =	stream.linear.scatter [tilespmem:s2], [sflag:$0x5], $0x2800, $0x38;
	[tilespmem:$0x1E490] =	vst v63  }
0x5c: {  	_ =	swait.ge [sflag:s6], $0x2800  }
0x5d: {  	[sflag:s6] =	ssyncset.done $0x0  }
0x5e: {  	s11 =	rddreg [dreg:$0x1c];
	[sflag:s6] =	ssyncadd.s32 $0xFFFFD800  }
0x5f: {  	[spmem:s11] =	stream.linear.scatter [tilespmem:s17], [sflag:$0x5], $0x500, $0x38;
	[tilespmem:$0x1E490] =	vst v63  }
0x60: {  	_ =	swait.ge [sflag:s6], $0x500  }
0x61: {  	[sflag:s6] =	ssyncset.done $0x0  }
0x62: {  	s12 =	rddreg [dreg:$0x1d];
	[sflag:s6] =	ssyncadd.s32 $0xFFFFFB00  }
0x63: {  	[spmem:s12] =	stream.linear.scatter [tilespmem:s2], [sflag:$0x5], $0x2800, $0x38;
	[tilespmem:$0x1E490] =	vst v63  }
0x64: {  	_ =	swait.ge [sflag:s6], $0x2800  }
0x65: {  	[sflag:s6] =	ssyncset.done $0x0  }
0x66: {  	s13 =	rddreg [dreg:$0x1e];
	[sflag:s6] =	ssyncadd.s32 $0xFFFFD800  }
0x67: {  	[spmem:s13] =	stream.linear.scatter [tilespmem:s17], [sflag:$0x5], $0x500, $0x38;
	[tilespmem:$0x1E490] =	vst v63  }
0x68: {  	_ =	swait.ge [sflag:s6], $0x500  }
0x69: {  	[sflag:s6] =	ssyncset.done $0x0  }
0x6a: {  	s14 =	rddreg [dreg:$0x1f];
	[sflag:s6] =	ssyncadd.s32 $0xFFFFFB00  }
0x6b: {  	[spmem:s14] =	stream.linear.scatter [tilespmem:s2], [sflag:$0x5], $0x2800, $0x38;
	[tilespmem:$0x1E490] =	vst v63  }
0x6c: {  	_ =	swait.ge [sflag:s6], $0x2800  }
0x6d: {  	s15 =	sld [smem:$0x7F7]  }
0x6e: {  	[sflag:s6] =	ssyncset.done $0x0  }
0x6f: {  	[sflag:s6] =	ssyncadd.s32 $0xFFFFD800  }
0x70: {  	[spmem:s15] =	stream.linear.scatter [tilespmem:s17], [sflag:$0x5], $0x500, $0x38;
	[tilespmem:$0x1E490] =	vst v63  }
0x71: {  	_ =	swait.ge [sflag:s6], $0x500  }
0x72: {  	s16 =	sld [smem:$0x7F8]  }
0x73: {  	[sflag:s6] =	ssyncset.done $0x0  }
0x74: {  	[sflag:s6] =	ssyncadd.s32 $0xFFFFFB00  }
0x75: {  	[spmem:s16] =	stream.linear.scatter [tilespmem:s2], [sflag:$0x5], $0x2800, $0x38;
	[tilespmem:$0x1E490] =	vst v63  }
0x76: {  	_ =	swait.ge [sflag:s6], $0x2800  }
0x77: {  	s20 =	sld [smem:$0x7F9]  }
0x78: {  	[sflag:s6] =	ssyncset.done $0x0  }
0x79: {  	[sflag:s6] =	ssyncadd.s32 $0xFFFFD800  }
0x7a: {  	[spmem:s20] =	stream.linear.scatter [tilespmem:s17], [sflag:$0x5], $0x500, $0x38;
	[tilespmem:$0x1E490] =	vst v63  }
0x7b: {  	_ =	swait.ge [sflag:s6], $0x500  }
0x7c: {  	[sflag:s6] =	ssyncset.done $0x0  }
0x7d: {  	s22 =	rddreg [dreg:$0xa];
	[sflag:s6] =	ssyncadd.s32 $0xFFFFFB00  }
0x7e: {  	[spmem:s22] =	stream.linear.scatter [tilespmem:s2], [sflag:$0x5], $0x2000, $0x38;
	[tilespmem:$0x1E490] =	vst v63  }
0x7f: {  	_ =	swait.ge [sflag:s6], $0x2000  }
0x80: {  	[sflag:s6] =	ssyncset.done $0x0  }
0x81: {  	s24 =	rddreg [dreg:$0xb];
	[sflag:s6] =	ssyncadd.s32 $0xFFFFE000  }
0x82: {  	[spmem:s24] =	stream.linear.scatter [tilespmem:s17], [sflag:$0x5], $0x400, $0x38;
	[tilespmem:$0x1E490] =	vst v63  }
0x83: {  	_ =	swait.ge [sflag:s6], $0x400  }
0x84: {  	[sflag:s6] =	ssyncset.done $0x0  }
0x85: {  	s0 =	simm.s32 @!p0 $0x280;
	[sflag:s6] =	ssyncadd.s32 $0xFFFFFC00  }
0x86: {  	[spmem:s4] =	stream.linear.scatter @!p0 [tilespmem:s0], [sflag:$0x5], $0x800, $0x38;
	[tilespmem:$0x1E490] =	vst v63  }
0x87: {  	s0 =	simm.s32 @!p0 $0x5  }
0x88: {  	_ =	swait.ge @!p0 [sflag:s0], $0x800  }
0x89: {  	[sflag:s0] =	ssyncset.done @!p0 $0x0  }
0x8a: {  	s1 =	simm.s32 @!p0 $0x7A80;
	[sflag:s0] =	ssyncadd.s32 @!p0 $0xFFFFF800  }
0x8b: {  	[spmem:s5] =	stream.linear.scatter @!p0 [tilespmem:s1], [sflag:$0x5], $0x100, $0x38;
	[tilespmem:$0x1E490] =	vst v63  }
0x8c: {  	_ =	swait.ge @!p0 [sflag:s0], $0x100  }
0x8d: {  	s26 =	simm.s32 $0x8480;
	[sflag:s0] =	ssyncset.done @!p0 $0x0  }
0x8e: {  	s24 =	simm.s32 $0x0;
	s25 =	rddreg [dreg:$0xc];
	[sflag:s0] =	ssyncadd.s32 @!p0 $0xFFFFFF00  }
0x8f: {  	[tilespmem:s26], [sflag:$0x5] =	stream.linear.gather [hbm4b:s25+s24], $0x80, $0x38;
	[tilespmem:$0x1E490] =	vst v63  }
0x90: {  	_ =	swait.ge [sflag:s6], $0x80  }
0x91: {  	[sflag:s6] =	ssyncset.done $0x0  }
0x92: {  	[sflag:s6] =	ssyncadd.s32 $0xFFFFFF80  }
0x93: {  	[bflag:$0x0] =	sbarrier.arrive $0xFFFF  }
0x94: {  	v53 =	vld [tilespmem:$0x8480]  }
0x95: {  	v54 =	vld [tilespmem:$0x8490]  }
0x96: {  	v57 =	vld [tilespmem:$0x84A0]  }
0x97: {  	v58 =	vld [tilespmem:$0x84B0]  }
0x98: {  	v59 =	vld [tilespmem:$0x84C0]  }
0x99: {  	v60 =	vld [tilespmem:$0x84D0]  }
0x9a: {  	v63 =	vld [tilespmem:$0x84E0];
	s28 =	rddreg [dreg:$0xd]  }
0x9b: {  	v16 =	vld [tilespmem:$0x84F0];
	[tilespmem:s24], [sflag:$0x5] =	stream.linear.gather [hbm4b:s28+s24], $0x50, $0x38  }
0x9c: {  	_ =	swait.ge [sflag:s6], $0x50  }
0x9d: {  	[sflag:s6] =	ssyncset.done $0x0  }
0x9e: {  	s29 =	rddreg [dreg:$0xe];
	[sflag:s6] =	ssyncadd.s32 $0xFFFFFFB0  }
0x9f: {  	[tilespmem:s18], [sflag:$0x5] =	stream.linear.gather [hbm4b:s29+s24], $0x50, $0x38;
	[tilespmem:$0x1E490] =	vst v63  }
0xa0: {  	_ =	swait.ge [sflag:s6], $0x50  }
0xa1: {  	[sflag:s6] =	ssyncset.done $0x0;
	[tilespmem:$0x1FF30] =	vst v16  }
0xa2: {  	v39 =	vld [tilespmem:$0x1FFB0];
	[tilespmem:$0x1FF40] =	vst v53;
	[sflag:s6] =	ssyncadd.s32 $0xFFFFFFB0  }
0xa3: {  	[tilespmem:$0x1FF50] =	vst v54;
	v0 =	vld [tilespmem:$0x0]  }
0xa4: {  	[tilespmem:$0x1FF60] =	vst v58;
	v1 =	vld [tilespmem:$0x50]  }
0xa5: {  	[tilespmem:$0x1FF70] =	vst v57;
	v3 =	vld [tilespmem:$0x60]  }
0xa6: {  	[tilespmem:$0x1FF80] =	vst v60;
	v41 =	vld [tilespmem:$0x70]  }
0xa7: {  	[tilespmem:$0x1FF90] =	vst v59;
	v45 =	vld [tilespmem:$0x80]  }
0xa8: {  	[tilespmem:$0x1FFA0] =	vst v63;
	v49 =	vld [tilespmem:$0x90]  }
0xa9: {  	[tilespmem:$0x1E0] =	vst v1  }
0xaa: {  	v2 =	vld [tilespmem:$0x10];
	[tilespmem:$0x1F0] =	vst v3  }
0xab: {  	[tilespmem:$0x200] =	vst v41  }
0xac: {  	v4 =	vld [tilespmem:$0x20];
	[tilespmem:$0x210] =	vst v45  }
0xad: {  	v0 =	vadd.s32 v39, v0;
	[tilespmem:$0x220] =	vst v49  }
0xae: {  	v44 =	vld [tilespmem:$0x30];
	v40 =	vadd.s32 v39, v1;
	[tilespmem:$0xA0] =	vst v0  }
0xaf: {  	v42 =	vadd.s32 v39, v2;
	[tilespmem:$0x140] =	vst v40  }
0xb0: {  	v48 =	vld [tilespmem:$0x40];
	v43 =	vadd.s32 v39, v3;
	[tilespmem:$0xB0] =	vst v42  }
0xb1: {  	v46 =	vadd.s32 v39, v4;
	[tilespmem:$0x150] =	vst v43  }
0xb2: {  	v47 =	vadd.s32 v39, v41;
	[tilespmem:$0xC0] =	vst v46  }
0xb3: {  	v50 =	vadd.s32 v39, v44;
	[tilespmem:$0x160] =	vst v47  }
0xb4: {  	v51 =	vadd.s32 v39, v45;
	[tilespmem:$0xD0] =	vst v50  }
0xb5: {  	v52 =	vadd.s32 v39, v48;
	[tilespmem:$0x170] =	vst v51  }
0xb6: {  	v56 =	vadd.s32 v39, v49;
	[tilespmem:$0xE0] =	vst v52  }
0xb7: {  	s31 =	simm.s32 $0xA0;
	p1 =	por $0x0, $0x0;
	s30 =	rddreg [dreg:$0x6];
	[tilespmem:$0x180] =	vst v56  }
0xb8: {  	[tilespmem:s2], [sflag:$0x1] =	stream.indirect.gather [hbm4b:s30+s18], $0x80, s31, s18, $0xb8;
	[tilespmem:$0x1E490] =	vst v63  }
.LBB2_4:
0xb9: {  	s25 =	sand.u32 $0x1, s24  }
0xba: {  	s26 =	smul.u32 $0x50, s25  }
0xbb: {  	p2 =	seq.s32 s24, $0x7C;
	s2 =	rddreg [dreg:$0x7]  }
0xbc: {  	s3 =	simm.s32 $0x5280;
	s1 =	smul.u32 @!p2 $0x50, s24;
	s0 =	sadd.s32 $0x140, s26  }
0xbd: {  	[tilespmem:s3], [sflag:$0x2] =	stream.indirect.gather [hbm4b:s2+s18], $0x80, s0, s18, $0xb8;
	[tilespmem:$0x1E490] =	vst v63  }
0xbe: {  	s0 =	rddreg [dreg:$0xf]  }
0xbf: {  	s0 =	sadd.s32 @!p2 s1, s0  }
0xc0: {  	s1 =	rddreg [dreg:$0x8];
	s0 =	sshrl.u32 @!p2 s0, $0x3  }
0xc1: {  	s2 =	simm.s32 @!p2 $0x0;
	s1 =	sadd.s32 @!p2 s1, s0  }
0xc2: {  	[tilespmem:s2], [sflag:$0x4] =	stream.linear.gather @!p2 [hbm4b:s1+s2], $0x50, $0x38;
	[tilespmem:$0x1E490] =	vst v63  }
0xc3: {  	s1 =	rddreg [dreg:$0x9]  }
0xc4: {  	s0 =	sadd.s32 @!p2 s1, s0;
	s1 =	simm.s32 @!p2 $0x50  }
0xc5: {  	[tilespmem:s1], [sflag:$0x4] =	stream.linear.gather @!p2 [hbm4b:s0+s2], $0x50, $0x38;
	[tilespmem:$0x1E490] =	vst v63  }
0xc6: {  	_ =	swait.ge [sflag:s19], $0x2800  }
0xc7: {  	p2 =	seq.s32 s24, $0x0;
	[sflag:s19] =	ssyncset.done $0x0  }
0xc8: {  	s0 =	simm.s32 @!p2 $0x3;
	[sflag:s19] =	ssyncadd.s32 $0xFFFFD800  }
0xc9: {  	_ =	swait.ge @!p2 [sflag:s0], $0x2800  }
0xca: {  	[sflag:s0] =	ssyncset.done @!p2 $0x0  }
0xcb: {  	[sflag:s0] =	ssyncadd.s32 @!p2 $0xFFFFD800  }
0xcc: {  	_ =	swait.ge @!p2 [sflag:s0], $0x500  }
0xcd: {  	p3 =	seq.s32 @!p2 s24, $0x7C;
	[sflag:s0] =	ssyncset.done @!p2 $0x0  }
0xce: {  	p3 =	por p2, !p3;
	[sflag:s0] =	ssyncadd.s32 @!p2 $0xFFFFFB00  }
0xcf: {  	_ =	swait.ge @p3 [sflag:s23], $0x50  }
0xd0: {  	[sflag:s23] =	ssyncset.done @p3 $0x0  }
0xd1: {  	[sflag:s23] =	ssyncadd.s32 @p3 $0xFFFFFFB0  }
0xd2: {  	_ =	swait.ge @p3 [sflag:s23], $0x50  }
0xd3: {  	[sflag:s23] =	ssyncset.done @p3 $0x0  }
0xd4: {  	v2 =	vld @p3 [tilespmem:$0x1FFB0];
	[sflag:s23] =	ssyncadd.s32 @p3 $0xFFFFFFB0  }
0xd5: {  	v0 =	vld @p3 [tilespmem:$0x0]  }
0xd6: {  	v1 =	vld @p3 [tilespmem:$0x50];
	_ =	sdelay $0x1  }
0xd7: {  	s0 =	sxor.u32 @p3 $0x1, s25  }
0xd8: {  	s1 =	smul.u32 @p3 $0x50, s0;
	_ =	sdelay $0x1  }
0xd9: {  	v0 =	vadd.s32 @p3 v2, v0;
	[tilespmem:s1+$0x1E0] =	vst @p3 v1  }
0xda: {  	[tilespmem:s1+$0xA0] =	vst @p3 v0;
	v0 =	vadd.s32 @p3 v2, v1  }
0xdb: {  	[tilespmem:s1+$0x140] =	vst @p3 v0  }
0xdc: {  	v0 =	vld @p3 [tilespmem:$0x10]  }
0xdd: {  	v1 =	vld @p3 [tilespmem:$0x60];
	_ =	sdelay $0x4  }
0xde: {  	v0 =	vadd.s32 @p3 v2, v0;
	[tilespmem:s1+$0x1F0] =	vst @p3 v1  }
0xdf: {  	[tilespmem:s1+$0xB0] =	vst @p3 v0;
	v0 =	vadd.s32 @p3 v2, v1  }
0xe0: {  	[tilespmem:s1+$0x150] =	vst @p3 v0  }
0xe1: {  	v0 =	vld @p3 [tilespmem:$0x20]  }
0xe2: {  	v1 =	vld @p3 [tilespmem:$0x70];
	_ =	sdelay $0x4  }
0xe3: {  	v0 =	vadd.s32 @p3 v2, v0;
	[tilespmem:s1+$0x200] =	vst @p3 v1  }
0xe4: {  	[tilespmem:s1+$0xC0] =	vst @p3 v0;
	v0 =	vadd.s32 @p3 v2, v1  }
0xe5: {  	[tilespmem:s1+$0x160] =	vst @p3 v0  }
0xe6: {  	v0 =	vld @p3 [tilespmem:$0x30]  }
0xe7: {  	v1 =	vld @p3 [tilespmem:$0x80];
	_ =	sdelay $0x4  }
0xe8: {  	v0 =	vadd.s32 @p3 v2, v0;
	[tilespmem:s1+$0x210] =	vst @p3 v1  }
0xe9: {  	[tilespmem:s1+$0xD0] =	vst @p3 v0;
	v0 =	vadd.s32 @p3 v2, v1  }
0xea: {  	[tilespmem:s1+$0x170] =	vst @p3 v0  }
0xeb: {  	v0 =	vld @p3 [tilespmem:$0x40]  }
0xec: {  	v1 =	vld @p3 [tilespmem:$0x90];
	_ =	sdelay $0x3  }
0xed: {  	s0 =	smul.u32 @p3 $0xA000, s0  }
0xee: {  	v0 =	vadd.s32 @p3 v2, v0;
	[tilespmem:s1+$0x220] =	vst @p3 v1  }
0xef: {  	s0 =	sshrl.u32 @p3 s0, $0x2;
	[tilespmem:s1+$0xE0] =	vst @p3 v0;
	v0 =	vadd.s32 @p3 v2, v1  }
0xf0: {  	s2 =	sadd.s32 @p3 $0xA0, s1;
	s0 =	sor.u32 @p3 $0x280, s0;
	[tilespmem:s1+$0x180] =	vst @p3 v0;
	s1 =	rddreg @p3 [dreg:$0x6]  }
0xf1: {  	[tilespmem:s0], [sflag:$0x1] =	stream.indirect.gather @p3 [hbm4b:s1+s18], $0x80, s2, s18, $0xb8;
	[tilespmem:$0x1E490] =	vst v63  }
0xf2: {  	s0 =	simm.s32 $0x1  }
0xf3: {  	s0 =	simm.s32 @!p1 $0x0;
	_ =	swait.ge [sflag:s21], $0x2800  }
0xf4: {  	s6 =	smul.u32 $0xA000, s0;
	[sflag:s21] =	ssyncset.done $0x0  }
0xf5: {  	s7 =	simm.s32 $0x5340;
	[sflag:s21] =	ssyncadd.s32 $0xFFFFD800  }
0xf6: {  	s12 =	sshrl.u32 s6, $0x2;
	v47 =	vld [tilespmem:s7+$0xA0]  }
0xf7: {  	v32 =	vld [tilespmem:s7+$0x90];
	s28 =	sor.u32 $0x340, s12  }
0xf8: {  	v52 =	vld [tilespmem:s28+$0xA0]  }
0xf9: {  	v49 =	vld [tilespmem:s28+$0x90]  }
0xfa: {  	v50 =	vld [tilespmem:s28+$0x80]  }
0xfb: {  	v33 =	vld [tilespmem:s7+$0x80]  }
0xfc: {  	v11 =	vld [tilespmem:s28+$0x60];
	_ =	sdelay $0x1  }
0xfd: {  	v6 =	vld [tilespmem:s28+$0x40]  }
0xfe: {  	v3 =	vld [tilespmem:s7+$0x40]  }
0xff: {  	v7 =	vld [tilespmem:s28+$0x50]  }
0x100: {  	v4 =	vld [tilespmem:s7+$0x50];
	[tilespmem:$0x1FD70] =	vst v11  }
0x101: {  	v12 =	vld [tilespmem:s28+$0x70];
	_ =	sdelay $0x4  }
0x102: {  	v5 =	vld [tilespmem:s7+$0x60];
	[tilespmem:$0x1FD80] =	vst v12  }
0x103: {  	v15 =	vld [tilespmem:s28+$0xFFFFFF40];
	_ =	sdelay $0x4  }
0x104: {  	v8 =	vld [tilespmem:s7+$0x70];
	[tilespmem:$0x1FE90] =	vst v15  }
0x105: {  	v14 =	vld [tilespmem:s28+$0xFFFFFFC0];
	_ =	sdelay $0x4  }
0x106: {  	v10 =	vld [tilespmem:s7+$0xFFFFFF40];
	[tilespmem:$0x1FF10] =	vst v14  }
0x107: {  	v20 =	vld [tilespmem:s28+$0xFFFFFF50]  }
0x108: {  	v3 =	vadd.f32 v3, v6;
	_ =	sdelay $0x1  }
0x109: {  	v4 =	vadd.f32 v4, v7;
	v9 =	vmul.f32 $2.000000030e-01, v3;
	_ =	sdelay $0x1  }
0x10a: {  	v3 =	vmax.f32 v3, v9;
	v9 =	vmul.f32 $2.000000030e-01, v4;
	v5 =	vadd.f32 v5, v11;
	v11 =	vld [tilespmem:s7+$0xFFFFFFC0];
	[tilespmem:$0x1FEA0] =	vst v20  }
0x10b: {  	v21 =	vld [tilespmem:s28+$0xFFFFFF60]  }
0x10c: {  	v4 =	vmax.f32 v4, v9;
	v9 =	vmul.f32 $2.000000030e-01, v5;
	v8 =	vadd.f32 v8, v12;
	v12 =	vld [tilespmem:s7+$0xFFFFFF50]  }
0x10d: {  	v56 =	vld [tilespmem:s28+$0xB0]  }
0x10e: {  	v5 =	vmax.f32 v5, v9;
	v9 =	vmul.f32 $2.000000030e-01, v8;
	v13 =	vld [tilespmem:s7+$0xB0]  }
0x10f: {  	v17 =	vld [tilespmem:s28+$0xFFFFFFD0]  }
0x110: {  	v2 =	vadd.f32 v33, v50;
	v35 =	vmax.f32 v8, v9;
	v9 =	vld [tilespmem:s7+$0xFFFFFFD0];
	[tilespmem:$0x1FEB0] =	vst v21  }
0x111: {  	v22 =	vld [tilespmem:s28+$0xFFFFFF70]  }
0x112: {  	v8 =	vmul.f32 $2.000000030e-01, v2;
	_ =	sdelay $0x1  }
0x113: {  	v2 =	vmax.f32 v2, v8;
	v8 =	vld [tilespmem:s7+$0xFFFFFF60]  }
0x114: {  	v3 =	vmul.f32 v3, v53;
	v18 =	vld [tilespmem:s28+$0xFFFFFFE0]  }
0x115: {  	v39 =	vadd.f32 v13, v56;
	v13 =	vld [tilespmem:s7+$0xFFFFFFE0];
	[tilespmem:$0x1FEC0] =	vst v22  }
0x116: {  	v3 =	vadd.f32 $0.0e+00, v3;
	v4 =	vmul.f32 v4, v54;
	v23 =	vld [tilespmem:s28+$0xFFFFFF80];
	_ =	sdelay $0x1  }
0x117: {  	v3 =	vadd.f32 v4, v3;
	v34 =	vmul.f32 v5, v57  }
0x118: {  	v1 =	vadd.f32 v32, v49;
	v41 =	vld [tilespmem:s7+$0xFFFFFF70]  }
0x119: {  	v3 =	vadd.f32 v34, v3;
	v36 =	vmul.f32 v35, v58;
	v19 =	vld [tilespmem:s28+$0xFFFFFFF0]  }
0x11a: {  	v0 =	vadd.f32 v47, v52;
	v37 =	vmul.f32 $2.000000030e-01, v1;
	v40 =	vadd.f32 v10, v15;
	v15 =	vld [tilespmem:s7+$0xFFFFFFF0];
	[tilespmem:$0x1FED0] =	vst v23  }
0x11b: {  	v3 =	vadd.f32 v36, v3;
	v2 =	vmul.f32 v2, v59;
	v47 =	vld [tilespmem:s7+$0xFFFFFF80];
	[tilespmem:$0x1F9D0] =	vst v17  }
0x11c: {  	v38 =	vmul.f32 $2.000000030e-01, v0;
	v1 =	vmax.f32 v1, v37;
	v12 =	vadd.f32 v12, v20;
	v20 =	vld [tilespmem:s28+$0x0];
	[tilespmem:$0x1F9E0] =	vst v18  }
0x11d: {  	v1 =	vmul.f32 v1, v60;
	v2 =	vadd.f32 v2, v3;
	v24 =	vld [tilespmem:s28+$0xFFFFFF90]  }
0x11e: {  	v0 =	vmax.f32 v0, v38;
	v42 =	vmul.f32 $2.000000030e-01, v40;
	v10 =	vadd.f32 v11, v14  }
0x11f: {  	v0 =	vmul.f32 v0, v63;
	v1 =	vadd.f32 v1, v2  }
0x120: {  	v2 =	vmax.f32 v40, v42;
	v14 =	vmul.f32 $2.000000030e-01, v10;
	v11 =	vmul.f32 $2.000000030e-01, v39  }
0x121: {  	v48 =	vmul.f32 v2, v53;
	v0 =	vadd.f32 v0, v1  }
0x122: {  	v10 =	vmax.f32 v10, v14;
	v9 =	vadd.f32 v9, v17;
	v5 =	vmax.f32 v39, v11;
	v14 =	vld [tilespmem:s7+$0x0];
	[tilespmem:$0x1FEE0] =	vst v24  }
0x123: {  	v43 =	vmul.f32 v5, v16;
	v4 =	vadd.f32 v41, v22;
	v22 =	vmov v16;
	v16 =	vld [tilespmem:s7+$0xFFFFFF90];
	[tilespmem:$0x1F9F0] =	vst v19  }
0x124: {  	v10 =	vmul.f32 v10, v53;
	v11 =	vmul.f32 $2.000000030e-01, v12;
	v8 =	vadd.f32 v8, v21;
	v21 =	vld [tilespmem:s28+$0xFFFFFFA0]  }
0x125: {  	v1 =	vadd.f32 $0.0e+00, v48;
	v51 =	vmul.f32 $2.000000030e-01, v9;
	v13 =	vadd.f32 v13, v18  }
0x126: {  	v10 =	vadd.f32 $0.0e+00, v10;
	v11 =	vmax.f32 v12, v11;
	v12 =	vmul.f32 $2.000000030e-01, v8  }
0x127: {  	v2 =	vmax.f32 v9, v51;
	v11 =	vmul.f32 v11, v54;
	v9 =	vmul.f32 $2.000000030e-01, v13;
	v18 =	vld [tilespmem:s28+$0x10]  }
0x128: {  	v2 =	vmul.f32 v2, v54;
	v8 =	vmax.f32 v8, v12;
	v15 =	vadd.f32 v15, v19;
	v17 =	vld [tilespmem:s7+$0x10];
	[tilespmem:$0x1FA00] =	vst v20  }
0x129: {  	v1 =	vadd.f32 v11, v1;
	v9 =	vmax.f32 v13, v9;
	v8 =	vmul.f32 v8, v57;
	[tilespmem:$0x1FEF0] =	vst v21  }
0x12a: {  	v12 =	vmul.f32 $2.000000030e-01, v4;
	v13 =	vmul.f32 $2.000000030e-01, v15;
	v14 =	vadd.f32 v14, v20;
	v20 =	vld [tilespmem:s28+$0xFFFFFFB0]  }
0x12b: {  	v45 =	vld [tilespmem:$0x1FFC0];
	v2 =	vadd.f32 v2, v10;
	v9 =	vmul.f32 v9, v57;
	v1 =	vadd.f32 v8, v1  }
0x12c: {  	v4 =	vmax.f32 v4, v12;
	v12 =	vmax.f32 v15, v13;
	v3 =	vadd.f32 v47, v23;
	v11 =	vld [tilespmem:s7+$0xFFFFFFA0]  }
0x12d: {  	v2 =	vadd.f32 v9, v2;
	v4 =	vmul.f32 v4, v58;
	v8 =	vmul.f32 v12, v58;
	v19 =	vld [tilespmem:s28+$0x20]  }
0x12e: {  	s29 =	smul.u32 $0x50, s0;
	v10 =	vmul.f32 $2.000000030e-01, v3;
	v13 =	vmul.f32 $2.000000030e-01, v14;
	v15 =	vld [tilespmem:s7+$0x20];
	[tilespmem:$0x1FA10] =	vst v18  }
0x12f: {  	v1 =	vadd.f32 v4, v1;
	v2 =	vadd.f32 v8, v2;
	[tilespmem:$0x1FF00] =	vst v20  }
0x130: {  	s8 =	sadd.s32 $0xFFFFFFFD, s29;
	v3 =	vmax.f32 v3, v10;
	v12 =	vmax.f32 v14, v13;
	v16 =	vadd.f32 v16, v24;
	v9 =	vld [tilespmem:s7+$0xFFFFFFB0]  }
0x131: {  	s9 =	sshll.u32 s8, $0x4;
	v3 =	vmul.f32 v3, v59;
	v12 =	vmul.f32 v12, v59;
	v17 =	vadd.f32 v17, v18;
	v18 =	vld [tilespmem:s28+$0x30]  }
0x132: {  	s1 =	sadd.s32 $0x50, s9;
	v0 =	vadd.f32 v43, v0;
	v10 =	vmul.f32 $2.000000030e-01, v16;
	v13 =	vld [tilespmem:s7+$0x30]  }
0x133: {  	v46 =	vor.u32 s1, v45;
	v1 =	vadd.f32 v3, v1;
	v2 =	vadd.f32 v12, v2  }
0x134: {  	s13 =	sadd.s32 $0x30, s9;
	v10 =	vmax.f32 v16, v10;
	v32 =	vadd.f32 v11, v21;
	v11 =	vmul.f32 $2.000000030e-01, v17  }
0x135: {  	v12 =	vor.u32 s13, v45;
	v10 =	vmul.f32 v10, v60;
	v8 =	vadd.f32 v15, v19  }
0x136: {  	v14 =	vmul.f32 $2.000000030e-01, v32;
	v11 =	vmax.f32 v17, v11;
	v9 =	vadd.f32 v9, v20  }
0x137: {  	v15 =	vmul.f32 $2.000000030e-01, v8;
	v33 =	vmul.f32 v11, v60;
	v11 =	vadd.f32 v13, v18  }
0x138: {  	v1 =	vadd.f32 v10, v1;
	v4 =	vmax.f32 v32, v14;
	v10 =	vmul.f32 $2.000000030e-01, v9  }
0x139: {  	v8 =	vmax.f32 v8, v15;
	v34 =	vmul.f32 v4, v63;
	v35 =	vmul.f32 $2.000000030e-01, v11  }
0x13a: {  	s0 =	smul.u32 $0x1400, s0;
	[tilespmem:$0x1FA20] =	vst v19;
	v2 =	vadd.f32 v33, v2;
	v8 =	vmul.f32 v8, v63;
	v9 =	vmax.f32 v9, v10  }
0x13b: {  	s15 =	sadd.s32 $0x40, s9;
	s30 =	sadd.s32 $0x180, s28;
	[tilespmem:$0x1FA30] =	vst v18;
	v1 =	vadd.f32 v34, v1;
	v4 =	vmax.f32 v11, v35;
	v36 =	vmul.f32 v9, v22  }
0x13c: {  	s22 =	sshrl.u32 s0, $0x2;
	v2 =	vadd.f32 v8, v2;
	v21 =	vld [tilespmem:s30+$0xA0];
	v9 =	vor.u32 s15, v45;
	v4 =	vmul.f32 v4, v22  }
0x13d: {  	s31 =	sadd.s32 $0x7AA0, s22;
	v1 =	vadd.f32 v36, v1  }
0x13e: {  	[tilespmem:s31+$0x0] =	vst v0;
	v2 =	vadd.f32 v4, v2  }
0x13f: {  	v37 =	vld.idx.msk [tilespmem:v46+s17+$0x0], $0xffff;
	[tilespmem:s31+$0xFFFFFFE0] =	vst v1  }
0x140: {  	[tilespmem:s31+$0xFFFFFFF0] =	vst v2;
	v38 =	vld.idx.msk [tilespmem:v12+s17+$0x0], $0xffff  }
0x141: {  	v39 =	vld.idx.msk [tilespmem:v9+s17+$0x0], $0xffff;
	[tilespmem:$0x1FE00] =	vst v21  }
0x142: {  	v25 =	vld [tilespmem:s30+$0x90];
	_ =	sdelay $0x3  }
0x143: {  	s10 =	simm.s32 $0x54C0  }
0x144: {  	v9 =	vld [tilespmem:s10+$0xA0];
	[tilespmem:$0x1FDF0] =	vst v25  }
0x145: {  	v20 =	vld [tilespmem:s30+$0x80];
	_ =	sdelay $0x4  }
0x146: {  	v10 =	vld [tilespmem:s10+$0x90];
	[tilespmem:$0x1FDC0] =	vst v20  }
0x147: {  	v19 =	vld [tilespmem:s30+$0x70];
	_ =	sdelay $0x4  }
0x148: {  	v11 =	vld [tilespmem:s10+$0x80];
	[tilespmem:$0x1FDB0] =	vst v19  }
0x149: {  	v18 =	vld [tilespmem:s30+$0x50];
	_ =	sdelay $0x2  }
0x14a: {  	v8 =	vmov v22;
	v22 =	vld [tilespmem:s30+$0x40]  }
0x14b: {  	v12 =	vld [tilespmem:s10+$0x40]  }
0x14c: {  	[tilespmem:$0x1FDA0] =	vst v18  }
0x14d: {  	v13 =	vld [tilespmem:s10+$0x50]  }
0x14e: {  	v51 =	vld [tilespmem:s30+$0x60]  }
0x14f: {  	v14 =	vld [tilespmem:s10+$0x60]  }
0x150: {  	v12 =	vadd.f32 v12, v22;
	v15 =	vld [tilespmem:s10+$0x70]  }
0x151: {  	v26 =	vld [tilespmem:s30+$0xFFFFFF40]  }
0x152: {  	v27 =	vld [tilespmem:s30+$0xB0];
	v17 =	vmul.f32 $2.000000030e-01, v12;
	v13 =	vadd.f32 v13, v18  }
0x153: {  	v16 =	vld [tilespmem:s10+$0xFFFFFF40]  }
0x154: {  	v23 =	vld [tilespmem:s30+$0xFFFFFFC0];
	v12 =	vmax.f32 v12, v17;
	v14 =	vadd.f32 v14, v51;
	v17 =	vmul.f32 $2.000000030e-01, v13  }
0x155: {  	v29 =	vld [tilespmem:s30+$0xFFFFFF50];
	v12 =	vmul.f32 v12, v53  }
0x156: {  	v18 =	vld [tilespmem:s10+$0xFFFFFFC0];
	v15 =	vadd.f32 v15, v19;
	v13 =	vmax.f32 v13, v17;
	v17 =	vmul.f32 $2.000000030e-01, v14  }
0x157: {  	v19 =	vld [tilespmem:s10+$0xFFFFFF50];
	[tilespmem:$0x1FE10] =	vst v27;
	v12 =	vadd.f32 $0.0e+00, v12;
	v13 =	vmul.f32 v13, v54  }
0x158: {  	v11 =	vadd.f32 v11, v20;
	v20 =	vld [tilespmem:s10+$0xB0];
	v14 =	vmax.f32 v14, v17;
	v17 =	vmul.f32 $2.000000030e-01, v15  }
0x159: {  	v24 =	vld [tilespmem:s30+$0xFFFFFFD0];
	v12 =	vadd.f32 v13, v12;
	v13 =	vmul.f32 v14, v57  }
0x15a: {  	v10 =	vadd.f32 v10, v25;
	v30 =	vld [tilespmem:s30+$0xFFFFFF60];
	v15 =	vmax.f32 v15, v17;
	v17 =	vmul.f32 $2.000000030e-01, v11  }
0x15b: {  	v25 =	vld [tilespmem:s30+$0xFFFFFFE0];
	v12 =	vadd.f32 v13, v12;
	v13 =	vmul.f32 v15, v58  }
0x15c: {  	v9 =	vadd.f32 v9, v21;
	v31 =	vld [tilespmem:s30+$0xFFFFFF70];
	v11 =	vmax.f32 v11, v17;
	v17 =	vmul.f32 $2.000000030e-01, v10  }
0x15d: {  	v21 =	vld [tilespmem:s10+$0xFFFFFFF0];
	v12 =	vadd.f32 v13, v12;
	v11 =	vmul.f32 v11, v59  }
0x15e: {  	v32 =	vld [tilespmem:s30+$0xFFFFFF80];
	v13 =	vadd.f32 v20, v27;
	v10 =	vmax.f32 v10, v17;
	v17 =	vmul.f32 $2.000000030e-01, v9  }
0x15f: {  	v14 =	vld [tilespmem:s10+$0xFFFFFFD0];
	v11 =	vadd.f32 v11, v12;
	v10 =	vmul.f32 v10, v60  }
0x160: {  	v15 =	vld [tilespmem:s10+$0xFFFFFF60];
	v9 =	vmax.f32 v9, v17;
	v17 =	vmul.f32 $2.000000030e-01, v13  }
0x161: {  	s11 =	sadd.s32 $0x0, s29;
	v20 =	vld [tilespmem:s10+$0xFFFFFFE0];
	v10 =	vadd.f32 v10, v11;
	v9 =	vmul.f32 v9, v63  }
0x162: {  	s14 =	sshll.u32 s11, $0x4;
	v27 =	vld [tilespmem:s30+$0xFFFFFFF0];
	v11 =	vmax.f32 v13, v17  }
0x163: {  	s6 =	sadd.s32 $0x50, s14;
	v12 =	vld [tilespmem:s10+$0xFFFFFF70];
	[tilespmem:$0x1FA40] =	vst v26;
	v9 =	vadd.f32 v9, v10;
	v10 =	vmul.f32 v11, v8  }
0x164: {  	v13 =	vld [tilespmem:s10+$0xFFFFFF80];
	[tilespmem:$0x1FA50] =	vst v23;
	v11 =	vor.u32 s6, v45  }
0x165: {  	v40 =	vadd.f32 v16, v26;
	v28 =	vld [tilespmem:s30+$0x0];
	[tilespmem:$0x1FA60] =	vst v29;
	v9 =	vadd.f32 v10, v9  }
0x166: {  	s4 =	sadd.s32 $0x30, s31;
	v16 =	vadd.f32 v18, v23;
	v18 =	vld [tilespmem:s10+$0x0];
	[tilespmem:$0x1FA70] =	vst v24  }
0x167: {  	v17 =	vadd.f32 v19, v29;
	v10 =	vmul.f32 $2.000000030e-01, v40;
	[tilespmem:s4+$0x0] =	vst v9  }
0x168: {  	v42 =	vmul.f32 $2.000000030e-01, v16;
	v43 =	vadd.f32 v14, v24;
	v29 =	vld [tilespmem:s30+$0xFFFFFF90];
	[tilespmem:$0x1FA80] =	vst v30  }
0x169: {  	v14 =	vadd.f32 v15, v30;
	v3 =	vmax.f32 v40, v10;
	v10 =	vmul.f32 $2.000000030e-01, v17;
	v15 =	vld.idx.msk [tilespmem:v11+s17+$0x0], $0xffff  }
0x16a: {  	s0 =	sadd.s32 $0x180, s30;
	v41 =	vadd.f32 v2, v39;
	v2 =	vmax.f32 v16, v42;
	v16 =	vld [tilespmem:s10+$0xFFFFFF90];
	[tilespmem:$0x1FA90] =	vst v25  }
0x16b: {  	s5 =	simm.s32 $0x5640;
	v19 =	vadd.f32 v20, v25;
	v11 =	vmul.f32 $2.000000030e-01, v43;
	v17 =	vmax.f32 v17, v10;
	v10 =	vld [tilespmem:s0+$0x40];
	[tilespmem:$0x1FAA0] =	vst v31  }
0x16c: {  	v23 =	vld [tilespmem:s5+$0x40]  }
0x16d: {  	v24 =	vmul.f32 $2.000000030e-01, v19;
	v5 =	vmax.f32 v43, v11;
	v11 =	vld [tilespmem:s0+$0x50]  }
0x16e: {  	v26 =	vld [tilespmem:s5+$0x50];
	[tilespmem:$0x1FAB0] =	vst v27  }
0x16f: {  	v19 =	vmax.f32 v19, v24;
	v24 =	vld [tilespmem:s0+$0x60];
	_ =	sdelay $0x3  }
0x170: {  	v20 =	vmul.f32 $2.000000030e-01, v14  }
0x171: {  	[tilespmem:$0x1FE30] =	vst v24  }
0x172: {  	v12 =	vadd.f32 v12, v31;
	v14 =	vmax.f32 v14, v20;
	v20 =	vadd.f32 v21, v27;
	v27 =	vld [tilespmem:s0+$0x70];
	_ =	sdelay $0x1  }
0x173: {  	v25 =	vmul.f32 $2.000000030e-01, v12;
	_ =	sdelay $0x1  }
0x174: {  	v21 =	vmul.f32 $2.000000030e-01, v20;
	v44 =	vmax.f32 v12, v25;
	v12 =	vld [tilespmem:s5+$0x60];
	[tilespmem:$0x1FAC0] =	vst v32  }
0x175: {  	[tilespmem:$0x1FE40] =	vst v27  }
0x176: {  	v20 =	vmax.f32 v20, v21;
	v21 =	vadd.f32 v26, v11;
	v26 =	vld [tilespmem:s0+$0x80]  }
0x177: {  	v2 =	vmul.f32 v2, v53;
	v3 =	vmul.f32 v3, v53;
	_ =	sdelay $0x1  }
0x178: {  	v2 =	vadd.f32 $0.0e+00, v2;
	v3 =	vadd.f32 $0.0e+00, v3;
	v5 =	vmul.f32 v5, v54  }
0x179: {  	v17 =	vmul.f32 v17, v54;
	v46 =	vadd.f32 v9, v15;
	v15 =	vmul.f32 v19, v57;
	v19 =	vld [tilespmem:s5+$0x70]  }
0x17a: {  	v13 =	vadd.f32 v13, v32;
	v2 =	vadd.f32 v5, v2;
	v25 =	vld [tilespmem:s30+$0x10];
	[tilespmem:$0x1FE50] =	vst v26  }
0x17b: {  	v14 =	vmul.f32 v14, v57;
	v17 =	vadd.f32 v17, v3;
	v30 =	vld [tilespmem:s0+$0xA0]  }
0x17c: {  	v2 =	vadd.f32 v15, v2;
	v15 =	vmul.f32 $2.000000030e-01, v13  }
0x17d: {  	v14 =	vadd.f32 v14, v17;
	v17 =	vld [tilespmem:s5+$0x80]  }
0x17e: {  	v9 =	vadd.f32 v23, v10;
	v13 =	vmax.f32 v13, v15;
	v15 =	vld [tilespmem:s10+$0x10]  }
0x17f: {  	v19 =	vadd.f32 v19, v27;
	v27 =	vld [tilespmem:s30+$0xFFFFFFA0];
	[tilespmem:$0x1FAD0] =	vst v28  }
0x180: {  	v23 =	vmul.f32 $2.000000030e-01, v9;
	[tilespmem:$0x1FE70] =	vst v30  }
0x181: {  	v18 =	vadd.f32 v18, v28;
	v28 =	vld [tilespmem:s0+$0x90]  }
0x182: {  	v9 =	vmax.f32 v9, v23;
	v23 =	vmul.f32 $2.000000030e-01, v21;
	v12 =	vadd.f32 v12, v24  }
0x183: {  	v5 =	vmul.f32 v44, v58;
	v9 =	vmul.f32 v9, v53  }
0x184: {  	v21 =	vmax.f32 v21, v23;
	v23 =	vmul.f32 $2.000000030e-01, v12  }
0x185: {  	v5 =	vadd.f32 v5, v14;
	v9 =	vadd.f32 $0.0e+00, v9;
	v14 =	vmul.f32 v21, v54  }
0x186: {  	v12 =	vmax.f32 v12, v23;
	v21 =	vmul.f32 $2.000000030e-01, v19;
	[tilespmem:$0x1FE60] =	vst v28  }
0x187: {  	v9 =	vadd.f32 v14, v9;
	v12 =	vmul.f32 v12, v57;
	v14 =	vadd.f32 v17, v26;
	v17 =	vld [tilespmem:s5+$0x90]  }
0x188: {  	v19 =	vmax.f32 v19, v21;
	v23 =	vld [tilespmem:s5+$0xA0]  }
0x189: {  	v9 =	vadd.f32 v12, v9;
	v21 =	vmul.f32 $2.000000030e-01, v18;
	v12 =	vmul.f32 v19, v58;
	v19 =	vld [tilespmem:s10+$0xFFFFFFA0];
	[tilespmem:$0x1FAE0] =	vst v29  }
0x18a: {  	[tilespmem:$0x1FAF0] =	vst v25  }
0x18b: {  	v21 =	vmax.f32 v18, v21;
	v18 =	vld [tilespmem:s0+$0xB0];
	_ =	sdelay $0x2  }
0x18c: {  	v20 =	vmul.f32 v20, v58;
	v16 =	vadd.f32 v16, v29;
	_ =	sdelay $0x1  }
0x18d: {  	v2 =	vadd.f32 v20, v2;
	v20 =	vmul.f32 $2.000000030e-01, v16;
	v24 =	vmul.f32 $2.000000030e-01, v14;
	[tilespmem:$0x1FE80] =	vst v18  }
0x18e: {  	v17 =	vadd.f32 v17, v28;
	v26 =	vld [tilespmem:s30+$0x20]  }
0x18f: {  	v16 =	vmax.f32 v16, v20;
	v15 =	vadd.f32 v15, v25;
	v14 =	vmax.f32 v14, v24;
	v25 =	vld [tilespmem:s10+$0x20]  }
0x190: {  	v9 =	vadd.f32 v12, v9;
	v14 =	vmul.f32 v14, v59;
	v20 =	vmul.f32 $2.000000030e-01, v17  }
0x191: {  	v12 =	vld [tilespmem:s5+$0xB0];
	[tilespmem:$0x1FB00] =	vst v27  }
0x192: {  	v9 =	vadd.f32 v14, v9;
	v14 =	vmax.f32 v17, v20;
	v17 =	vadd.f32 v19, v27;
	v27 =	vld [tilespmem:s30+$0xFFFFFFB0]  }
0x193: {  	v20 =	vld [tilespmem:s10+$0xFFFFFFB0];
	[tilespmem:$0x1FB10] =	vst v26  }
0x194: {  	v19 =	vmul.f32 v21, v59;
	v21 =	vadd.f32 v25, v26;
	v25 =	vld [tilespmem:s30+$0x30];
	_ =	sdelay $0x1  }
0x195: {  	v13 =	vmul.f32 v13, v59;
	v23 =	vadd.f32 v23, v30;
	v14 =	vmul.f32 v14, v60;
	_ =	sdelay $0x1  }
0x196: {  	v5 =	vadd.f32 v13, v5;
	v13 =	vmul.f32 $2.000000030e-01, v23;
	v9 =	vadd.f32 v14, v9;
	v14 =	vld [tilespmem:s10+$0x30];
	[tilespmem:$0x1FB20] =	vst v27  }
0x197: {  	v24 =	vmul.f32 $2.000000030e-01, v15;
	v12 =	vadd.f32 v12, v18;
	[tilespmem:$0x1FB30] =	vst v25  }
0x198: {  	v13 =	vmax.f32 v23, v13;
	v23 =	vmul.f32 $2.000000030e-01, v17;
	v29 =	vld [tilespmem:s0+$0xFFFFFF40]  }
0x199: {  	v15 =	vmax.f32 v15, v24;
	v13 =	vmul.f32 v13, v63;
	v24 =	vmul.f32 $2.000000030e-01, v12;
	v28 =	vld [tilespmem:s0+$0xFFFFFFC0]  }
0x19a: {  	s7 =	sadd.s32 $0x3, s29;
	v2 =	vadd.f32 v19, v2;
	v17 =	vmax.f32 v17, v23;
	v19 =	vmul.f32 $2.000000030e-01, v21;
	v23 =	vld [tilespmem:s5+$0xFFFFFFC0]  }
0x19b: {  	s11 =	sshll.u32 s7, $0x4;
	v9 =	vadd.f32 v13, v9;
	v13 =	vmul.f32 v16, v60;
	v12 =	vmax.f32 v12, v24;
	v47 =	vld [tilespmem:s0+$0xFFFFFF50]  }
0x19c: {  	s7 =	sadd.s32 $0x50, s11;
	v16 =	vmax.f32 v21, v19;
	v12 =	vmul.f32 v12, v8;
	v24 =	vld [tilespmem:s5+$0xFFFFFF50]  }
0x19d: {  	v19 =	vadd.f32 v20, v27;
	v20 =	vor.u32 s7, v45;
	v5 =	vadd.f32 v13, v5;
	v30 =	vld [tilespmem:s0+$0xFFFFFFD0]  }
0x19e: {  	v13 =	vadd.f32 v14, v25;
	v9 =	vadd.f32 v12, v9;
	v12 =	vmul.f32 v15, v60;
	v25 =	vld [tilespmem:s5+$0xFFFFFFD0]  }
0x19f: {  	v0 =	vadd.f32 v0, v37;
	v15 =	vmul.f32 $2.000000030e-01, v19;
	v34 =	vld [tilespmem:s0+$0xFFFFFF60]  }
0x1a0: {  	s9 =	sadd.s32 $0x30, s4;
	v14 =	vor.u32 s1, v55;
	v26 =	vld [tilespmem:s5+$0xFFFFFF60];
	v2 =	vadd.f32 v12, v2;
	v12 =	vmul.f32 v17, v63  }
0x1a1: {  	v31 =	vld [tilespmem:s0+$0xFFFFFFE0];
	v21 =	vmul.f32 $2.000000030e-01, v13;
	v17 =	vor.u32 s6, v55;
	v15 =	vmax.f32 v19, v15;
	[tilespmem:s9+$0x0] =	vst v9  }
0x1a2: {  	s2 =	sadd.s32 $0x30, s14;
	v5 =	vadd.f32 v12, v5;
	v12 =	vmul.f32 v16, v63;
	v16 =	vld.idx.msk [tilespmem:v20+s17+$0x0], $0xffff;
	v20 =	vor.u32 s15, v55  }
0x1a3: {  	v27 =	vld [tilespmem:s5+$0xFFFFFFE0];
	v13 =	vmax.f32 v13, v21;
	v15 =	vmul.f32 v15, v8;
	v21 =	vor.u32 s2, v45  }
0x1a4: {  	[tilespmem:s31+$0x0] =	vst v0;
	v33 =	vld [tilespmem:s0+$0xFFFFFF70]  }
0x1a5: {  	s3 =	sadd.s32 $0x40, s14;
	[tilespmem:s4+$0x0] =	vst v46;
	v19 =	vor.u32 s13, v55;
	v2 =	vadd.f32 v12, v2;
	v12 =	vld.idx.msk [tilespmem:v14+s17+$0x0], $0xffff;
	v5 =	vadd.f32 v15, v5  }
0x1a6: {  	[tilespmem:s31+$0xFFFFFFF0] =	vst v41;
	v13 =	vmul.f32 v13, v8;
	v14 =	vor.u32 s3, v45;
	v15 =	vld.idx.msk [tilespmem:v17+s17+$0x0], $0xffff  }
0x1a7: {  	v1 =	vadd.f32 v1, v38;
	[tilespmem:s4+$0xFFFFFFE0] =	vst v5;
	v16 =	vadd.f32 v9, v16;
	v9 =	vld.idx.msk [tilespmem:v20+s17+$0x0], $0xffff  }
0x1a8: {  	v17 =	vor.u32 s7, v55;
	v13 =	vadd.f32 v13, v2;
	v20 =	vld.idx.msk [tilespmem:v21+s17+$0x0], $0xffff  }
0x1a9: {  	[tilespmem:s31+$0xFFFFFFE0] =	vst v1;
	v21 =	vld [tilespmem:s5+$0xFFFFFF40]  }
0x1aa: {  	v19 =	vld.idx.msk [tilespmem:v19+s17+$0x0], $0xffff;
	[tilespmem:s4+$0xFFFFFFF0] =	vst v13  }
0x1ab: {  	v14 =	vld.idx.msk [tilespmem:v14+s17+$0x0], $0xffff  }
0x1ac: {  	[tilespmem:s9+$0x0] =	vst v16;
	v48 =	vadd.f32 v0, v12;
	v12 =	vld [tilespmem:s5+$0xFFFFFF70]  }
0x1ad: {  	v17 =	vld.idx.msk [tilespmem:v17+s17+$0x0], $0xffff;
	[tilespmem:$0x1FB40] =	vst v29  }
0x1ae: {  	v3 =	vadd.f32 v46, v15;
	v15 =	vadd.f32 v21, v29;
	v29 =	vld [tilespmem:s0+$0xFFFFFFF0];
	[tilespmem:$0x1FB50] =	vst v28  }
0x1af: {  	v40 =	vadd.f32 v25, v30;
	[tilespmem:$0x1FB60] =	vst v47  }
0x1b0: {  	v1 =	vadd.f32 v1, v19;
	v19 =	vadd.f32 v23, v28;
	v23 =	vld [tilespmem:s5+$0xFFFFFFF0];
	[tilespmem:$0x1FB70] =	vst v30  }
0x1b1: {  	v21 =	vadd.f32 v24, v47;
	v0 =	vadd.f32 v41, v9;
	v41 =	vld [tilespmem:s0+$0xFFFFFF80]  }
0x1b2: {  	v5 =	vadd.f32 v5, v20;
	v20 =	vmul.f32 $2.000000030e-01, v19;
	v24 =	vmul.f32 $2.000000030e-01, v15;
	v25 =	vld [tilespmem:s5+$0xFFFFFF80]  }
0x1b3: {  	v30 =	vld [tilespmem:s0+$0x0]  }
0x1b4: {  	v9 =	vadd.f32 v13, v14;
	v13 =	vmax.f32 v15, v24;
	v15 =	vmax.f32 v19, v20;
	v20 =	vld [tilespmem:s5+$0x0];
	[tilespmem:$0x1FB80] =	vst v34  }
0x1b5: {  	v28 =	vmul.f32 $2.000000030e-01, v21;
	v14 =	vmul.f32 $2.000000030e-01, v40;
	[tilespmem:$0x1FB90] =	vst v31  }
0x1b6: {  	v42 =	vld [tilespmem:s0+$0xFFFFFF90];
	[tilespmem:$0x1FBA0] =	vst v33  }
0x1b7: {  	v19 =	vmax.f32 v21, v28;
	v4 =	vmax.f32 v40, v14;
	v24 =	vld [tilespmem:s5+$0xFFFFFF90];
	[tilespmem:$0x1FBB0] =	vst v29  }
0x1b8: {  	v14 =	vadd.f32 v26, v34;
	v21 =	vadd.f32 v27, v31;
	v15 =	vmul.f32 v15, v53;
	v31 =	vld [tilespmem:s0+$0x10]  }
0x1b9: {  	v12 =	vadd.f32 v12, v33;
	v13 =	vmul.f32 v13, v53;
	v4 =	vmul.f32 v4, v54;
	v28 =	vld [tilespmem:s5+$0x10]  }
0x1ba: {  	v23 =	vadd.f32 v23, v29;
	v26 =	vmul.f32 $2.000000030e-01, v14;
	v15 =	vadd.f32 $0.0e+00, v15;
	v35 =	vld [tilespmem:s0+$0xFFFFFFA0]  }
0x1bb: {  	v19 =	vmul.f32 v19, v54;
	v27 =	vmul.f32 $2.000000030e-01, v21;
	v13 =	vadd.f32 $0.0e+00, v13;
	v43 =	vld [tilespmem:s0+$0x20]  }
0x1bc: {  	v14 =	vmax.f32 v14, v26;
	v29 =	vmul.f32 $2.000000030e-01, v23;
	v4 =	vadd.f32 v4, v15;
	v15 =	vld [tilespmem:s5+$0xFFFFFFA0];
	[tilespmem:$0x1FBC0] =	vst v41  }
0x1bd: {  	v26 =	vmul.f32 $2.000000030e-01, v12;
	v21 =	vmax.f32 v21, v27;
	v13 =	vadd.f32 v19, v13;
	[tilespmem:$0x1FBD0] =	vst v30  }
0x1be: {  	v14 =	vmul.f32 v14, v57;
	v19 =	vmax.f32 v23, v29;
	v23 =	vadd.f32 v25, v41;
	v25 =	vld [tilespmem:s5+$0x20];
	[tilespmem:$0x1FBE0] =	vst v42  }
0x1bf: {  	v20 =	vadd.f32 v20, v30;
	v21 =	vmul.f32 v21, v57;
	v12 =	vmax.f32 v12, v26;
	v30 =	vld [tilespmem:s0+$0xFFFFFFB0]  }
0x1c0: {  	v13 =	vadd.f32 v14, v13;
	v12 =	vmul.f32 v12, v58;
	v14 =	vadd.f32 v24, v42;
	v26 =	vld [tilespmem:s5+$0xFFFFFFB0];
	[tilespmem:$0x1FBF0] =	vst v31  }
0x1c1: {  	s10 =	sadd.s32 $0x180, s0;
	v4 =	vadd.f32 v21, v4;
	v24 =	vmul.f32 $2.000000030e-01, v20;
	v21 =	vmul.f32 $2.000000030e-01, v23;
	v29 =	vld [tilespmem:s0+$0x30]  }
0x1c2: {  	v19 =	vmul.f32 v19, v58;
	v27 =	vadd.f32 v28, v31;
	v28 =	vmul.f32 $2.000000030e-01, v14;
	v32 =	vld [tilespmem:s10+$0x40]  }
0x1c3: {  	v20 =	vmax.f32 v20, v24;
	v13 =	vadd.f32 v12, v13;
	v21 =	vmax.f32 v23, v21;
	v23 =	vld [tilespmem:s5+$0x30];
	[tilespmem:$0x1FC00] =	vst v35  }
0x1c4: {  	s8 =	simm.s32 $0x57C0;
	v4 =	vadd.f32 v19, v4;
	v12 =	vmul.f32 $2.000000030e-01, v27;
	v15 =	vadd.f32 v15, v35;
	[tilespmem:$0x1FC10] =	vst v43  }
0x1c5: {  	v14 =	vmax.f32 v14, v28;
	v19 =	vmul.f32 v21, v59;
	v21 =	vadd.f32 v25, v43;
	v24 =	vld [tilespmem:s8+$0x40]  }
0x1c6: {  	v33 =	vld [tilespmem:s10+$0x50];
	v25 =	vmax.f32 v27, v12;
	v12 =	vadd.f32 v16, v17;
	v16 =	vmul.f32 v20, v59  }
0x1c7: {  	v17 =	vmul.f32 $2.000000030e-01, v15;
	v20 =	vld [tilespmem:s8+$0x50];
	[tilespmem:$0x1FC20] =	vst v30;
	v13 =	vadd.f32 v19, v13;
	v19 =	vmul.f32 $2.000000030e-01, v21  }
0x1c8: {  	v14 =	vmul.f32 v14, v60;
	v35 =	vld [tilespmem:s10+$0x60];
	v4 =	vadd.f32 v16, v4;
	v16 =	vadd.f32 v26, v30  }
0x1c9: {  	v34 =	vld [tilespmem:s10+$0x70];
	v15 =	vmax.f32 v15, v17;
	v17 =	vmax.f32 v21, v19;
	v19 =	vmul.f32 v25, v60  }
0x1ca: {  	v21 =	vld [tilespmem:s8+$0x60];
	v13 =	vadd.f32 v14, v13;
	[tilespmem:$0x1FC30] =	vst v29;
	v15 =	vmul.f32 v15, v63  }
0x1cb: {  	v14 =	vadd.f32 v24, v32;
	v24 =	vmul.f32 $2.000000030e-01, v16;
	v26 =	vld [tilespmem:s10+$0x80];
	v4 =	vadd.f32 v19, v4  }
0x1cc: {  	v19 =	vadd.f32 v23, v29;
	v23 =	vld [tilespmem:s8+$0x70];
	v13 =	vadd.f32 v15, v13;
	v15 =	vmul.f32 v17, v63  }
0x1cd: {  	v25 =	vld [tilespmem:s8+$0x80];
	v20 =	vadd.f32 v20, v33;
	v16 =	vmax.f32 v16, v24;
	v24 =	vmul.f32 $2.000000030e-01, v14  }
0x1ce: {  	v27 =	vld [tilespmem:s10+$0x90];
	v17 =	vmul.f32 $2.000000030e-01, v19;
	v4 =	vadd.f32 v15, v4  }
0x1cf: {  	v28 =	vld [tilespmem:s10+$0xA0];
	v14 =	vmax.f32 v14, v24;
	v21 =	vadd.f32 v21, v35;
	v24 =	vmul.f32 $2.000000030e-01, v20  }
0x1d0: {  	v15 =	vld [tilespmem:s8+$0x90];
	v16 =	vmul.f32 v16, v8;
	v17 =	vmax.f32 v19, v17;
	v14 =	vmul.f32 v14, v53  }
0x1d1: {  	v47 =	vld [tilespmem:s10+$0xFFFFFF50];
	v19 =	vmax.f32 v20, v24;
	v20 =	vadd.f32 v23, v34;
	v23 =	vmul.f32 $2.000000030e-01, v21  }
0x1d2: {  	v39 =	vld [tilespmem:s8+$0xFFFFFF50];
	v30 =	vadd.f32 v16, v13;
	v14 =	vadd.f32 $0.0e+00, v14;
	v19 =	vmul.f32 v19, v54  }
0x1d3: {  	v24 =	vld [tilespmem:s8+$0xA0];
	v21 =	vmax.f32 v21, v23;
	v23 =	vadd.f32 v25, v26;
	v25 =	vmul.f32 $2.000000030e-01, v20  }
0x1d4: {  	v43 =	vld [tilespmem:s10+$0xFFFFFFD0];
	v17 =	vmul.f32 v17, v8;
	v13 =	vadd.f32 v19, v14;
	v14 =	vmul.f32 v21, v57  }
0x1d5: {  	v29 =	vld [tilespmem:s10+$0xB0];
	v15 =	vadd.f32 v15, v27;
	v16 =	vmax.f32 v20, v25;
	v20 =	vmul.f32 $2.000000030e-01, v23  }
0x1d6: {  	v19 =	vld [tilespmem:s8+$0xB0];
	v21 =	vor.u32 s6, v61;
	v13 =	vadd.f32 v14, v13;
	v14 =	vmul.f32 v16, v58  }
0x1d7: {  	v40 =	vld [tilespmem:s8+$0xFFFFFFD0];
	v25 =	vor.u32 s13, v61;
	v16 =	vor.u32 s1, v61;
	v20 =	vmax.f32 v23, v20  }
0x1d8: {  	v46 =	vld [tilespmem:s10+$0xFFFFFF60];
	v23 =	vmul.f32 $2.000000030e-01, v15;
	v13 =	vadd.f32 v14, v13;
	v14 =	vadd.f32 v24, v28  }
0x1d9: {  	v41 =	vld [tilespmem:s8+$0xFFFFFF60];
	v37 =	vadd.f32 v17, v4;
	v24 =	vor.u32 s2, v55;
	v20 =	vmul.f32 v20, v59  }
0x1da: {  	[tilespmem:s4+$0x0] =	vst v3;
	v4 =	vld [tilespmem:s10+$0xFFFFFFC0];
	v15 =	vmax.f32 v15, v23;
	v23 =	vor.u32 s3, v55;
	v31 =	vmul.f32 $2.000000030e-01, v14  }
0x1db: {  	[tilespmem:s31+$0xFFFFFFE0] =	vst v1;
	v19 =	vadd.f32 v19, v29;
	v21 =	vld.idx.msk [tilespmem:v21+s17+$0x0], $0xffff;
	v13 =	vadd.f32 v20, v13;
	v20 =	vor.u32 s15, v61  }
0x1dc: {  	[tilespmem:s31+$0x0] =	vst v48;
	v15 =	vmul.f32 v15, v60;
	v25 =	vld.idx.msk [tilespmem:v25+s17+$0x0], $0xffff;
	v14 =	vmax.f32 v14, v31;
	v31 =	vor.u32 s7, v61  }
0x1dd: {  	s5 =	sadd.s32 $0x40, s11;
	[tilespmem:s4+$0xFFFFFFE0] =	vst v5;
	v16 =	vld.idx.msk [tilespmem:v16+s17+$0x0], $0xffff;
	v36 =	vmul.f32 $2.000000030e-01, v19  }
0x1de: {  	s14 =	sadd.s32 $0x6, s29;
	v44 =	vor.u32 s5, v45;
	[tilespmem:s4+$0xFFFFFFF0] =	vst v9;
	v13 =	vadd.f32 v15, v13;
	v15 =	vld.idx.msk [tilespmem:v24+s17+$0x0], $0xffff;
	v14 =	vmul.f32 v14, v63  }
0x1df: {  	s14 =	sshll.u32 s14, $0x4;
	s20 =	sadd.s32 $0x30, s11;
	[tilespmem:s31+$0xFFFFFFF0] =	vst v0;
	v19 =	vmax.f32 v19, v36;
	v23 =	vld.idx.msk [tilespmem:v23+s17+$0x0], $0xffff  }
0x1e0: {  	s16 =	sadd.s32 $0x50, s14;
	[tilespmem:s9+$0x0] =	vst v12;
	v24 =	vor.u32 s20, v45;
	v13 =	vadd.f32 v14, v13;
	v14 =	vmul.f32 v19, v8;
	v20 =	vld.idx.msk [tilespmem:v20+s17+$0x0], $0xffff  }
0x1e1: {  	v19 =	vor.u32 s16, v45;
	v17 =	vld.idx.msk [tilespmem:v31+s17+$0x0], $0xffff  }
0x1e2: {  	[tilespmem:s9+$0xFFFFFFF0] =	vst v37;
	v38 =	vadd.f32 v14, v13;
	v14 =	vld [tilespmem:s10+$0xFFFFFF40]  }
0x1e3: {  	v31 =	vld.idx.msk [tilespmem:v44+s17+$0x0], $0xffff  }
0x1e4: {  	s11 =	sadd.s32 $0x30, s9;
	[tilespmem:s9+$0xFFFFFFE0] =	vst v30;
	v13 =	vld [tilespmem:s8+$0xFFFFFF40]  }
0x1e5: {  	v24 =	vld.idx.msk [tilespmem:v24+s17+$0x0], $0xffff;
	[tilespmem:s11+$0x0] =	vst v38  }
0x1e6: {  	v36 =	vld.idx.msk [tilespmem:v19+s17+$0x0], $0xffff  }
0x1e7: {  	v19 =	vld [tilespmem:s8+$0xFFFFFFC0];
	[tilespmem:$0x1FC40] =	vst v14  }
0x1e8: {  	v44 =	vld [tilespmem:s10+$0xFFFFFFE0]  }
0x1e9: {  	v42 =	vadd.f32 v13, v14;
	v2 =	vld [tilespmem:s8+$0xFFFFFFE0]  }
0x1ea: {  	v14 =	vadd.f32 v48, v16;
	v13 =	vadd.f32 v3, v21;
	v48 =	vld [tilespmem:s10+$0xFFFFFF70];
	[tilespmem:$0x1FC50] =	vst v47  }
0x1eb: {  	v17 =	vadd.f32 v12, v17;
	v12 =	vadd.f32 v39, v47;
	v45 =	vmul.f32 $2.000000030e-01, v42;
	v21 =	vld [tilespmem:s8+$0xFFFFFF70];
	[tilespmem:$0x1FC60] =	vst v4  }
0x1ec: {  	v3 =	vadd.f32 v19, v4;
	v4 =	vld [tilespmem:s10+$0xFFFFFFF0];
	[tilespmem:$0x1FC70] =	vst v43  }
0x1ed: {  	v5 =	vadd.f32 v5, v15;
	[tilespmem:$0x1FC80] =	vst v46;
	v19 =	vmul.f32 $2.000000030e-01, v12;
	v45 =	vmax.f32 v42, v45  }
0x1ee: {  	v15 =	vadd.f32 v1, v25;
	v25 =	vadd.f32 v41, v46;
	v39 =	vld [tilespmem:s8+$0xFFFFFFF0];
	v47 =	vmul.f32 v45, v53  }
0x1ef: {  	v9 =	vadd.f32 v9, v23;
	v23 =	vadd.f32 v40, v43;
	v43 =	vld [tilespmem:s10+$0xFFFFFF80];
	v12 =	vmax.f32 v12, v19  }
0x1f0: {  	v16 =	vadd.f32 v0, v20;
	v20 =	vld [tilespmem:s8+$0xFFFFFF80];
	v12 =	vmul.f32 v12, v54;
	v0 =	vadd.f32 $0.0e+00, v47  }
0x1f1: {  	v41 =	vmul.f32 $2.000000030e-01, v25;
	v40 =	vmul.f32 $2.000000030e-01, v23;
	v42 =	vld [tilespmem:s10+$0x0]  }
0x1f2: {  	v19 =	vadd.f32 v30, v24;
	v24 =	vld [tilespmem:s8+$0x0];
	[tilespmem:$0x1FC90] =	vst v44;
	v0 =	vadd.f32 v12, v0;
	v12 =	vor.u32 s16, v55  }
0x1f3: {  	v46 =	vmax.f32 v23, v40;
	v23 =	vmax.f32 v25, v41;
	v45 =	vmul.f32 $2.000000030e-01, v3;
	v41 =	vld [tilespmem:s10+$0xFFFFFF90];
	[tilespmem:$0x1FCA0] =	vst v48  }
0x1f4: {  	v25 =	vadd.f32 v38, v36;
	v23 =	vmul.f32 v23, v57;
	v2 =	vadd.f32 v2, v44;
	v30 =	vld [tilespmem:s8+$0xFFFFFF90];
	[tilespmem:$0x1FCB0] =	vst v4  }
0x1f5: {  	v1 =	vmax.f32 v3, v45;
	v21 =	vadd.f32 v21, v48;
	v36 =	vadd.f32 v39, v4;
	v4 =	vld [tilespmem:s10+$0x10]  }
0x1f6: {  	v31 =	vadd.f32 v37, v31;
	v1 =	vmul.f32 v1, v53;
	v47 =	vmul.f32 $2.000000030e-01, v2;
	v44 =	vld [tilespmem:s8+$0x10];
	[tilespmem:s11+$0x0] =	vst v25  }
0x1f7: {  	v3 =	vmul.f32 v46, v54;
	v48 =	vmul.f32 $2.000000030e-01, v21;
	v20 =	vadd.f32 v20, v43;
	v12 =	vld.idx.msk [tilespmem:v12+s17+$0x0], $0xffff;
	[tilespmem:$0x1FCC0] =	vst v43  }
0x1f8: {  	v1 =	vadd.f32 $0.0e+00, v1;
	v45 =	vmax.f32 v2, v47;
	v24 =	vadd.f32 v24, v42;
	[tilespmem:$0x1FCD0] =	vst v42  }
0x1f9: {  	v46 =	vmul.f32 $2.000000030e-01, v36;
	v47 =	vmax.f32 v21, v48;
	v21 =	vadd.f32 v23, v0;
	v2 =	vld [tilespmem:s10+$0xFFFFFFA0];
	[tilespmem:$0x1FCE0] =	vst v41  }
0x1fa: {  	v48 =	vmul.f32 v45, v57;
	v45 =	vmul.f32 $2.000000030e-01, v20;
	v1 =	vadd.f32 v3, v1;
	v37 =	vld [tilespmem:s8+$0xFFFFFFA0];
	[tilespmem:$0x1FCF0] =	vst v4  }
0x1fb: {  	v3 =	vmul.f32 v47, v58;
	v23 =	vmax.f32 v36, v46;
	v4 =	vadd.f32 v44, v4;
	v44 =	vld [tilespmem:s10+$0x20]  }
0x1fc: {  	v46 =	vmul.f32 $2.000000030e-01, v24;
	v1 =	vadd.f32 v48, v1;
	v23 =	vmul.f32 v23, v58  }
0x1fd: {  	v30 =	vadd.f32 v30, v41;
	v20 =	vmax.f32 v20, v45;
	v45 =	vor.u32 s1, v62  }
0x1fe: {  	v24 =	vmax.f32 v24, v46;
	v23 =	vadd.f32 v23, v1;
	v1 =	vld [tilespmem:s10+$0xFFFFFFB0];
	v48 =	vmul.f32 $2.000000030e-01, v4  }
0x1ff: {  	v21 =	vadd.f32 v3, v21;
	v20 =	vmul.f32 v20, v59;
	v24 =	vmul.f32 v24, v59;
	v47 =	vld [tilespmem:s8+$0x20];
	[tilespmem:$0x1FD00] =	vst v2  }
0x200: {  	v41 =	vmul.f32 $2.000000030e-01, v30;
	v46 =	vor.u32 s6, v62;
	v38 =	vmax.f32 v4, v48;
	v4 =	vld [tilespmem:s8+$0xFFFFFFB0];
	[tilespmem:$0x1FD10] =	vst v44  }
0x201: {  	v20 =	vadd.f32 v20, v21;
	v21 =	vadd.f32 v24, v23;
	v23 =	vor.u32 s7, v62;
	v0 =	vld [tilespmem:s10+$0x30]  }
0x202: {  	v30 =	vmax.f32 v30, v41;
	v24 =	vld [tilespmem:s8+$0x30];
	[tilespmem:s31+$0x0] =	vst v14  }
0x203: {  	v30 =	vmul.f32 v30, v60;
	[tilespmem:$0x1FD20] =	vst v1  }
0x204: {  	v41 =	vor.u32 s16, v61;
	v12 =	vadd.f32 v25, v12;
	v25 =	vadd.f32 v37, v2;
	v39 =	vld.idx.msk [tilespmem:v45+s17+$0x0], $0xffff;
	[tilespmem:s4+$0x0] =	vst v13  }
0x205: {  	v20 =	vadd.f32 v30, v20;
	v2 =	vor.u32 s20, v55;
	v36 =	vadd.f32 v47, v44;
	[tilespmem:s9+$0x0] =	vst v17;
	v30 =	vld.idx.msk [tilespmem:v46+s17+$0x0], $0xffff  }
0x206: {  	v3 =	vor.u32 s5, v55;
	v44 =	vor.u32 s13, v62;
	s13 =	sadd.s32 $0x180, s10;
	v47 =	vmul.f32 $2.000000030e-01, v25;
	v23 =	vld.idx.msk [tilespmem:v23+s17+$0x0], $0xffff;
	[tilespmem:$0x1FD30] =	vst v0  }
0x207: {  	v40 =	vor.u32 s2, v61;
	v48 =	vmul.f32 $2.000000030e-01, v36;
	v24 =	vadd.f32 v24, v0;
	v0 =	vld [tilespmem:s13+$0x70]  }
0x208: {  	v38 =	vmul.f32 v38, v60;
	v25 =	vmax.f32 v25, v47;
	v37 =	vadd.f32 v4, v1;
	[tilespmem:s11+$0x0] =	vst v12;
	v1 =	vld [tilespmem:s13+$0xA0]  }
0x209: {  	v36 =	vmax.f32 v36, v48;
	v48 =	vor.u32 s3, v61;
	v25 =	vmul.f32 v25, v63;
	[tilespmem:s9+$0xFFFFFFE0] =	vst v19;
	v41 =	vld.idx.msk [tilespmem:v41+s17+$0x0], $0xffff  }
0x20a: {  	v21 =	vadd.f32 v38, v21;
	[tilespmem:s9+$0xFFFFFFF0] =	vst v31;
	v43 =	vld.idx.msk [tilespmem:v2+s17+$0x0], $0xffff  }
0x20b: {  	v36 =	vmul.f32 v36, v63;
	v20 =	vadd.f32 v25, v20;
	[tilespmem:s4+$0xFFFFFFE0] =	vst v5;
	v25 =	vld.idx.msk [tilespmem:v3+s17+$0x0], $0xffff  }
0x20c: {  	v45 =	vor.u32 s15, v62;
	v4 =	vmul.f32 $2.000000030e-01, v37;
	v47 =	vld [tilespmem:$0x1FFC0]  }
0x20d: {  	v21 =	vadd.f32 v36, v21;
	[tilespmem:s4+$0xFFFFFFF0] =	vst v9;
	v36 =	vld.idx.msk [tilespmem:v40+s17+$0x0], $0xffff  }
0x20e: {  	v37 =	vmax.f32 v37, v4;
	v4 =	vmul.f32 $2.000000030e-01, v24;
	v40 =	vor.u32 s16, v62;
	[tilespmem:s31+$0xFFFFFFE0] =	vst v15;
	v38 =	vld.idx.msk [tilespmem:v48+s17+$0x0], $0xffff  }
0x20f: {  	v48 =	vld [tilespmem:$0x1FFC0]  }
0x210: {  	[tilespmem:s31+$0xFFFFFFF0] =	vst v16;
	v24 =	vmax.f32 v24, v4;
	v4 =	vld.idx.msk [tilespmem:v44+s17+$0x0], $0xffff;
	v46 =	vadd.f32 v12, v41  }
0x211: {  	v44 =	vld.idx.msk [tilespmem:v45+s17+$0x0], $0xffff  }
0x212: {  	v24 =	vmul.f32 v24, v8;
	v12 =	vld [tilespmem:s13+$0x40];
	[tilespmem:s11+$0x0] =	vst v46  }
0x213: {  	s1 =	simm.s32 $0x5940;
	v45 =	vld.idx.msk [tilespmem:v40+s17+$0x0], $0xffff  }
0x214: {  	s6 =	sadd.s32 $0x30, s14;
	v24 =	vadd.f32 v24, v21;
	v21 =	vadd.f32 v39, v14;
	v40 =	vld [tilespmem:s1+$0x40]  }
0x215: {  	s7 =	sadd.s32 $0x40, s14;
	v37 =	vmul.f32 v37, v8;
	v13 =	vadd.f32 v30, v13;
	v30 =	vld [tilespmem:s1+$0x50];
	v42 =	vor.u32 s6, v47  }
0x216: {  	v17 =	vadd.f32 v23, v17;
	v14 =	vld [tilespmem:s13+$0x50];
	v3 =	vor.u32 s7, v48;
	v23 =	vmul.f32 $1.442695020e+00, v21  }
0x217: {  	v20 =	vadd.f32 v37, v20;
	v13 =	vmul.f32 $1.442695020e+00, v13;
	v21 =	vld [tilespmem:s13+$0x60]  }
0x218: {  	v17 =	vmul.f32 $1.442695020e+00, v17;
	(erf) = vpow2.f32 v23;
	v23 =	vld [tilespmem:s1+$0x60]  }
0x219: {  	v2 =	vld [tilespmem:s13+$0x90];
	[tilespmem:s11+$0xFFFFFFE0] =	vst v20;
	(erf) = vpow2.f32 v13;
	v48 =	vadd.f32 v40, v12  }
0x21a: {  	v37 =	vadd.f32 v31, v25;
	[tilespmem:s11+$0xFFFFFFF0] =	vst v24;
	v42 =	vld.idx.msk [tilespmem:v42+s17+$0x0], $0xffff;
	(erf) = vpow2.f32 v17;
	v17 =	vadd.f32 v4, v15  }
0x21b: {  	v41 =	vadd.f32 v5, v36;
	v25 =	vadd.f32 v30, v14;
	v47 =	vld.idx.msk [tilespmem:v3+s17+$0x0], $0xffff;
	v30 =	vmul.f32 $2.000000030e-01, v48  }
0x21c: {  	v36 =	vadd.f32 v9, v38;
	v15 =	vld [tilespmem:s13+$0x80];
	v40 =	vadd.f32 v19, v43;
	v38 =	vmul.f32 $1.442695020e+00, v17  }
0x21d: {  	v43 =	vld [tilespmem:s1+$0x70];
	v17 =	vadd.f32 v23, v21;
	v9 =	vmax.f32 v48, v30;
	v30 =	vmul.f32 $2.000000030e-01, v25  }
0x21e: {  	v23 =	vld [tilespmem:s1+$0x80];
	[tilespmem:$0x1FD40] =	vst v0;
	v48 =	vmul.f32 v9, v53  }
0x21f: {  	v3 =	vmul.f32 $2.000000030e-01, v17;
	v9 =	vmax.f32 v25, v30;
	v30 =	vld [tilespmem:s1+$0x90]  }
0x220: {  	v42 =	vadd.f32 v20, v42;
	v20 =	vadd.f32 $0.0e+00, v48;
	v9 =	vmul.f32 v9, v54  }
0x221: {  	v31 =	vadd.f32 v44, v16;
	v17 =	vmax.f32 v17, v3  }
0x222: {  	v4 =	vld [tilespmem:s1+$0xA0];
	v25 =	vadd.f32 v43, v0;
	v17 =	vmul.f32 v17, v57;
	v20 =	vadd.f32 v9, v20  }
0x223: {  	v31 =	vmul.f32 $1.442695020e+00, v31;
	(erf) = vpow2.f32 v38;
	v44 =	vld [tilespmem:s1+$0xFFFFFF40]  }
0x224: {  	v0 =	vld [tilespmem:s13+$0xFFFFFF40];
	v5 =	vmul.f32 $2.000000030e-01, v25;
	v17 =	vadd.f32 v17, v20;
	v20 =	vadd.f32 v30, v2;
	v30 =	vpop (erf)  }
0x225: {  	(erf) = vpow2.f32 v31;
	v31 =	vadd.f32 v45, v46;
	v9 =	vld [tilespmem:s13+$0xFFFFFFC0];
	[tilespmem:$0x1FD50] =	vst v2;
	v45 =	vmul.f32 v30, v6  }
0x226: {  	v48 =	vadd.f32 v23, v15;
	v25 =	vmax.f32 v25, v5;
	v23 =	vld [tilespmem:s13+$0xB0];
	[tilespmem:$0x1FD60] =	vst v1;
	v5 =	vmul.f32 $2.000000030e-01, v20  }
0x227: {  	v7 =	vmul.f32 v30, v7;
	[tilespmem:s28+$0x40] =	vst v45  }
0x228: {  	v20 =	vmax.f32 v20, v5;
	v5 =	vld [tilespmem:$0x1FD70]  }
0x229: {  	[tilespmem:s28+$0x50] =	vst v7  }
0x22a: {  	v39 =	vadd.f32 v4, v1;
	v4 =	vld [tilespmem:$0x1FD80]  }
0x22b: {  	v3 =	vmul.f32 v25, v58;
	v25 =	vld [tilespmem:s1+$0xB0]  }
0x22c: {  	v31 =	vmul.f32 $1.442695020e+00, v31;
	v46 =	vld [tilespmem:s1+$0xFFFFFFC0]  }
0x22d: {  	v1 =	vld [tilespmem:s13+$0xFFFFFF50];
	v6 =	vmul.f32 v30, v5  }
0x22e: {  	v2 =	vmul.f32 $2.000000030e-01, v48;
	(erf) = vpow2.f32 v31;
	v31 =	vld [tilespmem:s1+$0xFFFFFF50]  }
0x22f: {  	v16 =	vld [tilespmem:s13+$0xFFFFFFD0];
	v5 =	vmul.f32 v30, v4;
	[tilespmem:s28+$0x60] =	vst v6  }
0x230: {  	v38 =	vmax.f32 v48, v2;
	v48 =	vld [tilespmem:s1+$0xFFFFFFD0];
	v6 =	vmul.f32 v30, v50;
	[tilespmem:$0x1FD90] =	vst v0  }
0x231: {  	v49 =	vmul.f32 v30, v49;
	v17 =	vadd.f32 v3, v17;
	v3 =	vmul.f32 $2.000000030e-01, v39;
	[tilespmem:s28+$0x70] =	vst v5  }
0x232: {  	v43 =	vadd.f32 v24, v47;
	v24 =	vmul.f32 v30, v52;
	[tilespmem:s28+$0x80] =	vst v6  }
0x233: {  	v39 =	vmax.f32 v39, v3;
	v3 =	vmul.f32 v30, v56;
	[tilespmem:s28+$0x90] =	vst v49  }
0x234: {  	[tilespmem:s28+$0xA0] =	vst v24  }
0x235: {  	v44 =	vadd.f32 v44, v0;
	v25 =	vadd.f32 v25, v23;
	v0 =	vld [tilespmem:s13+$0xFFFFFF60];
	[tilespmem:s28+$0xB0] =	vst v3  }
0x236: {  	v5 =	vld [tilespmem:$0x1FDA0]  }
0x237: {  	v7 =	vmul.f32 $2.000000030e-01, v25;
	v30 =	vnsel vm0, $0x0, v30;
	v45 =	vld [tilespmem:s1+$0xFFFFFF60]  }
0x238: {  	v18 =	vld [tilespmem:s13+$0xFFFFFFE0];
	v49 =	vpop (erf);
	[tilespmem:s31+$0x0] =	vst v30  }
0x239: {  	v25 =	vmax.f32 v25, v7;
	v7 =	vmul.f32 v49, v51;
	v51 =	vld [tilespmem:$0x1FDB0]  }
0x23a: {  	v22 =	vmul.f32 v49, v22;
	v52 =	vld [tilespmem:$0x1FDC0]  }
0x23b: {  	v4 =	vld [tilespmem:s1+$0xFFFFFFE0];
	[tilespmem:$0x1FDD0] =	vst v1;
	v6 =	vmul.f32 v49, v5  }
0x23c: {  	[tilespmem:s30+$0x40] =	vst v22  }
0x23d: {  	[tilespmem:s30+$0x50] =	vst v6  }
0x23e: {  	v38 =	vmul.f32 v38, v59;
	v46 =	vadd.f32 v46, v9;
	v30 =	vmul.f32 v49, v51;
	[tilespmem:$0x1FDE0] =	vst v0  }
0x23f: {  	v2 =	vmul.f32 $2.000000030e-01, v44;
	v31 =	vadd.f32 v31, v1;
	v47 =	vmul.f32 v49, v52;
	v1 =	vld [tilespmem:$0x1FFC0];
	[tilespmem:s30+$0x60] =	vst v7  }
0x240: {  	v38 =	vadd.f32 v38, v17;
	v20 =	vmul.f32 v20, v60;
	v56 =	vmul.f32 $2.000000030e-01, v46;
	[tilespmem:s30+$0x70] =	vst v30  }
0x241: {  	v39 =	vmul.f32 v39, v63;
	[tilespmem:s30+$0x80] =	vst v47  }
0x242: {  	v38 =	vadd.f32 v20, v38;
	v24 =	vmax.f32 v44, v2;
	v44 =	vmax.f32 v46, v56;
	v56 =	vld [tilespmem:$0x1FDF0]  }
0x243: {  	v22 =	vmul.f32 v25, v8;
	v25 =	vadd.f32 v48, v16  }
0x244: {  	v38 =	vadd.f32 v39, v38;
	v39 =	vadd.f32 v45, v0  }
0x245: {  	v5 =	vmul.f32 $2.000000030e-01, v25;
	v0 =	vadd.f32 v4, v18;
	v4 =	vmul.f32 $2.000000030e-01, v31  }
0x246: {  	v30 =	vadd.f32 v22, v38  }
0x247: {  	s15 =	sadd.s32 $0x30, s11;
	s16 =	sadd.s32 $0x9, s29;
	v25 =	vmax.f32 v25, v5;
	v31 =	vmax.f32 v31, v4;
	v5 =	vld [tilespmem:$0x1FE00];
	v4 =	vmul.f32 v49, v56  }
0x248: {  	s8 =	sshll.u32 s16, $0x4;
	v6 =	vmul.f32 $2.000000030e-01, v39;
	[tilespmem:s15+$0x0] =	vst v30  }
0x249: {  	s14 =	sadd.s32 $0x50, s8;
	v2 =	vld [tilespmem:s13+$0xFFFFFF70];
	[tilespmem:s30+$0x90] =	vst v4  }
0x24a: {  	v38 =	vmax.f32 v39, v6;
	v7 =	vmul.f32 $2.000000030e-01, v0;
	v50 =	vor.u32 s14, v1;
	v6 =	vld [tilespmem:$0x1FE10];
	_ =	sdelay $0x1  }
0x24b: {  	v46 =	vld [tilespmem:s1+$0xFFFFFF70];
	v39 =	vmax.f32 v0, v7;
	v0 =	vmul.f32 v49, v5  }
0x24c: {  	v51 =	vpop (erf);
	v22 =	vld [tilespmem:s13+$0xFFFFFFF0]  }
0x24d: {  	v48 =	vld [tilespmem:s1+$0xFFFFFFF0];
	v56 =	vmul.f32 v51, v10;
	[tilespmem:s30+$0xA0] =	vst v0  }
0x24e: {  	v50 =	vld.idx.msk [tilespmem:v50+s17+$0x0], $0xffff;
	[tilespmem:$0x1FE20] =	vst v2;
	v7 =	vmul.f32 v49, v6  }
0x24f: {  	[tilespmem:s0+$0x40] =	vst v56  }
0x250: {  	v11 =	vmul.f32 v51, v11;
	v49 =	vnsel vm0, $0x0, v49;
	[tilespmem:s30+$0xB0] =	vst v7  }
0x251: {  	[tilespmem:s4+$0x0] =	vst v49  }
0x252: {  	v0 =	vld [tilespmem:$0x1FE30];
	[tilespmem:s0+$0x50] =	vst v11  }
0x253: {  	v7 =	vld [tilespmem:$0x1FE40]  }
0x254: {  	v44 =	vmul.f32 v44, v53;
	_ =	sdelay $0x1  }
0x255: {  	v44 =	vadd.f32 $0.0e+00, v44;
	v25 =	vmul.f32 v25, v54  }
0x256: {  	v24 =	vmul.f32 v24, v53;
	v0 =	vmul.f32 v51, v0  }
0x257: {  	v44 =	vadd.f32 v25, v44;
	v25 =	vmul.f32 v51, v7  }
0x258: {  	v31 =	vmul.f32 v31, v54;
	v4 =	vadd.f32 $0.0e+00, v24;
	[tilespmem:s0+$0x60] =	vst v0  }
0x259: {  	v0 =	vld [tilespmem:$0x1FE50];
	[tilespmem:s0+$0x70] =	vst v25  }
0x25a: {  	v31 =	vadd.f32 v31, v4;
	v4 =	vld [tilespmem:$0x1FE60]  }
0x25b: {  	v46 =	vadd.f32 v46, v2;
	_ =	sdelay $0x1  }
0x25c: {  	v5 =	vmul.f32 $2.000000030e-01, v46  }
0x25d: {  	v6 =	vadd.f32 v48, v22;
	v0 =	vmul.f32 v51, v0  }
0x25e: {  	v46 =	vmax.f32 v46, v5;
	v5 =	vmul.f32 v51, v4  }
0x25f: {  	v45 =	vmul.f32 $2.000000030e-01, v6;
	[tilespmem:s0+$0x80] =	vst v0  }
0x260: {  	[tilespmem:s0+$0x90] =	vst v5  }
0x261: {  	v0 =	vadd.f32 v30, v50;
	v30 =	vmax.f32 v6, v45;
	v6 =	vld [tilespmem:$0x1FE70]  }
0x262: {  	v56 =	vld [tilespmem:$0x1FE80];
	_ =	sdelay $0x2  }
0x263: {  	v10 =	vld [tilespmem:s13+$0xFFFFFF80]  }
0x264: {  	v38 =	vmul.f32 v38, v57;
	v52 =	vld [tilespmem:s1+$0xFFFFFF80];
	v7 =	vmul.f32 v51, v6  }
0x265: {  	v39 =	vmul.f32 v39, v57;
	v24 =	vld [tilespmem:s13+$0x0];
	[tilespmem:s15+$0x0] =	vst v0;
	v57 =	vmul.f32 v51, v56  }
0x266: {  	v48 =	vld [tilespmem:s1+$0x0];
	[tilespmem:s0+$0xA0] =	vst v7  }
0x267: {  	v5 =	vnsel vm0, $0x0, v51;
	v6 =	vld [tilespmem:$0x1FE90];
	[tilespmem:s0+$0xB0] =	vst v57  }
0x268: {  	v57 =	vld [tilespmem:$0x1FEA0];
	[tilespmem:s9+$0x0] =	vst v5  }
0x269: {  	v52 =	vadd.f32 v52, v10;
	v5 =	vld [tilespmem:$0x1FEB0]  }
0x26a: {  	v54 =	vor.u32 s14, v55;
	v47 =	vld [tilespmem:s1+$0x10]  }
0x26b: {  	v39 =	vadd.f32 v39, v44;
	v53 =	vmul.f32 $2.000000030e-01, v52;
	v44 =	vadd.f32 v48, v24;
	v48 =	vpop (erf);
	v25 =	vld [tilespmem:s13+$0x10]  }
0x26c: {  	v7 =	vmul.f32 v48, v6  }
0x26d: {  	v31 =	vadd.f32 v38, v31;
	v38 =	vmax.f32 v52, v53;
	v53 =	vmul.f32 v48, v57  }
0x26e: {  	v6 =	vmul.f32 v48, v5;
	[tilespmem:s28+$0xFFFFFF40] =	vst v7  }
0x26f: {  	v4 =	vmul.f32 $2.000000030e-01, v44;
	v52 =	vld.idx.msk [tilespmem:v54+s17+$0x0], $0xffff;
	[tilespmem:s28+$0xFFFFFF50] =	vst v53  }
0x270: {  	v47 =	vadd.f32 v47, v25;
	v54 =	vld [tilespmem:$0x1FEC0];
	[tilespmem:s28+$0xFFFFFF60] =	vst v6  }
0x271: {  	v44 =	vmax.f32 v44, v4;
	v30 =	vmul.f32 v30, v58;
	v4 =	vld [tilespmem:$0x1FED0]  }
0x272: {  	v46 =	vmul.f32 v46, v58;
	v58 =	vmul.f32 $2.000000030e-01, v47;
	_ =	sdelay $0x2  }
0x273: {  	v50 =	vadd.f32 v30, v39;
	v30 =	vpop (erf);
	v57 =	vmul.f32 v48, v54  }
0x274: {  	v47 =	vmax.f32 v47, v58;
	v58 =	vpop (erf);
	v5 =	vmul.f32 v48, v4  }
0x275: {  	v49 =	vld [tilespmem:s1+$0xFFFFFF90];
	v32 =	vmul.f32 v58, v32;
	[tilespmem:s28+$0xFFFFFF70] =	vst v57  }
0x276: {  	v33 =	vmul.f32 v58, v33;
	v6 =	vld [tilespmem:$0x1FEE0];
	[tilespmem:s28+$0xFFFFFF80] =	vst v5  }
0x277: {  	v11 =	vld [tilespmem:s13+$0xFFFFFF90];
	v35 =	vmul.f32 v58, v35;
	[tilespmem:s10+$0x40] =	vst v32  }
0x278: {  	[tilespmem:s10+$0x50] =	vst v33  }
0x279: {  	v13 =	vld [tilespmem:s13+$0xFFFFFFA0];
	[tilespmem:s10+$0x60] =	vst v35  }
0x27a: {  	v56 =	vld [tilespmem:s1+$0xFFFFFFA0];
	[tilespmem:s11+$0xFFFFFFE0] =	vst v42  }
0x27b: {  	v0 =	vadd.f32 v0, v52;
	v4 =	vmul.f32 v44, v59;
	[tilespmem:s11+$0xFFFFFFF0] =	vst v43  }
0x27c: {  	v46 =	vadd.f32 v46, v31;
	v31 =	vld [tilespmem:s13+$0x20];
	v49 =	vadd.f32 v49, v11;
	v44 =	vor.u32 s6, v55;
	[tilespmem:s9+$0xFFFFFFE0] =	vst v40  }
0x27d: {  	v45 =	vmul.f32 v38, v59;
	v38 =	vld [tilespmem:s13+$0xFFFFFFB0];
	v32 =	vadd.f32 v4, v50;
	v50 =	vor.u32 s20, v61;
	[tilespmem:s15+$0x0] =	vst v0  }
0x27e: {  	v51 =	vld [tilespmem:s1+$0x20];
	v7 =	vmul.f32 $2.000000030e-01, v49;
	[tilespmem:s9+$0xFFFFFFF0] =	vst v37  }
0x27f: {  	s16 =	sadd.s32 $0x30, s8;
	s8 =	sadd.s32 $0x40, s8;
	v26 =	vmul.f32 v58, v26;
	v3 =	vadd.f32 v56, v13;
	v56 =	vld [tilespmem:s1+$0xFFFFFFB0];
	[tilespmem:s4+$0xFFFFFFE0] =	vst v41  }
0x280: {  	v17 =	vor.u32 s8, v62;
	v27 =	vmul.f32 v58, v27;
	v49 =	vmax.f32 v49, v7;
	[tilespmem:s4+$0xFFFFFFF0] =	vst v36  }
0x281: {  	v2 =	vmul.f32 v49, v60;
	v49 =	vor.u32 s14, v61;
	[tilespmem:s10+$0x80] =	vst v26;
	v26 =	vmul.f32 v58, v28;
	v44 =	vld.idx.msk [tilespmem:v44+s17+$0x0], $0xffff  }
0x282: {  	v20 =	vor.u32 s7, v62;
	v47 =	vmul.f32 v47, v60;
	[tilespmem:s10+$0x90] =	vst v27;
	v7 =	vmul.f32 v48, v6;
	v50 =	vld.idx.msk [tilespmem:v50+s17+$0x0], $0xffff  }
0x283: {  	v46 =	vadd.f32 v45, v46;
	v39 =	vld [tilespmem:s13+$0x30];
	v5 =	vmul.f32 $2.000000030e-01, v3;
	v27 =	vmul.f32 v58, v29;
	[tilespmem:s10+$0xA0] =	vst v26  }
0x284: {  	v53 =	vld [tilespmem:s1+$0x30];
	v4 =	vadd.f32 v56, v38;
	v6 =	vmul.f32 v58, v34;
	[tilespmem:s28+$0xFFFFFF90] =	vst v7;
	v7 =	vadd.f32 v51, v31  }
0x285: {  	v33 =	vadd.f32 v2, v46;
	v35 =	vmax.f32 v3, v5;
	v5 =	vor.u32 s5, v61;
	[tilespmem:s10+$0xB0] =	vst v27  }
0x286: {  	v2 =	vor.u32 s3, v62;
	v49 =	vld.idx.msk [tilespmem:v49+s17+$0x0], $0xffff;
	v51 =	vor.u32 s7, v55;
	[tilespmem:s10+$0x70] =	vst v6;
	v3 =	vmul.f32 $2.000000030e-01, v7  }
0x287: {  	v28 =	vnsel vm0, $0x0, v58;
	v54 =	vadd.f32 v42, v44;
	v44 =	vadd.f32 v40, v50;
	v50 =	vld [tilespmem:$0x1FEF0]  }
0x288: {  	v60 =	vmul.f32 $2.000000030e-01, v4;
	v34 =	vmax.f32 v7, v3;
	v7 =	vor.u32 s2, v62  }
0x289: {  	v29 =	vor.u32 s14, v62;
	v35 =	vmul.f32 v35, v63;
	v6 =	vadd.f32 v53, v39  }
0x28a: {  	v32 =	vadd.f32 v47, v32;
	v26 =	vor.u32 s16, v1;
	v47 =	vmax.f32 v4, v60;
	v5 =	vld.idx.msk [tilespmem:v5+s17+$0x0], $0xffff  }
0x28b: {  	v33 =	vadd.f32 v35, v33;
	v47 =	vmul.f32 v47, v8;
	[tilespmem:s11+$0x0] =	vst v28;
	v3 =	vmul.f32 $2.000000030e-01, v6;
	v46 =	vld.idx.msk [tilespmem:v51+s17+$0x0], $0xffff  }
0x28c: {  	v60 =	vadd.f32 v0, v49;
	v34 =	vmul.f32 v34, v63;
	v51 =	vld [tilespmem:$0x1FF00];
	v27 =	vmul.f32 v48, v50  }
0x28d: {  	v57 =	vadd.f32 v47, v33;
	v33 =	vor.u32 s6, v62;
	v4 =	vmax.f32 v6, v3;
	v6 =	vld.idx.msk [tilespmem:v7+s17+$0x0], $0xffff  }
0x28e: {  	v42 =	vor.u32 s16, v55;
	v32 =	vadd.f32 v34, v32;
	v35 =	vmul.f32 v4, v8;
	v7 =	vld.idx.msk [tilespmem:v2+s17+$0x0], $0xffff;
	[tilespmem:s28+$0xFFFFFFA0] =	vst v27  }
0x28f: {  	v28 =	vor.u32 s8, v1;
	v40 =	vnsel vm0, $0x0, v30;
	v63 =	vor.u32 s7, v61;
	v58 =	vld [tilespmem:$0x1FF10]  }
0x290: {  	v34 =	vor.u32 s16, v61;
	v56 =	vadd.f32 v35, v32;
	v35 =	vor.u32 s8, v55;
	[tilespmem:s15+$0xFFFFFFE0] =	vst v57  }
0x291: {  	v32 =	vor.u32 s16, v62;
	v53 =	vadd.f32 v43, v46;
	v43 =	vadd.f32 v37, v5;
	[tilespmem:$0x1FF20] =	vst v63  }
0x292: {  	v50 =	vmul.f32 v48, v51;
	v46 =	vnsel vm0, $0x0, v48;
	v37 =	vor.u32 s6, v61;
	v47 =	vld.idx.msk [tilespmem:v26+s17+$0x0], $0xffff;
	[tilespmem:s15+$0x0] =	vst v60  }
0x293: {  	s22 =	sadd.s32 $0x7F60, s22;
	s12 =	sadd.s32 $0x29F0, s12;
	[tilespmem:s15+$0xFFFFFFF0] =	vst v56;
	v26 =	vor.u32 s8, v61;
	v52 =	vadd.f32 v6, v41;
	v59 =	vadd.f32 v7, v36;
	v51 =	vld.idx.msk [tilespmem:v29+s17+$0x0], $0xffff  }
0x294: {  	s3 =	sadd.s32 $0x4E, s29;
	s2 =	simm.s32 $0xC;
	[tilespmem:s11+$0xFFFFFFE0] =	vst v54;
	v41 =	vor.u32 s20, v62;
	v36 =	vor.u32 s5, v62;
	v48 =	vld.idx.msk [tilespmem:v28+s17+$0x0], $0xffff;
	s5 =	sadd.s32 $0x180, s13;
	v49 =	vmul.f32 v30, v58  }
.LBB2_5:
0x295: {  	v58 =	vld [tilespmem:s5+$0xA0]  }
0x296: {  	v0 =	vld [tilespmem:$0x1FB50]  }
0x297: {  	v6 =	vld [tilespmem:$0x1FC60]  }
0x298: {  	v45 =	vld [tilespmem:$0x1F9D0]  }
0x299: {  	v55 =	vld [tilespmem:$0x1F9E0]  }
0x29a: {  	v61 =	vmul.f32 $1.442695020e+00, v59;
	v59 =	vld [tilespmem:$0x1FA70]  }
0x29b: {  	v4 =	vld [tilespmem:$0x1FB70]  }
0x29c: {  	[tilespmem:$0x1F990] =	vst v20;
	v47 =	vadd.f32 v57, v47;
	v57 =	vld [tilespmem:s5+$0x80]  }
0x29d: {  	[tilespmem:$0x1F9A0] =	vst v17;
	s1 =	sadd.s32 $0x180, s1;
	v20 =	vld [tilespmem:s5+$0x70]  }
0x29e: {  	[tilespmem:s11+$0xFFFFFFF0] =	vst v53;
	v7 =	vmov v9;
	v9 =	vld [tilespmem:s1+$0xA0]  }
0x29f: {  	[tilespmem:$0x1FC60] =	vst v7;
	v7 =	vld [tilespmem:$0x1FC70]  }
0x2a0: {  	[tilespmem:s9+$0xFFFFFFE0] =	vst v44;
	v17 =	vld [tilespmem:s1+$0x90]  }
0x2a1: {  	[tilespmem:s28+$0xFFFFFFB0] =	vst v50;
	v50 =	vld [tilespmem:$0x1FCB0]  }
0x2a2: {  	[tilespmem:s31+$0xFFFFFFE0] =	vst v46;
	v46 =	vld [tilespmem:$0x1FBB0]  }
0x2a3: {  	[tilespmem:s9+$0xFFFFFFF0] =	vst v43;
	v48 =	vadd.f32 v56, v48;
	v56 =	vld [tilespmem:$0x1FA30]  }
0x2a4: {  	[tilespmem:s28+$0xFFFFFFC0] =	vst v49;
	v3 =	vmov v59;
	v5 =	vmov v4;
	v59 =	vld [tilespmem:s5+$0x90]  }
0x2a5: {  	v63 =	vmul.f32 v30, v55;
	v55 =	vld [tilespmem:$0x1FA90];
	[tilespmem:$0x1FA70] =	vst v5  }
0x2a6: {  	v62 =	vmul.f32 v30, v45;
	v45 =	vmov v7;
	v5 =	vld [tilespmem:$0x1FA00];
	[tilespmem:s15+$0xFFFFFFF0] =	vst v48  }
0x2a7: {  	v1 =	vmov v0;
	[tilespmem:$0x1FB70] =	vst v45;
	v45 =	vadd.f32 v51, v60;
	v51 =	vld [tilespmem:$0x1FA10]  }
0x2a8: {  	[tilespmem:s28+$0xFFFFFFD0] =	vst v62;
	v62 =	vld [tilespmem:$0x1FB10]  }
0x2a9: {  	[tilespmem:s28+$0xFFFFFFE0] =	vst v63;
	v63 =	vld [tilespmem:$0x1FC10]  }
0x2aa: {  	[tilespmem:$0x1F9C0] =	vst v1;
	v1 =	vmov v6;
	v6 =	vld [tilespmem:$0x1F9F0]  }
0x2ab: {  	v49 =	vmov v46;
	v46 =	vld [tilespmem:$0x1FAF0]  }
0x2ac: {  	v4 =	vmov v55;
	v55 =	vld [tilespmem:$0x1FA20]  }
0x2ad: {  	v52 =	vmul.f32 $1.442695020e+00, v52;
	[tilespmem:$0x1F9E0] =	vst v4;
	v4 =	vld [tilespmem:$0x1FC90]  }
0x2ae: {  	v60 =	vmul.f32 v30, v51;
	v51 =	vmov v50;
	v50 =	vld [tilespmem:$0x1FBF0]  }
0x2af: {  	(erf) = vpow2.f32 v52;
	v52 =	vmul.f32 v30, v6;
	v6 =	vld [tilespmem:$0x1FB90]  }
0x2b0: {  	(erf) = vpow2.f32 v61;
	v61 =	vmul.f32 v30, v5;
	[tilespmem:$0x1FBB0] =	vst v51;
	v51 =	vld [tilespmem:$0x1FCF0]  }
0x2b1: {  	[tilespmem:s28+$0x10] =	vst v60;
	v60 =	vld [tilespmem:s1+$0x70]  }
0x2b2: {  	[tilespmem:s28+$0x0] =	vst v61;
	v0 =	vmul.f32 v30, v55;
	v55 =	vld [tilespmem:s1+$0x80]  }
0x2b3: {  	v2 =	vmovc v16;
	v16 =	vmov v63;
	[tilespmem:s28+$0xFFFFFFF0] =	vst v52;
	v5 =	vmov v4;
	v4 =	vmov v22;
	v22 =	vld [tilespmem:s5+$0x40]  }
0x2b4: {  	[tilespmem:$0x1FB10] =	vst v16;
	v16 =	vld [tilespmem:s5+$0xFFFFFFD0]  }
0x2b5: {  	[tilespmem:$0x1FB90] =	vst v5;
	v5 =	vld [tilespmem:$0x1FAD0]  }
0x2b6: {  	[tilespmem:s15+$0xFFFFFFE0] =	vst v47;
	v27 =	vmov v50;
	v50 =	vmov v38;
	v38 =	vld [tilespmem:s5+$0x60]  }
0x2b7: {  	[tilespmem:s28+$0x20] =	vst v0;
	v0 =	vld [tilespmem:s5+$0xFFFFFF40];
	v7 =	vmov v6  }
0x2b8: {  	[tilespmem:$0x1FA90] =	vst v7;
	v7 =	vld [tilespmem:$0x1FAB0]  }
0x2b9: {  	v19 =	vmov v51;
	v51 =	vld [tilespmem:$0x1FB30]  }
0x2ba: {  	[tilespmem:$0x1FC70] =	vst v2;
	v6 =	vmov v18;
	v18 =	vmov v62;
	v62 =	vld [tilespmem:$0x1FC30]  }
0x2bb: {  	[tilespmem:$0x1FC90] =	vst v6;
	v6 =	vld [tilespmem:$0x1FBD0]  }
0x2bc: {  	[tilespmem:$0x1FCB0] =	vst v4;
	v4 =	vmov v24;
	v24 =	vld [tilespmem:s1+$0x40]  }
0x2bd: {  	v56 =	vmul.f32 v30, v56;
	v30 =	vmul.f32 $1.442695020e+00, v45;
	[tilespmem:$0x1FAB0] =	vst v49;
	v49 =	vmovc v46;
	v46 =	vld [tilespmem:$0x1FD20];
	v45 =	vmov v7  }
0x2be: {  	[tilespmem:$0x1F9F0] =	vst v45;
	v45 =	vld [tilespmem:$0x1FCD0]  }
0x2bf: {  	[tilespmem:$0x1FA20] =	vst v18;
	v18 =	vld [tilespmem:s5+$0xFFFFFFE0]  }
0x2c0: {  	[tilespmem:$0x1FCD0] =	vst v4;
	v4 =	vld [tilespmem:$0x1FD10]  }
0x2c1: {  	[tilespmem:$0x1F9D0] =	vst v3;
	v28 =	vmov v5;
	v5 =	vmov v25;
	v25 =	vld [tilespmem:s5+$0x50]  }
0x2c2: {  	[tilespmem:$0x1FA10] =	vst v49;
	v63 =	vmov v62;
	v62 =	vld [tilespmem:$0x1FA80]  }
0x2c3: {  	[tilespmem:$0x1FCF0] =	vst v5;
	v7 =	vmov v6;
	v49 =	vmov v46;
	v46 =	vld [tilespmem:$0x1FA60];
	v6 =	vmov v45  }
0x2c4: {  	v5 =	vmov v31;
	[tilespmem:$0x1FBD0] =	vst v6;
	v6 =	vld [tilespmem:$0x1FB20]  }
0x2c5: {  	[tilespmem:$0x1FD20] =	vst v50;
	v8 =	vmov v4;
	v4 =	vld [tilespmem:$0x1FD30]  }
0x2c6: {  	[tilespmem:$0x1FB30] =	vst v63;
	v63 =	vld [tilespmem:$0x1FAA0]  }
0x2c7: {  	[tilespmem:$0x1FD10] =	vst v5;
	v5 =	vmov v39;
	v45 =	vld [tilespmem:$0x1FC20]  }
0x2c8: {  	[tilespmem:$0x1FD30] =	vst v5;
	v5 =	vld [tilespmem:$0x1FAE0]  }
0x2c9: {  	[tilespmem:$0x1FAD0] =	vst v7;
	v7 =	vmov v6;
	v6 =	vld [tilespmem:$0x1FA40]  }
0x2ca: {  	[tilespmem:$0x1FA00] =	vst v28;
	v52 =	vmov v51;
	v2 =	vmov v4;
	v4 =	vld [tilespmem:$0x1FAC0]  }
0x2cb: {  	(erf) = vpow2.f32 v30;
	[tilespmem:$0x1FA30] =	vst v52;
	v31 =	vld [tilespmem:s1+$0x50]  }
0x2cc: {  	v50 =	vpop (erf);
	v28 =	vmov v13;
	v13 =	vmov v10;
	v10 =	vld [tilespmem:$0x1FF40];
	[tilespmem:$0x1FC20] =	vst v49  }
0x2cd: {  	v39 =	vld [tilespmem:s1+$0x60];
	v61 =	vmul.f32 v50, v62;
	v62 =	vmul.f32 v50, v63;
	[tilespmem:$0x1F9B0] =	vst v7;
	v7 =	vmov v45  }
0x2ce: {  	v52 =	vmov v53;
	v63 =	vmul.f32 v50, v5;
	v5 =	vld [tilespmem:s1+$0xFFFFFFC0];
	[tilespmem:$0x1FB20] =	vst v7;
	v7 =	vmul.f32 v50, v6  }
0x2cf: {  	v49 =	vmul.f32 v50, v46;
	[tilespmem:$0x1FC30] =	vst v2;
	v53 =	vmul.f32 v50, v4;
	v4 =	vadd.f32 v9, v58;
	v9 =	vld [tilespmem:$0x1FF70]  }
0x2d0: {  	v24 =	vadd.f32 v24, v22;
	v6 =	vld [tilespmem:$0x1FB40];
	[tilespmem:s30+$0xFFFFFF40] =	vst v7  }
0x2d1: {  	v2 =	vld [tilespmem:s1+$0xFFFFFF40];
	[tilespmem:s30+$0xFFFFFF50] =	vst v49  }
0x2d2: {  	v45 =	vmul.f32 $2.000000030e-01, v24;
	v49 =	vld [tilespmem:$0x1FC40];
	[tilespmem:s30+$0xFFFFFF60] =	vst v61  }
0x2d3: {  	v30 =	vpop (erf);
	v61 =	vld [tilespmem:$0x1FB00];
	[tilespmem:s30+$0xFFFFFF70] =	vst v62  }
0x2d4: {  	v3 =	vmax.f32 v24, v45;
	v24 =	vadd.f32 v39, v38;
	v39 =	vpop (erf);
	v62 =	vld [tilespmem:s5+$0xFFFFFF50];
	[tilespmem:s30+$0xFFFFFF80] =	vst v53  }
0x2d5: {  	[tilespmem:$0x1FC10] =	vst v8;
	v7 =	vmov v6;
	v6 =	vmul.f32 v39, v12;
	v53 =	vld [tilespmem:s1+$0xFFFFFF50]  }
0x2d6: {  	v31 =	vadd.f32 v31, v25;
	[tilespmem:s30+$0xFFFFFF90] =	vst v63;
	v12 =	vld [tilespmem:$0x1FF50]  }
0x2d7: {  	v51 =	vmovc v54;
	v45 =	vmul.f32 v39, v14;
	v63 =	vld [tilespmem:s5+$0xB0];
	[tilespmem:s13+$0x40] =	vst v6;
	v6 =	vmul.f32 v39, v21;
	v54 =	vmov v49  }
0x2d8: {  	v14 =	vmovc v25;
	v25 =	vld [tilespmem:s1+$0xB0];
	[tilespmem:$0x1FB40] =	vst v54;
	v54 =	vadd.f32 v55, v57;
	v55 =	vadd.f32 v17, v59;
	v17 =	vmul.f32 $2.000000030e-01, v31  }
0x2d9: {  	v60 =	vadd.f32 v60, v20;
	v8 =	vmov v20;
	v3 =	vmul.f32 v3, v10;
	[tilespmem:s13+$0x50] =	vst v45;
	v45 =	vld [tilespmem:$0x1FD40]  }
0x2da: {  	[tilespmem:s13+$0x60] =	vst v6;
	v6 =	vmul.f32 v39, v15;
	v15 =	vld [tilespmem:$0x1FF60];
	v17 =	vmax.f32 v31, v17;
	v31 =	vmul.f32 $2.000000030e-01, v24  }
0x2db: {  	[tilespmem:$0x1FAF0] =	vst v27;
	v27 =	vmovc v22;
	v3 =	vadd.f32 $0.0e+00, v3;
	v49 =	vmovc v26;
	v26 =	vmov v11;
	v11 =	vld [tilespmem:s5+$0xFFFFFFC0];
	v22 =	vmul.f32 v17, v12  }
0x2dc: {  	[tilespmem:$0x1FD40] =	vst v8;
	v8 =	vmov v59;
	v59 =	vld [tilespmem:s5+$0xFFFFFF60];
	v21 =	vmax.f32 v24, v31;
	v24 =	vmul.f32 $2.000000030e-01, v60  }
0x2dd: {  	[tilespmem:$0x1FBF0] =	vst v19;
	v31 =	vld [tilespmem:s1+$0xFFFFFFD0];
	v3 =	vadd.f32 v22, v3;
	v20 =	vmul.f32 v21, v9  }
0x2de: {  	[tilespmem:$0x1FA40] =	vst v7;
	v7 =	vmul.f32 v39, v45;
	v45 =	vld [tilespmem:$0x1FD50];
	v19 =	vmax.f32 v60, v24  }
0x2df: {  	v3 =	vadd.f32 v20, v3;
	v19 =	vmul.f32 v19, v15;
	v20 =	vld [tilespmem:$0x1FF90]  }
0x2e0: {  	[tilespmem:$0x1FD50] =	vst v8;
	v8 =	vmov v58;
	v58 =	vmul.f32 $2.000000030e-01, v4;
	v21 =	vmul.f32 $2.000000030e-01, v54;
	v60 =	vld [tilespmem:$0x1FD60]  }
0x2e1: {  	v61 =	vmul.f32 v50, v61;
	v2 =	vadd.f32 v2, v0;
	[tilespmem:s13+$0x80] =	vst v6;
	v3 =	vadd.f32 v19, v3;
	v19 =	vld [tilespmem:$0x1FF80]  }
0x2e2: {  	v25 =	vadd.f32 v25, v63;
	v22 =	vmul.f32 $2.000000030e-01, v55;
	[tilespmem:s13+$0x70] =	vst v7;
	v24 =	vld [tilespmem:s1+$0xFFFFFF60];
	v4 =	vmax.f32 v4, v58  }
0x2e3: {  	[tilespmem:$0x1FD60] =	vst v8;
	v58 =	vld [tilespmem:$0x1FB60];
	v29 =	vmax.f32 v54, v21;
	v54 =	vmul.f32 $2.000000030e-01, v2;
	v7 =	vmul.f32 v39, v45  }
0x2e4: {  	v22 =	vmax.f32 v55, v22;
	v45 =	vmul.f32 v39, v23;
	v21 =	vmovc v38;
	v38 =	vld [tilespmem:s5+$0xFFFFFF70];
	v23 =	vmul.f32 v29, v20  }
0x2e5: {  	v8 =	vmov v0;
	v0 =	vadd.f32 v53, v62;
	v2 =	vmax.f32 v2, v54;
	[tilespmem:s13+$0x90] =	vst v7;
	v29 =	vld [tilespmem:$0x1FFA0]  }
0x2e6: {  	v6 =	vmul.f32 v39, v60;
	[tilespmem:s13+$0xB0] =	vst v45;
	v3 =	vadd.f32 v23, v3;
	v23 =	vmul.f32 v22, v19;
	v22 =	vld [tilespmem:$0x1FD90]  }
0x2e7: {  	v54 =	vmul.f32 $2.000000030e-01, v0;
	v60 =	vnsel vm0, $0x0, v39;
	v7 =	vld [tilespmem:s1+$0xFFFFFF70];
	v39 =	vmul.f32 $2.000000030e-01, v25;
	[tilespmem:s30+$0xFFFFFFA0] =	vst v61  }
0x2e8: {  	v5 =	vadd.f32 v5, v11;
	[tilespmem:s13+$0xA0] =	vst v6;
	v6 =	vld [tilespmem:s1+$0xFFFFFFE0]  }
0x2e9: {  	v2 =	vmul.f32 v2, v10;
	v0 =	vmax.f32 v0, v54;
	[tilespmem:s28+$0x30] =	vst v56;
	v25 =	vmax.f32 v25, v39;
	v39 =	vld [tilespmem:$0x1FC50]  }
0x2ea: {  	v0 =	vmul.f32 v0, v12;
	[tilespmem:s15+$0x0] =	vst v60;
	v53 =	vld [tilespmem:s1+$0xFFFFFFF0]  }
0x2eb: {  	v2 =	vadd.f32 $0.0e+00, v2;
	[tilespmem:$0x1FD90] =	vst v8;
	v60 =	vmul.f32 $2.000000030e-01, v5;
	v8 =	vld [tilespmem:$0x1FFC0];
	v4 =	vmul.f32 v4, v29;
	v45 =	vmovc v22  }
0x2ec: {  	[tilespmem:$0x1FC40] =	vst v45;
	v45 =	vld [tilespmem:$0x1FF30]  }
0x2ed: {  	v0 =	vadd.f32 v0, v2;
	v2 =	vld [tilespmem:s1+$0xFFFFFFA0];
	v3 =	vadd.f32 v23, v3;
	v5 =	vmax.f32 v5, v60  }
0x2ee: {  	v5 =	vmul.f32 v5, v10;
	v10 =	vld [tilespmem:$0x1FE20]  }
0x2ef: {  	v3 =	vadd.f32 v4, v3;
	v4 =	vmov v58;
	v58 =	vld [tilespmem:$0x1FDD0]  }
0x2f0: {  	v17 =	vmov v57;
	v57 =	vmov v39;
	v39 =	vld [tilespmem:s1+$0xFFFFFF80]  }
0x2f1: {  	s6 =	smov.u32 s2;
	v23 =	vmov v63;
	v63 =	vld [tilespmem:$0x1FB80];
	v61 =	vmul.f32 v25, v45  }
0x2f2: {  	s6 =	sadd.s32 s6, s29;
	[tilespmem:$0x1FB50] =	vst v1;
	v1 =	vnsel vm0, $0x0, v30;
	v22 =	vld [tilespmem:s5+$0xFFFFFFF0]  }
0x2f3: {  	s8 =	sshll.u32 s6, $0x4;
	v31 =	vadd.f32 v31, v16;
	[tilespmem:s31+$0xFFFFFFF0] =	vst v40;
	v40 =	vmov v1;
	v1 =	vld [tilespmem:s5+$0xFFFFFF80]  }
0x2f4: {  	s7 =	sadd.s32 $0x30, s8;
	s6 =	sadd.s32 $0x40, s8;
	s8 =	sadd.s32 $0x50, s8;
	v6 =	vadd.f32 v6, v18;
	v60 =	vmov v58;
	v58 =	vld [tilespmem:$0x1FDE0]  }
0x2f5: {  	[tilespmem:$0x1FA60] =	vst v4;
	v4 =	vmul.f32 $2.000000030e-01, v31;
	v25 =	vor.u32 s8, v8;
	v3 =	vadd.f32 v61, v3;
	v61 =	vmovc v62;
	v62 =	vld [tilespmem:$0x1FC80]  }
0x2f6: {  	v55 =	vadd.f32 v24, v59;
	v24 =	vld [tilespmem:s5+$0x0]  }
0x2f7: {  	[tilespmem:$0x1FB60] =	vst v57;
	s31 =	smov.u32 s4;
	s4 =	smov.u32 s9;
	v56 =	vld [tilespmem:s1+$0x0];
	v57 =	vmov v63;
	v4 =	vmax.f32 v31, v4;
	v31 =	vmul.f32 $2.000000030e-01, v6  }
0x2f8: {  	v54 =	vmul.f32 $2.000000030e-01, v55;
	s9 =	smov.u32 s11;
	s11 =	smov.u32 s15;
	s15 =	sadd.s32 $0x30, s15;
	[tilespmem:$0x1FA80] =	vst v57;
	v57 =	vld [tilespmem:s5+$0xFFFFFF90]  }
0x2f9: {  	v7 =	vadd.f32 v7, v38;
	v6 =	vmax.f32 v6, v31;
	v31 =	vld [tilespmem:$0x1FBC0];
	[tilespmem:s15+$0x0] =	vst v3  }
0x2fa: {  	v54 =	vmax.f32 v55, v54;
	v63 =	vmovc v62;
	v62 =	vmov v58;
	v58 =	vld.idx.msk [tilespmem:v25+s17+$0x0], $0xffff;
	v25 =	vmov v59  }
0x2fb: {  	v55 =	vmovc v38;
	v38 =	vmul.f32 $2.000000030e-01, v7;
	v5 =	vadd.f32 $0.0e+00, v5;
	v4 =	vmul.f32 v4, v12;
	[tilespmem:$0x1FDE0] =	vst v25;
	v25 =	vld [tilespmem:$0x1FBA0]  }
0x2fc: {  	[tilespmem:$0x1FE20] =	vst v55;
	v53 =	vadd.f32 v53, v22;
	v12 =	vmov v27;
	v27 =	vld [tilespmem:$0x1FFD0]  }
0x2fd: {  	[tilespmem:$0x1FC50] =	vst v60;
	v4 =	vadd.f32 v4, v5;
	v5 =	vmax.f32 v7, v38;
	v38 =	vld [tilespmem:s5+$0xFFFFFFB0]  }
0x2fe: {  	v55 =	vmul.f32 $2.000000030e-01, v53;
	[tilespmem:$0x1FDD0] =	vst v61;
	v61 =	vmov v31;
	v59 =	vld [tilespmem:s1+$0xFFFFFF90]  }
0x2ff: {  	[tilespmem:$0x1FAC0] =	vst v61;
	v61 =	vld [tilespmem:$0x1FCC0]  }
0x300: {  	v53 =	vmax.f32 v53, v55;
	v55 =	vld [tilespmem:s1+$0x20];
	[tilespmem:$0x1FB80] =	vst v63;
	v60 =	vmov v25  }
0x301: {  	v13 =	vmovc v13;
	v39 =	vadd.f32 v39, v1;
	v6 =	vmul.f32 v6, v9;
	v63 =	vmov v10;
	[tilespmem:$0x1FAA0] =	vst v60;
	v60 =	vld [tilespmem:$0x1FCA0]  }
0x302: {  	[tilespmem:$0x1FCC0] =	vst v13;
	v10 =	vmovc v1;
	v1 =	vmul.f32 v54, v9;
	v9 =	vmov v11;
	v54 =	vld [tilespmem:$0x1FCE0];
	v11 =	vmov v57  }
0x303: {  	[tilespmem:$0x1FC80] =	vst v62;
	v62 =	vor.u32 s8, v27;
	v57 =	vadd.f32 v59, v11;
	v59 =	vld [tilespmem:s1+$0xFFFFFFB0]  }
0x304: {  	v3 =	vadd.f32 v3, v58;
	[tilespmem:$0x1FCA0] =	vst v63;
	v63 =	vmov v61;
	v61 =	vld [tilespmem:s5+$0xFFFFFFA0]  }
0x305: {  	[tilespmem:$0x1FBC0] =	vst v63;
	v63 =	vld [tilespmem:$0x1FBE0]  }
0x306: {  	[tilespmem:s15+$0x0] =	vst v3;
	v25 =	vmov v60;
	v60 =	vld [tilespmem:s1+$0x10]  }
0x307: {  	v0 =	vadd.f32 v1, v0;
	[tilespmem:$0x1FBA0] =	vst v25;
	v25 =	vld [tilespmem:s5+$0x10]  }
0x308: {  	v1 =	vadd.f32 v6, v4;
	v4 =	vmul.f32 v53, v15;
	v53 =	vmul.f32 $2.000000030e-01, v57;
	v58 =	vmovc v54;
	v6 =	vld.idx.msk [tilespmem:v62+s17+$0x0], $0xffff  }
0x309: {  	v62 =	vld [tilespmem:$0x1FC00];
	[tilespmem:$0x1FBE0] =	vst v58  }
0x30a: {  	v2 =	vadd.f32 v2, v61;
	v13 =	vmovc v61;
	v61 =	vmovc v44;
	v44 =	vmax.f32 v57, v53;
	v57 =	vld [tilespmem:$0x1FF20];
	v31 =	vmov v63  }
0x30b: {  	v56 =	vadd.f32 v56, v24;
	v7 =	vmul.f32 $2.000000030e-01, v39;
	v58 =	vmov v26;
	[tilespmem:$0x1FAE0] =	vst v31;
	v31 =	vld [tilespmem:s5+$0x20]  }
0x30c: {  	v5 =	vmul.f32 v5, v15;
	[tilespmem:$0x1FCE0] =	vst v58;
	v58 =	vadd.f32 v60, v25;
	v60 =	vld [tilespmem:$0x1FD00]  }
0x30d: {  	v7 =	vmax.f32 v39, v7;
	v39 =	vld [tilespmem:s5+$0x30];
	v63 =	vmul.f32 $2.000000030e-01, v56  }
0x30e: {  	v7 =	vmul.f32 v7, v20;
	v15 =	vmov v17;
	v17 =	vld [tilespmem:$0x1FFE0];
	v0 =	vadd.f32 v5, v0  }
0x30f: {  	v1 =	vadd.f32 v4, v1;
	v26 =	vld [tilespmem:$0x1F9A0];
	v3 =	vadd.f32 v3, v6;
	v5 =	vmul.f32 $2.000000030e-01, v58  }
0x310: {  	v6 =	vld.idx.msk [tilespmem:v37+s17+$0x0], $0xffff;
	v54 =	vmax.f32 v56, v63;
	v56 =	vmul.f32 v44, v19;
	v44 =	vadd.f32 v59, v38  }
0x311: {  	v63 =	vmovc v62;
	v4 =	vadd.f32 v55, v31;
	v55 =	vld [tilespmem:s1+$0x30];
	v5 =	vmax.f32 v58, v5;
	v62 =	vmov v60  }
0x312: {  	v5 =	vmul.f32 v5, v19;
	v19 =	vmov v49;
	[tilespmem:$0x1FC00] =	vst v62;
	v62 =	vld.idx.msk [tilespmem:v42+s17+$0x0], $0xffff;
	v42 =	vmul.f32 $2.000000030e-01, v2  }
0x313: {  	v0 =	vadd.f32 v7, v0;
	v53 =	vmul.f32 v54, v20;
	v59 =	vmul.f32 $2.000000030e-01, v44;
	[tilespmem:$0x1FF20] =	vst v19;
	v19 =	vld [tilespmem:$0x1F990]  }
0x314: {  	v54 =	vor.u32 s8, v17;
	[tilespmem:$0x1FB00] =	vst v63;
	v63 =	vmov v28;
	v7 =	vld.idx.msk [tilespmem:v57+s17+$0x0], $0xffff;
	v2 =	vmax.f32 v2, v42  }
0x315: {  	v0 =	vadd.f32 v56, v0;
	v28 =	vmax.f32 v44, v59;
	v58 =	vld.idx.msk [tilespmem:v35+s17+$0x0], $0xffff;
	v2 =	vmul.f32 v2, v29  }
0x316: {  	v1 =	vadd.f32 v53, v1;
	v59 =	vld.idx.msk [tilespmem:v36+s17+$0x0], $0xffff;
	[tilespmem:$0x1FD00] =	vst v63;
	v57 =	vmul.f32 v28, v45;
	v60 =	vmul.f32 $2.000000030e-01, v4  }
0x317: {  	v63 =	vmovc v43;
	v43 =	vor.u32 s7, v8;
	v42 =	vadd.f32 v55, v39;
	v55 =	vld.idx.msk [tilespmem:v41+s17+$0x0], $0xffff;
	v0 =	vadd.f32 v2, v0  }
0x318: {  	[tilespmem:s15+$0x0] =	vst v3;
	v4 =	vmax.f32 v4, v60;
	v36 =	vmov v19;
	v19 =	vld [tilespmem:$0x1FFF0]  }
0x319: {  	v1 =	vadd.f32 v5, v1;
	v5 =	vld.idx.msk [tilespmem:v54+s17+$0x0], $0xffff;
	v60 =	vmul.f32 $2.000000030e-01, v42;
	v57 =	vadd.f32 v57, v0  }
0x31a: {  	v4 =	vmul.f32 v4, v29;
	v53 =	vadd.f32 v48, v58;
	v58 =	vld [tilespmem:$0x1F9B0]  }
0x31b: {  	v54 =	vadd.f32 v47, v62;
	v62 =	vld [tilespmem:$0x1F9C0];
	v28 =	vmax.f32 v42, v60;
	[tilespmem:s15+$0xFFFFFFE0] =	vst v57  }
0x31c: {  	s2 =	sadd.s32 $0x3, s2;
	v8 =	vor.u32 s6, v8;
	v1 =	vadd.f32 v4, v1;
	v60 =	vmul.f32 v28, v45;
	v47 =	vld.idx.msk [tilespmem:v43+s17+$0x0], $0xffff  }
0x31d: {  	p2 =	slt.u32 s2, $0x4B;
	v49 =	vor.u32 s8, v19;
	v43 =	vadd.f32 v52, v7;
	v52 =	vadd.f32 v55, v61;
	v61 =	vld [tilespmem:$0x1FA50]  }
.Ltmp1:
0x31e: {  	v46 =	vnsel vm0, $0x0, v50;
	v56 =	vadd.f32 v60, v1;
	(pc) =	sbr.rel @p2 .LBB2_5-.Ltmp1, $4  }
0x31f: {  	v37 =	vmovc v34;
	v34 =	vor.u32 s7, v17;
	v20 =	vmovc v26;
	v26 =	vor.u32 s6, v17;
	v60 =	vadd.f32 v3, v5;
	[tilespmem:s11+$0xFFFFFFE0] =	vst v54  }
0x320: {  	v44 =	vadd.f32 v51, v6;
	v35 =	vor.u32 s6, v27;
	v59 =	vadd.f32 v59, v63;
	[tilespmem:s15+$0xFFFFFFF0] =	vst v56  }
0x321: {  	s28 =	smov.u32 s30;
	s30 =	smov.u32 s0;
	s0 =	smov.u32 s10;
	v41 =	vmovc v33;
	v42 =	vor.u32 s7, v27;
	v50 =	vmul.f32 v50, v58;
	v63 =	vmov v62;
	[tilespmem:s15+$0x0] =	vst v60;
	v48 =	vld.idx.msk [tilespmem:v8+s17+$0x0], $0xffff  }
0x322: {  	s10 =	smov.u32 s13;
	s13 =	smov.u32 s5;
	s5 =	sadd.s32 $0x180, s5;
	v33 =	vmovc v32;
	v32 =	vor.u32 s7, v19;
	v17 =	vor.u32 s6, v19;
	[tilespmem:$0x1FA50] =	vst v63;
	v51 =	vld.idx.msk [tilespmem:v49+s17+$0x0], $0xffff;
	v49 =	vmul.f32 v30, v61  }
0x323: {  	[tilespmem:s28+$0xFFFFFFB0] =	vst v50  }
0x324: {  	[tilespmem:s31+$0xFFFFFFE0] =	vst v46  }
0x325: {  	v2 =	vld [tilespmem:$0x1F9D0];
	[tilespmem:s28+$0xFFFFFFC0] =	vst v49  }
0x326: {  	v6 =	vld [tilespmem:$0x1F9E0];
	_ =	sdelay $0x1  }
0x327: {  	v0 =	vmul.f32 $1.442695020e+00, v52  }
0x328: {  	v1 =	vmul.f32 $1.442695020e+00, v59  }
0x329: {  	(erf) = vpow2.f32 v0;
	v2 =	vmul.f32 v30, v2  }
0x32a: {  	(erf) = vpow2.f32 v1;
	v1 =	vmul.f32 v30, v6  }
0x32b: {  	[tilespmem:s28+$0xFFFFFFD0] =	vst v2  }
0x32c: {  	v7 =	vld [tilespmem:$0x1F9F0];
	[tilespmem:s28+$0xFFFFFFE0] =	vst v1  }
0x32d: {  	v5 =	vadd.f32 v51, v60;
	v1 =	vld [tilespmem:$0x1FA00];
	_ =	sdelay $0x1  }
0x32e: {  	v0 =	vmul.f32 $1.442695020e+00, v5;
	_ =	sdelay $0x1  }
0x32f: {  	(erf) = vpow2.f32 v0;
	v0 =	vmul.f32 v30, v7  }
0x330: {  	v1 =	vmul.f32 v30, v1  }
0x331: {  	[tilespmem:s28+$0xFFFFFFF0] =	vst v0  }
0x332: {  	v0 =	vld [tilespmem:$0x1FA10];
	[tilespmem:s28+$0x0] =	vst v1  }
0x333: {  	v1 =	vld [tilespmem:$0x1FA20];
	_ =	sdelay $0x3  }
0x334: {  	v0 =	vmul.f32 v30, v0  }
0x335: {  	v1 =	vmul.f32 v30, v1  }
0x336: {  	[tilespmem:s28+$0x10] =	vst v0  }
0x337: {  	v0 =	vld [tilespmem:$0x1FA40];
	[tilespmem:s28+$0x20] =	vst v1  }
0x338: {  	v1 =	vld [tilespmem:$0x1FA60];
	_ =	sdelay $0x2  }
0x339: {  	v8 =	vpop (erf)  }
0x33a: {  	v0 =	vmul.f32 v8, v0  }
0x33b: {  	v1 =	vmul.f32 v8, v1  }
0x33c: {  	[tilespmem:s30+$0xFFFFFF40] =	vst v0  }
0x33d: {  	v0 =	vld [tilespmem:$0x1FA80];
	[tilespmem:s30+$0xFFFFFF50] =	vst v1  }
0x33e: {  	v1 =	vld [tilespmem:$0x1FAA0];
	_ =	sdelay $0x3  }
0x33f: {  	v0 =	vmul.f32 v8, v0  }
0x340: {  	v1 =	vmul.f32 v8, v1  }
0x341: {  	[tilespmem:s30+$0xFFFFFF60] =	vst v0  }
0x342: {  	v3 =	vpop (erf);
	v0 =	vld [tilespmem:$0x1FAC0];
	[tilespmem:s30+$0xFFFFFF70] =	vst v1  }
0x343: {  	v4 =	vpop (erf);
	v1 =	vld [tilespmem:$0x1FAE0]  }
0x344: {  	v12 =	vmul.f32 v4, v12;
	_ =	sdelay $0x1  }
0x345: {  	v14 =	vmul.f32 v4, v14;
	[tilespmem:s13+$0x40] =	vst v12  }
0x346: {  	[tilespmem:s9+$0xFFFFFFE0] =	vst v44;
	v0 =	vmul.f32 v8, v0  }
0x347: {  	[tilespmem:s13+$0x50] =	vst v14;
	v1 =	vmul.f32 v8, v1  }
0x348: {  	[tilespmem:s30+$0xFFFFFF80] =	vst v0  }
0x349: {  	[tilespmem:s30+$0xFFFFFF90] =	vst v1  }
0x34a: {  	v0 =	vld [tilespmem:$0x1FD40];
	_ =	sdelay $0x3  }
0x34b: {  	v27 =	vmul.f32 v4, v21  }
0x34c: {  	v0 =	vmul.f32 v4, v0  }
0x34d: {  	v28 =	vmul.f32 v4, v15;
	[tilespmem:s13+$0x60] =	vst v27  }
0x34e: {  	[tilespmem:s13+$0x70] =	vst v0  }
0x34f: {  	v0 =	vld [tilespmem:$0x1FD50];
	[tilespmem:s13+$0x80] =	vst v28  }
0x350: {  	v1 =	vld [tilespmem:$0x1FD60];
	_ =	sdelay $0x2  }
0x351: {  	v29 =	vmul.f32 v4, v23  }
0x352: {  	v5 =	vld.idx.msk [tilespmem:v41+s17+$0x0], $0xffff;
	v0 =	vmul.f32 v4, v0  }
0x353: {  	[tilespmem:s13+$0xB0] =	vst v29;
	v1 =	vmul.f32 v4, v1  }
0x354: {  	[tilespmem:s13+$0x90] =	vst v0  }
0x355: {  	[tilespmem:s13+$0xA0] =	vst v1  }
0x356: {  	v0 =	vld [tilespmem:$0x1FB00]  }
0x357: {  	v41 =	vadd.f32 v5, v44;
	v44 =	vld [tilespmem:$0x1FA30];
	_ =	sdelay $0x3  }
0x358: {  	v4 =	vnsel vm0, $0x0, v4;
	v0 =	vmul.f32 v8, v0  }
0x359: {  	[tilespmem:s15+$0x0] =	vst v4;
	v5 =	vmul.f32 v30, v44  }
0x35a: {  	[tilespmem:s30+$0xFFFFFFA0] =	vst v0  }
0x35b: {  	[tilespmem:s28+$0x30] =	vst v5  }
0x35c: {  	v0 =	vld [tilespmem:$0x1FB20];
	_ =	sdelay $0x4  }
0x35d: {  	v0 =	vmul.f32 v8, v0  }
0x35e: {  	[tilespmem:s31+$0xFFFFFFF0] =	vst v40  }
0x35f: {  	v45 =	vnsel vm0, $0x0, v8;
	[tilespmem:s30+$0xFFFFFFB0] =	vst v0  }
0x360: {  	[tilespmem:s4+$0xFFFFFFE0] =	vst v45  }
0x361: {  	v0 =	vld [tilespmem:$0x1FA50];
	[tilespmem:s9+$0xFFFFFFF0] =	vst v43  }
0x362: {  	v46 =	vld [tilespmem:$0x1FA70];
	_ =	sdelay $0x2  }
0x363: {  	v1 =	vmul.f32 $1.442695020e+00, v41  }
0x364: {  	v0 =	vmul.f32 v3, v0  }
0x365: {  	(erf) = vpow2.f32 v1;
	v1 =	vmul.f32 v3, v46  }
0x366: {  	[tilespmem:s30+$0xFFFFFFC0] =	vst v0  }
0x367: {  	v50 =	vld [tilespmem:$0x1FA90];
	[tilespmem:s30+$0xFFFFFFD0] =	vst v1  }
0x368: {  	v1 =	vld [tilespmem:$0x1FAB0];
	_ =	sdelay $0x3  }
0x369: {  	v2 =	vmul.f32 v3, v50  }
0x36a: {  	v1 =	vmul.f32 v3, v1  }
0x36b: {  	[tilespmem:s30+$0xFFFFFFE0] =	vst v2  }
0x36c: {  	v2 =	vld [tilespmem:$0x1FAD0];
	[tilespmem:s30+$0xFFFFFFF0] =	vst v1  }
0x36d: {  	v4 =	vld [tilespmem:$0x1FAF0];
	_ =	sdelay $0x3  }
0x36e: {  	v2 =	vmul.f32 v3, v2  }
0x36f: {  	v4 =	vmul.f32 v3, v4  }
0x370: {  	[tilespmem:s30+$0x0] =	vst v2  }
0x371: {  	v2 =	vld [tilespmem:$0x1FB10];
	[tilespmem:s30+$0x10] =	vst v4  }
0x372: {  	v4 =	vld [tilespmem:$0x1FB40];
	_ =	sdelay $0x3  }
0x373: {  	v52 =	vpop (erf);
	v2 =	vmul.f32 v3, v2  }
0x374: {  	v4 =	vmul.f32 v52, v4  }
0x375: {  	[tilespmem:s30+$0x20] =	vst v2  }
0x376: {  	v2 =	vld [tilespmem:$0x1FB60];
	[tilespmem:s0+$0xFFFFFF40] =	vst v4  }
0x377: {  	v4 =	vld [tilespmem:$0x1FB80];
	_ =	sdelay $0x2  }
0x378: {  	v51 =	vld.idx.msk [tilespmem:v37+s17+$0x0], $0xffff  }
0x379: {  	v49 =	vld.idx.msk [tilespmem:v36+s17+$0x0], $0xffff;
	v2 =	vmul.f32 v52, v2  }
0x37a: {  	v4 =	vmul.f32 v52, v4  }
0x37b: {  	[tilespmem:s0+$0xFFFFFF50] =	vst v2  }
0x37c: {  	[tilespmem:s0+$0xFFFFFF60] =	vst v4  }
0x37d: {  	v1 =	vadd.f32 v54, v51;
	v54 =	vld [tilespmem:$0x1FBA0]  }
0x37e: {  	v0 =	vadd.f32 v49, v43;
	_ =	sdelay $0x1  }
0x37f: {  	v0 =	vmul.f32 $1.442695020e+00, v0;
	_ =	sdelay $0x1  }
0x380: {  	(erf) = vpow2.f32 v0;
	[tilespmem:s11+$0xFFFFFFE0] =	vst v1;
	v0 =	vmul.f32 v52, v54  }
0x381: {  	v2 =	vld [tilespmem:$0x1FBC0]  }
0x382: {  	[tilespmem:s0+$0xFFFFFF70] =	vst v0  }
0x383: {  	v0 =	vld [tilespmem:$0x1FBE0];
	_ =	sdelay $0x2  }
0x384: {  	v2 =	vmul.f32 v52, v2  }
0x385: {  	v6 =	vadd.f32 v57, v47  }
0x386: {  	[tilespmem:s0+$0xFFFFFF80] =	vst v2;
	v0 =	vmul.f32 v52, v0  }
0x387: {  	[tilespmem:s15+$0xFFFFFFE0] =	vst v6  }
0x388: {  	[tilespmem:s0+$0xFFFFFF90] =	vst v0  }
0x389: {  	v0 =	vld [tilespmem:$0x1FC00];
	[tilespmem:s11+$0xFFFFFFF0] =	vst v53  }
0x38a: {  	v7 =	vld [tilespmem:$0x1FB30];
	_ =	sdelay $0x3  }
0x38b: {  	v0 =	vmul.f32 v52, v0  }
0x38c: {  	v7 =	vmul.f32 v3, v7  }
0x38d: {  	[tilespmem:s0+$0xFFFFFFA0] =	vst v0  }
0x38e: {  	v60 =	vld [tilespmem:$0x1FF20];
	[tilespmem:s30+$0x30] =	vst v7  }
0x38f: {  	v61 =	vld [tilespmem:$0x1FC20];
	_ =	sdelay $0x4  }
0x390: {  	v3 =	vnsel vm0, $0x0, v3;
	v4 =	vmul.f32 v52, v61  }
0x391: {  	[tilespmem:s4+$0xFFFFFFF0] =	vst v3  }
0x392: {  	v58 =	vld.idx.msk [tilespmem:v42+s17+$0x0], $0xffff;
	[tilespmem:s0+$0xFFFFFFB0] =	vst v4  }
0x393: {  	v8 =	vld [tilespmem:$0x1FB50];
	_ =	sdelay $0x1  }
0x394: {  	v55 =	vld.idx.msk [tilespmem:v33+s17+$0x0], $0xffff;
	_ =	sdelay $0x1  }
0x395: {  	v63 =	vnsel vm0, $0x0, v52;
	v62 =	vpop (erf);
	v2 =	vadd.f32 v6, v58  }
0x396: {  	[tilespmem:s9+$0xFFFFFFE0] =	vst v63;
	v5 =	vmul.f32 v62, v8  }
0x397: {  	[tilespmem:s15+$0xFFFFFFE0] =	vst v2  }
0x398: {  	v59 =	vadd.f32 v55, v1;
	v1 =	vld.idx.msk [tilespmem:v60+s17+$0x0], $0xffff;
	[tilespmem:s0+$0xFFFFFFC0] =	vst v5  }
0x399: {  	v14 =	vld [tilespmem:$0x1FB70];
	_ =	sdelay $0x3  }
0x39a: {  	v12 =	vadd.f32 v53, v1  }
0x39b: {  	v1 =	vmul.f32 v62, v14  }
0x39c: {  	v21 =	vadd.f32 v56, v48;
	[tilespmem:s11+$0xFFFFFFF0] =	vst v12  }
0x39d: {  	[tilespmem:s0+$0xFFFFFFD0] =	vst v1  }
0x39e: {  	v28 =	vld [tilespmem:$0x1FB90];
	[tilespmem:s15+$0xFFFFFFF0] =	vst v21  }
0x39f: {  	v7 =	vld [tilespmem:$0x1FBB0];
	_ =	sdelay $0x3  }
0x3a0: {  	v6 =	vmul.f32 v62, v28  }
0x3a1: {  	v7 =	vmul.f32 v62, v7  }
0x3a2: {  	[tilespmem:s0+$0xFFFFFFE0] =	vst v6  }
0x3a3: {  	v8 =	vld [tilespmem:$0x1FBD0];
	[tilespmem:s0+$0xFFFFFFF0] =	vst v7  }
0x3a4: {  	v7 =	vld [tilespmem:$0x1FBF0]  }
0x3a5: {  	v23 =	vld.idx.msk [tilespmem:v34+s17+$0x0], $0xffff  }
0x3a6: {  	v0 =	vmul.f32 $1.442695020e+00, v59;
	_ =	sdelay $0x1  }
0x3a7: {  	(erf) = vpow2.f32 v0;
	v8 =	vmul.f32 v62, v8  }
0x3a8: {  	v7 =	vmul.f32 v62, v7  }
0x3a9: {  	v2 =	vadd.f32 v2, v23;
	[tilespmem:s0+$0x0] =	vst v8  }
0x3aa: {  	v30 =	vld [tilespmem:$0x1FC10];
	[tilespmem:s0+$0x10] =	vst v7  }
0x3ab: {  	[tilespmem:s15+$0xFFFFFFE0] =	vst v2  }
0x3ac: {  	v7 =	vld [tilespmem:$0x1FC40];
	_ =	sdelay $0x3  }
0x3ad: {  	v33 =	vpop (erf);
	v1 =	vmul.f32 v62, v30  }
0x3ae: {  	v7 =	vmul.f32 v33, v7  }
0x3af: {  	v29 =	vld.idx.msk [tilespmem:v35+s17+$0x0], $0xffff;
	[tilespmem:s0+$0x20] =	vst v1  }
0x3b0: {  	[tilespmem:s10+$0xFFFFFF40] =	vst v7  }
0x3b1: {  	v35 =	vld [tilespmem:$0x1FC50];
	_ =	sdelay $0x1  }
0x3b2: {  	v27 =	vld.idx.msk [tilespmem:v20+s17+$0x0], $0xffff  }
0x3b3: {  	v4 =	vadd.f32 v21, v29;
	_ =	sdelay $0x1  }
0x3b4: {  	[tilespmem:s15+$0xFFFFFFF0] =	vst v4;
	v6 =	vmul.f32 v33, v35  }
0x3b5: {  	v36 =	vld [tilespmem:$0x1FC80]  }
0x3b6: {  	v0 =	vadd.f32 v27, v12;
	[tilespmem:s10+$0xFFFFFF50] =	vst v6  }
0x3b7: {  	v7 =	vld [tilespmem:$0x1FCA0]  }
0x3b8: {  	v0 =	vmul.f32 $1.442695020e+00, v0;
	_ =	sdelay $0x1  }
0x3b9: {  	(erf) = vpow2.f32 v0;
	v0 =	vmul.f32 v33, v36;
	_ =	sdelay $0x1  }
0x3ba: {  	[tilespmem:s10+$0xFFFFFF60] =	vst v0;
	v7 =	vmul.f32 v33, v7  }
0x3bb: {  	v0 =	vld [tilespmem:$0x1FCC0]  }
0x3bc: {  	v34 =	vld.idx.msk [tilespmem:v32+s17+$0x0], $0xffff;
	[tilespmem:s10+$0xFFFFFF70] =	vst v7  }
0x3bd: {  	v40 =	vld [tilespmem:$0x1FCE0];
	_ =	sdelay $0x2  }
0x3be: {  	v0 =	vmul.f32 v33, v0;
	_ =	sdelay $0x1  }
0x3bf: {  	v1 =	vadd.f32 v34, v2;
	[tilespmem:s10+$0xFFFFFF80] =	vst v0;
	v2 =	vmul.f32 v33, v40  }
0x3c0: {  	v0 =	vld [tilespmem:$0x1FD00]  }
0x3c1: {  	v37 =	vld.idx.msk [tilespmem:v26+s17+$0x0], $0xffff;
	[tilespmem:s10+$0xFFFFFF90] =	vst v2  }
0x3c2: {  	v2 =	vld [tilespmem:$0x1FC30];
	_ =	sdelay $0x2  }
0x3c3: {  	v0 =	vmul.f32 v33, v0  }
0x3c4: {  	v4 =	vadd.f32 v4, v37  }
0x3c5: {  	[tilespmem:s10+$0xFFFFFFA0] =	vst v0;
	v2 =	vmul.f32 v62, v2  }
0x3c6: {  	[tilespmem:s15+$0xFFFFFFF0] =	vst v4  }
0x3c7: {  	[tilespmem:s0+$0x30] =	vst v2  }
0x3c8: {  	v42 =	vld [tilespmem:$0x1FD20];
	_ =	sdelay $0x2  }
0x3c9: {  	v1 =	vmul.f32 $1.442695020e+00, v1;
	_ =	sdelay $0x1  }
0x3ca: {  	v41 =	vnsel vm0, $0x0, v62;
	(erf) = vpow2.f32 v1;
	v1 =	vmul.f32 v33, v42  }
0x3cb: {  	[tilespmem:s9+$0xFFFFFFF0] =	vst v41  }
0x3cc: {  	v45 =	vnsel vm0, $0x0, v33;
	[tilespmem:s10+$0xFFFFFFB0] =	vst v1  }
0x3cd: {  	v46 =	vld [tilespmem:$0x1FC60];
	[tilespmem:s11+$0xFFFFFFE0] =	vst v45  }
0x3ce: {  	v1 =	vld [tilespmem:$0x1FC70];
	_ =	sdelay $0x2  }
0x3cf: {  	v43 =	vpop (erf)  }
0x3d0: {  	v3 =	vmul.f32 v43, v46  }
0x3d1: {  	v1 =	vmul.f32 v43, v1  }
0x3d2: {  	[tilespmem:s10+$0xFFFFFFC0] =	vst v3  }
0x3d3: {  	v3 =	vld [tilespmem:$0x1FC90];
	[tilespmem:s10+$0xFFFFFFD0] =	vst v1  }
0x3d4: {  	v1 =	vld [tilespmem:$0x1FCB0];
	_ =	sdelay $0x3  }
0x3d5: {  	v3 =	vmul.f32 v43, v3  }
0x3d6: {  	v1 =	vmul.f32 v43, v1  }
0x3d7: {  	v44 =	vld.idx.msk [tilespmem:v17+s17+$0x0], $0xffff;
	[tilespmem:s10+$0xFFFFFFE0] =	vst v3  }
0x3d8: {  	v3 =	vld [tilespmem:$0x1FCD0];
	[tilespmem:s10+$0xFFFFFFF0] =	vst v1  }
0x3d9: {  	v1 =	vld [tilespmem:$0x1FCF0]  }
0x3da: {  	v47 =	vld [tilespmem:$0x1FD10];
	_ =	sdelay $0x2  }
0x3db: {  	v3 =	vmul.f32 v43, v3  }
0x3dc: {  	v1 =	vmul.f32 v43, v1  }
0x3dd: {  	v2 =	vadd.f32 v44, v4;
	v4 =	vmul.f32 v43, v47;
	[tilespmem:s10+$0x0] =	vst v3  }
0x3de: {  	[tilespmem:s10+$0x10] =	vst v1  }
0x3df: {  	v1 =	vld [tilespmem:$0x1FD90];
	[tilespmem:s10+$0x20] =	vst v4  }
0x3e0: {  	v49 =	vld [tilespmem:$0x1FDD0];
	_ =	sdelay $0x2  }
0x3e1: {  	v48 =	vpop (erf);
	v2 =	vmul.f32 $1.442695020e+00, v2  }
0x3e2: {  	v1 =	vmul.f32 v48, v1  }
0x3e3: {  	(erf) = vpow2.f32 v2;
	v2 =	vmul.f32 v48, v49  }
0x3e4: {  	[tilespmem:s13+$0xFFFFFF40] =	vst v1  }
0x3e5: {  	v1 =	vld [tilespmem:$0x1FDE0];
	[tilespmem:s13+$0xFFFFFF50] =	vst v2  }
0x3e6: {  	v2 =	vld [tilespmem:$0x1FE20];
	_ =	sdelay $0x1  }
0x3e7: {  	v50 =	vmul.f32 v48, v10  }
0x3e8: {  	v51 =	vmul.f32 v48, v11  }
0x3e9: {  	[tilespmem:s13+$0xFFFFFF80] =	vst v50;
	v1 =	vmul.f32 v48, v1  }
0x3ea: {  	[tilespmem:s13+$0xFFFFFF90] =	vst v51;
	v2 =	vmul.f32 v48, v2  }
0x3eb: {  	v52 =	vmul.f32 v48, v13;
	[tilespmem:s13+$0xFFFFFF60] =	vst v1  }
0x3ec: {  	v53 =	vmul.f32 v48, v38;
	v54 =	vpop (erf);
	[tilespmem:s13+$0xFFFFFF70] =	vst v2  }
0x3ed: {  	v56 =	vmul.f32 v54, v9;
	v2 =	vld [tilespmem:$0x1FD30];
	[tilespmem:s13+$0xFFFFFFA0] =	vst v52  }
0x3ee: {  	v57 =	vmul.f32 v54, v16;
	[tilespmem:s13+$0xFFFFFFB0] =	vst v53  }
0x3ef: {  	v58 =	vmul.f32 v54, v18;
	[tilespmem:s13+$0xFFFFFFC0] =	vst v56  }
0x3f0: {  	v59 =	vmul.f32 v54, v22;
	[tilespmem:s13+$0xFFFFFFD0] =	vst v57  }
0x3f1: {  	v60 =	vmul.f32 v54, v24;
	[tilespmem:s13+$0xFFFFFFE0] =	vst v58  }
0x3f2: {  	v61 =	vmul.f32 v54, v25;
	[tilespmem:s13+$0xFFFFFFF0] =	vst v59  }
0x3f3: {  	v62 =	vmul.f32 v54, v31;
	[tilespmem:s13+$0x0] =	vst v60  }
0x3f4: {  	v63 =	vmul.f32 v54, v39;
	[tilespmem:s13+$0x10] =	vst v61  }
0x3f5: {  	[tilespmem:s13+$0x20] =	vst v62  }
0x3f6: {  	v55 =	vnsel vm0, $0x0, v48;
	[tilespmem:s13+$0x30] =	vst v63;
	v2 =	vmul.f32 v43, v2  }
0x3f7: {  	[tilespmem:s15+$0xFFFFFFE0] =	vst v55  }
0x3f8: {  	v0 =	vnsel vm0, $0x0, v43;
	[tilespmem:s10+$0x30] =	vst v2  }
0x3f9: {  	[tilespmem:s11+$0xFFFFFFF0] =	vst v0;
	v0 =	vnsel vm0, $0x0, v54  }
0x3fa: {  	[tilespmem:s15+$0xFFFFFFF0] =	vst v0  }
0x3fb: {  	v55 =	vld [tilespmem:$0x1FFD0]  }
0x3fc: {  	v61 =	vld [tilespmem:$0x1FFE0]  }
0x3fd: {  	v62 =	vld [tilespmem:$0x1FFF0]  }
0x3fe: {  	v53 =	vld [tilespmem:$0x1FF40]  }
0x3ff: {  	v54 =	vld [tilespmem:$0x1FF50]  }
0x400: {  	v57 =	vld [tilespmem:$0x1FF70]  }
0x401: {  	v58 =	vld [tilespmem:$0x1FF60]  }
0x402: {  	v59 =	vld [tilespmem:$0x1FF90]  }
0x403: {  	v60 =	vld [tilespmem:$0x1FF80]  }
0x404: {  	v63 =	vld [tilespmem:$0x1FFA0]  }
0x405: {  	s0 =	simm.s32 $0x0;
	v16 =	vld [tilespmem:$0x1FF30]  }
.LBB2_7:
0x406: {  	s2 =	sshra.s32 s0, $0x2  }
0x407: {  	s1 =	sadd.s32 s2, s12;
	v1 =	vld [tilespmem:s2+$0x7980]  }
0x408: {  	v0 =	vld [tilespmem:s1+$0xFFFFFF90]  }
0x409: {  	v3 =	vld [tilespmem:s2+$0x7990]  }
0x40a: {  	v2 =	vld [tilespmem:s1+$0xFFFFFFA0]  }
0x40b: {  	v5 =	vld [tilespmem:s2+$0x79A0]  }
0x40c: {  	v4 =	vld [tilespmem:s1+$0xFFFFFFB0]  }
0x40d: {  	v7 =	vld [tilespmem:s2+$0x79B0];
	v1 =	vadd.f32 v1, v0  }
0x40e: {  	v6 =	vld [tilespmem:s1+$0xFFFFFFC0]  }
0x40f: {  	v10 =	vld [tilespmem:s2+$0x79C0];
	v3 =	vadd.f32 v3, v2;
	v8 =	vmul.f32 $2.000000030e-01, v1  }
0x410: {  	v9 =	vld [tilespmem:s1+$0xFFFFFFD0]  }
0x411: {  	v12 =	vld [tilespmem:s2+$0x79D0];
	v5 =	vadd.f32 v5, v4;
	v21 =	vmul.f32 $2.000000030e-01, v3;
	v1 =	vmax.f32 v1, v8  }
0x412: {  	v11 =	vld [tilespmem:s1+$0xFFFFFFE0];
	v1 =	vmul.f32 v1, v53  }
0x413: {  	v14 =	vld [tilespmem:s2+$0x79E0];
	v7 =	vadd.f32 v7, v6;
	v22 =	vmul.f32 $2.000000030e-01, v5;
	v3 =	vmax.f32 v3, v21  }
0x414: {  	v13 =	vld [tilespmem:s1+$0xFFFFFFF0];
	v3 =	vmul.f32 v3, v54;
	v1 =	vadd.f32 $0.0e+00, v1  }
0x415: {  	v25 =	vld [tilespmem:s2+$0x79F0];
	v10 =	vadd.f32 v10, v9;
	v23 =	vmul.f32 $2.000000030e-01, v7;
	v5 =	vmax.f32 v5, v22  }
0x416: {  	v15 =	vld [tilespmem:s1+$0x0];
	v24 =	vmul.f32 v5, v57;
	v1 =	vadd.f32 v3, v1  }
0x417: {  	v12 =	vadd.f32 v12, v11;
	v26 =	vmul.f32 $2.000000030e-01, v10;
	v7 =	vmax.f32 v7, v23  }
0x418: {  	v27 =	vmul.f32 v7, v58;
	v1 =	vadd.f32 v24, v1  }
0x419: {  	v30 =	vadd.f32 v14, v13;
	v29 =	vmul.f32 $2.000000030e-01, v12;
	v28 =	vmax.f32 v10, v26  }
0x41a: {  	v31 =	vmul.f32 v28, v59;
	v1 =	vadd.f32 v27, v1  }
0x41b: {  	v39 =	vld [tilespmem:$0x1FFC0];
	v33 =	vmul.f32 $2.000000030e-01, v30;
	v32 =	vmax.f32 v12, v29;
	v5 =	vadd.f32 v25, v15  }
0x41c: {  	v34 =	vmul.f32 v32, v60;
	v1 =	vadd.f32 v31, v1  }
0x41d: {  	v35 =	vmax.f32 v30, v33;
	v36 =	vmul.f32 $2.000000030e-01, v5  }
0x41e: {  	v37 =	vmul.f32 v35, v63;
	v1 =	vadd.f32 v34, v1  }
0x41f: {  	s31 =	sshll.u32 s3, $0x4;
	v5 =	vmax.f32 v5, v36  }
0x420: {  	v38 =	vmul.f32 v5, v16;
	v5 =	vor.u32 s31, v39;
	v1 =	vadd.f32 v37, v1;
	_ =	sdelay $0x1  }
0x421: {  	v1 =	vadd.f32 v38, v1;
	_ =	sdelay $0x1  }
0x422: {  	[tilespmem:s22+$0x0] =	vst v1  }
0x423: {  	v40 =	vld.idx.msk [tilespmem:v5+s17+$0x0], $0xffff;
	_ =	sdelay $0x2  }
0x424: {  	v41 =	vor.u32 s31, v55;
	_ =	sdelay $0x1  }
0x425: {  	v1 =	vadd.f32 v1, v40;
	_ =	sdelay $0x1  }
0x426: {  	[tilespmem:s22+$0x0] =	vst v1  }
0x427: {  	v42 =	vld.idx.msk [tilespmem:v41+s17+$0x0], $0xffff;
	_ =	sdelay $0x2  }
0x428: {  	v43 =	vor.u32 s31, v61;
	_ =	sdelay $0x1  }
0x429: {  	v1 =	vadd.f32 v1, v42;
	_ =	sdelay $0x1  }
0x42a: {  	[tilespmem:s22+$0x0] =	vst v1  }
0x42b: {  	v44 =	vld.idx.msk [tilespmem:v43+s17+$0x0], $0xffff;
	_ =	sdelay $0x2  }
0x42c: {  	v45 =	vor.u32 s31, v62;
	_ =	sdelay $0x1  }
0x42d: {  	v1 =	vadd.f32 v1, v44;
	_ =	sdelay $0x1  }
0x42e: {  	[tilespmem:s22+$0x0] =	vst v1  }
0x42f: {  	v46 =	vld.idx.msk [tilespmem:v45+s17+$0x0], $0xffff;
	_ =	sdelay $0x4  }
0x430: {  	v1 =	vadd.f32 v46, v1;
	_ =	sdelay $0x1  }
0x431: {  	v1 =	vmul.f32 $1.442695020e+00, v1;
	_ =	sdelay $0x1  }
0x432: {  	(erf) = vpow2.f32 v1;
	_ =	sdelay $0x8  }
0x433: {  	v1 =	vpop (erf)  }
0x434: {  	v0 =	vmul.f32 v1, v0  }
0x435: {  	v2 =	vmul.f32 v1, v2  }
0x436: {  	v47 =	vmul.f32 v1, v4;
	[tilespmem:s1+$0xFFFFFF90] =	vst v0  }
0x437: {  	v48 =	vmul.f32 v1, v6;
	[tilespmem:s1+$0xFFFFFFA0] =	vst v2  }
0x438: {  	v49 =	vmul.f32 v1, v9;
	[tilespmem:s1+$0xFFFFFFB0] =	vst v47  }
0x439: {  	p2 =	sne.s32 s0, $0x200;
	v50 =	vmul.f32 v1, v11;
	[tilespmem:s1+$0xFFFFFFC0] =	vst v48  }
.Ltmp2:
0x43a: {  	v51 =	vmul.f32 v1, v13;
	[tilespmem:s1+$0xFFFFFFD0] =	vst v49;
	(pc) =	sbr.rel @p2 .LBB2_7-.Ltmp2, $4  }
0x43b: {  	v52 =	vmul.f32 v1, v15;
	[tilespmem:s1+$0xFFFFFFE0] =	vst v50  }
0x43c: {  	[tilespmem:s1+$0xFFFFFFF0] =	vst v51  }
0x43d: {  	v56 =	vnsel vm0, $0x0, v1;
	[tilespmem:s1+$0x0] =	vst v52  }
0x43e: {  	s3 =	sadd.s32 $0x1, s3;
	s0 =	sadd.s32 $0x200, s0;
	[tilespmem:s22+$0x0] =	vst v56;
	s22 =	sadd.s32 $0x10, s22  }
0x43f: {  	s0 =	smul.u32 $0x1400, s25;
	s24 =	sadd.s32 $0x1, s24  }
0x440: {  	s2 =	smul.u32 $0xA000, s25;
	p2 =	sne.s32 s24, $0x7D  }
.Ltmp3:
0x441: {  	s1 =	sadd.s32 $0x1E0, s26;
	s0 =	sshrl.u32 s0, $0x2;
	(pc) =	sbr.rel @p2 .LBB2_4-.Ltmp3, $4  }
0x442: {  	s3 =	rddreg [dreg:$0x3];
	s30 =	sshrl.u32 s2, $0x2;
	s0 =	sadd.s32 $0x7A80, s0  }
0x443: {  	[spmem:s3] =	stream.indirect.scatter.add.f32 [tilespmem:s0], [sflag:$0x3], $0x10, s1, s18, $0xb8;
	[tilespmem:$0x1E490] =	vst v63  }
0x444: {  	s31 =	rddreg [dreg:$0x2];
	p1 =	por !p1, !p1;
	s0 =	sor.u32 $0x280, s30  }
0x445: {  	[spmem:s31] =	stream.indirect.scatter.add.f32 [tilespmem:s0], [sflag:$0x3], $0x80, s1, s18, $0xb8;
	[tilespmem:$0x1E490] =	vst v63  }
0x446: {  	s0 =	simm.s32 $0x3  }
0x447: {  	_ =	swait.ge [sflag:s0], $0x2800  }
0x448: {  	[sflag:s0] =	ssyncset.done $0x0  }
0x449: {  	[sflag:s0] =	ssyncadd.s32 $0xFFFFD800  }
0x44a: {  	_ =	swait.ge [sflag:s0], $0x500  }
0x44b: {  	[sflag:s0] =	ssyncset.done $0x0  }
0x44c: {  	[sflag:s0] =	ssyncadd.s32 $0xFFFFFB00  }
0x44d: {  	[bflag:$0x0] =	sbarrier.arrive $0xFFFF  }
0x44e: {  	s28 =	stileid.u32;
	s2 =	sld [smem:$0x7FA]  }
0x44f: {  	s0 =	sshll.u32 s28, $0x6  }
0x450: {  	s6 =	simm.s32 $0x5;
	s0 =	sor.u32 $0x1C05, s0;
	s1 =	rddreg [dreg:$0x10]  }
0x451: {  	[hbm:s1], [sflag:s0] =	dma.local [spmem:s2], $0x2700  }
0x452: {  	_ =	swait.ge [sflag:s6], $0x2700  }
0x453: {  	s30 =	sld [smem:$0x7FB]  }
0x454: {  	[sflag:s6] =	ssyncset.done $0x0  }
0x455: {  	s29 =	rddreg [dreg:$0x11];
	[sflag:s6] =	ssyncadd.s32 $0xFFFFD900  }
0x456: {  	[hbm:s29], [sflag:s0] =	dma.local [spmem:s30], $0x4E0  }
0x457: {  	_ =	swait.ge [sflag:s6], $0x4E0  }
0x458: {  	s4 =	sld [smem:$0x7FC];
	_ =	sdelay $0x1  }
0x459: {  	[sflag:s6] =	ssyncset.done $0x0  }
0x45a: {  	s2 =	rddreg [dreg:$0x12];
	[sflag:s6] =	ssyncadd.s32 $0xFFFFFB20;
	s1 =	sshrl.u32 @!p0 s4, $0x3  }
0x45b: {  	[hbm:s2], [sflag:s0] =	dma.local @!p0 [spmem:s1], $0x100  }
0x45c: {  	s1 =	simm.s32 @!p0 $0x5  }
0x45d: {  	_ =	swait.ge @!p0 [sflag:s1], $0x100  }
0x45e: {  	s5 =	sld [smem:$0x7FD];
	_ =	sdelay $0x1  }
0x45f: {  	[sflag:s1] =	ssyncset.done @!p0 $0x0  }
0x460: {  	s3 =	rddreg [dreg:$0x13];
	[sflag:s1] =	ssyncadd.s32 @!p0 $0xFFFFFF00;
	s2 =	sshrl.u32 @!p0 s5, $0x3  }
0x461: {  	[hbm:s3], [sflag:s0] =	dma.local @!p0 [spmem:s2], $0x20  }
0x462: {  	_ =	swait.ge @!p0 [sflag:s1], $0x20  }
0x463: {  	s14 =	rddreg [dreg:$0x5]  }
0x464: {  	s31 =	rddreg [dreg:$0x14];
	s14 =	sadd.s32 $0x1, s14  }
0x465: {  	p1 =	sne.s32 s14, s31  }
.Ltmp4:
0x466: {  	_ = 	snop;
	(pc) =	sbr.rel @p1 .LBB2_1-.Ltmp4, $3  }
0x467: {  	_ =	sdelay $0x1  }
0x468: {  	[sflag:s1] =	ssyncset.done @!p0 $0x0  }
0x469: {  	v5 =	vimm.f32 $0.0e+00;
	[sflag:s1] =	ssyncadd.s32 @!p0 $0xFFFFFFE0  }
0x46a: {  	_ =	sfence.sel $0x180000  }
0x46b: {  	[bflag:$0x0] =	sbarrier.arrive $0xFFFF  }
0x46c: {  	_ =	strace $0x90000047  }
0x46d: {  	s0 =	stileid.u32;
	[bflag:$0x2] =	sbarrier.arrive $0xFFFF  }
0x46e: {  	p0 =	sne.s32 s0, $0x0;
	s0 =	rddreg [dreg:$0x4]  }
0x46f: {  	s0 =	sadd.s32 @!p0 $0x100000, s0  }
0x470: {  	[sflag:s0] =	ssyncadd.tile.s32 @!p0 $0x1;
	_ =	shalt  }
.Lfunc_end2:
_tile_overlayer_lowered:
.L_overlay_start_2:
0x471: {  	(tag) =	ssettag $0x2  }
0x472: {  	s0 =	rddreg [dreg:$0x0];
	s2 =	stileid.u32  }
0x473: {  	s1 =	rddreg [dreg:$0x1];
	p0 =	sne.s32 s2, $0x0  }
0x474: {  	s3 =	rddreg [dreg:$0x2];
	[bflag:$0x3] =	sbarrier.arrive $0xFFFF;
	s2 =	simm.s32 @!p0 $0x1C05  }
0x475: {  	[timem:s3], [sflag:s2] =	dma.local @!p0 [hbm:s0], s1  }
0x476: {  	s0 =	simm.s32 @!p0 $0x5  }
0x477: {  	_ =	swait.ge @!p0 [sflag:s0], s1  }
0x478: {  	s1 =	ssub.s32 @!p0 $0x0, s1;
	[sflag:s0] =	ssyncset.done @!p0 $0x0  }
0x479: {  	[sflag:s0] =	ssyncadd.s32 @!p0 s1  }
0x47a: {  	[bflag:$0x3] =	sbarrier.arrive $0xFFFF  }
0x47b: {  	_ =	shalt  }

</sc_bundles>
